<compile_context>
chip_gen: v7x
topology: tpu7x:2x2x1
jax: 0.10.2.dev20260603
libtpu: 0.0.44.dev20260713+nightly
codegen_flags: <defaults>
</compile_context>

<pallas_src>
import functools

import jax
import jax.numpy as jnp
from jax import lax
from jax.experimental import pallas as pl
from jax.experimental.pallas import tpu as pltpu
from jax.experimental.pallas import tpu_sc as plsc

S = 13
C = 13
CELLS = S * S
BATCH = 128
T = 20
LAMBDA_COORD = 5.0
LAMBDA_NOOBJ = 0.5

NC = 2
NS = 16
NW = NC * NS
BPW = BATCH // NW
L = 16

CSTRIDE = 54 * BATCH
TSTRIDE = T * BATCH
CPT = 6
NCONF = 3 * CPT
NCHK = BPW * T // L
NSLOT = NCHK * 19
NROW = -(-NSLOT * L // 128)
MPAD = 176


def _f32(pred):
    return jnp.where(pred, jnp.float32(1.0), jnp.float32(0.0))


@functools.partial(
    pl.kernel,
    out_type=jax.ShapeDtypeStruct((NC * L,), jnp.float32),
    mesh=plsc.VectorSubcoreMesh(core_axis_name="c", subcore_axis_name="s"),
    compiler_params=pltpu.CompilerParams(needs_layout_passes=False),
    scratch_types=[
        pltpu.VMEM((5 * TSTRIDE,), jnp.float32),
        pltpu.VMEM((NCONF * BATCH,), jnp.float32),
        pltpu.VMEM((NROW * 128,), jnp.int32),
        pltpu.VMEM((NROW * 128,), jnp.float32),
        pltpu.VMEM((BPW * MPAD,), jnp.int32),
        pltpu.VMEM((L,), jnp.float32),
        pltpu.VMEM((NS * L,), jnp.float32),
        pltpu.VMEM_SHARED((NS * L,), jnp.float32),
        pltpu.SemaphoreType.DMA,
        pltpu.SemaphoreType.DMA,
        pltpu.SemaphoreType.DMA,
        pltpu.SemaphoreType.DMA,
    ],
)
def _yolo_sc(pred_hbm, tgt_hbm, out_hbm, tbuf, abuf, ibuf, dbuf, wtab, stg,
             red, shared, sem_t1, sem_t2, sem_a, sem_b):
    c = lax.axis_index("c")
    s = lax.axis_index("s")
    wid = c * NS + s

    t1copy = pltpu.async_copy(tgt_hbm.at[pl.ds(0, 3 * TSTRIDE)],
                              tbuf.at[pl.ds(0, 3 * TSTRIDE)], sem_t1)
    t2copy = pltpu.async_copy(tgt_hbm.at[pl.ds(3 * TSTRIDE, 2 * TSTRIDE)],
                              tbuf.at[pl.ds(3 * TSTRIDE, 2 * TSTRIDE)],
                              sem_t2)
    acopies = []
    for j in range(CPT):
        cellid = wid + NW * j
        cmin = jnp.minimum(cellid, CELLS - 1)
        for r, ch in enumerate((0, 18, 36)):
            acopies.append(pltpu.async_copy(
                pred_hbm.at[pl.ds((cmin * 54 + ch) * BATCH, BATCH)],
                abuf.at[pl.ds((j * 3 + r) * BATCH, BATCH)], sem_a))

    ibuf[pl.ds(NSLOT * L, L)] = jnp.zeros((L,), jnp.int32)

    iota = lax.iota(jnp.int32, L)
    kvecs, tvecs = [], []
    for ci in range(NCHK):
        g = iota + ci * L
        kv = jnp.zeros((L,), jnp.int32)
        for m in range(1, BPW):
            kv = kv + jnp.where(g >= m * T, 1, 0)
        kvecs.append(kv)
        tvecs.append(g - T * kv)

    t1copy.wait()

    cells = {}
    for ci in range(NCHK):
        kvec, tvec = kvecs[ci], tvecs[ci]
        taddr = tvec * BATCH + (wid * BPW + kvec)
        cls_f = plsc.load_gather(tbuf, [taddr])
        cx = plsc.load_gather(tbuf, [taddr + TSTRIDE])
        cy = plsc.load_gather(tbuf, [taddr + 2 * TSTRIDE])
        fgx = cx * float(S)
        fgy = cy * float(S)
        gx = fgx.astype(jnp.int32)
        gx = gx - jnp.where(gx.astype(jnp.float32) > fgx, 1, 0)
        gy = fgy.astype(jnp.int32)
        gy = gy - jnp.where(gy.astype(jnp.float32) > fgy, 1, 0)
        valid = (gx < S) & (gy < S)
        cell = (jnp.clip(gy, 0, S - 1) * S + jnp.clip(gx, 0, S - 1))
        cells[ci] = cell
        plsc.store_scatter(wtab, [MPAD * kvec + cell], tvec, mask=valid)
        base = cell * CSTRIDE + (wid * BPW + kvec)
        slot0 = ci * 19
        for ch in range(18):
            ibuf[pl.ds((slot0 + ch) * L, L)] = base + ch * BATCH
        cls_i = cls_f.astype(jnp.int32)
        ibuf[pl.ds((slot0 + 18) * L, L)] = (
            base + (5 + jnp.clip(cls_i, 0, C - 1)) * BATCH)

    bcopies = [pltpu.async_copy(pred_hbm.at[ibuf.at[pl.ds(j * 128, 128)]],
                                dbuf.at[pl.ds(j * 128, 128)], sem_b)
               for j in range(NROW)]

    for cp in acopies:
        cp.wait()
    acc_conf = jnp.zeros((L,), jnp.float32)
    for j in range(CPT):
        cellid = wid + NW * j
        mj = _f32(jnp.full((L,), cellid, jnp.int32) < CELLS)
        for r in range(3):
            row = (j * 3 + r) * BATCH
            for i in range(BATCH // L):
                v = abuf[pl.ds(row + i * L, L)]
                acc_conf = acc_conf + v * v * mj

    t2copy.wait()
    acc_pos = jnp.zeros((L,), jnp.float32)
    acc_corr = jnp.zeros((L,), jnp.float32)
    waited = 0
    for ci in range(NCHK):
        need = (19 * L * (ci + 1) - 1) // 128 + 1
        while waited < need:
            bcopies[waited].wait()
            waited += 1
        kvec, tvec = kvecs[ci], tvecs[ci]
        taddr = tvec * BATCH + (wid * BPW + kvec)
        cls_f = plsc.load_gather(tbuf, [taddr])
        cx = plsc.load_gather(tbuf, [taddr + TSTRIDE])
        cy = plsc.load_gather(tbuf, [taddr + 2 * TSTRIDE])
        w = plsc.load_gather(tbuf, [taddr + 3 * TSTRIDE])
        h = plsc.load_gather(tbuf, [taddr + 4 * TSTRIDE])
        fgx = cx * float(S)
        fgy = cy * float(S)
        gx = fgx.astype(jnp.int32)
        gx = gx - jnp.where(gx.astype(jnp.float32) > fgx, 1, 0)
        gy = fgy.astype(jnp.int32)
        gy = gy - jnp.where(gy.astype(jnp.float32) > fgy, 1, 0)
        valid = (gx < S) & (gy < S)
        validf = _f32(valid)
        cell = cells[ci]
        win = plsc.load_gather(wtab, [MPAD * kvec + cell])
        winf = _f32((win == tvec) & valid)
        slot0 = ci * 19
        vals = [dbuf[pl.ds((slot0 + ch) * L, L)] for ch in range(19)]
        dx = vals[1] - cx
        dy = vals[2] - cy
        dw = vals[3] - w
        dh = vals[4] - h
        coord = dx * dx + dy * dy + dw * dw + dh * dh
        sumsq = vals[5] * vals[5]
        for ch in range(6, 18):
            sumsq = sumsq + vals[ch] * vals[ch]
        cls_i = cls_f.astype(jnp.int32)
        inrf = _f32((cls_i >= 0) & (cls_i < C))
        cls_l = sumsq - 2.0 * vals[18] * inrf + inrf
        acc_pos = acc_pos + (LAMBDA_COORD * coord + cls_l) * validf
        acc_corr = acc_corr + vals[0] * vals[0] * winf
    while waited < NROW:
        bcopies[waited].wait()
        waited += 1

    stg[...] = acc_pos + LAMBDA_NOOBJ * (acc_conf - acc_corr)
    pltpu.sync_copy(stg, shared.at[pl.ds(s * L, L)])
    plsc.subcore_barrier()

    @pl.when(s == 0)
    def _():
        pltpu.sync_copy(shared, red)
        tot = red[pl.ds(0, L)]
        for r in range(1, NS):
            tot = tot + red[pl.ds(r * L, L)]
        total = jnp.sum(tot) * (1.0 / BATCH)
        stg[...] = total * jnp.ones((L,), jnp.float32)
        pltpu.sync_copy(stg, out_hbm.at[pl.ds(c * L, L)])


def kernel(predictions, targets):
    pred = lax.transpose(predictions, (2, 3, 1, 0)).reshape(-1)
    tgt = lax.transpose(targets, (2, 1, 0)).reshape(-1)
    out = _yolo_sc(pred, tgt)
    return out[0] + out[L]

# --- scband reference (transcript-rebuilt; emitter-appended) ---
"""Pipeline reference for scband-yololoss-11398843203937 (READ-ONLY COPY).

The authoritative reference and input builder live on the scoring server;
editing this copy changes nothing except your own understanding.
"""

import jax, jax.numpy as jnp
import numpy as np

S = 13
B = 3
C = 13
LAMBDA_COORD = 5.0
LAMBDA_NOOBJ = 0.5


def setup_inputs(seed: int = 0):
    key = jax.random.key(seed)
    k1, k2 = jax.random.split(key)
    predictions = jax.random.normal(k1, (128, B * (5 + C), S, S), dtype=jnp.float32)
    targets = jax.random.uniform(k2, (128, 20, 5), dtype=jnp.float32)
    return {"predictions": predictions, "targets": targets}


def reference(predictions, targets):
    BATCH = predictions.shape[0]
    preds = jnp.transpose(predictions, (0, 2, 3, 1)).reshape(BATCH, S, S, B, 5 + C)
    cls = targets[..., 0]
    cx = targets[..., 1]
    cy = targets[..., 2]
    w = targets[..., 3]
    h = targets[..., 4]
    gx = jnp.floor(cx * S).astype(jnp.int32)
    gy = jnp.floor(cy * S).astype(jnp.int32)
    valid = ((gx < S) & (gy < S)).astype(jnp.float32)
    gx_c = jnp.clip(gx, 0, S - 1)
    gy_c = jnp.clip(gy, 0, S - 1)
    b_idx = jnp.broadcast_to(jnp.arange(BATCH)[:, None], gx.shape)
    # gather the first-anchor box prediction at each target's grid cell
    pred_box = preds[b_idx, gy_c, gx_c, 0]  # [BATCH, T, 5+C]
    coord = ((pred_box[..., 1] - cx) ** 2 + (pred_box[..., 2] - cy) ** 2
             + (pred_box[..., 3] - w) ** 2 + (pred_box[..., 4] - h) ** 2)
    true_cls = jax.nn.one_hot(cls.astype(jnp.int32), C, dtype=jnp.float32)
    cls_l = jnp.sum((pred_box[..., 5:] - true_cls) ** 2, axis=-1)
    loss = jnp.sum((LAMBDA_COORD * coord + cls_l) * valid)
    # noobj mask: 1 everywhere, 0 at cells containing a valid target (anchor 0)
    noobj = jnp.ones((BATCH, S, S, B), dtype=jnp.float32)
    noobj = noobj.at[b_idx, gy_c, gx_c, jnp.zeros_like(gx_c)].multiply(1.0 - valid)
    pred_conf = preds[..., 0]
    loss = loss + LAMBDA_NOOBJ * jnp.sum((pred_conf * noobj) ** 2)
    return loss / BATCH

if __name__ == "__main__":
    import jax
    _d = setup_inputs()
    print(jax.jit(kernel)(*tuple(_d.values())))

</pallas_src>

<mosaic_0001>
#map = affine_map<(d0, d1) -> (0)>
module attributes {stable_mosaic.version = 14 : i64} {
  func.func @_yolo_sc(%arg0: i32, %arg1: i32, %arg2: memref<1168128xf32, #tpu.memory_space<hbm>>, %arg3: memref<12800xf32, #tpu.memory_space<hbm>>, %arg4: memref<32xf32, #tpu.memory_space<hbm>>, %arg5: memref<12800xf32, #tpu.memory_space<vmem>>, %arg6: memref<2304xf32, #tpu.memory_space<vmem>>, %arg7: memref<1536xi32, #tpu.memory_space<vmem>>, %arg8: memref<1536xf32, #tpu.memory_space<vmem>>, %arg9: memref<704xi32, #tpu.memory_space<vmem>>, %arg10: memref<16xf32, #tpu.memory_space<vmem>>, %arg11: memref<256xf32, #tpu.memory_space<vmem>>, %arg12: memref<256xf32, #tpu.memory_space<vmem_shared>>, %arg13: memref<!tpu.dma_semaphore, #tpu.memory_space<semaphore_mem>>, %arg14: memref<!tpu.dma_semaphore, #tpu.memory_space<semaphore_mem>>, %arg15: memref<!tpu.dma_semaphore, #tpu.memory_space<semaphore_mem>>, %arg16: memref<!tpu.dma_semaphore, #tpu.memory_space<semaphore_mem>>) attributes {dimension_semantics = [#tpu.dimension_semantics<core_parallel>, #tpu.dimension_semantics<subcore_parallel>], iteration_bounds = array<i64: 2, 16>, scalar_prefetch = 0 : i64, scratch_operands = 12 : i64, tpu.core_type = #tpu.core_type<sc_vector_subcore>, window_params = [{transform_indices = #map}, {transform_indices = #map}, {transform_indices = #map}]} {
    %mul3A = arith.constant 16 : i32
    %mul3A_0 = arith.muli %arg0, %mul3A : i32
    %add3A = arith.addi %mul3A_0, %arg1 : i32
    %dma_start3A = arith.constant 0 : i32
    %dma_start3A_1 = tpu.memref_slice %arg5[%dma_start3A] : memref<12800xf32, #tpu.memory_space<vmem>> -> memref<7680xf32, #tpu.memory_space<vmem>>
    %dma_start3A_2 = arith.constant 0 : i32
    %dma_start3A_3 = tpu.memref_slice %arg3[%dma_start3A_2] : memref<12800xf32, #tpu.memory_space<hbm>> -> memref<7680xf32, #tpu.memory_space<hbm>>
    %dma_start3A_4 = arith.constant 0 : i32
    %dma_start3A_5 = tpu.memref_slice %arg5[%dma_start3A_4] : memref<12800xf32, #tpu.memory_space<vmem>> -> memref<7680xf32, #tpu.memory_space<vmem>>
    %dma_start3A_6 = arith.constant 0 : i32
    %dma_start3A_7 = tpu.memref_slice %arg3[%dma_start3A_6] : memref<12800xf32, #tpu.memory_space<hbm>> -> memref<7680xf32, #tpu.memory_space<hbm>>
    tpu.enqueue_dma source(%dma_start3A_7 : memref<7680xf32, #tpu.memory_space<hbm>>) target(%dma_start3A_5 : memref<7680xf32, #tpu.memory_space<vmem>>) target_semaphore(%arg13 : memref<!tpu.dma_semaphore, #tpu.memory_space<semaphore_mem>>)
    %dma_start3A_8 = arith.constant 7680 : i32
    %dma_start3A_9 = tpu.memref_slice %arg5[%dma_start3A_8] : memref<12800xf32, #tpu.memory_space<vmem>> -> memref<5120xf32, #tpu.memory_space<vmem>>
    %dma_start3A_10 = arith.constant 7680 : i32
    %dma_start3A_11 = tpu.memref_slice %arg3[%dma_start3A_10] : memref<12800xf32, #tpu.memory_space<hbm>> -> memref<5120xf32, #tpu.memory_space<hbm>>
    %dma_start3A_12 = arith.constant 7680 : i32
    %dma_start3A_13 = tpu.memref_slice %arg5[%dma_start3A_12] : memref<12800xf32, #tpu.memory_space<vmem>> -> memref<5120xf32, #tpu.memory_space<vmem>>
    %dma_start3A_14 = arith.constant 7680 : i32
    %dma_start3A_15 = tpu.memref_slice %arg3[%dma_start3A_14] : memref<12800xf32, #tpu.memory_space<hbm>> -> memref<5120xf32, #tpu.memory_space<hbm>>
    tpu.enqueue_dma source(%dma_start3A_15 : memref<5120xf32, #tpu.memory_space<hbm>>) target(%dma_start3A_13 : memref<5120xf32, #tpu.memory_space<vmem>>) target_semaphore(%arg14 : memref<!tpu.dma_semaphore, #tpu.memory_space<semaphore_mem>>)
    %add3A_16 = arith.constant 0 : i32
    %add3A_17 = arith.addi %add3A, %add3A_16 : i32
    %min3A = arith.constant 168 : i32
    %min3A_18 = arith.minsi %add3A_17, %min3A : i32
    %mul3A_19 = arith.constant 54 : i32
    %mul3A_20 = arith.muli %min3A_18, %mul3A_19 : i32
    %add3A_21 = arith.constant 0 : i32
    %add3A_22 = arith.addi %mul3A_20, %add3A_21 : i32
    %mul3A_23 = arith.constant 128 : i32
    %mul3A_24 = arith.muli %add3A_22, %mul3A_23 : i32
    %dma_start3A_25 = arith.constant 0 : i32
    %dma_start3A_26 = tpu.memref_slice %arg6[%dma_start3A_25] : memref<2304xf32, #tpu.memory_space<vmem>> -> memref<128xf32, #tpu.memory_space<vmem>>
    %dma_start3A_27 = tpu.memref_slice %arg2[%mul3A_24] : memref<1168128xf32, #tpu.memory_space<hbm>> -> memref<128xf32, #tpu.memory_space<hbm>>
    %dma_start3A_28 = arith.constant 0 : i32
    %dma_start3A_29 = tpu.memref_slice %arg6[%dma_start3A_28] : memref<2304xf32, #tpu.memory_space<vmem>> -> memref<128xf32, #tpu.memory_space<vmem>>
    %dma_start3A_30 = tpu.memref_slice %arg2[%mul3A_24] : memref<1168128xf32, #tpu.memory_space<hbm>> -> memref<128xf32, #tpu.memory_space<hbm>>
    tpu.enqueue_dma source(%dma_start3A_30 : memref<128xf32, #tpu.memory_space<hbm>>) target(%dma_start3A_29 : memref<128xf32, #tpu.memory_space<vmem>>) target_semaphore(%arg15 : memref<!tpu.dma_semaphore, #tpu.memory_space<semaphore_mem>>)
    %mul3A_31 = arith.constant 54 : i32
    %mul3A_32 = arith.muli %min3A_18, %mul3A_31 : i32
    %add3A_33 = arith.constant 18 : i32
    %add3A_34 = arith.addi %mul3A_32, %add3A_33 : i32
    %mul3A_35 = arith.constant 128 : i32
    %mul3A_36 = arith.muli %add3A_34, %mul3A_35 : i32
    %dma_start3A_37 = arith.constant 128 : i32
    %dma_start3A_38 = tpu.memref_slice %arg6[%dma_start3A_37] : memref<2304xf32, #tpu.memory_space<vmem>> -> memref<128xf32, #tpu.memory_space<vmem>>
    %dma_start3A_39 = tpu.memref_slice %arg2[%mul3A_36] : memref<1168128xf32, #tpu.memory_space<hbm>> -> memref<128xf32, #tpu.memory_space<hbm>>
    %dma_start3A_40 = arith.constant 128 : i32
    %dma_start3A_41 = tpu.memref_slice %arg6[%dma_start3A_40] : memref<2304xf32, #tpu.memory_space<vmem>> -> memref<128xf32, #tpu.memory_space<vmem>>
    %dma_start3A_42 = tpu.memref_slice %arg2[%mul3A_36] : memref<1168128xf32, #tpu.memory_space<hbm>> -> memref<128xf32, #tpu.memory_space<hbm>>
    tpu.enqueue_dma source(%dma_start3A_42 : memref<128xf32, #tpu.memory_space<hbm>>) target(%dma_start3A_41 : memref<128xf32, #tpu.memory_space<vmem>>) target_semaphore(%arg15 : memref<!tpu.dma_semaphore, #tpu.memory_space<semaphore_mem>>)
    %mul3A_43 = arith.constant 54 : i32
    %mul3A_44 = arith.muli %min3A_18, %mul3A_43 : i32
    %add3A_45 = arith.constant 36 : i32
    %add3A_46 = arith.addi %mul3A_44, %add3A_45 : i32
    %mul3A_47 = arith.constant 128 : i32
    %mul3A_48 = arith.muli %add3A_46, %mul3A_47 : i32
    %dma_start3A_49 = arith.constant 256 : i32
    %dma_start3A_50 = tpu.memref_slice %arg6[%dma_start3A_49] : memref<2304xf32, #tpu.memory_space<vmem>> -> memref<128xf32, #tpu.memory_space<vmem>>
    %dma_start3A_51 = tpu.memref_slice %arg2[%mul3A_48] : memref<1168128xf32, #tpu.memory_space<hbm>> -> memref<128xf32, #tpu.memory_space<hbm>>
    %dma_start3A_52 = arith.constant 256 : i32
    %dma_start3A_53 = tpu.memref_slice %arg6[%dma_start3A_52] : memref<2304xf32, #tpu.memory_space<vmem>> -> memref<128xf32, #tpu.memory_space<vmem>>
    %dma_start3A_54 = tpu.memref_slice %arg2[%mul3A_48] : memref<1168128xf32, #tpu.memory_space<hbm>> -> memref<128xf32, #tpu.memory_space<hbm>>
    tpu.enqueue_dma source(%dma_start3A_54 : memref<128xf32, #tpu.memory_space<hbm>>) target(%dma_start3A_53 : memref<128xf32, #tpu.memory_space<vmem>>) target_semaphore(%arg15 : memref<!tpu.dma_semaphore, #tpu.memory_space<semaphore_mem>>)
    %add3A_55 = arith.constant 32 : i32
    %add3A_56 = arith.addi %add3A, %add3A_55 : i32
    %min3A_57 = arith.constant 168 : i32
    %min3A_58 = arith.minsi %add3A_56, %min3A_57 : i32
    %mul3A_59 = arith.constant 54 : i32
    %mul3A_60 = arith.muli %min3A_58, %mul3A_59 : i32
    %add3A_61 = arith.constant 0 : i32
    %add3A_62 = arith.addi %mul3A_60, %add3A_61 : i32
    %mul3A_63 = arith.constant 128 : i32
    %mul3A_64 = arith.muli %add3A_62, %mul3A_63 : i32
    %dma_start3A_65 = arith.constant 384 : i32
    %dma_start3A_66 = tpu.memref_slice %arg6[%dma_start3A_65] : memref<2304xf32, #tpu.memory_space<vmem>> -> memref<128xf32, #tpu.memory_space<vmem>>
    %dma_start3A_67 = tpu.memref_slice %arg2[%mul3A_64] : memref<1168128xf32, #tpu.memory_space<hbm>> -> memref<128xf32, #tpu.memory_space<hbm>>
    %dma_start3A_68 = arith.constant 384 : i32
    %dma_start3A_69 = tpu.memref_slice %arg6[%dma_start3A_68] : memref<2304xf32, #tpu.memory_space<vmem>> -> memref<128xf32, #tpu.memory_space<vmem>>
    %dma_start3A_70 = tpu.memref_slice %arg2[%mul3A_64] : memref<1168128xf32, #tpu.memory_space<hbm>> -> memref<128xf32, #tpu.memory_space<hbm>>
    tpu.enqueue_dma source(%dma_start3A_70 : memref<128xf32, #tpu.memory_space<hbm>>) target(%dma_start3A_69 : memref<128xf32, #tpu.memory_space<vmem>>) target_semaphore(%arg15 : memref<!tpu.dma_semaphore, #tpu.memory_space<semaphore_mem>>)
    %mul3A_71 = arith.constant 54 : i32
    %mul3A_72 = arith.muli %min3A_58, %mul3A_71 : i32
    %add3A_73 = arith.constant 18 : i32
    %add3A_74 = arith.addi %mul3A_72, %add3A_73 : i32
    %mul3A_75 = arith.constant 128 : i32
    %mul3A_76 = arith.muli %add3A_74, %mul3A_75 : i32
    %dma_start3A_77 = arith.constant 512 : i32
    %dma_start3A_78 = tpu.memref_slice %arg6[%dma_start3A_77] : memref<2304xf32, #tpu.memory_space<vmem>> -> memref<128xf32, #tpu.memory_space<vmem>>
    %dma_start3A_79 = tpu.memref_slice %arg2[%mul3A_76] : memref<1168128xf32, #tpu.memory_space<hbm>> -> memref<128xf32, #tpu.memory_space<hbm>>
    %dma_start3A_80 = arith.constant 512 : i32
    %dma_start3A_81 = tpu.memref_slice %arg6[%dma_start3A_80] : memref<2304xf32, #tpu.memory_space<vmem>> -> memref<128xf32, #tpu.memory_space<vmem>>
    %dma_start3A_82 = tpu.memref_slice %arg2[%mul3A_76] : memref<1168128xf32, #tpu.memory_space<hbm>> -> memref<128xf32, #tpu.memory_space<hbm>>
    tpu.enqueue_dma source(%dma_start3A_82 : memref<128xf32, #tpu.memory_space<hbm>>) target(%dma_start3A_81 : memref<128xf32, #tpu.memory_space<vmem>>) target_semaphore(%arg15 : memref<!tpu.dma_semaphore, #tpu.memory_space<semaphore_mem>>)
    %mul3A_83 = arith.constant 54 : i32
    %mul3A_84 = arith.muli %min3A_58, %mul3A_83 : i32
    %add3A_85 = arith.constant 36 : i32
    %add3A_86 = arith.addi %mul3A_84, %add3A_85 : i32
    %mul3A_87 = arith.constant 128 : i32
    %mul3A_88 = arith.muli %add3A_86, %mul3A_87 : i32
    %dma_start3A_89 = arith.constant 640 : i32
    %dma_start3A_90 = tpu.memref_slice %arg6[%dma_start3A_89] : memref<2304xf32, #tpu.memory_space<vmem>> -> memref<128xf32, #tpu.memory_space<vmem>>
    %dma_start3A_91 = tpu.memref_slice %arg2[%mul3A_88] : memref<1168128xf32, #tpu.memory_space<hbm>> -> memref<128xf32, #tpu.memory_space<hbm>>
    %dma_start3A_92 = arith.constant 640 : i32
    %dma_start3A_93 = tpu.memref_slice %arg6[%dma_start3A_92] : memref<2304xf32, #tpu.memory_space<vmem>> -> memref<128xf32, #tpu.memory_space<vmem>>
    %dma_start3A_94 = tpu.memref_slice %arg2[%mul3A_88] : memref<1168128xf32, #tpu.memory_space<hbm>> -> memref<128xf32, #tpu.memory_space<hbm>>
    tpu.enqueue_dma source(%dma_start3A_94 : memref<128xf32, #tpu.memory_space<hbm>>) target(%dma_start3A_93 : memref<128xf32, #tpu.memory_space<vmem>>) target_semaphore(%arg15 : memref<!tpu.dma_semaphore, #tpu.memory_space<semaphore_mem>>)
    %add3A_95 = arith.constant 64 : i32
    %add3A_96 = arith.addi %add3A, %add3A_95 : i32
    %min3A_97 = arith.constant 168 : i32
    %min3A_98 = arith.minsi %add3A_96, %min3A_97 : i32
    %mul3A_99 = arith.constant 54 : i32
    %mul3A_100 = arith.muli %min3A_98, %mul3A_99 : i32
    %add3A_101 = arith.constant 0 : i32
    %add3A_102 = arith.addi %mul3A_100, %add3A_101 : i32
    %mul3A_103 = arith.constant 128 : i32
    %mul3A_104 = arith.muli %add3A_102, %mul3A_103 : i32
    %dma_start3A_105 = arith.constant 768 : i32
    %dma_start3A_106 = tpu.memref_slice %arg6[%dma_start3A_105] : memref<2304xf32, #tpu.memory_space<vmem>> -> memref<128xf32, #tpu.memory_space<vmem>>
    %dma_start3A_107 = tpu.memref_slice %arg2[%mul3A_104] : memref<1168128xf32, #tpu.memory_space<hbm>> -> memref<128xf32, #tpu.memory_space<hbm>>
    %dma_start3A_108 = arith.constant 768 : i32
    %dma_start3A_109 = tpu.memref_slice %arg6[%dma_start3A_108] : memref<2304xf32, #tpu.memory_space<vmem>> -> memref<128xf32, #tpu.memory_space<vmem>>
    %dma_start3A_110 = tpu.memref_slice %arg2[%mul3A_104] : memref<1168128xf32, #tpu.memory_space<hbm>> -> memref<128xf32, #tpu.memory_space<hbm>>
    tpu.enqueue_dma source(%dma_start3A_110 : memref<128xf32, #tpu.memory_space<hbm>>) target(%dma_start3A_109 : memref<128xf32, #tpu.memory_space<vmem>>) target_semaphore(%arg15 : memref<!tpu.dma_semaphore, #tpu.memory_space<semaphore_mem>>)
    %mul3A_111 = arith.constant 54 : i32
    %mul3A_112 = arith.muli %min3A_98, %mul3A_111 : i32
    %add3A_113 = arith.constant 18 : i32
    %add3A_114 = arith.addi %mul3A_112, %add3A_113 : i32
    %mul3A_115 = arith.constant 128 : i32
    %mul3A_116 = arith.muli %add3A_114, %mul3A_115 : i32
    %dma_start3A_117 = arith.constant 896 : i32
    %dma_start3A_118 = tpu.memref_slice %arg6[%dma_start3A_117] : memref<2304xf32, #tpu.memory_space<vmem>> -> memref<128xf32, #tpu.memory_space<vmem>>
    %dma_start3A_119 = tpu.memref_slice %arg2[%mul3A_116] : memref<1168128xf32, #tpu.memory_space<hbm>> -> memref<128xf32, #tpu.memory_space<hbm>>
    %dma_start3A_120 = arith.constant 896 : i32
    %dma_start3A_121 = tpu.memref_slice %arg6[%dma_start3A_120] : memref<2304xf32, #tpu.memory_space<vmem>> -> memref<128xf32, #tpu.memory_space<vmem>>
    %dma_start3A_122 = tpu.memref_slice %arg2[%mul3A_116] : memref<1168128xf32, #tpu.memory_space<hbm>> -> memref<128xf32, #tpu.memory_space<hbm>>
    tpu.enqueue_dma source(%dma_start3A_122 : memref<128xf32, #tpu.memory_space<hbm>>) target(%dma_start3A_121 : memref<128xf32, #tpu.memory_space<vmem>>) target_semaphore(%arg15 : memref<!tpu.dma_semaphore, #tpu.memory_space<semaphore_mem>>)
    %mul3A_123 = arith.constant 54 : i32
    %mul3A_124 = arith.muli %min3A_98, %mul3A_123 : i32
    %add3A_125 = arith.constant 36 : i32
    %add3A_126 = arith.addi %mul3A_124, %add3A_125 : i32
    %mul3A_127 = arith.constant 128 : i32
    %mul3A_128 = arith.muli %add3A_126, %mul3A_127 : i32
    %dma_start3A_129 = arith.constant 1024 : i32
    %dma_start3A_130 = tpu.memref_slice %arg6[%dma_start3A_129] : memref<2304xf32, #tpu.memory_space<vmem>> -> memref<128xf32, #tpu.memory_space<vmem>>
    %dma_start3A_131 = tpu.memref_slice %arg2[%mul3A_128] : memref<1168128xf32, #tpu.memory_space<hbm>> -> memref<128xf32, #tpu.memory_space<hbm>>
    %dma_start3A_132 = arith.constant 1024 : i32
    %dma_start3A_133 = tpu.memref_slice %arg6[%dma_start3A_132] : memref<2304xf32, #tpu.memory_space<vmem>> -> memref<128xf32, #tpu.memory_space<vmem>>
    %dma_start3A_134 = tpu.memref_slice %arg2[%mul3A_128] : memref<1168128xf32, #tpu.memory_space<hbm>> -> memref<128xf32, #tpu.memory_space<hbm>>
    tpu.enqueue_dma source(%dma_start3A_134 : memref<128xf32, #tpu.memory_space<hbm>>) target(%dma_start3A_133 : memref<128xf32, #tpu.memory_space<vmem>>) target_semaphore(%arg15 : memref<!tpu.dma_semaphore, #tpu.memory_space<semaphore_mem>>)
    %add3A_135 = arith.constant 96 : i32
    %add3A_136 = arith.addi %add3A, %add3A_135 : i32
    %min3A_137 = arith.constant 168 : i32
    %min3A_138 = arith.minsi %add3A_136, %min3A_137 : i32
    %mul3A_139 = arith.constant 54 : i32
    %mul3A_140 = arith.muli %min3A_138, %mul3A_139 : i32
    %add3A_141 = arith.constant 0 : i32
    %add3A_142 = arith.addi %mul3A_140, %add3A_141 : i32
    %mul3A_143 = arith.constant 128 : i32
    %mul3A_144 = arith.muli %add3A_142, %mul3A_143 : i32
    %dma_start3A_145 = arith.constant 1152 : i32
    %dma_start3A_146 = tpu.memref_slice %arg6[%dma_start3A_145] : memref<2304xf32, #tpu.memory_space<vmem>> -> memref<128xf32, #tpu.memory_space<vmem>>
    %dma_start3A_147 = tpu.memref_slice %arg2[%mul3A_144] : memref<1168128xf32, #tpu.memory_space<hbm>> -> memref<128xf32, #tpu.memory_space<hbm>>
    %dma_start3A_148 = arith.constant 1152 : i32
    %dma_start3A_149 = tpu.memref_slice %arg6[%dma_start3A_148] : memref<2304xf32, #tpu.memory_space<vmem>> -> memref<128xf32, #tpu.memory_space<vmem>>
    %dma_start3A_150 = tpu.memref_slice %arg2[%mul3A_144] : memref<1168128xf32, #tpu.memory_space<hbm>> -> memref<128xf32, #tpu.memory_space<hbm>>
    tpu.enqueue_dma source(%dma_start3A_150 : memref<128xf32, #tpu.memory_space<hbm>>) target(%dma_start3A_149 : memref<128xf32, #tpu.memory_space<vmem>>) target_semaphore(%arg15 : memref<!tpu.dma_semaphore, #tpu.memory_space<semaphore_mem>>)
    %mul3A_151 = arith.constant 54 : i32
    %mul3A_152 = arith.muli %min3A_138, %mul3A_151 : i32
    %add3A_153 = arith.constant 18 : i32
    %add3A_154 = arith.addi %mul3A_152, %add3A_153 : i32
    %mul3A_155 = arith.constant 128 : i32
    %mul3A_156 = arith.muli %add3A_154, %mul3A_155 : i32
    %dma_start3A_157 = arith.constant 1280 : i32
    %dma_start3A_158 = tpu.memref_slice %arg6[%dma_start3A_157] : memref<2304xf32, #tpu.memory_space<vmem>> -> memref<128xf32, #tpu.memory_space<vmem>>
    %dma_start3A_159 = tpu.memref_slice %arg2[%mul3A_156] : memref<1168128xf32, #tpu.memory_space<hbm>> -> memref<128xf32, #tpu.memory_space<hbm>>
    %dma_start3A_160 = arith.constant 1280 : i32
    %dma_start3A_161 = tpu.memref_slice %arg6[%dma_start3A_160] : memref<2304xf32, #tpu.memory_space<vmem>> -> memref<128xf32, #tpu.memory_space<vmem>>
    %dma_start3A_162 = tpu.memref_slice %arg2[%mul3A_156] : memref<1168128xf32, #tpu.memory_space<hbm>> -> memref<128xf32, #tpu.memory_space<hbm>>
    tpu.enqueue_dma source(%dma_start3A_162 : memref<128xf32, #tpu.memory_space<hbm>>) target(%dma_start3A_161 : memref<128xf32, #tpu.memory_space<vmem>>) target_semaphore(%arg15 : memref<!tpu.dma_semaphore, #tpu.memory_space<semaphore_mem>>)
    %mul3A_163 = arith.constant 54 : i32
    %mul3A_164 = arith.muli %min3A_138, %mul3A_163 : i32
    %add3A_165 = arith.constant 36 : i32
    %add3A_166 = arith.addi %mul3A_164, %add3A_165 : i32
    %mul3A_167 = arith.constant 128 : i32
    %mul3A_168 = arith.muli %add3A_166, %mul3A_167 : i32
    %dma_start3A_169 = arith.constant 1408 : i32
    %dma_start3A_170 = tpu.memref_slice %arg6[%dma_start3A_169] : memref<2304xf32, #tpu.memory_space<vmem>> -> memref<128xf32, #tpu.memory_space<vmem>>
    %dma_start3A_171 = tpu.memref_slice %arg2[%mul3A_168] : memref<1168128xf32, #tpu.memory_space<hbm>> -> memref<128xf32, #tpu.memory_space<hbm>>
    %dma_start3A_172 = arith.constant 1408 : i32
    %dma_start3A_173 = tpu.memref_slice %arg6[%dma_start3A_172] : memref<2304xf32, #tpu.memory_space<vmem>> -> memref<128xf32, #tpu.memory_space<vmem>>
    %dma_start3A_174 = tpu.memref_slice %arg2[%mul3A_168] : memref<1168128xf32, #tpu.memory_space<hbm>> -> memref<128xf32, #tpu.memory_space<hbm>>
    tpu.enqueue_dma source(%dma_start3A_174 : memref<128xf32, #tpu.memory_space<hbm>>) target(%dma_start3A_173 : memref<128xf32, #tpu.memory_space<vmem>>) target_semaphore(%arg15 : memref<!tpu.dma_semaphore, #tpu.memory_space<semaphore_mem>>)
    %add3A_175 = arith.constant 128 : i32
    %add3A_176 = arith.addi %add3A, %add3A_175 : i32
    %min3A_177 = arith.constant 168 : i32
    %min3A_178 = arith.minsi %add3A_176, %min3A_177 : i32
    %mul3A_179 = arith.constant 54 : i32
    %mul3A_180 = arith.muli %min3A_178, %mul3A_179 : i32
    %add3A_181 = arith.constant 0 : i32
    %add3A_182 = arith.addi %mul3A_180, %add3A_181 : i32
    %mul3A_183 = arith.constant 128 : i32
    %mul3A_184 = arith.muli %add3A_182, %mul3A_183 : i32
    %dma_start3A_185 = arith.constant 1536 : i32
    %dma_start3A_186 = tpu.memref_slice %arg6[%dma_start3A_185] : memref<2304xf32, #tpu.memory_space<vmem>> -> memref<128xf32, #tpu.memory_space<vmem>>
    %dma_start3A_187 = tpu.memref_slice %arg2[%mul3A_184] : memref<1168128xf32, #tpu.memory_space<hbm>> -> memref<128xf32, #tpu.memory_space<hbm>>
    %dma_start3A_188 = arith.constant 1536 : i32
    %dma_start3A_189 = tpu.memref_slice %arg6[%dma_start3A_188] : memref<2304xf32, #tpu.memory_space<vmem>> -> memref<128xf32, #tpu.memory_space<vmem>>
    %dma_start3A_190 = tpu.memref_slice %arg2[%mul3A_184] : memref<1168128xf32, #tpu.memory_space<hbm>> -> memref<128xf32, #tpu.memory_space<hbm>>
    tpu.enqueue_dma source(%dma_start3A_190 : memref<128xf32, #tpu.memory_space<hbm>>) target(%dma_start3A_189 : memref<128xf32, #tpu.memory_space<vmem>>) target_semaphore(%arg15 : memref<!tpu.dma_semaphore, #tpu.memory_space<semaphore_mem>>)
    %mul3A_191 = arith.constant 54 : i32
    %mul3A_192 = arith.muli %min3A_178, %mul3A_191 : i32
    %add3A_193 = arith.constant 18 : i32
    %add3A_194 = arith.addi %mul3A_192, %add3A_193 : i32
    %mul3A_195 = arith.constant 128 : i32
    %mul3A_196 = arith.muli %add3A_194, %mul3A_195 : i32
    %dma_start3A_197 = arith.constant 1664 : i32
    %dma_start3A_198 = tpu.memref_slice %arg6[%dma_start3A_197] : memref<2304xf32, #tpu.memory_space<vmem>> -> memref<128xf32, #tpu.memory_space<vmem>>
    %dma_start3A_199 = tpu.memref_slice %arg2[%mul3A_196] : memref<1168128xf32, #tpu.memory_space<hbm>> -> memref<128xf32, #tpu.memory_space<hbm>>
    %dma_start3A_200 = arith.constant 1664 : i32
    %dma_start3A_201 = tpu.memref_slice %arg6[%dma_start3A_200] : memref<2304xf32, #tpu.memory_space<vmem>> -> memref<128xf32, #tpu.memory_space<vmem>>
    %dma_start3A_202 = tpu.memref_slice %arg2[%mul3A_196] : memref<1168128xf32, #tpu.memory_space<hbm>> -> memref<128xf32, #tpu.memory_space<hbm>>
    tpu.enqueue_dma source(%dma_start3A_202 : memref<128xf32, #tpu.memory_space<hbm>>) target(%dma_start3A_201 : memref<128xf32, #tpu.memory_space<vmem>>) target_semaphore(%arg15 : memref<!tpu.dma_semaphore, #tpu.memory_space<semaphore_mem>>)
    %mul3A_203 = arith.constant 54 : i32
    %mul3A_204 = arith.muli %min3A_178, %mul3A_203 : i32
    %add3A_205 = arith.constant 36 : i32
    %add3A_206 = arith.addi %mul3A_204, %add3A_205 : i32
    %mul3A_207 = arith.constant 128 : i32
    %mul3A_208 = arith.muli %add3A_206, %mul3A_207 : i32
    %dma_start3A_209 = arith.constant 1792 : i32
    %dma_start3A_210 = tpu.memref_slice %arg6[%dma_start3A_209] : memref<2304xf32, #tpu.memory_space<vmem>> -> memref<128xf32, #tpu.memory_space<vmem>>
    %dma_start3A_211 = tpu.memref_slice %arg2[%mul3A_208] : memref<1168128xf32, #tpu.memory_space<hbm>> -> memref<128xf32, #tpu.memory_space<hbm>>
    %dma_start3A_212 = arith.constant 1792 : i32
    %dma_start3A_213 = tpu.memref_slice %arg6[%dma_start3A_212] : memref<2304xf32, #tpu.memory_space<vmem>> -> memref<128xf32, #tpu.memory_space<vmem>>
    %dma_start3A_214 = tpu.memref_slice %arg2[%mul3A_208] : memref<1168128xf32, #tpu.memory_space<hbm>> -> memref<128xf32, #tpu.memory_space<hbm>>
    tpu.enqueue_dma source(%dma_start3A_214 : memref<128xf32, #tpu.memory_space<hbm>>) target(%dma_start3A_213 : memref<128xf32, #tpu.memory_space<vmem>>) target_semaphore(%arg15 : memref<!tpu.dma_semaphore, #tpu.memory_space<semaphore_mem>>)
    %add3A_215 = arith.constant 160 : i32
    %add3A_216 = arith.addi %add3A, %add3A_215 : i32
    %min3A_217 = arith.constant 168 : i32
    %min3A_218 = arith.minsi %add3A_216, %min3A_217 : i32
    %mul3A_219 = arith.constant 54 : i32
    %mul3A_220 = arith.muli %min3A_218, %mul3A_219 : i32
    %add3A_221 = arith.constant 0 : i32
    %add3A_222 = arith.addi %mul3A_220, %add3A_221 : i32
    %mul3A_223 = arith.constant 128 : i32
    %mul3A_224 = arith.muli %add3A_222, %mul3A_223 : i32
    %dma_start3A_225 = arith.constant 1920 : i32
    %dma_start3A_226 = tpu.memref_slice %arg6[%dma_start3A_225] : memref<2304xf32, #tpu.memory_space<vmem>> -> memref<128xf32, #tpu.memory_space<vmem>>
    %dma_start3A_227 = tpu.memref_slice %arg2[%mul3A_224] : memref<1168128xf32, #tpu.memory_space<hbm>> -> memref<128xf32, #tpu.memory_space<hbm>>
    %dma_start3A_228 = arith.constant 1920 : i32
    %dma_start3A_229 = tpu.memref_slice %arg6[%dma_start3A_228] : memref<2304xf32, #tpu.memory_space<vmem>> -> memref<128xf32, #tpu.memory_space<vmem>>
    %dma_start3A_230 = tpu.memref_slice %arg2[%mul3A_224] : memref<1168128xf32, #tpu.memory_space<hbm>> -> memref<128xf32, #tpu.memory_space<hbm>>
    tpu.enqueue_dma source(%dma_start3A_230 : memref<128xf32, #tpu.memory_space<hbm>>) target(%dma_start3A_229 : memref<128xf32, #tpu.memory_space<vmem>>) target_semaphore(%arg15 : memref<!tpu.dma_semaphore, #tpu.memory_space<semaphore_mem>>)
    %mul3A_231 = arith.constant 54 : i32
    %mul3A_232 = arith.muli %min3A_218, %mul3A_231 : i32
    %add3A_233 = arith.constant 18 : i32
    %add3A_234 = arith.addi %mul3A_232, %add3A_233 : i32
    %mul3A_235 = arith.constant 128 : i32
    %mul3A_236 = arith.muli %add3A_234, %mul3A_235 : i32
    %dma_start3A_237 = arith.constant 2048 : i32
    %dma_start3A_238 = tpu.memref_slice %arg6[%dma_start3A_237] : memref<2304xf32, #tpu.memory_space<vmem>> -> memref<128xf32, #tpu.memory_space<vmem>>
    %dma_start3A_239 = tpu.memref_slice %arg2[%mul3A_236] : memref<1168128xf32, #tpu.memory_space<hbm>> -> memref<128xf32, #tpu.memory_space<hbm>>
    %dma_start3A_240 = arith.constant 2048 : i32
    %dma_start3A_241 = tpu.memref_slice %arg6[%dma_start3A_240] : memref<2304xf32, #tpu.memory_space<vmem>> -> memref<128xf32, #tpu.memory_space<vmem>>
    %dma_start3A_242 = tpu.memref_slice %arg2[%mul3A_236] : memref<1168128xf32, #tpu.memory_space<hbm>> -> memref<128xf32, #tpu.memory_space<hbm>>
    tpu.enqueue_dma source(%dma_start3A_242 : memref<128xf32, #tpu.memory_space<hbm>>) target(%dma_start3A_241 : memref<128xf32, #tpu.memory_space<vmem>>) target_semaphore(%arg15 : memref<!tpu.dma_semaphore, #tpu.memory_space<semaphore_mem>>)
    %mul3A_243 = arith.constant 54 : i32
    %mul3A_244 = arith.muli %min3A_218, %mul3A_243 : i32
    %add3A_245 = arith.constant 36 : i32
    %add3A_246 = arith.addi %mul3A_244, %add3A_245 : i32
    %mul3A_247 = arith.constant 128 : i32
    %mul3A_248 = arith.muli %add3A_246, %mul3A_247 : i32
    %dma_start3A_249 = arith.constant 2176 : i32
    %dma_start3A_250 = tpu.memref_slice %arg6[%dma_start3A_249] : memref<2304xf32, #tpu.memory_space<vmem>> -> memref<128xf32, #tpu.memory_space<vmem>>
    %dma_start3A_251 = tpu.memref_slice %arg2[%mul3A_248] : memref<1168128xf32, #tpu.memory_space<hbm>> -> memref<128xf32, #tpu.memory_space<hbm>>
    %dma_start3A_252 = arith.constant 2176 : i32
    %dma_start3A_253 = tpu.memref_slice %arg6[%dma_start3A_252] : memref<2304xf32, #tpu.memory_space<vmem>> -> memref<128xf32, #tpu.memory_space<vmem>>
    %dma_start3A_254 = tpu.memref_slice %arg2[%mul3A_248] : memref<1168128xf32, #tpu.memory_space<hbm>> -> memref<128xf32, #tpu.memory_space<hbm>>
    tpu.enqueue_dma source(%dma_start3A_254 : memref<128xf32, #tpu.memory_space<hbm>>) target(%dma_start3A_253 : memref<128xf32, #tpu.memory_space<vmem>>) target_semaphore(%arg15 : memref<!tpu.dma_semaphore, #tpu.memory_space<semaphore_mem>>)
    %broadcast_in_dim3A = arith.constant 0 : i32
    %broadcast_in_dim3A_255 = vector.broadcast %broadcast_in_dim3A : i32 to vector<16xi32>
    %swap3A = arith.constant 1520 : index
    %swap3A_256 = tpu.vector_load %arg7[%swap3A] {strides = array<i32>} : memref<1536xi32, #tpu.memory_space<vmem>>, vector<16xi32>,
    tpu.vector_store %arg7[%swap3A], %broadcast_in_dim3A_255 {strides = array<i32>} : memref<1536xi32, #tpu.memory_space<vmem>>, vector<16xi32>,
    %iota3A = tpu.iota {dimensions = array<i32: 0>} : vector<16xi32>
    %add3A_257 = arith.constant 0 : i32
    %add3A_258 = vector.broadcast %add3A_257 : i32 to vector<16xi32>
    %add3A_259 = arith.addi %iota3A, %add3A_258 : vector<16xi32>
    %broadcast_in_dim3A_260 = arith.constant 0 : i32
    %broadcast_in_dim3A_261 = vector.broadcast %broadcast_in_dim3A_260 : i32 to vector<16xi32>
    %ge3A = arith.constant 20 : i32
    %ge3A_262 = vector.broadcast %ge3A : i32 to vector<16xi32>
    %ge3A_263 = arith.cmpi sge, %add3A_259, %ge3A_262 : vector<16xi32>
    %jit3A = arith.constant 1 : i32
    %jit3A_264 = arith.constant 0 : i32
    %broadcast_in_dim3A_265 = vector.broadcast %jit3A : i32 to vector<16xi32>
    %broadcast_in_dim3A_266 = vector.broadcast %jit3A_264 : i32 to vector<16xi32>
    %select_n3A = arith.select %ge3A_263, %broadcast_in_dim3A_265, %broadcast_in_dim3A_266 : vector<16xi1>, vector<16xi32>
    %add3A_267 = arith.addi %broadcast_in_dim3A_261, %select_n3A : vector<16xi32>
    %ge3A_268 = arith.constant 40 : i32
    %ge3A_269 = vector.broadcast %ge3A_268 : i32 to vector<16xi32>
    %ge3A_270 = arith.cmpi sge, %add3A_259, %ge3A_269 : vector<16xi32>
    %jit3A_271 = arith.constant 1 : i32
    %jit3A_272 = arith.constant 0 : i32
    %broadcast_in_dim3A_273 = vector.broadcast %jit3A_271 : i32 to vector<16xi32>
    %broadcast_in_dim3A_274 = vector.broadcast %jit3A_272 : i32 to vector<16xi32>
    %select_n3A_275 = arith.select %ge3A_270, %broadcast_in_dim3A_273, %broadcast_in_dim3A_274 : vector<16xi1>, vector<16xi32>
    %add3A_276 = arith.addi %add3A_267, %select_n3A_275 : vector<16xi32>
    %ge3A_277 = arith.constant 60 : i32
    %ge3A_278 = vector.broadcast %ge3A_277 : i32 to vector<16xi32>
    %ge3A_279 = arith.cmpi sge, %add3A_259, %ge3A_278 : vector<16xi32>
    %jit3A_280 = arith.constant 1 : i32
    %jit3A_281 = arith.constant 0 : i32
    %broadcast_in_dim3A_282 = vector.broadcast %jit3A_280 : i32 to vector<16xi32>
    %broadcast_in_dim3A_283 = vector.broadcast %jit3A_281 : i32 to vector<16xi32>
    %select_n3A_284 = arith.select %ge3A_279, %broadcast_in_dim3A_282, %broadcast_in_dim3A_283 : vector<16xi1>, vector<16xi32>
    %add3A_285 = arith.addi %add3A_276, %select_n3A_284 : vector<16xi32>
    %mul3A_286 = arith.constant 20 : i32
    %mul3A_287 = vector.broadcast %mul3A_286 : i32 to vector<16xi32>
    %mul3A_288 = arith.muli %mul3A_287, %add3A_285 : vector<16xi32>
    %sub3A = arith.subi %add3A_259, %mul3A_288 : vector<16xi32>
    %add3A_289 = arith.constant 16 : i32
    %add3A_290 = vector.broadcast %add3A_289 : i32 to vector<16xi32>
    %add3A_291 = arith.addi %iota3A, %add3A_290 : vector<16xi32>
    %broadcast_in_dim3A_292 = arith.constant 0 : i32
    %broadcast_in_dim3A_293 = vector.broadcast %broadcast_in_dim3A_292 : i32 to vector<16xi32>
    %ge3A_294 = arith.constant 20 : i32
    %ge3A_295 = vector.broadcast %ge3A_294 : i32 to vector<16xi32>
    %ge3A_296 = arith.cmpi sge, %add3A_291, %ge3A_295 : vector<16xi32>
    %jit3A_297 = arith.constant 1 : i32
    %jit3A_298 = arith.constant 0 : i32
    %broadcast_in_dim3A_299 = vector.broadcast %jit3A_297 : i32 to vector<16xi32>
    %broadcast_in_dim3A_300 = vector.broadcast %jit3A_298 : i32 to vector<16xi32>
    %select_n3A_301 = arith.select %ge3A_296, %broadcast_in_dim3A_299, %broadcast_in_dim3A_300 : vector<16xi1>, vector<16xi32>
    %add3A_302 = arith.addi %broadcast_in_dim3A_293, %select_n3A_301 : vector<16xi32>
    %ge3A_303 = arith.constant 40 : i32
    %ge3A_304 = vector.broadcast %ge3A_303 : i32 to vector<16xi32>
    %ge3A_305 = arith.cmpi sge, %add3A_291, %ge3A_304 : vector<16xi32>
    %jit3A_306 = arith.constant 1 : i32
    %jit3A_307 = arith.constant 0 : i32
    %broadcast_in_dim3A_308 = vector.broadcast %jit3A_306 : i32 to vector<16xi32>
    %broadcast_in_dim3A_309 = vector.broadcast %jit3A_307 : i32 to vector<16xi32>
    %select_n3A_310 = arith.select %ge3A_305, %broadcast_in_dim3A_308, %broadcast_in_dim3A_309 : vector<16xi1>, vector<16xi32>
    %add3A_311 = arith.addi %add3A_302, %select_n3A_310 : vector<16xi32>
    %ge3A_312 = arith.constant 60 : i32
    %ge3A_313 = vector.broadcast %ge3A_312 : i32 to vector<16xi32>
    %ge3A_314 = arith.cmpi sge, %add3A_291, %ge3A_313 : vector<16xi32>
    %jit3A_315 = arith.constant 1 : i32
    %jit3A_316 = arith.constant 0 : i32
    %broadcast_in_dim3A_317 = vector.broadcast %jit3A_315 : i32 to vector<16xi32>
    %broadcast_in_dim3A_318 = vector.broadcast %jit3A_316 : i32 to vector<16xi32>
    %select_n3A_319 = arith.select %ge3A_314, %broadcast_in_dim3A_317, %broadcast_in_dim3A_318 : vector<16xi1>, vector<16xi32>
    %add3A_320 = arith.addi %add3A_311, %select_n3A_319 : vector<16xi32>
    %mul3A_321 = arith.constant 20 : i32
    %mul3A_322 = vector.broadcast %mul3A_321 : i32 to vector<16xi32>
    %mul3A_323 = arith.muli %mul3A_322, %add3A_320 : vector<16xi32>
    %sub3A_324 = arith.subi %add3A_291, %mul3A_323 : vector<16xi32>
    %add3A_325 = arith.constant 32 : i32
    %add3A_326 = vector.broadcast %add3A_325 : i32 to vector<16xi32>
    %add3A_327 = arith.addi %iota3A, %add3A_326 : vector<16xi32>
    %broadcast_in_dim3A_328 = arith.constant 0 : i32
    %broadcast_in_dim3A_329 = vector.broadcast %broadcast_in_dim3A_328 : i32 to vector<16xi32>
    %ge3A_330 = arith.constant 20 : i32
    %ge3A_331 = vector.broadcast %ge3A_330 : i32 to vector<16xi32>
    %ge3A_332 = arith.cmpi sge, %add3A_327, %ge3A_331 : vector<16xi32>
    %jit3A_333 = arith.constant 1 : i32
    %jit3A_334 = arith.constant 0 : i32
    %broadcast_in_dim3A_335 = vector.broadcast %jit3A_333 : i32 to vector<16xi32>
    %broadcast_in_dim3A_336 = vector.broadcast %jit3A_334 : i32 to vector<16xi32>
    %select_n3A_337 = arith.select %ge3A_332, %broadcast_in_dim3A_335, %broadcast_in_dim3A_336 : vector<16xi1>, vector<16xi32>
    %add3A_338 = arith.addi %broadcast_in_dim3A_329, %select_n3A_337 : vector<16xi32>
    %ge3A_339 = arith.constant 40 : i32
    %ge3A_340 = vector.broadcast %ge3A_339 : i32 to vector<16xi32>
    %ge3A_341 = arith.cmpi sge, %add3A_327, %ge3A_340 : vector<16xi32>
    %jit3A_342 = arith.constant 1 : i32
    %jit3A_343 = arith.constant 0 : i32
    %broadcast_in_dim3A_344 = vector.broadcast %jit3A_342 : i32 to vector<16xi32>
    %broadcast_in_dim3A_345 = vector.broadcast %jit3A_343 : i32 to vector<16xi32>
    %select_n3A_346 = arith.select %ge3A_341, %broadcast_in_dim3A_344, %broadcast_in_dim3A_345 : vector<16xi1>, vector<16xi32>
    %add3A_347 = arith.addi %add3A_338, %select_n3A_346 : vector<16xi32>
    %ge3A_348 = arith.constant 60 : i32
    %ge3A_349 = vector.broadcast %ge3A_348 : i32 to vector<16xi32>
    %ge3A_350 = arith.cmpi sge, %add3A_327, %ge3A_349 : vector<16xi32>
    %jit3A_351 = arith.constant 1 : i32
    %jit3A_352 = arith.constant 0 : i32
    %broadcast_in_dim3A_353 = vector.broadcast %jit3A_351 : i32 to vector<16xi32>
    %broadcast_in_dim3A_354 = vector.broadcast %jit3A_352 : i32 to vector<16xi32>
    %select_n3A_355 = arith.select %ge3A_350, %broadcast_in_dim3A_353, %broadcast_in_dim3A_354 : vector<16xi1>, vector<16xi32>
    %add3A_356 = arith.addi %add3A_347, %select_n3A_355 : vector<16xi32>
    %mul3A_357 = arith.constant 20 : i32
    %mul3A_358 = vector.broadcast %mul3A_357 : i32 to vector<16xi32>
    %mul3A_359 = arith.muli %mul3A_358, %add3A_356 : vector<16xi32>
    %sub3A_360 = arith.subi %add3A_327, %mul3A_359 : vector<16xi32>
    %add3A_361 = arith.constant 48 : i32
    %add3A_362 = vector.broadcast %add3A_361 : i32 to vector<16xi32>
    %add3A_363 = arith.addi %iota3A, %add3A_362 : vector<16xi32>
    %broadcast_in_dim3A_364 = arith.constant 0 : i32
    %broadcast_in_dim3A_365 = vector.broadcast %broadcast_in_dim3A_364 : i32 to vector<16xi32>
    %ge3A_366 = arith.constant 20 : i32
    %ge3A_367 = vector.broadcast %ge3A_366 : i32 to vector<16xi32>
    %ge3A_368 = arith.cmpi sge, %add3A_363, %ge3A_367 : vector<16xi32>
    %jit3A_369 = arith.constant 1 : i32
    %jit3A_370 = arith.constant 0 : i32
    %broadcast_in_dim3A_371 = vector.broadcast %jit3A_369 : i32 to vector<16xi32>
    %broadcast_in_dim3A_372 = vector.broadcast %jit3A_370 : i32 to vector<16xi32>
    %select_n3A_373 = arith.select %ge3A_368, %broadcast_in_dim3A_371, %broadcast_in_dim3A_372 : vector<16xi1>, vector<16xi32>
    %add3A_374 = arith.addi %broadcast_in_dim3A_365, %select_n3A_373 : vector<16xi32>
    %ge3A_375 = arith.constant 40 : i32
    %ge3A_376 = vector.broadcast %ge3A_375 : i32 to vector<16xi32>
    %ge3A_377 = arith.cmpi sge, %add3A_363, %ge3A_376 : vector<16xi32>
    %jit3A_378 = arith.constant 1 : i32
    %jit3A_379 = arith.constant 0 : i32
    %broadcast_in_dim3A_380 = vector.broadcast %jit3A_378 : i32 to vector<16xi32>
    %broadcast_in_dim3A_381 = vector.broadcast %jit3A_379 : i32 to vector<16xi32>
    %select_n3A_382 = arith.select %ge3A_377, %broadcast_in_dim3A_380, %broadcast_in_dim3A_381 : vector<16xi1>, vector<16xi32>
    %add3A_383 = arith.addi %add3A_374, %select_n3A_382 : vector<16xi32>
    %ge3A_384 = arith.constant 60 : i32
    %ge3A_385 = vector.broadcast %ge3A_384 : i32 to vector<16xi32>
    %ge3A_386 = arith.cmpi sge, %add3A_363, %ge3A_385 : vector<16xi32>
    %jit3A_387 = arith.constant 1 : i32
    %jit3A_388 = arith.constant 0 : i32
    %broadcast_in_dim3A_389 = vector.broadcast %jit3A_387 : i32 to vector<16xi32>
    %broadcast_in_dim3A_390 = vector.broadcast %jit3A_388 : i32 to vector<16xi32>
    %select_n3A_391 = arith.select %ge3A_386, %broadcast_in_dim3A_389, %broadcast_in_dim3A_390 : vector<16xi1>, vector<16xi32>
    %add3A_392 = arith.addi %add3A_383, %select_n3A_391 : vector<16xi32>
    %mul3A_393 = arith.constant 20 : i32
    %mul3A_394 = vector.broadcast %mul3A_393 : i32 to vector<16xi32>
    %mul3A_395 = arith.muli %mul3A_394, %add3A_392 : vector<16xi32>
    %sub3A_396 = arith.subi %add3A_363, %mul3A_395 : vector<16xi32>
    %add3A_397 = arith.constant 64 : i32
    %add3A_398 = vector.broadcast %add3A_397 : i32 to vector<16xi32>
    %add3A_399 = arith.addi %iota3A, %add3A_398 : vector<16xi32>
    %broadcast_in_dim3A_400 = arith.constant 0 : i32
    %broadcast_in_dim3A_401 = vector.broadcast %broadcast_in_dim3A_400 : i32 to vector<16xi32>
    %ge3A_402 = arith.constant 20 : i32
    %ge3A_403 = vector.broadcast %ge3A_402 : i32 to vector<16xi32>
    %ge3A_404 = arith.cmpi sge, %add3A_399, %ge3A_403 : vector<16xi32>
    %jit3A_405 = arith.constant 1 : i32
    %jit3A_406 = arith.constant 0 : i32
    %broadcast_in_dim3A_407 = vector.broadcast %jit3A_405 : i32 to vector<16xi32>
    %broadcast_in_dim3A_408 = vector.broadcast %jit3A_406 : i32 to vector<16xi32>
    %select_n3A_409 = arith.select %ge3A_404, %broadcast_in_dim3A_407, %broadcast_in_dim3A_408 : vector<16xi1>, vector<16xi32>
    %add3A_410 = arith.addi %broadcast_in_dim3A_401, %select_n3A_409 : vector<16xi32>
    %ge3A_411 = arith.constant 40 : i32
    %ge3A_412 = vector.broadcast %ge3A_411 : i32 to vector<16xi32>
    %ge3A_413 = arith.cmpi sge, %add3A_399, %ge3A_412 : vector<16xi32>
    %jit3A_414 = arith.constant 1 : i32
    %jit3A_415 = arith.constant 0 : i32
    %broadcast_in_dim3A_416 = vector.broadcast %jit3A_414 : i32 to vector<16xi32>
    %broadcast_in_dim3A_417 = vector.broadcast %jit3A_415 : i32 to vector<16xi32>
    %select_n3A_418 = arith.select %ge3A_413, %broadcast_in_dim3A_416, %broadcast_in_dim3A_417 : vector<16xi1>, vector<16xi32>
    %add3A_419 = arith.addi %add3A_410, %select_n3A_418 : vector<16xi32>
    %ge3A_420 = arith.constant 60 : i32
    %ge3A_421 = vector.broadcast %ge3A_420 : i32 to vector<16xi32>
    %ge3A_422 = arith.cmpi sge, %add3A_399, %ge3A_421 : vector<16xi32>
    %jit3A_423 = arith.constant 1 : i32
    %jit3A_424 = arith.constant 0 : i32
    %broadcast_in_dim3A_425 = vector.broadcast %jit3A_423 : i32 to vector<16xi32>
    %broadcast_in_dim3A_426 = vector.broadcast %jit3A_424 : i32 to vector<16xi32>
    %select_n3A_427 = arith.select %ge3A_422, %broadcast_in_dim3A_425, %broadcast_in_dim3A_426 : vector<16xi1>, vector<16xi32>
    %add3A_428 = arith.addi %add3A_419, %select_n3A_427 : vector<16xi32>
    %mul3A_429 = arith.constant 20 : i32
    %mul3A_430 = vector.broadcast %mul3A_429 : i32 to vector<16xi32>
    %mul3A_431 = arith.muli %mul3A_430, %add3A_428 : vector<16xi32>
    %sub3A_432 = arith.subi %add3A_399, %mul3A_431 : vector<16xi32>
    %dma_wait3A = arith.constant 0 : i32
    %dma_wait3A_433 = tpu.memref_slice %arg5[%dma_wait3A] : memref<12800xf32, #tpu.memory_space<vmem>> -> memref<7680xf32, #tpu.memory_space<vmem>>
    %dma_wait3A_434 = arith.constant 0 : i32
    %dma_wait3A_435 = tpu.memref_slice %arg3[%dma_wait3A_434] : memref<12800xf32, #tpu.memory_space<hbm>> -> memref<7680xf32, #tpu.memory_space<hbm>>
    %dma_wait3A_436 = arith.constant 0 : i32
    %dma_wait3A_437 = tpu.memref_slice %arg5[%dma_wait3A_436] : memref<12800xf32, #tpu.memory_space<vmem>> -> memref<7680xf32, #tpu.memory_space<vmem>>
    %dma_wait3A_438 = arith.constant 0 : i32
    %dma_wait3A_439 = tpu.memref_slice %arg3[%dma_wait3A_438] : memref<12800xf32, #tpu.memory_space<hbm>> -> memref<7680xf32, #tpu.memory_space<hbm>>
    tpu.wait_dma2 semaphore(%arg13 : memref<!tpu.dma_semaphore, #tpu.memory_space<semaphore_mem>>) src(%dma_wait3A_439 : memref<7680xf32, #tpu.memory_space<hbm>>) dst(%dma_wait3A_437 : memref<7680xf32, #tpu.memory_space<vmem>>)
    %mul3A_440 = arith.constant 128 : i32
    %mul3A_441 = vector.broadcast %mul3A_440 : i32 to vector<16xi32>
    %mul3A_442 = arith.muli %sub3A, %mul3A_441 : vector<16xi32>
    %mul3A_443 = arith.constant 4 : i32
    %mul3A_444 = arith.muli %add3A, %mul3A_443 : i32
    %add3A_445 = vector.broadcast %mul3A_444 : i32 to vector<16xi32>
    %add3A_446 = arith.addi %add3A_445, %add3A_285 : vector<16xi32>
    %add3A_447 = arith.addi %mul3A_442, %add3A_446 : vector<16xi32>
    %gather3A = tpu.vector_load_idx %arg5[%add3A_447] : memref<12800xf32, #tpu.memory_space<vmem>>[vector<16xi32>], vector<16xf32>,
    %add3A_448 = arith.constant 2560 : i32
    %add3A_449 = vector.broadcast %add3A_448 : i32 to vector<16xi32>
    %add3A_450 = arith.addi %add3A_447, %add3A_449 : vector<16xi32>
    %gather3A_451 = tpu.vector_load_idx %arg5[%add3A_450] : memref<12800xf32, #tpu.memory_space<vmem>>[vector<16xi32>], vector<16xf32>,
    %add3A_452 = arith.constant 5120 : i32
    %add3A_453 = vector.broadcast %add3A_452 : i32 to vector<16xi32>
    %add3A_454 = arith.addi %add3A_447, %add3A_453 : vector<16xi32>
    %gather3A_455 = tpu.vector_load_idx %arg5[%add3A_454] : memref<12800xf32, #tpu.memory_space<vmem>>[vector<16xi32>], vector<16xf32>,
    %mul3A_456 = arith.constant 1.300000e+01 : f32
    %mul3A_457 = vector.broadcast %mul3A_456 : f32 to vector<16xf32>
    %mul3A_458 = arith.mulf %gather3A_451, %mul3A_457 : vector<16xf32>
    %mul3A_459 = arith.constant 1.300000e+01 : f32
    %mul3A_460 = vector.broadcast %mul3A_459 : f32 to vector<16xf32>
    %mul3A_461 = arith.mulf %gather3A_455, %mul3A_460 : vector<16xf32>
    %convert_element_type3A = arith.fptosi %mul3A_458 : vector<16xf32> to vector<16xi32>
    %convert_element_type3A_462 = arith.sitofp %convert_element_type3A : vector<16xi32> to vector<16xf32>
    %gt3A = arith.cmpf ogt, %convert_element_type3A_462, %mul3A_458 : vector<16xf32>
    %jit3A_463 = arith.constant 1 : i32
    %jit3A_464 = arith.constant 0 : i32
    %broadcast_in_dim3A_465 = vector.broadcast %jit3A_463 : i32 to vector<16xi32>
    %broadcast_in_dim3A_466 = vector.broadcast %jit3A_464 : i32 to vector<16xi32>
    %select_n3A_467 = arith.select %gt3A, %broadcast_in_dim3A_465, %broadcast_in_dim3A_466 : vector<16xi1>, vector<16xi32>
    %sub3A_468 = arith.subi %convert_element_type3A, %select_n3A_467 : vector<16xi32>
    %convert_element_type3A_469 = arith.fptosi %mul3A_461 : vector<16xf32> to vector<16xi32>
    %convert_element_type3A_470 = arith.sitofp %convert_element_type3A_469 : vector<16xi32> to vector<16xf32>
    %gt3A_471 = arith.cmpf ogt, %convert_element_type3A_470, %mul3A_461 : vector<16xf32>
    %jit3A_472 = arith.constant 1 : i32
    %jit3A_473 = arith.constant 0 : i32
    %broadcast_in_dim3A_474 = vector.broadcast %jit3A_472 : i32 to vector<16xi32>
    %broadcast_in_dim3A_475 = vector.broadcast %jit3A_473 : i32 to vector<16xi32>
    %select_n3A_476 = arith.select %gt3A_471, %broadcast_in_dim3A_474, %broadcast_in_dim3A_475 : vector<16xi1>, vector<16xi32>
    %sub3A_477 = arith.subi %convert_element_type3A_469, %select_n3A_476 : vector<16xi32>
    %lt3A = arith.constant 13 : i32
    %lt3A_478 = vector.broadcast %lt3A : i32 to vector<16xi32>
    %lt3A_479 = arith.cmpi slt, %sub3A_468, %lt3A_478 : vector<16xi32>
    %lt3A_480 = arith.constant 13 : i32
    %lt3A_481 = vector.broadcast %lt3A_480 : i32 to vector<16xi32>
    %lt3A_482 = arith.cmpi slt, %sub3A_477, %lt3A_481 : vector<16xi32>
    %and3A = arith.andi %lt3A_479, %lt3A_482 : vector<16xi1>
    %jit3A_483 = arith.constant 0 : i32
    %jit3A_484 = arith.constant 12 : i32
    %max3A = vector.broadcast %jit3A_483 : i32 to vector<16xi32>
    %max3A_485 = arith.maxsi %max3A, %sub3A_477 : vector<16xi32>
    %min3A_486 = vector.broadcast %jit3A_484 : i32 to vector<16xi32>
    %min3A_487 = arith.minsi %min3A_486, %max3A_485 : vector<16xi32>
    %mul3A_488 = arith.constant 13 : i32
    %mul3A_489 = vector.broadcast %mul3A_488 : i32 to vector<16xi32>
    %mul3A_490 = arith.muli %min3A_487, %mul3A_489 : vector<16xi32>
    %jit3A_491 = arith.constant 0 : i32
    %jit3A_492 = arith.constant 12 : i32
    %max3A_493 = vector.broadcast %jit3A_491 : i32 to vector<16xi32>
    %max3A_494 = arith.maxsi %max3A_493, %sub3A_468 : vector<16xi32>
    %min3A_495 = vector.broadcast %jit3A_492 : i32 to vector<16xi32>
    %min3A_496 = arith.minsi %min3A_495, %max3A_494 : vector<16xi32>
    %add3A_497 = arith.addi %mul3A_490, %min3A_496 : vector<16xi32>
    %mul3A_498 = arith.constant 176 : i32
    %mul3A_499 = vector.broadcast %mul3A_498 : i32 to vector<16xi32>
    %mul3A_500 = arith.muli %mul3A_499, %add3A_285 : vector<16xi32>
    %add3A_501 = arith.addi %mul3A_500, %add3A_497 : vector<16xi32>
    tpu.vector_store_idx %arg9[%add3A_501], %sub3A masked %and3A : memref<704xi32, #tpu.memory_space<vmem>>[vector<16xi32>], vector<16xi32>, vector<16xi1>
    %mul3A_502 = arith.constant 6912 : i32
    %mul3A_503 = vector.broadcast %mul3A_502 : i32 to vector<16xi32>
    %mul3A_504 = arith.muli %add3A_497, %mul3A_503 : vector<16xi32>
    %mul3A_505 = arith.constant 4 : i32
    %mul3A_506 = arith.muli %add3A, %mul3A_505 : i32
    %add3A_507 = vector.broadcast %mul3A_506 : i32 to vector<16xi32>
    %add3A_508 = arith.addi %add3A_507, %add3A_285 : vector<16xi32>
    %add3A_509 = arith.addi %mul3A_504, %add3A_508 : vector<16xi32>
    %add3A_510 = arith.constant 0 : i32
    %add3A_511 = vector.broadcast %add3A_510 : i32 to vector<16xi32>
    %add3A_512 = arith.addi %add3A_509, %add3A_511 : vector<16xi32>
    %swap3A_513 = arith.constant 0 : index
    %swap3A_514 = tpu.vector_load %arg7[%swap3A_513] {strides = array<i32>} : memref<1536xi32, #tpu.memory_space<vmem>>, vector<16xi32>,
    tpu.vector_store %arg7[%swap3A_513], %add3A_512 {strides = array<i32>} : memref<1536xi32, #tpu.memory_space<vmem>>, vector<16xi32>,
    %add3A_515 = arith.constant 128 : i32
    %add3A_516 = vector.broadcast %add3A_515 : i32 to vector<16xi32>
    %add3A_517 = arith.addi %add3A_509, %add3A_516 : vector<16xi32>
    %swap3A_518 = arith.constant 16 : index
    %swap3A_519 = tpu.vector_load %arg7[%swap3A_518] {strides = array<i32>} : memref<1536xi32, #tpu.memory_space<vmem>>, vector<16xi32>,
    tpu.vector_store %arg7[%swap3A_518], %add3A_517 {strides = array<i32>} : memref<1536xi32, #tpu.memory_space<vmem>>, vector<16xi32>,
    %add3A_520 = arith.constant 256 : i32
    %add3A_521 = vector.broadcast %add3A_520 : i32 to vector<16xi32>
    %add3A_522 = arith.addi %add3A_509, %add3A_521 : vector<16xi32>
    %swap3A_523 = arith.constant 32 : index
    %swap3A_524 = tpu.vector_load %arg7[%swap3A_523] {strides = array<i32>} : memref<1536xi32, #tpu.memory_space<vmem>>, vector<16xi32>,
    tpu.vector_store %arg7[%swap3A_523], %add3A_522 {strides = array<i32>} : memref<1536xi32, #tpu.memory_space<vmem>>, vector<16xi32>,
    %add3A_525 = arith.constant 384 : i32
    %add3A_526 = vector.broadcast %add3A_525 : i32 to vector<16xi32>
    %add3A_527 = arith.addi %add3A_509, %add3A_526 : vector<16xi32>
    %swap3A_528 = arith.constant 48 : index
    %swap3A_529 = tpu.vector_load %arg7[%swap3A_528] {strides = array<i32>} : memref<1536xi32, #tpu.memory_space<vmem>>, vector<16xi32>,
    tpu.vector_store %arg7[%swap3A_528], %add3A_527 {strides = array<i32>} : memref<1536xi32, #tpu.memory_space<vmem>>, vector<16xi32>,
    %add3A_530 = arith.constant 512 : i32
    %add3A_531 = vector.broadcast %add3A_530 : i32 to vector<16xi32>
    %add3A_532 = arith.addi %add3A_509, %add3A_531 : vector<16xi32>
    %swap3A_533 = arith.constant 64 : index
    %swap3A_534 = tpu.vector_load %arg7[%swap3A_533] {strides = array<i32>} : memref<1536xi32, #tpu.memory_space<vmem>>, vector<16xi32>,
    tpu.vector_store %arg7[%swap3A_533], %add3A_532 {strides = array<i32>} : memref<1536xi32, #tpu.memory_space<vmem>>, vector<16xi32>,
    %add3A_535 = arith.constant 640 : i32
    %add3A_536 = vector.broadcast %add3A_535 : i32 to vector<16xi32>
    %add3A_537 = arith.addi %add3A_509, %add3A_536 : vector<16xi32>
    %swap3A_538 = arith.constant 80 : index
    %swap3A_539 = tpu.vector_load %arg7[%swap3A_538] {strides = array<i32>} : memref<1536xi32, #tpu.memory_space<vmem>>, vector<16xi32>,
    tpu.vector_store %arg7[%swap3A_538], %add3A_537 {strides = array<i32>} : memref<1536xi32, #tpu.memory_space<vmem>>, vector<16xi32>,
    %add3A_540 = arith.constant 768 : i32
    %add3A_541 = vector.broadcast %add3A_540 : i32 to vector<16xi32>
    %add3A_542 = arith.addi %add3A_509, %add3A_541 : vector<16xi32>
    %swap3A_543 = arith.constant 96 : index
    %swap3A_544 = tpu.vector_load %arg7[%swap3A_543] {strides = array<i32>} : memref<1536xi32, #tpu.memory_space<vmem>>, vector<16xi32>,
    tpu.vector_store %arg7[%swap3A_543], %add3A_542 {strides = array<i32>} : memref<1536xi32, #tpu.memory_space<vmem>>, vector<16xi32>,
    %add3A_545 = arith.constant 896 : i32
    %add3A_546 = vector.broadcast %add3A_545 : i32 to vector<16xi32>
    %add3A_547 = arith.addi %add3A_509, %add3A_546 : vector<16xi32>
    %swap3A_548 = arith.constant 112 : index
    %swap3A_549 = tpu.vector_load %arg7[%swap3A_548] {strides = array<i32>} : memref<1536xi32, #tpu.memory_space<vmem>>, vector<16xi32>,
    tpu.vector_store %arg7[%swap3A_548], %add3A_547 {strides = array<i32>} : memref<1536xi32, #tpu.memory_space<vmem>>, vector<16xi32>,
    %add3A_550 = arith.constant 1024 : i32
    %add3A_551 = vector.broadcast %add3A_550 : i32 to vector<16xi32>
    %add3A_552 = arith.addi %add3A_509, %add3A_551 : vector<16xi32>
    %swap3A_553 = arith.constant 128 : index
    %swap3A_554 = tpu.vector_load %arg7[%swap3A_553] {strides = array<i32>} : memref<1536xi32, #tpu.memory_space<vmem>>, vector<16xi32>,
    tpu.vector_store %arg7[%swap3A_553], %add3A_552 {strides = array<i32>} : memref<1536xi32, #tpu.memory_space<vmem>>, vector<16xi32>,
    %add3A_555 = arith.constant 1152 : i32
    %add3A_556 = vector.broadcast %add3A_555 : i32 to vector<16xi32>
    %add3A_557 = arith.addi %add3A_509, %add3A_556 : vector<16xi32>
    %swap3A_558 = arith.constant 144 : index
    %swap3A_559 = tpu.vector_load %arg7[%swap3A_558] {strides = array<i32>} : memref<1536xi32, #tpu.memory_space<vmem>>, vector<16xi32>,
    tpu.vector_store %arg7[%swap3A_558], %add3A_557 {strides = array<i32>} : memref<1536xi32, #tpu.memory_space<vmem>>, vector<16xi32>,
    %add3A_560 = arith.constant 1280 : i32
    %add3A_561 = vector.broadcast %add3A_560 : i32 to vector<16xi32>
    %add3A_562 = arith.addi %add3A_509, %add3A_561 : vector<16xi32>
    %swap3A_563 = arith.constant 160 : index
    %swap3A_564 = tpu.vector_load %arg7[%swap3A_563] {strides = array<i32>} : memref<1536xi32, #tpu.memory_space<vmem>>, vector<16xi32>,
    tpu.vector_store %arg7[%swap3A_563], %add3A_562 {strides = array<i32>} : memref<1536xi32, #tpu.memory_space<vmem>>, vector<16xi32>,
    %add3A_565 = arith.constant 1408 : i32
    %add3A_566 = vector.broadcast %add3A_565 : i32 to vector<16xi32>
    %add3A_567 = arith.addi %add3A_509, %add3A_566 : vector<16xi32>
    %swap3A_568 = arith.constant 176 : index
    %swap3A_569 = tpu.vector_load %arg7[%swap3A_568] {strides = array<i32>} : memref<1536xi32, #tpu.memory_space<vmem>>, vector<16xi32>,
    tpu.vector_store %arg7[%swap3A_568], %add3A_567 {strides = array<i32>} : memref<1536xi32, #tpu.memory_space<vmem>>, vector<16xi32>,
    %add3A_570 = arith.constant 1536 : i32
    %add3A_571 = vector.broadcast %add3A_570 : i32 to vector<16xi32>
    %add3A_572 = arith.addi %add3A_509, %add3A_571 : vector<16xi32>
    %swap3A_573 = arith.constant 192 : index
    %swap3A_574 = tpu.vector_load %arg7[%swap3A_573] {strides = array<i32>} : memref<1536xi32, #tpu.memory_space<vmem>>, vector<16xi32>,
    tpu.vector_store %arg7[%swap3A_573], %add3A_572 {strides = array<i32>} : memref<1536xi32, #tpu.memory_space<vmem>>, vector<16xi32>,
    %add3A_575 = arith.constant 1664 : i32
    %add3A_576 = vector.broadcast %add3A_575 : i32 to vector<16xi32>
    %add3A_577 = arith.addi %add3A_509, %add3A_576 : vector<16xi32>
    %swap3A_578 = arith.constant 208 : index
    %swap3A_579 = tpu.vector_load %arg7[%swap3A_578] {strides = array<i32>} : memref<1536xi32, #tpu.memory_space<vmem>>, vector<16xi32>,
    tpu.vector_store %arg7[%swap3A_578], %add3A_577 {strides = array<i32>} : memref<1536xi32, #tpu.memory_space<vmem>>, vector<16xi32>,
    %add3A_580 = arith.constant 1792 : i32
    %add3A_581 = vector.broadcast %add3A_580 : i32 to vector<16xi32>
    %add3A_582 = arith.addi %add3A_509, %add3A_581 : vector<16xi32>
    %swap3A_583 = arith.constant 224 : index
    %swap3A_584 = tpu.vector_load %arg7[%swap3A_583] {strides = array<i32>} : memref<1536xi32, #tpu.memory_space<vmem>>, vector<16xi32>,
    tpu.vector_store %arg7[%swap3A_583], %add3A_582 {strides = array<i32>} : memref<1536xi32, #tpu.memory_space<vmem>>, vector<16xi32>,
    %add3A_585 = arith.constant 1920 : i32
    %add3A_586 = vector.broadcast %add3A_585 : i32 to vector<16xi32>
    %add3A_587 = arith.addi %add3A_509, %add3A_586 : vector<16xi32>
    %swap3A_588 = arith.constant 240 : index
    %swap3A_589 = tpu.vector_load %arg7[%swap3A_588] {strides = array<i32>} : memref<1536xi32, #tpu.memory_space<vmem>>, vector<16xi32>,
    tpu.vector_store %arg7[%swap3A_588], %add3A_587 {strides = array<i32>} : memref<1536xi32, #tpu.memory_space<vmem>>, vector<16xi32>,
    %add3A_590 = arith.constant 2048 : i32
    %add3A_591 = vector.broadcast %add3A_590 : i32 to vector<16xi32>
    %add3A_592 = arith.addi %add3A_509, %add3A_591 : vector<16xi32>
    %swap3A_593 = arith.constant 256 : index
    %swap3A_594 = tpu.vector_load %arg7[%swap3A_593] {strides = array<i32>} : memref<1536xi32, #tpu.memory_space<vmem>>, vector<16xi32>,
    tpu.vector_store %arg7[%swap3A_593], %add3A_592 {strides = array<i32>} : memref<1536xi32, #tpu.memory_space<vmem>>, vector<16xi32>,
    %add3A_595 = arith.constant 2176 : i32
    %add3A_596 = vector.broadcast %add3A_595 : i32 to vector<16xi32>
    %add3A_597 = arith.addi %add3A_509, %add3A_596 : vector<16xi32>
    %swap3A_598 = arith.constant 272 : index
    %swap3A_599 = tpu.vector_load %arg7[%swap3A_598] {strides = array<i32>} : memref<1536xi32, #tpu.memory_space<vmem>>, vector<16xi32>,
    tpu.vector_store %arg7[%swap3A_598], %add3A_597 {strides = array<i32>} : memref<1536xi32, #tpu.memory_space<vmem>>, vector<16xi32>,
    %convert_element_type3A_600 = arith.fptosi %gather3A : vector<16xf32> to vector<16xi32>
    %jit3A_601 = arith.constant 0 : i32
    %jit3A_602 = arith.constant 12 : i32
    %max3A_603 = vector.broadcast %jit3A_601 : i32 to vector<16xi32>
    %max3A_604 = arith.maxsi %max3A_603, %convert_element_type3A_600 : vector<16xi32>
    %min3A_605 = vector.broadcast %jit3A_602 : i32 to vector<16xi32>
    %min3A_606 = arith.minsi %min3A_605, %max3A_604 : vector<16xi32>
    %add3A_607 = arith.constant 5 : i32
    %add3A_608 = vector.broadcast %add3A_607 : i32 to vector<16xi32>
    %add3A_609 = arith.addi %add3A_608, %min3A_606 : vector<16xi32>
    %mul3A_610 = arith.constant 128 : i32
    %mul3A_611 = vector.broadcast %mul3A_610 : i32 to vector<16xi32>
    %mul3A_612 = arith.muli %add3A_609, %mul3A_611 : vector<16xi32>
    %add3A_613 = arith.addi %add3A_509, %mul3A_612 : vector<16xi32>
    %swap3A_614 = arith.constant 288 : index
    %swap3A_615 = tpu.vector_load %arg7[%swap3A_614] {strides = array<i32>} : memref<1536xi32, #tpu.memory_space<vmem>>, vector<16xi32>,
    tpu.vector_store %arg7[%swap3A_614], %add3A_613 {strides = array<i32>} : memref<1536xi32, #tpu.memory_space<vmem>>, vector<16xi32>,
    %mul3A_616 = arith.constant 128 : i32
    %mul3A_617 = vector.broadcast %mul3A_616 : i32 to vector<16xi32>
    %mul3A_618 = arith.muli %sub3A_324, %mul3A_617 : vector<16xi32>
    %mul3A_619 = arith.constant 4 : i32
    %mul3A_620 = arith.muli %add3A, %mul3A_619 : i32
    %add3A_621 = vector.broadcast %mul3A_620 : i32 to vector<16xi32>
    %add3A_622 = arith.addi %add3A_621, %add3A_320 : vector<16xi32>
    %add3A_623 = arith.addi %mul3A_618, %add3A_622 : vector<16xi32>
    %gather3A_624 = tpu.vector_load_idx %arg5[%add3A_623] : memref<12800xf32, #tpu.memory_space<vmem>>[vector<16xi32>], vector<16xf32>,
    %add3A_625 = arith.constant 2560 : i32
    %add3A_626 = vector.broadcast %add3A_625 : i32 to vector<16xi32>
    %add3A_627 = arith.addi %add3A_623, %add3A_626 : vector<16xi32>
    %gather3A_628 = tpu.vector_load_idx %arg5[%add3A_627] : memref<12800xf32, #tpu.memory_space<vmem>>[vector<16xi32>], vector<16xf32>,
    %add3A_629 = arith.constant 5120 : i32
    %add3A_630 = vector.broadcast %add3A_629 : i32 to vector<16xi32>
    %add3A_631 = arith.addi %add3A_623, %add3A_630 : vector<16xi32>
    %gather3A_632 = tpu.vector_load_idx %arg5[%add3A_631] : memref<12800xf32, #tpu.memory_space<vmem>>[vector<16xi32>], vector<16xf32>,
    %mul3A_633 = arith.constant 1.300000e+01 : f32
    %mul3A_634 = vector.broadcast %mul3A_633 : f32 to vector<16xf32>
    %mul3A_635 = arith.mulf %gather3A_628, %mul3A_634 : vector<16xf32>
    %mul3A_636 = arith.constant 1.300000e+01 : f32
    %mul3A_637 = vector.broadcast %mul3A_636 : f32 to vector<16xf32>
    %mul3A_638 = arith.mulf %gather3A_632, %mul3A_637 : vector<16xf32>
    %convert_element_type3A_639 = arith.fptosi %mul3A_635 : vector<16xf32> to vector<16xi32>
    %convert_element_type3A_640 = arith.sitofp %convert_element_type3A_639 : vector<16xi32> to vector<16xf32>
    %gt3A_641 = arith.cmpf ogt, %convert_element_type3A_640, %mul3A_635 : vector<16xf32>
    %jit3A_642 = arith.constant 1 : i32
    %jit3A_643 = arith.constant 0 : i32
    %broadcast_in_dim3A_644 = vector.broadcast %jit3A_642 : i32 to vector<16xi32>
    %broadcast_in_dim3A_645 = vector.broadcast %jit3A_643 : i32 to vector<16xi32>
    %select_n3A_646 = arith.select %gt3A_641, %broadcast_in_dim3A_644, %broadcast_in_dim3A_645 : vector<16xi1>, vector<16xi32>
    %sub3A_647 = arith.subi %convert_element_type3A_639, %select_n3A_646 : vector<16xi32>
    %convert_element_type3A_648 = arith.fptosi %mul3A_638 : vector<16xf32> to vector<16xi32>
    %convert_element_type3A_649 = arith.sitofp %convert_element_type3A_648 : vector<16xi32> to vector<16xf32>
    %gt3A_650 = arith.cmpf ogt, %convert_element_type3A_649, %mul3A_638 : vector<16xf32>
    %jit3A_651 = arith.constant 1 : i32
    %jit3A_652 = arith.constant 0 : i32
    %broadcast_in_dim3A_653 = vector.broadcast %jit3A_651 : i32 to vector<16xi32>
    %broadcast_in_dim3A_654 = vector.broadcast %jit3A_652 : i32 to vector<16xi32>
    %select_n3A_655 = arith.select %gt3A_650, %broadcast_in_dim3A_653, %broadcast_in_dim3A_654 : vector<16xi1>, vector<16xi32>
    %sub3A_656 = arith.subi %convert_element_type3A_648, %select_n3A_655 : vector<16xi32>
    %lt3A_657 = arith.constant 13 : i32
    %lt3A_658 = vector.broadcast %lt3A_657 : i32 to vector<16xi32>
    %lt3A_659 = arith.cmpi slt, %sub3A_647, %lt3A_658 : vector<16xi32>
    %lt3A_660 = arith.constant 13 : i32
    %lt3A_661 = vector.broadcast %lt3A_660 : i32 to vector<16xi32>
    %lt3A_662 = arith.cmpi slt, %sub3A_656, %lt3A_661 : vector<16xi32>
    %and3A_663 = arith.andi %lt3A_659, %lt3A_662 : vector<16xi1>
    %jit3A_664 = arith.constant 0 : i32
    %jit3A_665 = arith.constant 12 : i32
    %max3A_666 = vector.broadcast %jit3A_664 : i32 to vector<16xi32>
    %max3A_667 = arith.maxsi %max3A_666, %sub3A_656 : vector<16xi32>
    %min3A_668 = vector.broadcast %jit3A_665 : i32 to vector<16xi32>
    %min3A_669 = arith.minsi %min3A_668, %max3A_667 : vector<16xi32>
    %mul3A_670 = arith.constant 13 : i32
    %mul3A_671 = vector.broadcast %mul3A_670 : i32 to vector<16xi32>
    %mul3A_672 = arith.muli %min3A_669, %mul3A_671 : vector<16xi32>
    %jit3A_673 = arith.constant 0 : i32
    %jit3A_674 = arith.constant 12 : i32
    %max3A_675 = vector.broadcast %jit3A_673 : i32 to vector<16xi32>
    %max3A_676 = arith.maxsi %max3A_675, %sub3A_647 : vector<16xi32>
    %min3A_677 = vector.broadcast %jit3A_674 : i32 to vector<16xi32>
    %min3A_678 = arith.minsi %min3A_677, %max3A_676 : vector<16xi32>
    %add3A_679 = arith.addi %mul3A_672, %min3A_678 : vector<16xi32>
    %mul3A_680 = arith.constant 176 : i32
    %mul3A_681 = vector.broadcast %mul3A_680 : i32 to vector<16xi32>
    %mul3A_682 = arith.muli %mul3A_681, %add3A_320 : vector<16xi32>
    %add3A_683 = arith.addi %mul3A_682, %add3A_679 : vector<16xi32>
    tpu.vector_store_idx %arg9[%add3A_683], %sub3A_324 masked %and3A_663 : memref<704xi32, #tpu.memory_space<vmem>>[vector<16xi32>], vector<16xi32>, vector<16xi1>
    %mul3A_684 = arith.constant 6912 : i32
    %mul3A_685 = vector.broadcast %mul3A_684 : i32 to vector<16xi32>
    %mul3A_686 = arith.muli %add3A_679, %mul3A_685 : vector<16xi32>
    %mul3A_687 = arith.constant 4 : i32
    %mul3A_688 = arith.muli %add3A, %mul3A_687 : i32
    %add3A_689 = vector.broadcast %mul3A_688 : i32 to vector<16xi32>
    %add3A_690 = arith.addi %add3A_689, %add3A_320 : vector<16xi32>
    %add3A_691 = arith.addi %mul3A_686, %add3A_690 : vector<16xi32>
    %add3A_692 = arith.constant 0 : i32
    %add3A_693 = vector.broadcast %add3A_692 : i32 to vector<16xi32>
    %add3A_694 = arith.addi %add3A_691, %add3A_693 : vector<16xi32>
    %swap3A_695 = arith.constant 304 : index
    %swap3A_696 = tpu.vector_load %arg7[%swap3A_695] {strides = array<i32>} : memref<1536xi32, #tpu.memory_space<vmem>>, vector<16xi32>,
    tpu.vector_store %arg7[%swap3A_695], %add3A_694 {strides = array<i32>} : memref<1536xi32, #tpu.memory_space<vmem>>, vector<16xi32>,
    %add3A_697 = arith.constant 128 : i32
    %add3A_698 = vector.broadcast %add3A_697 : i32 to vector<16xi32>
    %add3A_699 = arith.addi %add3A_691, %add3A_698 : vector<16xi32>
    %swap3A_700 = arith.constant 320 : index
    %swap3A_701 = tpu.vector_load %arg7[%swap3A_700] {strides = array<i32>} : memref<1536xi32, #tpu.memory_space<vmem>>, vector<16xi32>,
    tpu.vector_store %arg7[%swap3A_700], %add3A_699 {strides = array<i32>} : memref<1536xi32, #tpu.memory_space<vmem>>, vector<16xi32>,
    %add3A_702 = arith.constant 256 : i32
    %add3A_703 = vector.broadcast %add3A_702 : i32 to vector<16xi32>
    %add3A_704 = arith.addi %add3A_691, %add3A_703 : vector<16xi32>
    %swap3A_705 = arith.constant 336 : index
    %swap3A_706 = tpu.vector_load %arg7[%swap3A_705] {strides = array<i32>} : memref<1536xi32, #tpu.memory_space<vmem>>, vector<16xi32>,
    tpu.vector_store %arg7[%swap3A_705], %add3A_704 {strides = array<i32>} : memref<1536xi32, #tpu.memory_space<vmem>>, vector<16xi32>,
    %add3A_707 = arith.constant 384 : i32
    %add3A_708 = vector.broadcast %add3A_707 : i32 to vector<16xi32>
    %add3A_709 = arith.addi %add3A_691, %add3A_708 : vector<16xi32>
    %swap3A_710 = arith.constant 352 : index
    %swap3A_711 = tpu.vector_load %arg7[%swap3A_710] {strides = array<i32>} : memref<1536xi32, #tpu.memory_space<vmem>>, vector<16xi32>,
    tpu.vector_store %arg7[%swap3A_710], %add3A_709 {strides = array<i32>} : memref<1536xi32, #tpu.memory_space<vmem>>, vector<16xi32>,
    %add3A_712 = arith.constant 512 : i32
    %add3A_713 = vector.broadcast %add3A_712 : i32 to vector<16xi32>
    %add3A_714 = arith.addi %add3A_691, %add3A_713 : vector<16xi32>
    %swap3A_715 = arith.constant 368 : index
    %swap3A_716 = tpu.vector_load %arg7[%swap3A_715] {strides = array<i32>} : memref<1536xi32, #tpu.memory_space<vmem>>, vector<16xi32>,
    tpu.vector_store %arg7[%swap3A_715], %add3A_714 {strides = array<i32>} : memref<1536xi32, #tpu.memory_space<vmem>>, vector<16xi32>,
    %add3A_717 = arith.constant 640 : i32
    %add3A_718 = vector.broadcast %add3A_717 : i32 to vector<16xi32>
    %add3A_719 = arith.addi %add3A_691, %add3A_718 : vector<16xi32>
    %swap3A_720 = arith.constant 384 : index
    %swap3A_721 = tpu.vector_load %arg7[%swap3A_720] {strides = array<i32>} : memref<1536xi32, #tpu.memory_space<vmem>>, vector<16xi32>,
    tpu.vector_store %arg7[%swap3A_720], %add3A_719 {strides = array<i32>} : memref<1536xi32, #tpu.memory_space<vmem>>, vector<16xi32>,
    %add3A_722 = arith.constant 768 : i32
    %add3A_723 = vector.broadcast %add3A_722 : i32 to vector<16xi32>
    %add3A_724 = arith.addi %add3A_691, %add3A_723 : vector<16xi32>
    %swap3A_725 = arith.constant 400 : index
    %swap3A_726 = tpu.vector_load %arg7[%swap3A_725] {strides = array<i32>} : memref<1536xi32, #tpu.memory_space<vmem>>, vector<16xi32>,
    tpu.vector_store %arg7[%swap3A_725], %add3A_724 {strides = array<i32>} : memref<1536xi32, #tpu.memory_space<vmem>>, vector<16xi32>,
    %add3A_727 = arith.constant 896 : i32
    %add3A_728 = vector.broadcast %add3A_727 : i32 to vector<16xi32>
    %add3A_729 = arith.addi %add3A_691, %add3A_728 : vector<16xi32>
    %swap3A_730 = arith.constant 416 : index
    %swap3A_731 = tpu.vector_load %arg7[%swap3A_730] {strides = array<i32>} : memref<1536xi32, #tpu.memory_space<vmem>>, vector<16xi32>,
    tpu.vector_store %arg7[%swap3A_730], %add3A_729 {strides = array<i32>} : memref<1536xi32, #tpu.memory_space<vmem>>, vector<16xi32>,
    %add3A_732 = arith.constant 1024 : i32
    %add3A_733 = vector.broadcast %add3A_732 : i32 to vector<16xi32>
    %add3A_734 = arith.addi %add3A_691, %add3A_733 : vector<16xi32>
    %swap3A_735 = arith.constant 432 : index
    %swap3A_736 = tpu.vector_load %arg7[%swap3A_735] {strides = array<i32>} : memref<1536xi32, #tpu.memory_space<vmem>>, vector<16xi32>,
    tpu.vector_store %arg7[%swap3A_735], %add3A_734 {strides = array<i32>} : memref<1536xi32, #tpu.memory_space<vmem>>, vector<16xi32>,
    %add3A_737 = arith.constant 1152 : i32
    %add3A_738 = vector.broadcast %add3A_737 : i32 to vector<16xi32>
    %add3A_739 = arith.addi %add3A_691, %add3A_738 : vector<16xi32>
    %swap3A_740 = arith.constant 448 : index
    %swap3A_741 = tpu.vector_load %arg7[%swap3A_740] {strides = array<i32>} : memref<1536xi32, #tpu.memory_space<vmem>>, vector<16xi32>,
    tpu.vector_store %arg7[%swap3A_740], %add3A_739 {strides = array<i32>} : memref<1536xi32, #tpu.memory_space<vmem>>, vector<16xi32>,
    %add3A_742 = arith.constant 1280 : i32
    %add3A_743 = vector.broadcast %add3A_742 : i32 to vector<16xi32>
    %add3A_744 = arith.addi %add3A_691, %add3A_743 : vector<16xi32>
    %swap3A_745 = arith.constant 464 : index
    %swap3A_746 = tpu.vector_load %arg7[%swap3A_745] {strides = array<i32>} : memref<1536xi32, #tpu.memory_space<vmem>>, vector<16xi32>,
    tpu.vector_store %arg7[%swap3A_745], %add3A_744 {strides = array<i32>} : memref<1536xi32, #tpu.memory_space<vmem>>, vector<16xi32>,
    %add3A_747 = arith.constant 1408 : i32
    %add3A_748 = vector.broadcast %add3A_747 : i32 to vector<16xi32>
    %add3A_749 = arith.addi %add3A_691, %add3A_748 : vector<16xi32>
    %swap3A_750 = arith.constant 480 : index
    %swap3A_751 = tpu.vector_load %arg7[%swap3A_750] {strides = array<i32>} : memref<1536xi32, #tpu.memory_space<vmem>>, vector<16xi32>,
    tpu.vector_store %arg7[%swap3A_750], %add3A_749 {strides = array<i32>} : memref<1536xi32, #tpu.memory_space<vmem>>, vector<16xi32>,
    %add3A_752 = arith.constant 1536 : i32
    %add3A_753 = vector.broadcast %add3A_752 : i32 to vector<16xi32>
    %add3A_754 = arith.addi %add3A_691, %add3A_753 : vector<16xi32>
    %swap3A_755 = arith.constant 496 : index
    %swap3A_756 = tpu.vector_load %arg7[%swap3A_755] {strides = array<i32>} : memref<1536xi32, #tpu.memory_space<vmem>>, vector<16xi32>,
    tpu.vector_store %arg7[%swap3A_755], %add3A_754 {strides = array<i32>} : memref<1536xi32, #tpu.memory_space<vmem>>, vector<16xi32>,
    %add3A_757 = arith.constant 1664 : i32
    %add3A_758 = vector.broadcast %add3A_757 : i32 to vector<16xi32>
    %add3A_759 = arith.addi %add3A_691, %add3A_758 : vector<16xi32>
    %swap3A_760 = arith.constant 512 : index
    %swap3A_761 = tpu.vector_load %arg7[%swap3A_760] {strides = array<i32>} : memref<1536xi32, #tpu.memory_space<vmem>>, vector<16xi32>,
    tpu.vector_store %arg7[%swap3A_760], %add3A_759 {strides = array<i32>} : memref<1536xi32, #tpu.memory_space<vmem>>, vector<16xi32>,
    %add3A_762 = arith.constant 1792 : i32
    %add3A_763 = vector.broadcast %add3A_762 : i32 to vector<16xi32>
    %add3A_764 = arith.addi %add3A_691, %add3A_763 : vector<16xi32>
    %swap3A_765 = arith.constant 528 : index
    %swap3A_766 = tpu.vector_load %arg7[%swap3A_765] {strides = array<i32>} : memref<1536xi32, #tpu.memory_space<vmem>>, vector<16xi32>,
    tpu.vector_store %arg7[%swap3A_765], %add3A_764 {strides = array<i32>} : memref<1536xi32, #tpu.memory_space<vmem>>, vector<16xi32>,
    %add3A_767 = arith.constant 1920 : i32
    %add3A_768 = vector.broadcast %add3A_767 : i32 to vector<16xi32>
    %add3A_769 = arith.addi %add3A_691, %add3A_768 : vector<16xi32>
    %swap3A_770 = arith.constant 544 : index
    %swap3A_771 = tpu.vector_load %arg7[%swap3A_770] {strides = array<i32>} : memref<1536xi32, #tpu.memory_space<vmem>>, vector<16xi32>,
    tpu.vector_store %arg7[%swap3A_770], %add3A_769 {strides = array<i32>} : memref<1536xi32, #tpu.memory_space<vmem>>, vector<16xi32>,
    %add3A_772 = arith.constant 2048 : i32
    %add3A_773 = vector.broadcast %add3A_772 : i32 to vector<16xi32>
    %add3A_774 = arith.addi %add3A_691, %add3A_773 : vector<16xi32>
    %swap3A_775 = arith.constant 560 : index
    %swap3A_776 = tpu.vector_load %arg7[%swap3A_775] {strides = array<i32>} : memref<1536xi32, #tpu.memory_space<vmem>>, vector<16xi32>,
    tpu.vector_store %arg7[%swap3A_775], %add3A_774 {strides = array<i32>} : memref<1536xi32, #tpu.memory_space<vmem>>, vector<16xi32>,
    %add3A_777 = arith.constant 2176 : i32
    %add3A_778 = vector.broadcast %add3A_777 : i32 to vector<16xi32>
    %add3A_779 = arith.addi %add3A_691, %add3A_778 : vector<16xi32>
    %swap3A_780 = arith.constant 576 : index
    %swap3A_781 = tpu.vector_load %arg7[%swap3A_780] {strides = array<i32>} : memref<1536xi32, #tpu.memory_space<vmem>>, vector<16xi32>,
    tpu.vector_store %arg7[%swap3A_780], %add3A_779 {strides = array<i32>} : memref<1536xi32, #tpu.memory_space<vmem>>, vector<16xi32>,
    %convert_element_type3A_782 = arith.fptosi %gather3A_624 : vector<16xf32> to vector<16xi32>
    %jit3A_783 = arith.constant 0 : i32
    %jit3A_784 = arith.constant 12 : i32
    %max3A_785 = vector.broadcast %jit3A_783 : i32 to vector<16xi32>
    %max3A_786 = arith.maxsi %max3A_785, %convert_element_type3A_782 : vector<16xi32>
    %min3A_787 = vector.broadcast %jit3A_784 : i32 to vector<16xi32>
    %min3A_788 = arith.minsi %min3A_787, %max3A_786 : vector<16xi32>
    %add3A_789 = arith.constant 5 : i32
    %add3A_790 = vector.broadcast %add3A_789 : i32 to vector<16xi32>
    %add3A_791 = arith.addi %add3A_790, %min3A_788 : vector<16xi32>
    %mul3A_792 = arith.constant 128 : i32
    %mul3A_793 = vector.broadcast %mul3A_792 : i32 to vector<16xi32>
    %mul3A_794 = arith.muli %add3A_791, %mul3A_793 : vector<16xi32>
    %add3A_795 = arith.addi %add3A_691, %mul3A_794 : vector<16xi32>
    %swap3A_796 = arith.constant 592 : index
    %swap3A_797 = tpu.vector_load %arg7[%swap3A_796] {strides = array<i32>} : memref<1536xi32, #tpu.memory_space<vmem>>, vector<16xi32>,
    tpu.vector_store %arg7[%swap3A_796], %add3A_795 {strides = array<i32>} : memref<1536xi32, #tpu.memory_space<vmem>>, vector<16xi32>,
    %mul3A_798 = arith.constant 128 : i32
    %mul3A_799 = vector.broadcast %mul3A_798 : i32 to vector<16xi32>
    %mul3A_800 = arith.muli %sub3A_360, %mul3A_799 : vector<16xi32>
    %mul3A_801 = arith.constant 4 : i32
    %mul3A_802 = arith.muli %add3A, %mul3A_801 : i32
    %add3A_803 = vector.broadcast %mul3A_802 : i32 to vector<16xi32>
    %add3A_804 = arith.addi %add3A_803, %add3A_356 : vector<16xi32>
    %add3A_805 = arith.addi %mul3A_800, %add3A_804 : vector<16xi32>
    %gather3A_806 = tpu.vector_load_idx %arg5[%add3A_805] : memref<12800xf32, #tpu.memory_space<vmem>>[vector<16xi32>], vector<16xf32>,
    %add3A_807 = arith.constant 2560 : i32
    %add3A_808 = vector.broadcast %add3A_807 : i32 to vector<16xi32>
    %add3A_809 = arith.addi %add3A_805, %add3A_808 : vector<16xi32>
    %gather3A_810 = tpu.vector_load_idx %arg5[%add3A_809] : memref<12800xf32, #tpu.memory_space<vmem>>[vector<16xi32>], vector<16xf32>,
    %add3A_811 = arith.constant 5120 : i32
    %add3A_812 = vector.broadcast %add3A_811 : i32 to vector<16xi32>
    %add3A_813 = arith.addi %add3A_805, %add3A_812 : vector<16xi32>
    %gather3A_814 = tpu.vector_load_idx %arg5[%add3A_813] : memref<12800xf32, #tpu.memory_space<vmem>>[vector<16xi32>], vector<16xf32>,
    %mul3A_815 = arith.constant 1.300000e+01 : f32
    %mul3A_816 = vector.broadcast %mul3A_815 : f32 to vector<16xf32>
    %mul3A_817 = arith.mulf %gather3A_810, %mul3A_816 : vector<16xf32>
    %mul3A_818 = arith.constant 1.300000e+01 : f32
    %mul3A_819 = vector.broadcast %mul3A_818 : f32 to vector<16xf32>
    %mul3A_820 = arith.mulf %gather3A_814, %mul3A_819 : vector<16xf32>
    %convert_element_type3A_821 = arith.fptosi %mul3A_817 : vector<16xf32> to vector<16xi32>
    %convert_element_type3A_822 = arith.sitofp %convert_element_type3A_821 : vector<16xi32> to vector<16xf32>
    %gt3A_823 = arith.cmpf ogt, %convert_element_type3A_822, %mul3A_817 : vector<16xf32>
    %jit3A_824 = arith.constant 1 : i32
    %jit3A_825 = arith.constant 0 : i32
    %broadcast_in_dim3A_826 = vector.broadcast %jit3A_824 : i32 to vector<16xi32>
    %broadcast_in_dim3A_827 = vector.broadcast %jit3A_825 : i32 to vector<16xi32>
    %select_n3A_828 = arith.select %gt3A_823, %broadcast_in_dim3A_826, %broadcast_in_dim3A_827 : vector<16xi1>, vector<16xi32>
    %sub3A_829 = arith.subi %convert_element_type3A_821, %select_n3A_828 : vector<16xi32>
    %convert_element_type3A_830 = arith.fptosi %mul3A_820 : vector<16xf32> to vector<16xi32>
    %convert_element_type3A_831 = arith.sitofp %convert_element_type3A_830 : vector<16xi32> to vector<16xf32>
    %gt3A_832 = arith.cmpf ogt, %convert_element_type3A_831, %mul3A_820 : vector<16xf32>
    %jit3A_833 = arith.constant 1 : i32
    %jit3A_834 = arith.constant 0 : i32
    %broadcast_in_dim3A_835 = vector.broadcast %jit3A_833 : i32 to vector<16xi32>
    %broadcast_in_dim3A_836 = vector.broadcast %jit3A_834 : i32 to vector<16xi32>
    %select_n3A_837 = arith.select %gt3A_832, %broadcast_in_dim3A_835, %broadcast_in_dim3A_836 : vector<16xi1>, vector<16xi32>
    %sub3A_838 = arith.subi %convert_element_type3A_830, %select_n3A_837 : vector<16xi32>
    %lt3A_839 = arith.constant 13 : i32
    %lt3A_840 = vector.broadcast %lt3A_839 : i32 to vector<16xi32>
    %lt3A_841 = arith.cmpi slt, %sub3A_829, %lt3A_840 : vector<16xi32>
    %lt3A_842 = arith.constant 13 : i32
    %lt3A_843 = vector.broadcast %lt3A_842 : i32 to vector<16xi32>
    %lt3A_844 = arith.cmpi slt, %sub3A_838, %lt3A_843 : vector<16xi32>
    %and3A_845 = arith.andi %lt3A_841, %lt3A_844 : vector<16xi1>
    %jit3A_846 = arith.constant 0 : i32
    %jit3A_847 = arith.constant 12 : i32
    %max3A_848 = vector.broadcast %jit3A_846 : i32 to vector<16xi32>
    %max3A_849 = arith.maxsi %max3A_848, %sub3A_838 : vector<16xi32>
    %min3A_850 = vector.broadcast %jit3A_847 : i32 to vector<16xi32>
    %min3A_851 = arith.minsi %min3A_850, %max3A_849 : vector<16xi32>
    %mul3A_852 = arith.constant 13 : i32
    %mul3A_853 = vector.broadcast %mul3A_852 : i32 to vector<16xi32>
    %mul3A_854 = arith.muli %min3A_851, %mul3A_853 : vector<16xi32>
    %jit3A_855 = arith.constant 0 : i32
    %jit3A_856 = arith.constant 12 : i32
    %max3A_857 = vector.broadcast %jit3A_855 : i32 to vector<16xi32>
    %max3A_858 = arith.maxsi %max3A_857, %sub3A_829 : vector<16xi32>
    %min3A_859 = vector.broadcast %jit3A_856 : i32 to vector<16xi32>
    %min3A_860 = arith.minsi %min3A_859, %max3A_858 : vector<16xi32>
    %add3A_861 = arith.addi %mul3A_854, %min3A_860 : vector<16xi32>
    %mul3A_862 = arith.constant 176 : i32
    %mul3A_863 = vector.broadcast %mul3A_862 : i32 to vector<16xi32>
    %mul3A_864 = arith.muli %mul3A_863, %add3A_356 : vector<16xi32>
    %add3A_865 = arith.addi %mul3A_864, %add3A_861 : vector<16xi32>
    tpu.vector_store_idx %arg9[%add3A_865], %sub3A_360 masked %and3A_845 : memref<704xi32, #tpu.memory_space<vmem>>[vector<16xi32>], vector<16xi32>, vector<16xi1>
    %mul3A_866 = arith.constant 6912 : i32
    %mul3A_867 = vector.broadcast %mul3A_866 : i32 to vector<16xi32>
    %mul3A_868 = arith.muli %add3A_861, %mul3A_867 : vector<16xi32>
    %mul3A_869 = arith.constant 4 : i32
    %mul3A_870 = arith.muli %add3A, %mul3A_869 : i32
    %add3A_871 = vector.broadcast %mul3A_870 : i32 to vector<16xi32>
    %add3A_872 = arith.addi %add3A_871, %add3A_356 : vector<16xi32>
    %add3A_873 = arith.addi %mul3A_868, %add3A_872 : vector<16xi32>
    %add3A_874 = arith.constant 0 : i32
    %add3A_875 = vector.broadcast %add3A_874 : i32 to vector<16xi32>
    %add3A_876 = arith.addi %add3A_873, %add3A_875 : vector<16xi32>
    %swap3A_877 = arith.constant 608 : index
    %swap3A_878 = tpu.vector_load %arg7[%swap3A_877] {strides = array<i32>} : memref<1536xi32, #tpu.memory_space<vmem>>, vector<16xi32>,
    tpu.vector_store %arg7[%swap3A_877], %add3A_876 {strides = array<i32>} : memref<1536xi32, #tpu.memory_space<vmem>>, vector<16xi32>,
    %add3A_879 = arith.constant 128 : i32
    %add3A_880 = vector.broadcast %add3A_879 : i32 to vector<16xi32>
    %add3A_881 = arith.addi %add3A_873, %add3A_880 : vector<16xi32>
    %swap3A_882 = arith.constant 624 : index
    %swap3A_883 = tpu.vector_load %arg7[%swap3A_882] {strides = array<i32>} : memref<1536xi32, #tpu.memory_space<vmem>>, vector<16xi32>,
    tpu.vector_store %arg7[%swap3A_882], %add3A_881 {strides = array<i32>} : memref<1536xi32, #tpu.memory_space<vmem>>, vector<16xi32>,
    %add3A_884 = arith.constant 256 : i32
    %add3A_885 = vector.broadcast %add3A_884 : i32 to vector<16xi32>
    %add3A_886 = arith.addi %add3A_873, %add3A_885 : vector<16xi32>
    %swap3A_887 = arith.constant 640 : index
    %swap3A_888 = tpu.vector_load %arg7[%swap3A_887] {strides = array<i32>} : memref<1536xi32, #tpu.memory_space<vmem>>, vector<16xi32>,
    tpu.vector_store %arg7[%swap3A_887], %add3A_886 {strides = array<i32>} : memref<1536xi32, #tpu.memory_space<vmem>>, vector<16xi32>,
    %add3A_889 = arith.constant 384 : i32
    %add3A_890 = vector.broadcast %add3A_889 : i32 to vector<16xi32>
    %add3A_891 = arith.addi %add3A_873, %add3A_890 : vector<16xi32>
    %swap3A_892 = arith.constant 656 : index
    %swap3A_893 = tpu.vector_load %arg7[%swap3A_892] {strides = array<i32>} : memref<1536xi32, #tpu.memory_space<vmem>>, vector<16xi32>,
    tpu.vector_store %arg7[%swap3A_892], %add3A_891 {strides = array<i32>} : memref<1536xi32, #tpu.memory_space<vmem>>, vector<16xi32>,
    %add3A_894 = arith.constant 512 : i32
    %add3A_895 = vector.broadcast %add3A_894 : i32 to vector<16xi32>
    %add3A_896 = arith.addi %add3A_873, %add3A_895 : vector<16xi32>
    %swap3A_897 = arith.constant 672 : index
    %swap3A_898 = tpu.vector_load %arg7[%swap3A_897] {strides = array<i32>} : memref<1536xi32, #tpu.memory_space<vmem>>, vector<16xi32>,
    tpu.vector_store %arg7[%swap3A_897], %add3A_896 {strides = array<i32>} : memref<1536xi32, #tpu.memory_space<vmem>>, vector<16xi32>,
    %add3A_899 = arith.constant 640 : i32
    %add3A_900 = vector.broadcast %add3A_899 : i32 to vector<16xi32>
    %add3A_901 = arith.addi %add3A_873, %add3A_900 : vector<16xi32>
    %swap3A_902 = arith.constant 688 : index
    %swap3A_903 = tpu.vector_load %arg7[%swap3A_902] {strides = array<i32>} : memref<1536xi32, #tpu.memory_space<vmem>>, vector<16xi32>,
    tpu.vector_store %arg7[%swap3A_902], %add3A_901 {strides = array<i32>} : memref<1536xi32, #tpu.memory_space<vmem>>, vector<16xi32>,
    %add3A_904 = arith.constant 768 : i32
    %add3A_905 = vector.broadcast %add3A_904 : i32 to vector<16xi32>
    %add3A_906 = arith.addi %add3A_873, %add3A_905 : vector<16xi32>
    %swap3A_907 = arith.constant 704 : index
    %swap3A_908 = tpu.vector_load %arg7[%swap3A_907] {strides = array<i32>} : memref<1536xi32, #tpu.memory_space<vmem>>, vector<16xi32>,
    tpu.vector_store %arg7[%swap3A_907], %add3A_906 {strides = array<i32>} : memref<1536xi32, #tpu.memory_space<vmem>>, vector<16xi32>,
    %add3A_909 = arith.constant 896 : i32
    %add3A_910 = vector.broadcast %add3A_909 : i32 to vector<16xi32>
    %add3A_911 = arith.addi %add3A_873, %add3A_910 : vector<16xi32>
    %swap3A_912 = arith.constant 720 : index
    %swap3A_913 = tpu.vector_load %arg7[%swap3A_912] {strides = array<i32>} : memref<1536xi32, #tpu.memory_space<vmem>>, vector<16xi32>,
    tpu.vector_store %arg7[%swap3A_912], %add3A_911 {strides = array<i32>} : memref<1536xi32, #tpu.memory_space<vmem>>, vector<16xi32>,
    %add3A_914 = arith.constant 1024 : i32
    %add3A_915 = vector.broadcast %add3A_914 : i32 to vector<16xi32>
    %add3A_916 = arith.addi %add3A_873, %add3A_915 : vector<16xi32>
    %swap3A_917 = arith.constant 736 : index
    %swap3A_918 = tpu.vector_load %arg7[%swap3A_917] {strides = array<i32>} : memref<1536xi32, #tpu.memory_space<vmem>>, vector<16xi32>,
    tpu.vector_store %arg7[%swap3A_917], %add3A_916 {strides = array<i32>} : memref<1536xi32, #tpu.memory_space<vmem>>, vector<16xi32>,
    %add3A_919 = arith.constant 1152 : i32
    %add3A_920 = vector.broadcast %add3A_919 : i32 to vector<16xi32>
    %add3A_921 = arith.addi %add3A_873, %add3A_920 : vector<16xi32>
    %swap3A_922 = arith.constant 752 : index
    %swap3A_923 = tpu.vector_load %arg7[%swap3A_922] {strides = array<i32>} : memref<1536xi32, #tpu.memory_space<vmem>>, vector<16xi32>,
    tpu.vector_store %arg7[%swap3A_922], %add3A_921 {strides = array<i32>} : memref<1536xi32, #tpu.memory_space<vmem>>, vector<16xi32>,
    %add3A_924 = arith.constant 1280 : i32
    %add3A_925 = vector.broadcast %add3A_924 : i32 to vector<16xi32>
    %add3A_926 = arith.addi %add3A_873, %add3A_925 : vector<16xi32>
    %swap3A_927 = arith.constant 768 : index
    %swap3A_928 = tpu.vector_load %arg7[%swap3A_927] {strides = array<i32>} : memref<1536xi32, #tpu.memory_space<vmem>>, vector<16xi32>,
    tpu.vector_store %arg7[%swap3A_927], %add3A_926 {strides = array<i32>} : memref<1536xi32, #tpu.memory_space<vmem>>, vector<16xi32>,
    %add3A_929 = arith.constant 1408 : i32
    %add3A_930 = vector.broadcast %add3A_929 : i32 to vector<16xi32>
    %add3A_931 = arith.addi %add3A_873, %add3A_930 : vector<16xi32>
    %swap3A_932 = arith.constant 784 : index
    %swap3A_933 = tpu.vector_load %arg7[%swap3A_932] {strides = array<i32>} : memref<1536xi32, #tpu.memory_space<vmem>>, vector<16xi32>,
    tpu.vector_store %arg7[%swap3A_932], %add3A_931 {strides = array<i32>} : memref<1536xi32, #tpu.memory_space<vmem>>, vector<16xi32>,
    %add3A_934 = arith.constant 1536 : i32
    %add3A_935 = vector.broadcast %add3A_934 : i32 to vector<16xi32>
    %add3A_936 = arith.addi %add3A_873, %add3A_935 : vector<16xi32>
    %swap3A_937 = arith.constant 800 : index
    %swap3A_938 = tpu.vector_load %arg7[%swap3A_937] {strides = array<i32>} : memref<1536xi32, #tpu.memory_space<vmem>>, vector<16xi32>,
    tpu.vector_store %arg7[%swap3A_937], %add3A_936 {strides = array<i32>} : memref<1536xi32, #tpu.memory_space<vmem>>, vector<16xi32>,
    %add3A_939 = arith.constant 1664 : i32
    %add3A_940 = vector.broadcast %add3A_939 : i32 to vector<16xi32>
    %add3A_941 = arith.addi %add3A_873, %add3A_940 : vector<16xi32>
    %swap3A_942 = arith.constant 816 : index
    %swap3A_943 = tpu.vector_load %arg7[%swap3A_942] {strides = array<i32>} : memref<1536xi32, #tpu.memory_space<vmem>>, vector<16xi32>,
    tpu.vector_store %arg7[%swap3A_942], %add3A_941 {strides = array<i32>} : memref<1536xi32, #tpu.memory_space<vmem>>, vector<16xi32>,
    %add3A_944 = arith.constant 1792 : i32
    %add3A_945 = vector.broadcast %add3A_944 : i32 to vector<16xi32>
    %add3A_946 = arith.addi %add3A_873, %add3A_945 : vector<16xi32>
    %swap3A_947 = arith.constant 832 : index
    %swap3A_948 = tpu.vector_load %arg7[%swap3A_947] {strides = array<i32>} : memref<1536xi32, #tpu.memory_space<vmem>>, vector<16xi32>,
    tpu.vector_store %arg7[%swap3A_947], %add3A_946 {strides = array<i32>} : memref<1536xi32, #tpu.memory_space<vmem>>, vector<16xi32>,
    %add3A_949 = arith.constant 1920 : i32
    %add3A_950 = vector.broadcast %add3A_949 : i32 to vector<16xi32>
    %add3A_951 = arith.addi %add3A_873, %add3A_950 : vector<16xi32>
    %swap3A_952 = arith.constant 848 : index
    %swap3A_953 = tpu.vector_load %arg7[%swap3A_952] {strides = array<i32>} : memref<1536xi32, #tpu.memory_space<vmem>>, vector<16xi32>,
    tpu.vector_store %arg7[%swap3A_952], %add3A_951 {strides = array<i32>} : memref<1536xi32, #tpu.memory_space<vmem>>, vector<16xi32>,
    %add3A_954 = arith.constant 2048 : i32
    %add3A_955 = vector.broadcast %add3A_954 : i32 to vector<16xi32>
    %add3A_956 = arith.addi %add3A_873, %add3A_955 : vector<16xi32>
    %swap3A_957 = arith.constant 864 : index
    %swap3A_958 = tpu.vector_load %arg7[%swap3A_957] {strides = array<i32>} : memref<1536xi32, #tpu.memory_space<vmem>>, vector<16xi32>,
    tpu.vector_store %arg7[%swap3A_957], %add3A_956 {strides = array<i32>} : memref<1536xi32, #tpu.memory_space<vmem>>, vector<16xi32>,
    %add3A_959 = arith.constant 2176 : i32
    %add3A_960 = vector.broadcast %add3A_959 : i32 to vector<16xi32>
    %add3A_961 = arith.addi %add3A_873, %add3A_960 : vector<16xi32>
    %swap3A_962 = arith.constant 880 : index
    %swap3A_963 = tpu.vector_load %arg7[%swap3A_962] {strides = array<i32>} : memref<1536xi32, #tpu.memory_space<vmem>>, vector<16xi32>,
    tpu.vector_store %arg7[%swap3A_962], %add3A_961 {strides = array<i32>} : memref<1536xi32, #tpu.memory_space<vmem>>, vector<16xi32>,
    %convert_element_type3A_964 = arith.fptosi %gather3A_806 : vector<16xf32> to vector<16xi32>
    %jit3A_965 = arith.constant 0 : i32
    %jit3A_966 = arith.constant 12 : i32
    %max3A_967 = vector.broadcast %jit3A_965 : i32 to vector<16xi32>
    %max3A_968 = arith.maxsi %max3A_967, %convert_element_type3A_964 : vector<16xi32>
    %min3A_969 = vector.broadcast %jit3A_966 : i32 to vector<16xi32>
    %min3A_970 = arith.minsi %min3A_969, %max3A_968 : vector<16xi32>
    %add3A_971 = arith.constant 5 : i32
    %add3A_972 = vector.broadcast %add3A_971 : i32 to vector<16xi32>
    %add3A_973 = arith.addi %add3A_972, %min3A_970 : vector<16xi32>
    %mul3A_974 = arith.constant 128 : i32
    %mul3A_975 = vector.broadcast %mul3A_974 : i32 to vector<16xi32>
    %mul3A_976 = arith.muli %add3A_973, %mul3A_975 : vector<16xi32>
    %add3A_977 = arith.addi %add3A_873, %mul3A_976 : vector<16xi32>
    %swap3A_978 = arith.constant 896 : index
    %swap3A_979 = tpu.vector_load %arg7[%swap3A_978] {strides = array<i32>} : memref<1536xi32, #tpu.memory_space<vmem>>, vector<16xi32>,
    tpu.vector_store %arg7[%swap3A_978], %add3A_977 {strides = array<i32>} : memref<1536xi32, #tpu.memory_space<vmem>>, vector<16xi32>,
    %mul3A_980 = arith.constant 128 : i32
    %mul3A_981 = vector.broadcast %mul3A_980 : i32 to vector<16xi32>
    %mul3A_982 = arith.muli %sub3A_396, %mul3A_981 : vector<16xi32>
    %mul3A_983 = arith.constant 4 : i32
    %mul3A_984 = arith.muli %add3A, %mul3A_983 : i32
    %add3A_985 = vector.broadcast %mul3A_984 : i32 to vector<16xi32>
    %add3A_986 = arith.addi %add3A_985, %add3A_392 : vector<16xi32>
    %add3A_987 = arith.addi %mul3A_982, %add3A_986 : vector<16xi32>
    %gather3A_988 = tpu.vector_load_idx %arg5[%add3A_987] : memref<12800xf32, #tpu.memory_space<vmem>>[vector<16xi32>], vector<16xf32>,
    %add3A_989 = arith.constant 2560 : i32
    %add3A_990 = vector.broadcast %add3A_989 : i32 to vector<16xi32>
    %add3A_991 = arith.addi %add3A_987, %add3A_990 : vector<16xi32>
    %gather3A_992 = tpu.vector_load_idx %arg5[%add3A_991] : memref<12800xf32, #tpu.memory_space<vmem>>[vector<16xi32>], vector<16xf32>,
    %add3A_993 = arith.constant 5120 : i32
    %add3A_994 = vector.broadcast %add3A_993 : i32 to vector<16xi32>
    %add3A_995 = arith.addi %add3A_987, %add3A_994 : vector<16xi32>
    %gather3A_996 = tpu.vector_load_idx %arg5[%add3A_995] : memref<12800xf32, #tpu.memory_space<vmem>>[vector<16xi32>], vector<16xf32>,
    %mul3A_997 = arith.constant 1.300000e+01 : f32
    %mul3A_998 = vector.broadcast %mul3A_997 : f32 to vector<16xf32>
    %mul3A_999 = arith.mulf %gather3A_992, %mul3A_998 : vector<16xf32>
    %mul3A_1000 = arith.constant 1.300000e+01 : f32
    %mul3A_1001 = vector.broadcast %mul3A_1000 : f32 to vector<16xf32>
    %mul3A_1002 = arith.mulf %gather3A_996, %mul3A_1001 : vector<16xf32>
    %convert_element_type3A_1003 = arith.fptosi %mul3A_999 : vector<16xf32> to vector<16xi32>
    %convert_element_type3A_1004 = arith.sitofp %convert_element_type3A_1003 : vector<16xi32> to vector<16xf32>
    %gt3A_1005 = arith.cmpf ogt, %convert_element_type3A_1004, %mul3A_999 : vector<16xf32>
    %jit3A_1006 = arith.constant 1 : i32
    %jit3A_1007 = arith.constant 0 : i32
    %broadcast_in_dim3A_1008 = vector.broadcast %jit3A_1006 : i32 to vector<16xi32>
    %broadcast_in_dim3A_1009 = vector.broadcast %jit3A_1007 : i32 to vector<16xi32>
    %select_n3A_1010 = arith.select %gt3A_1005, %broadcast_in_dim3A_1008, %broadcast_in_dim3A_1009 : vector<16xi1>, vector<16xi32>
    %sub3A_1011 = arith.subi %convert_element_type3A_1003, %select_n3A_1010 : vector<16xi32>
    %convert_element_type3A_1012 = arith.fptosi %mul3A_1002 : vector<16xf32> to vector<16xi32>
    %convert_element_type3A_1013 = arith.sitofp %convert_element_type3A_1012 : vector<16xi32> to vector<16xf32>
    %gt3A_1014 = arith.cmpf ogt, %convert_element_type3A_1013, %mul3A_1002 : vector<16xf32>
    %jit3A_1015 = arith.constant 1 : i32
    %jit3A_1016 = arith.constant 0 : i32
    %broadcast_in_dim3A_1017 = vector.broadcast %jit3A_1015 : i32 to vector<16xi32>
    %broadcast_in_dim3A_1018 = vector.broadcast %jit3A_1016 : i32 to vector<16xi32>
    %select_n3A_1019 = arith.select %gt3A_1014, %broadcast_in_dim3A_1017, %broadcast_in_dim3A_1018 : vector<16xi1>, vector<16xi32>
    %sub3A_1020 = arith.subi %convert_element_type3A_1012, %select_n3A_1019 : vector<16xi32>
    %lt3A_1021 = arith.constant 13 : i32
    %lt3A_1022 = vector.broadcast %lt3A_1021 : i32 to vector<16xi32>
    %lt3A_1023 = arith.cmpi slt, %sub3A_1011, %lt3A_1022 : vector<16xi32>
    %lt3A_1024 = arith.constant 13 : i32
    %lt3A_1025 = vector.broadcast %lt3A_1024 : i32 to vector<16xi32>
    %lt3A_1026 = arith.cmpi slt, %sub3A_1020, %lt3A_1025 : vector<16xi32>
    %and3A_1027 = arith.andi %lt3A_1023, %lt3A_1026 : vector<16xi1>
    %jit3A_1028 = arith.constant 0 : i32
    %jit3A_1029 = arith.constant 12 : i32
    %max3A_1030 = vector.broadcast %jit3A_1028 : i32 to vector<16xi32>
    %max3A_1031 = arith.maxsi %max3A_1030, %sub3A_1020 : vector<16xi32>
    %min3A_1032 = vector.broadcast %jit3A_1029 : i32 to vector<16xi32>
    %min3A_1033 = arith.minsi %min3A_1032, %max3A_1031 : vector<16xi32>
    %mul3A_1034 = arith.constant 13 : i32
    %mul3A_1035 = vector.broadcast %mul3A_1034 : i32 to vector<16xi32>
    %mul3A_1036 = arith.muli %min3A_1033, %mul3A_1035 : vector<16xi32>
    %jit3A_1037 = arith.constant 0 : i32
    %jit3A_1038 = arith.constant 12 : i32
    %max3A_1039 = vector.broadcast %jit3A_1037 : i32 to vector<16xi32>
    %max3A_1040 = arith.maxsi %max3A_1039, %sub3A_1011 : vector<16xi32>
    %min3A_1041 = vector.broadcast %jit3A_1038 : i32 to vector<16xi32>
    %min3A_1042 = arith.minsi %min3A_1041, %max3A_1040 : vector<16xi32>
    %add3A_1043 = arith.addi %mul3A_1036, %min3A_1042 : vector<16xi32>
    %mul3A_1044 = arith.constant 176 : i32
    %mul3A_1045 = vector.broadcast %mul3A_1044 : i32 to vector<16xi32>
    %mul3A_1046 = arith.muli %mul3A_1045, %add3A_392 : vector<16xi32>
    %add3A_1047 = arith.addi %mul3A_1046, %add3A_1043 : vector<16xi32>
    tpu.vector_store_idx %arg9[%add3A_1047], %sub3A_396 masked %and3A_1027 : memref<704xi32, #tpu.memory_space<vmem>>[vector<16xi32>], vector<16xi32>, vector<16xi1>
    %mul3A_1048 = arith.constant 6912 : i32
    %mul3A_1049 = vector.broadcast %mul3A_1048 : i32 to vector<16xi32>
    %mul3A_1050 = arith.muli %add3A_1043, %mul3A_1049 : vector<16xi32>
    %mul3A_1051 = arith.constant 4 : i32
    %mul3A_1052 = arith.muli %add3A, %mul3A_1051 : i32
    %add3A_1053 = vector.broadcast %mul3A_1052 : i32 to vector<16xi32>
    %add3A_1054 = arith.addi %add3A_1053, %add3A_392 : vector<16xi32>
    %add3A_1055 = arith.addi %mul3A_1050, %add3A_1054 : vector<16xi32>
    %add3A_1056 = arith.constant 0 : i32
    %add3A_1057 = vector.broadcast %add3A_1056 : i32 to vector<16xi32>
    %add3A_1058 = arith.addi %add3A_1055, %add3A_1057 : vector<16xi32>
    %swap3A_1059 = arith.constant 912 : index
    %swap3A_1060 = tpu.vector_load %arg7[%swap3A_1059] {strides = array<i32>} : memref<1536xi32, #tpu.memory_space<vmem>>, vector<16xi32>,
    tpu.vector_store %arg7[%swap3A_1059], %add3A_1058 {strides = array<i32>} : memref<1536xi32, #tpu.memory_space<vmem>>, vector<16xi32>,
    %add3A_1061 = arith.constant 128 : i32
    %add3A_1062 = vector.broadcast %add3A_1061 : i32 to vector<16xi32>
    %add3A_1063 = arith.addi %add3A_1055, %add3A_1062 : vector<16xi32>
    %swap3A_1064 = arith.constant 928 : index
    %swap3A_1065 = tpu.vector_load %arg7[%swap3A_1064] {strides = array<i32>} : memref<1536xi32, #tpu.memory_space<vmem>>, vector<16xi32>,
    tpu.vector_store %arg7[%swap3A_1064], %add3A_1063 {strides = array<i32>} : memref<1536xi32, #tpu.memory_space<vmem>>, vector<16xi32>,
    %add3A_1066 = arith.constant 256 : i32
    %add3A_1067 = vector.broadcast %add3A_1066 : i32 to vector<16xi32>
    %add3A_1068 = arith.addi %add3A_1055, %add3A_1067 : vector<16xi32>
    %swap3A_1069 = arith.constant 944 : index
    %swap3A_1070 = tpu.vector_load %arg7[%swap3A_1069] {strides = array<i32>} : memref<1536xi32, #tpu.memory_space<vmem>>, vector<16xi32>,
    tpu.vector_store %arg7[%swap3A_1069], %add3A_1068 {strides = array<i32>} : memref<1536xi32, #tpu.memory_space<vmem>>, vector<16xi32>,
    %add3A_1071 = arith.constant 384 : i32
    %add3A_1072 = vector.broadcast %add3A_1071 : i32 to vector<16xi32>
    %add3A_1073 = arith.addi %add3A_1055, %add3A_1072 : vector<16xi32>
    %swap3A_1074 = arith.constant 960 : index
    %swap3A_1075 = tpu.vector_load %arg7[%swap3A_1074] {strides = array<i32>} : memref<1536xi32, #tpu.memory_space<vmem>>, vector<16xi32>,
    tpu.vector_store %arg7[%swap3A_1074], %add3A_1073 {strides = array<i32>} : memref<1536xi32, #tpu.memory_space<vmem>>, vector<16xi32>,
    %add3A_1076 = arith.constant 512 : i32
    %add3A_1077 = vector.broadcast %add3A_1076 : i32 to vector<16xi32>
    %add3A_1078 = arith.addi %add3A_1055, %add3A_1077 : vector<16xi32>
    %swap3A_1079 = arith.constant 976 : index
    %swap3A_1080 = tpu.vector_load %arg7[%swap3A_1079] {strides = array<i32>} : memref<1536xi32, #tpu.memory_space<vmem>>, vector<16xi32>,
    tpu.vector_store %arg7[%swap3A_1079], %add3A_1078 {strides = array<i32>} : memref<1536xi32, #tpu.memory_space<vmem>>, vector<16xi32>,
    %add3A_1081 = arith.constant 640 : i32
    %add3A_1082 = vector.broadcast %add3A_1081 : i32 to vector<16xi32>
    %add3A_1083 = arith.addi %add3A_1055, %add3A_1082 : vector<16xi32>
    %swap3A_1084 = arith.constant 992 : index
    %swap3A_1085 = tpu.vector_load %arg7[%swap3A_1084] {strides = array<i32>} : memref<1536xi32, #tpu.memory_space<vmem>>, vector<16xi32>,
    tpu.vector_store %arg7[%swap3A_1084], %add3A_1083 {strides = array<i32>} : memref<1536xi32, #tpu.memory_space<vmem>>, vector<16xi32>,
    %add3A_1086 = arith.constant 768 : i32
    %add3A_1087 = vector.broadcast %add3A_1086 : i32 to vector<16xi32>
    %add3A_1088 = arith.addi %add3A_1055, %add3A_1087 : vector<16xi32>
    %swap3A_1089 = arith.constant 1008 : index
    %swap3A_1090 = tpu.vector_load %arg7[%swap3A_1089] {strides = array<i32>} : memref<1536xi32, #tpu.memory_space<vmem>>, vector<16xi32>,
    tpu.vector_store %arg7[%swap3A_1089], %add3A_1088 {strides = array<i32>} : memref<1536xi32, #tpu.memory_space<vmem>>, vector<16xi32>,
    %add3A_1091 = arith.constant 896 : i32
    %add3A_1092 = vector.broadcast %add3A_1091 : i32 to vector<16xi32>
    %add3A_1093 = arith.addi %add3A_1055, %add3A_1092 : vector<16xi32>
    %swap3A_1094 = arith.constant 1024 : index
    %swap3A_1095 = tpu.vector_load %arg7[%swap3A_1094] {strides = array<i32>} : memref<1536xi32, #tpu.memory_space<vmem>>, vector<16xi32>,
    tpu.vector_store %arg7[%swap3A_1094], %add3A_1093 {strides = array<i32>} : memref<1536xi32, #tpu.memory_space<vmem>>, vector<16xi32>,
    %add3A_1096 = arith.constant 1024 : i32
    %add3A_1097 = vector.broadcast %add3A_1096 : i32 to vector<16xi32>
    %add3A_1098 = arith.addi %add3A_1055, %add3A_1097 : vector<16xi32>
    %swap3A_1099 = arith.constant 1040 : index
    %swap3A_1100 = tpu.vector_load %arg7[%swap3A_1099] {strides = array<i32>} : memref<1536xi32, #tpu.memory_space<vmem>>, vector<16xi32>,
    tpu.vector_store %arg7[%swap3A_1099], %add3A_1098 {strides = array<i32>} : memref<1536xi32, #tpu.memory_space<vmem>>, vector<16xi32>,
    %add3A_1101 = arith.constant 1152 : i32
    %add3A_1102 = vector.broadcast %add3A_1101 : i32 to vector<16xi32>
    %add3A_1103 = arith.addi %add3A_1055, %add3A_1102 : vector<16xi32>
    %swap3A_1104 = arith.constant 1056 : index
    %swap3A_1105 = tpu.vector_load %arg7[%swap3A_1104] {strides = array<i32>} : memref<1536xi32, #tpu.memory_space<vmem>>, vector<16xi32>,
    tpu.vector_store %arg7[%swap3A_1104], %add3A_1103 {strides = array<i32>} : memref<1536xi32, #tpu.memory_space<vmem>>, vector<16xi32>,
    %add3A_1106 = arith.constant 1280 : i32
    %add3A_1107 = vector.broadcast %add3A_1106 : i32 to vector<16xi32>
    %add3A_1108 = arith.addi %add3A_1055, %add3A_1107 : vector<16xi32>
    %swap3A_1109 = arith.constant 1072 : index
    %swap3A_1110 = tpu.vector_load %arg7[%swap3A_1109] {strides = array<i32>} : memref<1536xi32, #tpu.memory_space<vmem>>, vector<16xi32>,
    tpu.vector_store %arg7[%swap3A_1109], %add3A_1108 {strides = array<i32>} : memref<1536xi32, #tpu.memory_space<vmem>>, vector<16xi32>,
    %add3A_1111 = arith.constant 1408 : i32
    %add3A_1112 = vector.broadcast %add3A_1111 : i32 to vector<16xi32>
    %add3A_1113 = arith.addi %add3A_1055, %add3A_1112 : vector<16xi32>
    %swap3A_1114 = arith.constant 1088 : index
    %swap3A_1115 = tpu.vector_load %arg7[%swap3A_1114] {strides = array<i32>} : memref<1536xi32, #tpu.memory_space<vmem>>, vector<16xi32>,
    tpu.vector_store %arg7[%swap3A_1114], %add3A_1113 {strides = array<i32>} : memref<1536xi32, #tpu.memory_space<vmem>>, vector<16xi32>,
    %add3A_1116 = arith.constant 1536 : i32
    %add3A_1117 = vector.broadcast %add3A_1116 : i32 to vector<16xi32>
    %add3A_1118 = arith.addi %add3A_1055, %add3A_1117 : vector<16xi32>
    %swap3A_1119 = arith.constant 1104 : index
    %swap3A_1120 = tpu.vector_load %arg7[%swap3A_1119] {strides = array<i32>} : memref<1536xi32, #tpu.memory_space<vmem>>, vector<16xi32>,
    tpu.vector_store %arg7[%swap3A_1119], %add3A_1118 {strides = array<i32>} : memref<1536xi32, #tpu.memory_space<vmem>>, vector<16xi32>,
    %add3A_1121 = arith.constant 1664 : i32
    %add3A_1122 = vector.broadcast %add3A_1121 : i32 to vector<16xi32>
    %add3A_1123 = arith.addi %add3A_1055, %add3A_1122 : vector<16xi32>
    %swap3A_1124 = arith.constant 1120 : index
    %swap3A_1125 = tpu.vector_load %arg7[%swap3A_1124] {strides = array<i32>} : memref<1536xi32, #tpu.memory_space<vmem>>, vector<16xi32>,
    tpu.vector_store %arg7[%swap3A_1124], %add3A_1123 {strides = array<i32>} : memref<1536xi32, #tpu.memory_space<vmem>>, vector<16xi32>,
    %add3A_1126 = arith.constant 1792 : i32
    %add3A_1127 = vector.broadcast %add3A_1126 : i32 to vector<16xi32>
    %add3A_1128 = arith.addi %add3A_1055, %add3A_1127 : vector<16xi32>
    %swap3A_1129 = arith.constant 1136 : index
    %swap3A_1130 = tpu.vector_load %arg7[%swap3A_1129] {strides = array<i32>} : memref<1536xi32, #tpu.memory_space<vmem>>, vector<16xi32>,
    tpu.vector_store %arg7[%swap3A_1129], %add3A_1128 {strides = array<i32>} : memref<1536xi32, #tpu.memory_space<vmem>>, vector<16xi32>,
    %add3A_1131 = arith.constant 1920 : i32
    %add3A_1132 = vector.broadcast %add3A_1131 : i32 to vector<16xi32>
    %add3A_1133 = arith.addi %add3A_1055, %add3A_1132 : vector<16xi32>
    %swap3A_1134 = arith.constant 1152 : index
    %swap3A_1135 = tpu.vector_load %arg7[%swap3A_1134] {strides = array<i32>} : memref<1536xi32, #tpu.memory_space<vmem>>, vector<16xi32>,
    tpu.vector_store %arg7[%swap3A_1134], %add3A_1133 {strides = array<i32>} : memref<1536xi32, #tpu.memory_space<vmem>>, vector<16xi32>,
    %add3A_1136 = arith.constant 2048 : i32
    %add3A_1137 = vector.broadcast %add3A_1136 : i32 to vector<16xi32>
    %add3A_1138 = arith.addi %add3A_1055, %add3A_1137 : vector<16xi32>
    %swap3A_1139 = arith.constant 1168 : index
    %swap3A_1140 = tpu.vector_load %arg7[%swap3A_1139] {strides = array<i32>} : memref<1536xi32, #tpu.memory_space<vmem>>, vector<16xi32>,
    tpu.vector_store %arg7[%swap3A_1139], %add3A_1138 {strides = array<i32>} : memref<1536xi32, #tpu.memory_space<vmem>>, vector<16xi32>,
    %add3A_1141 = arith.constant 2176 : i32
    %add3A_1142 = vector.broadcast %add3A_1141 : i32 to vector<16xi32>
    %add3A_1143 = arith.addi %add3A_1055, %add3A_1142 : vector<16xi32>
    %swap3A_1144 = arith.constant 1184 : index
    %swap3A_1145 = tpu.vector_load %arg7[%swap3A_1144] {strides = array<i32>} : memref<1536xi32, #tpu.memory_space<vmem>>, vector<16xi32>,
    tpu.vector_store %arg7[%swap3A_1144], %add3A_1143 {strides = array<i32>} : memref<1536xi32, #tpu.memory_space<vmem>>, vector<16xi32>,
    %convert_element_type3A_1146 = arith.fptosi %gather3A_988 : vector<16xf32> to vector<16xi32>
    %jit3A_1147 = arith.constant 0 : i32
    %jit3A_1148 = arith.constant 12 : i32
    %max3A_1149 = vector.broadcast %jit3A_1147 : i32 to vector<16xi32>
    %max3A_1150 = arith.maxsi %max3A_1149, %convert_element_type3A_1146 : vector<16xi32>
    %min3A_1151 = vector.broadcast %jit3A_1148 : i32 to vector<16xi32>
    %min3A_1152 = arith.minsi %min3A_1151, %max3A_1150 : vector<16xi32>
    %add3A_1153 = arith.constant 5 : i32
    %add3A_1154 = vector.broadcast %add3A_1153 : i32 to vector<16xi32>
    %add3A_1155 = arith.addi %add3A_1154, %min3A_1152 : vector<16xi32>
    %mul3A_1156 = arith.constant 128 : i32
    %mul3A_1157 = vector.broadcast %mul3A_1156 : i32 to vector<16xi32>
    %mul3A_1158 = arith.muli %add3A_1155, %mul3A_1157 : vector<16xi32>
    %add3A_1159 = arith.addi %add3A_1055, %mul3A_1158 : vector<16xi32>
    %swap3A_1160 = arith.constant 1200 : index
    %swap3A_1161 = tpu.vector_load %arg7[%swap3A_1160] {strides = array<i32>} : memref<1536xi32, #tpu.memory_space<vmem>>, vector<16xi32>,
    tpu.vector_store %arg7[%swap3A_1160], %add3A_1159 {strides = array<i32>} : memref<1536xi32, #tpu.memory_space<vmem>>, vector<16xi32>,
    %mul3A_1162 = arith.constant 128 : i32
    %mul3A_1163 = vector.broadcast %mul3A_1162 : i32 to vector<16xi32>
    %mul3A_1164 = arith.muli %sub3A_432, %mul3A_1163 : vector<16xi32>
    %mul3A_1165 = arith.constant 4 : i32
    %mul3A_1166 = arith.muli %add3A, %mul3A_1165 : i32
    %add3A_1167 = vector.broadcast %mul3A_1166 : i32 to vector<16xi32>
    %add3A_1168 = arith.addi %add3A_1167, %add3A_428 : vector<16xi32>
    %add3A_1169 = arith.addi %mul3A_1164, %add3A_1168 : vector<16xi32>
    %gather3A_1170 = tpu.vector_load_idx %arg5[%add3A_1169] : memref<12800xf32, #tpu.memory_space<vmem>>[vector<16xi32>], vector<16xf32>,
    %add3A_1171 = arith.constant 2560 : i32
    %add3A_1172 = vector.broadcast %add3A_1171 : i32 to vector<16xi32>
    %add3A_1173 = arith.addi %add3A_1169, %add3A_1172 : vector<16xi32>
    %gather3A_1174 = tpu.vector_load_idx %arg5[%add3A_1173] : memref<12800xf32, #tpu.memory_space<vmem>>[vector<16xi32>], vector<16xf32>,
    %add3A_1175 = arith.constant 5120 : i32
    %add3A_1176 = vector.broadcast %add3A_1175 : i32 to vector<16xi32>
    %add3A_1177 = arith.addi %add3A_1169, %add3A_1176 : vector<16xi32>
    %gather3A_1178 = tpu.vector_load_idx %arg5[%add3A_1177] : memref<12800xf32, #tpu.memory_space<vmem>>[vector<16xi32>], vector<16xf32>,
    %mul3A_1179 = arith.constant 1.300000e+01 : f32
    %mul3A_1180 = vector.broadcast %mul3A_1179 : f32 to vector<16xf32>
    %mul3A_1181 = arith.mulf %gather3A_1174, %mul3A_1180 : vector<16xf32>
    %mul3A_1182 = arith.constant 1.300000e+01 : f32
    %mul3A_1183 = vector.broadcast %mul3A_1182 : f32 to vector<16xf32>
    %mul3A_1184 = arith.mulf %gather3A_1178, %mul3A_1183 : vector<16xf32>
    %convert_element_type3A_1185 = arith.fptosi %mul3A_1181 : vector<16xf32> to vector<16xi32>
    %convert_element_type3A_1186 = arith.sitofp %convert_element_type3A_1185 : vector<16xi32> to vector<16xf32>
    %gt3A_1187 = arith.cmpf ogt, %convert_element_type3A_1186, %mul3A_1181 : vector<16xf32>
    %jit3A_1188 = arith.constant 1 : i32
    %jit3A_1189 = arith.constant 0 : i32
    %broadcast_in_dim3A_1190 = vector.broadcast %jit3A_1188 : i32 to vector<16xi32>
    %broadcast_in_dim3A_1191 = vector.broadcast %jit3A_1189 : i32 to vector<16xi32>
    %select_n3A_1192 = arith.select %gt3A_1187, %broadcast_in_dim3A_1190, %broadcast_in_dim3A_1191 : vector<16xi1>, vector<16xi32>
    %sub3A_1193 = arith.subi %convert_element_type3A_1185, %select_n3A_1192 : vector<16xi32>
    %convert_element_type3A_1194 = arith.fptosi %mul3A_1184 : vector<16xf32> to vector<16xi32>
    %convert_element_type3A_1195 = arith.sitofp %convert_element_type3A_1194 : vector<16xi32> to vector<16xf32>
    %gt3A_1196 = arith.cmpf ogt, %convert_element_type3A_1195, %mul3A_1184 : vector<16xf32>
    %jit3A_1197 = arith.constant 1 : i32
    %jit3A_1198 = arith.constant 0 : i32
    %broadcast_in_dim3A_1199 = vector.broadcast %jit3A_1197 : i32 to vector<16xi32>
    %broadcast_in_dim3A_1200 = vector.broadcast %jit3A_1198 : i32 to vector<16xi32>
    %select_n3A_1201 = arith.select %gt3A_1196, %broadcast_in_dim3A_1199, %broadcast_in_dim3A_1200 : vector<16xi1>, vector<16xi32>
    %sub3A_1202 = arith.subi %convert_element_type3A_1194, %select_n3A_1201 : vector<16xi32>
    %lt3A_1203 = arith.constant 13 : i32
    %lt3A_1204 = vector.broadcast %lt3A_1203 : i32 to vector<16xi32>
    %lt3A_1205 = arith.cmpi slt, %sub3A_1193, %lt3A_1204 : vector<16xi32>
    %lt3A_1206 = arith.constant 13 : i32
    %lt3A_1207 = vector.broadcast %lt3A_1206 : i32 to vector<16xi32>
    %lt3A_1208 = arith.cmpi slt, %sub3A_1202, %lt3A_1207 : vector<16xi32>
    %and3A_1209 = arith.andi %lt3A_1205, %lt3A_1208 : vector<16xi1>
    %jit3A_1210 = arith.constant 0 : i32
    %jit3A_1211 = arith.constant 12 : i32
    %max3A_1212 = vector.broadcast %jit3A_1210 : i32 to vector<16xi32>
    %max3A_1213 = arith.maxsi %max3A_1212, %sub3A_1202 : vector<16xi32>
    %min3A_1214 = vector.broadcast %jit3A_1211 : i32 to vector<16xi32>
    %min3A_1215 = arith.minsi %min3A_1214, %max3A_1213 : vector<16xi32>
    %mul3A_1216 = arith.constant 13 : i32
    %mul3A_1217 = vector.broadcast %mul3A_1216 : i32 to vector<16xi32>
    %mul3A_1218 = arith.muli %min3A_1215, %mul3A_1217 : vector<16xi32>
    %jit3A_1219 = arith.constant 0 : i32
    %jit3A_1220 = arith.constant 12 : i32
    %max3A_1221 = vector.broadcast %jit3A_1219 : i32 to vector<16xi32>
    %max3A_1222 = arith.maxsi %max3A_1221, %sub3A_1193 : vector<16xi32>
    %min3A_1223 = vector.broadcast %jit3A_1220 : i32 to vector<16xi32>
    %min3A_1224 = arith.minsi %min3A_1223, %max3A_1222 : vector<16xi32>
    %add3A_1225 = arith.addi %mul3A_1218, %min3A_1224 : vector<16xi32>
    %mul3A_1226 = arith.constant 176 : i32
    %mul3A_1227 = vector.broadcast %mul3A_1226 : i32 to vector<16xi32>
    %mul3A_1228 = arith.muli %mul3A_1227, %add3A_428 : vector<16xi32>
    %add3A_1229 = arith.addi %mul3A_1228, %add3A_1225 : vector<16xi32>
    tpu.vector_store_idx %arg9[%add3A_1229], %sub3A_432 masked %and3A_1209 : memref<704xi32, #tpu.memory_space<vmem>>[vector<16xi32>], vector<16xi32>, vector<16xi1>
    %mul3A_1230 = arith.constant 6912 : i32
    %mul3A_1231 = vector.broadcast %mul3A_1230 : i32 to vector<16xi32>
    %mul3A_1232 = arith.muli %add3A_1225, %mul3A_1231 : vector<16xi32>
    %mul3A_1233 = arith.constant 4 : i32
    %mul3A_1234 = arith.muli %add3A, %mul3A_1233 : i32
    %add3A_1235 = vector.broadcast %mul3A_1234 : i32 to vector<16xi32>
    %add3A_1236 = arith.addi %add3A_1235, %add3A_428 : vector<16xi32>
    %add3A_1237 = arith.addi %mul3A_1232, %add3A_1236 : vector<16xi32>
    %add3A_1238 = arith.constant 0 : i32
    %add3A_1239 = vector.broadcast %add3A_1238 : i32 to vector<16xi32>
    %add3A_1240 = arith.addi %add3A_1237, %add3A_1239 : vector<16xi32>
    %swap3A_1241 = arith.constant 1216 : index
    %swap3A_1242 = tpu.vector_load %arg7[%swap3A_1241] {strides = array<i32>} : memref<1536xi32, #tpu.memory_space<vmem>>, vector<16xi32>,
    tpu.vector_store %arg7[%swap3A_1241], %add3A_1240 {strides = array<i32>} : memref<1536xi32, #tpu.memory_space<vmem>>, vector<16xi32>,
    %add3A_1243 = arith.constant 128 : i32
    %add3A_1244 = vector.broadcast %add3A_1243 : i32 to vector<16xi32>
    %add3A_1245 = arith.addi %add3A_1237, %add3A_1244 : vector<16xi32>
    %swap3A_1246 = arith.constant 1232 : index
    %swap3A_1247 = tpu.vector_load %arg7[%swap3A_1246] {strides = array<i32>} : memref<1536xi32, #tpu.memory_space<vmem>>, vector<16xi32>,
    tpu.vector_store %arg7[%swap3A_1246], %add3A_1245 {strides = array<i32>} : memref<1536xi32, #tpu.memory_space<vmem>>, vector<16xi32>,
    %add3A_1248 = arith.constant 256 : i32
    %add3A_1249 = vector.broadcast %add3A_1248 : i32 to vector<16xi32>
    %add3A_1250 = arith.addi %add3A_1237, %add3A_1249 : vector<16xi32>
    %swap3A_1251 = arith.constant 1248 : index
    %swap3A_1252 = tpu.vector_load %arg7[%swap3A_1251] {strides = array<i32>} : memref<1536xi32, #tpu.memory_space<vmem>>, vector<16xi32>,
    tpu.vector_store %arg7[%swap3A_1251], %add3A_1250 {strides = array<i32>} : memref<1536xi32, #tpu.memory_space<vmem>>, vector<16xi32>,
    %add3A_1253 = arith.constant 384 : i32
    %add3A_1254 = vector.broadcast %add3A_1253 : i32 to vector<16xi32>
    %add3A_1255 = arith.addi %add3A_1237, %add3A_1254 : vector<16xi32>
    %swap3A_1256 = arith.constant 1264 : index
    %swap3A_1257 = tpu.vector_load %arg7[%swap3A_1256] {strides = array<i32>} : memref<1536xi32, #tpu.memory_space<vmem>>, vector<16xi32>,
    tpu.vector_store %arg7[%swap3A_1256], %add3A_1255 {strides = array<i32>} : memref<1536xi32, #tpu.memory_space<vmem>>, vector<16xi32>,
    %add3A_1258 = arith.constant 512 : i32
    %add3A_1259 = vector.broadcast %add3A_1258 : i32 to vector<16xi32>
    %add3A_1260 = arith.addi %add3A_1237, %add3A_1259 : vector<16xi32>
    %swap3A_1261 = arith.constant 1280 : index
    %swap3A_1262 = tpu.vector_load %arg7[%swap3A_1261] {strides = array<i32>} : memref<1536xi32, #tpu.memory_space<vmem>>, vector<16xi32>,
    tpu.vector_store %arg7[%swap3A_1261], %add3A_1260 {strides = array<i32>} : memref<1536xi32, #tpu.memory_space<vmem>>, vector<16xi32>,
    %add3A_1263 = arith.constant 640 : i32
    %add3A_1264 = vector.broadcast %add3A_1263 : i32 to vector<16xi32>
    %add3A_1265 = arith.addi %add3A_1237, %add3A_1264 : vector<16xi32>
    %swap3A_1266 = arith.constant 1296 : index
    %swap3A_1267 = tpu.vector_load %arg7[%swap3A_1266] {strides = array<i32>} : memref<1536xi32, #tpu.memory_space<vmem>>, vector<16xi32>,
    tpu.vector_store %arg7[%swap3A_1266], %add3A_1265 {strides = array<i32>} : memref<1536xi32, #tpu.memory_space<vmem>>, vector<16xi32>,
    %add3A_1268 = arith.constant 768 : i32
    %add3A_1269 = vector.broadcast %add3A_1268 : i32 to vector<16xi32>
    %add3A_1270 = arith.addi %add3A_1237, %add3A_1269 : vector<16xi32>
    %swap3A_1271 = arith.constant 1312 : index
    %swap3A_1272 = tpu.vector_load %arg7[%swap3A_1271] {strides = array<i32>} : memref<1536xi32, #tpu.memory_space<vmem>>, vector<16xi32>,
    tpu.vector_store %arg7[%swap3A_1271], %add3A_1270 {strides = array<i32>} : memref<1536xi32, #tpu.memory_space<vmem>>, vector<16xi32>,
    %add3A_1273 = arith.constant 896 : i32
    %add3A_1274 = vector.broadcast %add3A_1273 : i32 to vector<16xi32>
    %add3A_1275 = arith.addi %add3A_1237, %add3A_1274 : vector<16xi32>
    %swap3A_1276 = arith.constant 1328 : index
    %swap3A_1277 = tpu.vector_load %arg7[%swap3A_1276] {strides = array<i32>} : memref<1536xi32, #tpu.memory_space<vmem>>, vector<16xi32>,
    tpu.vector_store %arg7[%swap3A_1276], %add3A_1275 {strides = array<i32>} : memref<1536xi32, #tpu.memory_space<vmem>>, vector<16xi32>,
    %add3A_1278 = arith.constant 1024 : i32
    %add3A_1279 = vector.broadcast %add3A_1278 : i32 to vector<16xi32>
    %add3A_1280 = arith.addi %add3A_1237, %add3A_1279 : vector<16xi32>
    %swap3A_1281 = arith.constant 1344 : index
    %swap3A_1282 = tpu.vector_load %arg7[%swap3A_1281] {strides = array<i32>} : memref<1536xi32, #tpu.memory_space<vmem>>, vector<16xi32>,
    tpu.vector_store %arg7[%swap3A_1281], %add3A_1280 {strides = array<i32>} : memref<1536xi32, #tpu.memory_space<vmem>>, vector<16xi32>,
    %add3A_1283 = arith.constant 1152 : i32
    %add3A_1284 = vector.broadcast %add3A_1283 : i32 to vector<16xi32>
    %add3A_1285 = arith.addi %add3A_1237, %add3A_1284 : vector<16xi32>
    %swap3A_1286 = arith.constant 1360 : index
    %swap3A_1287 = tpu.vector_load %arg7[%swap3A_1286] {strides = array<i32>} : memref<1536xi32, #tpu.memory_space<vmem>>, vector<16xi32>,
    tpu.vector_store %arg7[%swap3A_1286], %add3A_1285 {strides = array<i32>} : memref<1536xi32, #tpu.memory_space<vmem>>, vector<16xi32>,
    %add3A_1288 = arith.constant 1280 : i32
    %add3A_1289 = vector.broadcast %add3A_1288 : i32 to vector<16xi32>
    %add3A_1290 = arith.addi %add3A_1237, %add3A_1289 : vector<16xi32>
    %swap3A_1291 = arith.constant 1376 : index
    %swap3A_1292 = tpu.vector_load %arg7[%swap3A_1291] {strides = array<i32>} : memref<1536xi32, #tpu.memory_space<vmem>>, vector<16xi32>,
    tpu.vector_store %arg7[%swap3A_1291], %add3A_1290 {strides = array<i32>} : memref<1536xi32, #tpu.memory_space<vmem>>, vector<16xi32>,
    %add3A_1293 = arith.constant 1408 : i32
    %add3A_1294 = vector.broadcast %add3A_1293 : i32 to vector<16xi32>
    %add3A_1295 = arith.addi %add3A_1237, %add3A_1294 : vector<16xi32>
    %swap3A_1296 = arith.constant 1392 : index
    %swap3A_1297 = tpu.vector_load %arg7[%swap3A_1296] {strides = array<i32>} : memref<1536xi32, #tpu.memory_space<vmem>>, vector<16xi32>,
    tpu.vector_store %arg7[%swap3A_1296], %add3A_1295 {strides = array<i32>} : memref<1536xi32, #tpu.memory_space<vmem>>, vector<16xi32>,
    %add3A_1298 = arith.constant 1536 : i32
    %add3A_1299 = vector.broadcast %add3A_1298 : i32 to vector<16xi32>
    %add3A_1300 = arith.addi %add3A_1237, %add3A_1299 : vector<16xi32>
    %swap3A_1301 = arith.constant 1408 : index
    %swap3A_1302 = tpu.vector_load %arg7[%swap3A_1301] {strides = array<i32>} : memref<1536xi32, #tpu.memory_space<vmem>>, vector<16xi32>,
    tpu.vector_store %arg7[%swap3A_1301], %add3A_1300 {strides = array<i32>} : memref<1536xi32, #tpu.memory_space<vmem>>, vector<16xi32>,
    %add3A_1303 = arith.constant 1664 : i32
    %add3A_1304 = vector.broadcast %add3A_1303 : i32 to vector<16xi32>
    %add3A_1305 = arith.addi %add3A_1237, %add3A_1304 : vector<16xi32>
    %swap3A_1306 = arith.constant 1424 : index
    %swap3A_1307 = tpu.vector_load %arg7[%swap3A_1306] {strides = array<i32>} : memref<1536xi32, #tpu.memory_space<vmem>>, vector<16xi32>,
    tpu.vector_store %arg7[%swap3A_1306], %add3A_1305 {strides = array<i32>} : memref<1536xi32, #tpu.memory_space<vmem>>, vector<16xi32>,
    %add3A_1308 = arith.constant 1792 : i32
    %add3A_1309 = vector.broadcast %add3A_1308 : i32 to vector<16xi32>
    %add3A_1310 = arith.addi %add3A_1237, %add3A_1309 : vector<16xi32>
    %swap3A_1311 = arith.constant 1440 : index
    %swap3A_1312 = tpu.vector_load %arg7[%swap3A_1311] {strides = array<i32>} : memref<1536xi32, #tpu.memory_space<vmem>>, vector<16xi32>,
    tpu.vector_store %arg7[%swap3A_1311], %add3A_1310 {strides = array<i32>} : memref<1536xi32, #tpu.memory_space<vmem>>, vector<16xi32>,
    %add3A_1313 = arith.constant 1920 : i32
    %add3A_1314 = vector.broadcast %add3A_1313 : i32 to vector<16xi32>
    %add3A_1315 = arith.addi %add3A_1237, %add3A_1314 : vector<16xi32>
    %swap3A_1316 = arith.constant 1456 : index
    %swap3A_1317 = tpu.vector_load %arg7[%swap3A_1316] {strides = array<i32>} : memref<1536xi32, #tpu.memory_space<vmem>>, vector<16xi32>,
    tpu.vector_store %arg7[%swap3A_1316], %add3A_1315 {strides = array<i32>} : memref<1536xi32, #tpu.memory_space<vmem>>, vector<16xi32>,
    %add3A_1318 = arith.constant 2048 : i32
    %add3A_1319 = vector.broadcast %add3A_1318 : i32 to vector<16xi32>
    %add3A_1320 = arith.addi %add3A_1237, %add3A_1319 : vector<16xi32>
    %swap3A_1321 = arith.constant 1472 : index
    %swap3A_1322 = tpu.vector_load %arg7[%swap3A_1321] {strides = array<i32>} : memref<1536xi32, #tpu.memory_space<vmem>>, vector<16xi32>,
    tpu.vector_store %arg7[%swap3A_1321], %add3A_1320 {strides = array<i32>} : memref<1536xi32, #tpu.memory_space<vmem>>, vector<16xi32>,
    %add3A_1323 = arith.constant 2176 : i32
    %add3A_1324 = vector.broadcast %add3A_1323 : i32 to vector<16xi32>
    %add3A_1325 = arith.addi %add3A_1237, %add3A_1324 : vector<16xi32>
    %swap3A_1326 = arith.constant 1488 : index
    %swap3A_1327 = tpu.vector_load %arg7[%swap3A_1326] {strides = array<i32>} : memref<1536xi32, #tpu.memory_space<vmem>>, vector<16xi32>,
    tpu.vector_store %arg7[%swap3A_1326], %add3A_1325 {strides = array<i32>} : memref<1536xi32, #tpu.memory_space<vmem>>, vector<16xi32>,
    %convert_element_type3A_1328 = arith.fptosi %gather3A_1170 : vector<16xf32> to vector<16xi32>
    %jit3A_1329 = arith.constant 0 : i32
    %jit3A_1330 = arith.constant 12 : i32
    %max3A_1331 = vector.broadcast %jit3A_1329 : i32 to vector<16xi32>
    %max3A_1332 = arith.maxsi %max3A_1331, %convert_element_type3A_1328 : vector<16xi32>
    %min3A_1333 = vector.broadcast %jit3A_1330 : i32 to vector<16xi32>
    %min3A_1334 = arith.minsi %min3A_1333, %max3A_1332 : vector<16xi32>
    %add3A_1335 = arith.constant 5 : i32
    %add3A_1336 = vector.broadcast %add3A_1335 : i32 to vector<16xi32>
    %add3A_1337 = arith.addi %add3A_1336, %min3A_1334 : vector<16xi32>
    %mul3A_1338 = arith.constant 128 : i32
    %mul3A_1339 = vector.broadcast %mul3A_1338 : i32 to vector<16xi32>
    %mul3A_1340 = arith.muli %add3A_1337, %mul3A_1339 : vector<16xi32>
    %add3A_1341 = arith.addi %add3A_1237, %mul3A_1340 : vector<16xi32>
    %swap3A_1342 = arith.constant 1504 : index
    %swap3A_1343 = tpu.vector_load %arg7[%swap3A_1342] {strides = array<i32>} : memref<1536xi32, #tpu.memory_space<vmem>>, vector<16xi32>,
    tpu.vector_store %arg7[%swap3A_1342], %add3A_1341 {strides = array<i32>} : memref<1536xi32, #tpu.memory_space<vmem>>, vector<16xi32>,
    %dma_start3A_1344 = arith.constant 0 : i32
    %dma_start3A_1345 = tpu.memref_slice %arg8[%dma_start3A_1344] : memref<1536xf32, #tpu.memory_space<vmem>> -> memref<128xf32, #tpu.memory_space<vmem>>
    %dma_start3A_1346 = arith.constant 0 : i32
    %dma_start3A_1347 = tpu.memref_slice %arg7[%dma_start3A_1346] : memref<1536xi32, #tpu.memory_space<vmem>> -> memref<128xi32, #tpu.memory_space<vmem>>
    %dma_start3A_1348 = arith.constant 0 : i32
    %dma_start3A_1349 = tpu.memref_slice %arg2[%dma_start3A_1348] : memref<1168128xf32, #tpu.memory_space<hbm>> -> memref<1168128xf32, #tpu.memory_space<hbm>>
    tpu.enqueue_indirect_dma source(%dma_start3A_1349 : memref<1168128xf32, #tpu.memory_space<hbm>>) target(%dma_start3A_1345 : memref<128xf32, #tpu.memory_space<vmem>>) offsets(%dma_start3A_1347 : memref<128xi32, #tpu.memory_space<vmem>>) semaphore(%arg16 : memref<!tpu.dma_semaphore, #tpu.memory_space<semaphore_mem>>)
    %dma_start3A_1350 = arith.constant 128 : i32
    %dma_start3A_1351 = tpu.memref_slice %arg8[%dma_start3A_1350] : memref<1536xf32, #tpu.memory_space<vmem>> -> memref<128xf32, #tpu.memory_space<vmem>>
    %dma_start3A_1352 = arith.constant 128 : i32
    %dma_start3A_1353 = tpu.memref_slice %arg7[%dma_start3A_1352] : memref<1536xi32, #tpu.memory_space<vmem>> -> memref<128xi32, #tpu.memory_space<vmem>>
    %dma_start3A_1354 = arith.constant 0 : i32
    %dma_start3A_1355 = tpu.memref_slice %arg2[%dma_start3A_1354] : memref<1168128xf32, #tpu.memory_space<hbm>> -> memref<1168128xf32, #tpu.memory_space<hbm>>
    tpu.enqueue_indirect_dma source(%dma_start3A_1355 : memref<1168128xf32, #tpu.memory_space<hbm>>) target(%dma_start3A_1351 : memref<128xf32, #tpu.memory_space<vmem>>) offsets(%dma_start3A_1353 : memref<128xi32, #tpu.memory_space<vmem>>) semaphore(%arg16 : memref<!tpu.dma_semaphore, #tpu.memory_space<semaphore_mem>>)
    %dma_start3A_1356 = arith.constant 256 : i32
    %dma_start3A_1357 = tpu.memref_slice %arg8[%dma_start3A_1356] : memref<1536xf32, #tpu.memory_space<vmem>> -> memref<128xf32, #tpu.memory_space<vmem>>
    %dma_start3A_1358 = arith.constant 256 : i32
    %dma_start3A_1359 = tpu.memref_slice %arg7[%dma_start3A_1358] : memref<1536xi32, #tpu.memory_space<vmem>> -> memref<128xi32, #tpu.memory_space<vmem>>
    %dma_start3A_1360 = arith.constant 0 : i32
    %dma_start3A_1361 = tpu.memref_slice %arg2[%dma_start3A_1360] : memref<1168128xf32, #tpu.memory_space<hbm>> -> memref<1168128xf32, #tpu.memory_space<hbm>>
    tpu.enqueue_indirect_dma source(%dma_start3A_1361 : memref<1168128xf32, #tpu.memory_space<hbm>>) target(%dma_start3A_1357 : memref<128xf32, #tpu.memory_space<vmem>>) offsets(%dma_start3A_1359 : memref<128xi32, #tpu.memory_space<vmem>>) semaphore(%arg16 : memref<!tpu.dma_semaphore, #tpu.memory_space<semaphore_mem>>)
    %dma_start3A_1362 = arith.constant 384 : i32
    %dma_start3A_1363 = tpu.memref_slice %arg8[%dma_start3A_1362] : memref<1536xf32, #tpu.memory_space<vmem>> -> memref<128xf32, #tpu.memory_space<vmem>>
    %dma_start3A_1364 = arith.constant 384 : i32
    %dma_start3A_1365 = tpu.memref_slice %arg7[%dma_start3A_1364] : memref<1536xi32, #tpu.memory_space<vmem>> -> memref<128xi32, #tpu.memory_space<vmem>>
    %dma_start3A_1366 = arith.constant 0 : i32
    %dma_start3A_1367 = tpu.memref_slice %arg2[%dma_start3A_1366] : memref<1168128xf32, #tpu.memory_space<hbm>> -> memref<1168128xf32, #tpu.memory_space<hbm>>
    tpu.enqueue_indirect_dma source(%dma_start3A_1367 : memref<1168128xf32, #tpu.memory_space<hbm>>) target(%dma_start3A_1363 : memref<128xf32, #tpu.memory_space<vmem>>) offsets(%dma_start3A_1365 : memref<128xi32, #tpu.memory_space<vmem>>) semaphore(%arg16 : memref<!tpu.dma_semaphore, #tpu.memory_space<semaphore_mem>>)
    %dma_start3A_1368 = arith.constant 512 : i32
    %dma_start3A_1369 = tpu.memref_slice %arg8[%dma_start3A_1368] : memref<1536xf32, #tpu.memory_space<vmem>> -> memref<128xf32, #tpu.memory_space<vmem>>
    %dma_start3A_1370 = arith.constant 512 : i32
    %dma_start3A_1371 = tpu.memref_slice %arg7[%dma_start3A_1370] : memref<1536xi32, #tpu.memory_space<vmem>> -> memref<128xi32, #tpu.memory_space<vmem>>
    %dma_start3A_1372 = arith.constant 0 : i32
    %dma_start3A_1373 = tpu.memref_slice %arg2[%dma_start3A_1372] : memref<1168128xf32, #tpu.memory_space<hbm>> -> memref<1168128xf32, #tpu.memory_space<hbm>>
    tpu.enqueue_indirect_dma source(%dma_start3A_1373 : memref<1168128xf32, #tpu.memory_space<hbm>>) target(%dma_start3A_1369 : memref<128xf32, #tpu.memory_space<vmem>>) offsets(%dma_start3A_1371 : memref<128xi32, #tpu.memory_space<vmem>>) semaphore(%arg16 : memref<!tpu.dma_semaphore, #tpu.memory_space<semaphore_mem>>)
    %dma_start3A_1374 = arith.constant 640 : i32
    %dma_start3A_1375 = tpu.memref_slice %arg8[%dma_start3A_1374] : memref<1536xf32, #tpu.memory_space<vmem>> -> memref<128xf32, #tpu.memory_space<vmem>>
    %dma_start3A_1376 = arith.constant 640 : i32
    %dma_start3A_1377 = tpu.memref_slice %arg7[%dma_start3A_1376] : memref<1536xi32, #tpu.memory_space<vmem>> -> memref<128xi32, #tpu.memory_space<vmem>>
    %dma_start3A_1378 = arith.constant 0 : i32
    %dma_start3A_1379 = tpu.memref_slice %arg2[%dma_start3A_1378] : memref<1168128xf32, #tpu.memory_space<hbm>> -> memref<1168128xf32, #tpu.memory_space<hbm>>
    tpu.enqueue_indirect_dma source(%dma_start3A_1379 : memref<1168128xf32, #tpu.memory_space<hbm>>) target(%dma_start3A_1375 : memref<128xf32, #tpu.memory_space<vmem>>) offsets(%dma_start3A_1377 : memref<128xi32, #tpu.memory_space<vmem>>) semaphore(%arg16 : memref<!tpu.dma_semaphore, #tpu.memory_space<semaphore_mem>>)
    %dma_start3A_1380 = arith.constant 768 : i32
    %dma_start3A_1381 = tpu.memref_slice %arg8[%dma_start3A_1380] : memref<1536xf32, #tpu.memory_space<vmem>> -> memref<128xf32, #tpu.memory_space<vmem>>
    %dma_start3A_1382 = arith.constant 768 : i32
    %dma_start3A_1383 = tpu.memref_slice %arg7[%dma_start3A_1382] : memref<1536xi32, #tpu.memory_space<vmem>> -> memref<128xi32, #tpu.memory_space<vmem>>
    %dma_start3A_1384 = arith.constant 0 : i32
    %dma_start3A_1385 = tpu.memref_slice %arg2[%dma_start3A_1384] : memref<1168128xf32, #tpu.memory_space<hbm>> -> memref<1168128xf32, #tpu.memory_space<hbm>>
    tpu.enqueue_indirect_dma source(%dma_start3A_1385 : memref<1168128xf32, #tpu.memory_space<hbm>>) target(%dma_start3A_1381 : memref<128xf32, #tpu.memory_space<vmem>>) offsets(%dma_start3A_1383 : memref<128xi32, #tpu.memory_space<vmem>>) semaphore(%arg16 : memref<!tpu.dma_semaphore, #tpu.memory_space<semaphore_mem>>)
    %dma_start3A_1386 = arith.constant 896 : i32
    %dma_start3A_1387 = tpu.memref_slice %arg8[%dma_start3A_1386] : memref<1536xf32, #tpu.memory_space<vmem>> -> memref<128xf32, #tpu.memory_space<vmem>>
    %dma_start3A_1388 = arith.constant 896 : i32
    %dma_start3A_1389 = tpu.memref_slice %arg7[%dma_start3A_1388] : memref<1536xi32, #tpu.memory_space<vmem>> -> memref<128xi32, #tpu.memory_space<vmem>>
    %dma_start3A_1390 = arith.constant 0 : i32
    %dma_start3A_1391 = tpu.memref_slice %arg2[%dma_start3A_1390] : memref<1168128xf32, #tpu.memory_space<hbm>> -> memref<1168128xf32, #tpu.memory_space<hbm>>
    tpu.enqueue_indirect_dma source(%dma_start3A_1391 : memref<1168128xf32, #tpu.memory_space<hbm>>) target(%dma_start3A_1387 : memref<128xf32, #tpu.memory_space<vmem>>) offsets(%dma_start3A_1389 : memref<128xi32, #tpu.memory_space<vmem>>) semaphore(%arg16 : memref<!tpu.dma_semaphore, #tpu.memory_space<semaphore_mem>>)
    %dma_start3A_1392 = arith.constant 1024 : i32
    %dma_start3A_1393 = tpu.memref_slice %arg8[%dma_start3A_1392] : memref<1536xf32, #tpu.memory_space<vmem>> -> memref<128xf32, #tpu.memory_space<vmem>>
    %dma_start3A_1394 = arith.constant 1024 : i32
    %dma_start3A_1395 = tpu.memref_slice %arg7[%dma_start3A_1394] : memref<1536xi32, #tpu.memory_space<vmem>> -> memref<128xi32, #tpu.memory_space<vmem>>
    %dma_start3A_1396 = arith.constant 0 : i32
    %dma_start3A_1397 = tpu.memref_slice %arg2[%dma_start3A_1396] : memref<1168128xf32, #tpu.memory_space<hbm>> -> memref<1168128xf32, #tpu.memory_space<hbm>>
    tpu.enqueue_indirect_dma source(%dma_start3A_1397 : memref<1168128xf32, #tpu.memory_space<hbm>>) target(%dma_start3A_1393 : memref<128xf32, #tpu.memory_space<vmem>>) offsets(%dma_start3A_1395 : memref<128xi32, #tpu.memory_space<vmem>>) semaphore(%arg16 : memref<!tpu.dma_semaphore, #tpu.memory_space<semaphore_mem>>)
    %dma_start3A_1398 = arith.constant 1152 : i32
    %dma_start3A_1399 = tpu.memref_slice %arg8[%dma_start3A_1398] : memref<1536xf32, #tpu.memory_space<vmem>> -> memref<128xf32, #tpu.memory_space<vmem>>
    %dma_start3A_1400 = arith.constant 1152 : i32
    %dma_start3A_1401 = tpu.memref_slice %arg7[%dma_start3A_1400] : memref<1536xi32, #tpu.memory_space<vmem>> -> memref<128xi32, #tpu.memory_space<vmem>>
    %dma_start3A_1402 = arith.constant 0 : i32
    %dma_start3A_1403 = tpu.memref_slice %arg2[%dma_start3A_1402] : memref<1168128xf32, #tpu.memory_space<hbm>> -> memref<1168128xf32, #tpu.memory_space<hbm>>
    tpu.enqueue_indirect_dma source(%dma_start3A_1403 : memref<1168128xf32, #tpu.memory_space<hbm>>) target(%dma_start3A_1399 : memref<128xf32, #tpu.memory_space<vmem>>) offsets(%dma_start3A_1401 : memref<128xi32, #tpu.memory_space<vmem>>) semaphore(%arg16 : memref<!tpu.dma_semaphore, #tpu.memory_space<semaphore_mem>>)
    %dma_start3A_1404 = arith.constant 1280 : i32
    %dma_start3A_1405 = tpu.memref_slice %arg8[%dma_start3A_1404] : memref<1536xf32, #tpu.memory_space<vmem>> -> memref<128xf32, #tpu.memory_space<vmem>>
    %dma_start3A_1406 = arith.constant 1280 : i32
    %dma_start3A_1407 = tpu.memref_slice %arg7[%dma_start3A_1406] : memref<1536xi32, #tpu.memory_space<vmem>> -> memref<128xi32, #tpu.memory_space<vmem>>
    %dma_start3A_1408 = arith.constant 0 : i32
    %dma_start3A_1409 = tpu.memref_slice %arg2[%dma_start3A_1408] : memref<1168128xf32, #tpu.memory_space<hbm>> -> memref<1168128xf32, #tpu.memory_space<hbm>>
    tpu.enqueue_indirect_dma source(%dma_start3A_1409 : memref<1168128xf32, #tpu.memory_space<hbm>>) target(%dma_start3A_1405 : memref<128xf32, #tpu.memory_space<vmem>>) offsets(%dma_start3A_1407 : memref<128xi32, #tpu.memory_space<vmem>>) semaphore(%arg16 : memref<!tpu.dma_semaphore, #tpu.memory_space<semaphore_mem>>)
    %dma_start3A_1410 = arith.constant 1408 : i32
    %dma_start3A_1411 = tpu.memref_slice %arg8[%dma_start3A_1410] : memref<1536xf32, #tpu.memory_space<vmem>> -> memref<128xf32, #tpu.memory_space<vmem>>
    %dma_start3A_1412 = arith.constant 1408 : i32
    %dma_start3A_1413 = tpu.memref_slice %arg7[%dma_start3A_1412] : memref<1536xi32, #tpu.memory_space<vmem>> -> memref<128xi32, #tpu.memory_space<vmem>>
    %dma_start3A_1414 = arith.constant 0 : i32
    %dma_start3A_1415 = tpu.memref_slice %arg2[%dma_start3A_1414] : memref<1168128xf32, #tpu.memory_space<hbm>> -> memref<1168128xf32, #tpu.memory_space<hbm>>
    tpu.enqueue_indirect_dma source(%dma_start3A_1415 : memref<1168128xf32, #tpu.memory_space<hbm>>) target(%dma_start3A_1411 : memref<128xf32, #tpu.memory_space<vmem>>) offsets(%dma_start3A_1413 : memref<128xi32, #tpu.memory_space<vmem>>) semaphore(%arg16 : memref<!tpu.dma_semaphore, #tpu.memory_space<semaphore_mem>>)
    %dma_wait3A_1416 = arith.constant 0 : i32
    %dma_wait3A_1417 = tpu.memref_slice %arg6[%dma_wait3A_1416] : memref<2304xf32, #tpu.memory_space<vmem>> -> memref<128xf32, #tpu.memory_space<vmem>>
    %dma_wait3A_1418 = tpu.memref_slice %arg2[%mul3A_24] : memref<1168128xf32, #tpu.memory_space<hbm>> -> memref<128xf32, #tpu.memory_space<hbm>>
    %dma_wait3A_1419 = arith.constant 0 : i32
    %dma_wait3A_1420 = tpu.memref_slice %arg6[%dma_wait3A_1419] : memref<2304xf32, #tpu.memory_space<vmem>> -> memref<128xf32, #tpu.memory_space<vmem>>
    %dma_wait3A_1421 = tpu.memref_slice %arg2[%mul3A_24] : memref<1168128xf32, #tpu.memory_space<hbm>> -> memref<128xf32, #tpu.memory_space<hbm>>
    tpu.wait_dma2 semaphore(%arg15 : memref<!tpu.dma_semaphore, #tpu.memory_space<semaphore_mem>>) src(%dma_wait3A_1421 : memref<128xf32, #tpu.memory_space<hbm>>) dst(%dma_wait3A_1420 : memref<128xf32, #tpu.memory_space<vmem>>)
    %dma_wait3A_1422 = arith.constant 128 : i32
    %dma_wait3A_1423 = tpu.memref_slice %arg6[%dma_wait3A_1422] : memref<2304xf32, #tpu.memory_space<vmem>> -> memref<128xf32, #tpu.memory_space<vmem>>
    %dma_wait3A_1424 = tpu.memref_slice %arg2[%mul3A_36] : memref<1168128xf32, #tpu.memory_space<hbm>> -> memref<128xf32, #tpu.memory_space<hbm>>
    %dma_wait3A_1425 = arith.constant 128 : i32
    %dma_wait3A_1426 = tpu.memref_slice %arg6[%dma_wait3A_1425] : memref<2304xf32, #tpu.memory_space<vmem>> -> memref<128xf32, #tpu.memory_space<vmem>>
    %dma_wait3A_1427 = tpu.memref_slice %arg2[%mul3A_36] : memref<1168128xf32, #tpu.memory_space<hbm>> -> memref<128xf32, #tpu.memory_space<hbm>>
    tpu.wait_dma2 semaphore(%arg15 : memref<!tpu.dma_semaphore, #tpu.memory_space<semaphore_mem>>) src(%dma_wait3A_1427 : memref<128xf32, #tpu.memory_space<hbm>>) dst(%dma_wait3A_1426 : memref<128xf32, #tpu.memory_space<vmem>>)
    %dma_wait3A_1428 = arith.constant 256 : i32
    %dma_wait3A_1429 = tpu.memref_slice %arg6[%dma_wait3A_1428] : memref<2304xf32, #tpu.memory_space<vmem>> -> memref<128xf32, #tpu.memory_space<vmem>>
    %dma_wait3A_1430 = tpu.memref_slice %arg2[%mul3A_48] : memref<1168128xf32, #tpu.memory_space<hbm>> -> memref<128xf32, #tpu.memory_space<hbm>>
    %dma_wait3A_1431 = arith.constant 256 : i32
    %dma_wait3A_1432 = tpu.memref_slice %arg6[%dma_wait3A_1431] : memref<2304xf32, #tpu.memory_space<vmem>> -> memref<128xf32, #tpu.memory_space<vmem>>
    %dma_wait3A_1433 = tpu.memref_slice %arg2[%mul3A_48] : memref<1168128xf32, #tpu.memory_space<hbm>> -> memref<128xf32, #tpu.memory_space<hbm>>
    tpu.wait_dma2 semaphore(%arg15 : memref<!tpu.dma_semaphore, #tpu.memory_space<semaphore_mem>>) src(%dma_wait3A_1433 : memref<128xf32, #tpu.memory_space<hbm>>) dst(%dma_wait3A_1432 : memref<128xf32, #tpu.memory_space<vmem>>)
    %dma_wait3A_1434 = arith.constant 384 : i32
    %dma_wait3A_1435 = tpu.memref_slice %arg6[%dma_wait3A_1434] : memref<2304xf32, #tpu.memory_space<vmem>> -> memref<128xf32, #tpu.memory_space<vmem>>
    %dma_wait3A_1436 = tpu.memref_slice %arg2[%mul3A_64] : memref<1168128xf32, #tpu.memory_space<hbm>> -> memref<128xf32, #tpu.memory_space<hbm>>
    %dma_wait3A_1437 = arith.constant 384 : i32
    %dma_wait3A_1438 = tpu.memref_slice %arg6[%dma_wait3A_1437] : memref<2304xf32, #tpu.memory_space<vmem>> -> memref<128xf32, #tpu.memory_space<vmem>>
    %dma_wait3A_1439 = tpu.memref_slice %arg2[%mul3A_64] : memref<1168128xf32, #tpu.memory_space<hbm>> -> memref<128xf32, #tpu.memory_space<hbm>>
    tpu.wait_dma2 semaphore(%arg15 : memref<!tpu.dma_semaphore, #tpu.memory_space<semaphore_mem>>) src(%dma_wait3A_1439 : memref<128xf32, #tpu.memory_space<hbm>>) dst(%dma_wait3A_1438 : memref<128xf32, #tpu.memory_space<vmem>>)
    %dma_wait3A_1440 = arith.constant 512 : i32
    %dma_wait3A_1441 = tpu.memref_slice %arg6[%dma_wait3A_1440] : memref<2304xf32, #tpu.memory_space<vmem>> -> memref<128xf32, #tpu.memory_space<vmem>>
    %dma_wait3A_1442 = tpu.memref_slice %arg2[%mul3A_76] : memref<1168128xf32, #tpu.memory_space<hbm>> -> memref<128xf32, #tpu.memory_space<hbm>>
    %dma_wait3A_1443 = arith.constant 512 : i32
    %dma_wait3A_1444 = tpu.memref_slice %arg6[%dma_wait3A_1443] : memref<2304xf32, #tpu.memory_space<vmem>> -> memref<128xf32, #tpu.memory_space<vmem>>
    %dma_wait3A_1445 = tpu.memref_slice %arg2[%mul3A_76] : memref<1168128xf32, #tpu.memory_space<hbm>> -> memref<128xf32, #tpu.memory_space<hbm>>
    tpu.wait_dma2 semaphore(%arg15 : memref<!tpu.dma_semaphore, #tpu.memory_space<semaphore_mem>>) src(%dma_wait3A_1445 : memref<128xf32, #tpu.memory_space<hbm>>) dst(%dma_wait3A_1444 : memref<128xf32, #tpu.memory_space<vmem>>)
    %dma_wait3A_1446 = arith.constant 640 : i32
    %dma_wait3A_1447 = tpu.memref_slice %arg6[%dma_wait3A_1446] : memref<2304xf32, #tpu.memory_space<vmem>> -> memref<128xf32, #tpu.memory_space<vmem>>
    %dma_wait3A_1448 = tpu.memref_slice %arg2[%mul3A_88] : memref<1168128xf32, #tpu.memory_space<hbm>> -> memref<128xf32, #tpu.memory_space<hbm>>
    %dma_wait3A_1449 = arith.constant 640 : i32
    %dma_wait3A_1450 = tpu.memref_slice %arg6[%dma_wait3A_1449] : memref<2304xf32, #tpu.memory_space<vmem>> -> memref<128xf32, #tpu.memory_space<vmem>>
    %dma_wait3A_1451 = tpu.memref_slice %arg2[%mul3A_88] : memref<1168128xf32, #tpu.memory_space<hbm>> -> memref<128xf32, #tpu.memory_space<hbm>>
    tpu.wait_dma2 semaphore(%arg15 : memref<!tpu.dma_semaphore, #tpu.memory_space<semaphore_mem>>) src(%dma_wait3A_1451 : memref<128xf32, #tpu.memory_space<hbm>>) dst(%dma_wait3A_1450 : memref<128xf32, #tpu.memory_space<vmem>>)
    %dma_wait3A_1452 = arith.constant 768 : i32
    %dma_wait3A_1453 = tpu.memref_slice %arg6[%dma_wait3A_1452] : memref<2304xf32, #tpu.memory_space<vmem>> -> memref<128xf32, #tpu.memory_space<vmem>>
    %dma_wait3A_1454 = tpu.memref_slice %arg2[%mul3A_104] : memref<1168128xf32, #tpu.memory_space<hbm>> -> memref<128xf32, #tpu.memory_space<hbm>>
    %dma_wait3A_1455 = arith.constant 768 : i32
    %dma_wait3A_1456 = tpu.memref_slice %arg6[%dma_wait3A_1455] : memref<2304xf32, #tpu.memory_space<vmem>> -> memref<128xf32, #tpu.memory_space<vmem>>
    %dma_wait3A_1457 = tpu.memref_slice %arg2[%mul3A_104] : memref<1168128xf32, #tpu.memory_space<hbm>> -> memref<128xf32, #tpu.memory_space<hbm>>
    tpu.wait_dma2 semaphore(%arg15 : memref<!tpu.dma_semaphore, #tpu.memory_space<semaphore_mem>>) src(%dma_wait3A_1457 : memref<128xf32, #tpu.memory_space<hbm>>) dst(%dma_wait3A_1456 : memref<128xf32, #tpu.memory_space<vmem>>)
    %dma_wait3A_1458 = arith.constant 896 : i32
    %dma_wait3A_1459 = tpu.memref_slice %arg6[%dma_wait3A_1458] : memref<2304xf32, #tpu.memory_space<vmem>> -> memref<128xf32, #tpu.memory_space<vmem>>
    %dma_wait3A_1460 = tpu.memref_slice %arg2[%mul3A_116] : memref<1168128xf32, #tpu.memory_space<hbm>> -> memref<128xf32, #tpu.memory_space<hbm>>
    %dma_wait3A_1461 = arith.constant 896 : i32
    %dma_wait3A_1462 = tpu.memref_slice %arg6[%dma_wait3A_1461] : memref<2304xf32, #tpu.memory_space<vmem>> -> memref<128xf32, #tpu.memory_space<vmem>>
    %dma_wait3A_1463 = tpu.memref_slice %arg2[%mul3A_116] : memref<1168128xf32, #tpu.memory_space<hbm>> -> memref<128xf32, #tpu.memory_space<hbm>>
    tpu.wait_dma2 semaphore(%arg15 : memref<!tpu.dma_semaphore, #tpu.memory_space<semaphore_mem>>) src(%dma_wait3A_1463 : memref<128xf32, #tpu.memory_space<hbm>>) dst(%dma_wait3A_1462 : memref<128xf32, #tpu.memory_space<vmem>>)
    %dma_wait3A_1464 = arith.constant 1024 : i32
    %dma_wait3A_1465 = tpu.memref_slice %arg6[%dma_wait3A_1464] : memref<2304xf32, #tpu.memory_space<vmem>> -> memref<128xf32, #tpu.memory_space<vmem>>
    %dma_wait3A_1466 = tpu.memref_slice %arg2[%mul3A_128] : memref<1168128xf32, #tpu.memory_space<hbm>> -> memref<128xf32, #tpu.memory_space<hbm>>
    %dma_wait3A_1467 = arith.constant 1024 : i32
    %dma_wait3A_1468 = tpu.memref_slice %arg6[%dma_wait3A_1467] : memref<2304xf32, #tpu.memory_space<vmem>> -> memref<128xf32, #tpu.memory_space<vmem>>
    %dma_wait3A_1469 = tpu.memref_slice %arg2[%mul3A_128] : memref<1168128xf32, #tpu.memory_space<hbm>> -> memref<128xf32, #tpu.memory_space<hbm>>
    tpu.wait_dma2 semaphore(%arg15 : memref<!tpu.dma_semaphore, #tpu.memory_space<semaphore_mem>>) src(%dma_wait3A_1469 : memref<128xf32, #tpu.memory_space<hbm>>) dst(%dma_wait3A_1468 : memref<128xf32, #tpu.memory_space<vmem>>)
    %dma_wait3A_1470 = arith.constant 1152 : i32
    %dma_wait3A_1471 = tpu.memref_slice %arg6[%dma_wait3A_1470] : memref<2304xf32, #tpu.memory_space<vmem>> -> memref<128xf32, #tpu.memory_space<vmem>>
    %dma_wait3A_1472 = tpu.memref_slice %arg2[%mul3A_144] : memref<1168128xf32, #tpu.memory_space<hbm>> -> memref<128xf32, #tpu.memory_space<hbm>>
    %dma_wait3A_1473 = arith.constant 1152 : i32
    %dma_wait3A_1474 = tpu.memref_slice %arg6[%dma_wait3A_1473] : memref<2304xf32, #tpu.memory_space<vmem>> -> memref<128xf32, #tpu.memory_space<vmem>>
    %dma_wait3A_1475 = tpu.memref_slice %arg2[%mul3A_144] : memref<1168128xf32, #tpu.memory_space<hbm>> -> memref<128xf32, #tpu.memory_space<hbm>>
    tpu.wait_dma2 semaphore(%arg15 : memref<!tpu.dma_semaphore, #tpu.memory_space<semaphore_mem>>) src(%dma_wait3A_1475 : memref<128xf32, #tpu.memory_space<hbm>>) dst(%dma_wait3A_1474 : memref<128xf32, #tpu.memory_space<vmem>>)
    %dma_wait3A_1476 = arith.constant 1280 : i32
    %dma_wait3A_1477 = tpu.memref_slice %arg6[%dma_wait3A_1476] : memref<2304xf32, #tpu.memory_space<vmem>> -> memref<128xf32, #tpu.memory_space<vmem>>
    %dma_wait3A_1478 = tpu.memref_slice %arg2[%mul3A_156] : memref<1168128xf32, #tpu.memory_space<hbm>> -> memref<128xf32, #tpu.memory_space<hbm>>
    %dma_wait3A_1479 = arith.constant 1280 : i32
    %dma_wait3A_1480 = tpu.memref_slice %arg6[%dma_wait3A_1479] : memref<2304xf32, #tpu.memory_space<vmem>> -> memref<128xf32, #tpu.memory_space<vmem>>
    %dma_wait3A_1481 = tpu.memref_slice %arg2[%mul3A_156] : memref<1168128xf32, #tpu.memory_space<hbm>> -> memref<128xf32, #tpu.memory_space<hbm>>
    tpu.wait_dma2 semaphore(%arg15 : memref<!tpu.dma_semaphore, #tpu.memory_space<semaphore_mem>>) src(%dma_wait3A_1481 : memref<128xf32, #tpu.memory_space<hbm>>) dst(%dma_wait3A_1480 : memref<128xf32, #tpu.memory_space<vmem>>)
    %dma_wait3A_1482 = arith.constant 1408 : i32
    %dma_wait3A_1483 = tpu.memref_slice %arg6[%dma_wait3A_1482] : memref<2304xf32, #tpu.memory_space<vmem>> -> memref<128xf32, #tpu.memory_space<vmem>>
    %dma_wait3A_1484 = tpu.memref_slice %arg2[%mul3A_168] : memref<1168128xf32, #tpu.memory_space<hbm>> -> memref<128xf32, #tpu.memory_space<hbm>>
    %dma_wait3A_1485 = arith.constant 1408 : i32
    %dma_wait3A_1486 = tpu.memref_slice %arg6[%dma_wait3A_1485] : memref<2304xf32, #tpu.memory_space<vmem>> -> memref<128xf32, #tpu.memory_space<vmem>>
    %dma_wait3A_1487 = tpu.memref_slice %arg2[%mul3A_168] : memref<1168128xf32, #tpu.memory_space<hbm>> -> memref<128xf32, #tpu.memory_space<hbm>>
    tpu.wait_dma2 semaphore(%arg15 : memref<!tpu.dma_semaphore, #tpu.memory_space<semaphore_mem>>) src(%dma_wait3A_1487 : memref<128xf32, #tpu.memory_space<hbm>>) dst(%dma_wait3A_1486 : memref<128xf32, #tpu.memory_space<vmem>>)
    %dma_wait3A_1488 = arith.constant 1536 : i32
    %dma_wait3A_1489 = tpu.memref_slice %arg6[%dma_wait3A_1488] : memref<2304xf32, #tpu.memory_space<vmem>> -> memref<128xf32, #tpu.memory_space<vmem>>
    %dma_wait3A_1490 = tpu.memref_slice %arg2[%mul3A_184] : memref<1168128xf32, #tpu.memory_space<hbm>> -> memref<128xf32, #tpu.memory_space<hbm>>
    %dma_wait3A_1491 = arith.constant 1536 : i32
    %dma_wait3A_1492 = tpu.memref_slice %arg6[%dma_wait3A_1491] : memref<2304xf32, #tpu.memory_space<vmem>> -> memref<128xf32, #tpu.memory_space<vmem>>
    %dma_wait3A_1493 = tpu.memref_slice %arg2[%mul3A_184] : memref<1168128xf32, #tpu.memory_space<hbm>> -> memref<128xf32, #tpu.memory_space<hbm>>
    tpu.wait_dma2 semaphore(%arg15 : memref<!tpu.dma_semaphore, #tpu.memory_space<semaphore_mem>>) src(%dma_wait3A_1493 : memref<128xf32, #tpu.memory_space<hbm>>) dst(%dma_wait3A_1492 : memref<128xf32, #tpu.memory_space<vmem>>)
    %dma_wait3A_1494 = arith.constant 1664 : i32
    %dma_wait3A_1495 = tpu.memref_slice %arg6[%dma_wait3A_1494] : memref<2304xf32, #tpu.memory_space<vmem>> -> memref<128xf32, #tpu.memory_space<vmem>>
    %dma_wait3A_1496 = tpu.memref_slice %arg2[%mul3A_196] : memref<1168128xf32, #tpu.memory_space<hbm>> -> memref<128xf32, #tpu.memory_space<hbm>>
    %dma_wait3A_1497 = arith.constant 1664 : i32
    %dma_wait3A_1498 = tpu.memref_slice %arg6[%dma_wait3A_1497] : memref<2304xf32, #tpu.memory_space<vmem>> -> memref<128xf32, #tpu.memory_space<vmem>>
    %dma_wait3A_1499 = tpu.memref_slice %arg2[%mul3A_196] : memref<1168128xf32, #tpu.memory_space<hbm>> -> memref<128xf32, #tpu.memory_space<hbm>>
    tpu.wait_dma2 semaphore(%arg15 : memref<!tpu.dma_semaphore, #tpu.memory_space<semaphore_mem>>) src(%dma_wait3A_1499 : memref<128xf32, #tpu.memory_space<hbm>>) dst(%dma_wait3A_1498 : memref<128xf32, #tpu.memory_space<vmem>>)
    %dma_wait3A_1500 = arith.constant 1792 : i32
    %dma_wait3A_1501 = tpu.memref_slice %arg6[%dma_wait3A_1500] : memref<2304xf32, #tpu.memory_space<vmem>> -> memref<128xf32, #tpu.memory_space<vmem>>
    %dma_wait3A_1502 = tpu.memref_slice %arg2[%mul3A_208] : memref<1168128xf32, #tpu.memory_space<hbm>> -> memref<128xf32, #tpu.memory_space<hbm>>
    %dma_wait3A_1503 = arith.constant 1792 : i32
    %dma_wait3A_1504 = tpu.memref_slice %arg6[%dma_wait3A_1503] : memref<2304xf32, #tpu.memory_space<vmem>> -> memref<128xf32, #tpu.memory_space<vmem>>
    %dma_wait3A_1505 = tpu.memref_slice %arg2[%mul3A_208] : memref<1168128xf32, #tpu.memory_space<hbm>> -> memref<128xf32, #tpu.memory_space<hbm>>
    tpu.wait_dma2 semaphore(%arg15 : memref<!tpu.dma_semaphore, #tpu.memory_space<semaphore_mem>>) src(%dma_wait3A_1505 : memref<128xf32, #tpu.memory_space<hbm>>) dst(%dma_wait3A_1504 : memref<128xf32, #tpu.memory_space<vmem>>)
    %dma_wait3A_1506 = arith.constant 1920 : i32
    %dma_wait3A_1507 = tpu.memref_slice %arg6[%dma_wait3A_1506] : memref<2304xf32, #tpu.memory_space<vmem>> -> memref<128xf32, #tpu.memory_space<vmem>>
    %dma_wait3A_1508 = tpu.memref_slice %arg2[%mul3A_224] : memref<1168128xf32, #tpu.memory_space<hbm>> -> memref<128xf32, #tpu.memory_space<hbm>>
    %dma_wait3A_1509 = arith.constant 1920 : i32
    %dma_wait3A_1510 = tpu.memref_slice %arg6[%dma_wait3A_1509] : memref<2304xf32, #tpu.memory_space<vmem>> -> memref<128xf32, #tpu.memory_space<vmem>>
    %dma_wait3A_1511 = tpu.memref_slice %arg2[%mul3A_224] : memref<1168128xf32, #tpu.memory_space<hbm>> -> memref<128xf32, #tpu.memory_space<hbm>>
    tpu.wait_dma2 semaphore(%arg15 : memref<!tpu.dma_semaphore, #tpu.memory_space<semaphore_mem>>) src(%dma_wait3A_1511 : memref<128xf32, #tpu.memory_space<hbm>>) dst(%dma_wait3A_1510 : memref<128xf32, #tpu.memory_space<vmem>>)
    %dma_wait3A_1512 = arith.constant 2048 : i32
    %dma_wait3A_1513 = tpu.memref_slice %arg6[%dma_wait3A_1512] : memref<2304xf32, #tpu.memory_space<vmem>> -> memref<128xf32, #tpu.memory_space<vmem>>
    %dma_wait3A_1514 = tpu.memref_slice %arg2[%mul3A_236] : memref<1168128xf32, #tpu.memory_space<hbm>> -> memref<128xf32, #tpu.memory_space<hbm>>
    %dma_wait3A_1515 = arith.constant 2048 : i32
    %dma_wait3A_1516 = tpu.memref_slice %arg6[%dma_wait3A_1515] : memref<2304xf32, #tpu.memory_space<vmem>> -> memref<128xf32, #tpu.memory_space<vmem>>
    %dma_wait3A_1517 = tpu.memref_slice %arg2[%mul3A_236] : memref<1168128xf32, #tpu.memory_space<hbm>> -> memref<128xf32, #tpu.memory_space<hbm>>
    tpu.wait_dma2 semaphore(%arg15 : memref<!tpu.dma_semaphore, #tpu.memory_space<semaphore_mem>>) src(%dma_wait3A_1517 : memref<128xf32, #tpu.memory_space<hbm>>) dst(%dma_wait3A_1516 : memref<128xf32, #tpu.memory_space<vmem>>)
    %dma_wait3A_1518 = arith.constant 2176 : i32
    %dma_wait3A_1519 = tpu.memref_slice %arg6[%dma_wait3A_1518] : memref<2304xf32, #tpu.memory_space<vmem>> -> memref<128xf32, #tpu.memory_space<vmem>>
    %dma_wait3A_1520 = tpu.memref_slice %arg2[%mul3A_248] : memref<1168128xf32, #tpu.memory_space<hbm>> -> memref<128xf32, #tpu.memory_space<hbm>>
    %dma_wait3A_1521 = arith.constant 2176 : i32
    %dma_wait3A_1522 = tpu.memref_slice %arg6[%dma_wait3A_1521] : memref<2304xf32, #tpu.memory_space<vmem>> -> memref<128xf32, #tpu.memory_space<vmem>>
    %dma_wait3A_1523 = tpu.memref_slice %arg2[%mul3A_248] : memref<1168128xf32, #tpu.memory_space<hbm>> -> memref<128xf32, #tpu.memory_space<hbm>>
    tpu.wait_dma2 semaphore(%arg15 : memref<!tpu.dma_semaphore, #tpu.memory_space<semaphore_mem>>) src(%dma_wait3A_1523 : memref<128xf32, #tpu.memory_space<hbm>>) dst(%dma_wait3A_1522 : memref<128xf32, #tpu.memory_space<vmem>>)
    %broadcast_in_dim3A_1524 = arith.constant 0.000000e+00 : f32
    %broadcast_in_dim3A_1525 = vector.broadcast %broadcast_in_dim3A_1524 : f32 to vector<16xf32>
    %add3A_1526 = arith.constant 0 : i32
    %add3A_1527 = arith.addi %add3A, %add3A_1526 : i32
    %broadcast_in_dim3A_1528 = vector.broadcast %add3A_1527 : i32 to vector<16xi32>
    %lt3A_1529 = arith.constant 169 : i32
    %lt3A_1530 = vector.broadcast %lt3A_1529 : i32 to vector<16xi32>
    %lt3A_1531 = arith.cmpi slt, %broadcast_in_dim3A_1528, %lt3A_1530 : vector<16xi32>
    %jit3A_1532 = arith.constant 1.000000e+00 : f32
    %jit3A_1533 = arith.constant 0.000000e+00 : f32
    %broadcast_in_dim3A_1534 = vector.broadcast %jit3A_1532 : f32 to vector<16xf32>
    %broadcast_in_dim3A_1535 = vector.broadcast %jit3A_1533 : f32 to vector<16xf32>
    %select_n3A_1536 = arith.select %lt3A_1531, %broadcast_in_dim3A_1534, %broadcast_in_dim3A_1535 : vector<16xi1>, vector<16xf32>
    %get3A = arith.constant 0 : index
    %get3A_1537 = tpu.vector_load %arg6[%get3A] {strides = array<i32>} : memref<2304xf32, #tpu.memory_space<vmem>>, vector<16xf32>,
    %mul3A_1538 = arith.mulf %get3A_1537, %get3A_1537 : vector<16xf32>
    %mul3A_1539 = arith.mulf %mul3A_1538, %select_n3A_1536 : vector<16xf32>
    %add3A_1540 = arith.addf %broadcast_in_dim3A_1525, %mul3A_1539 : vector<16xf32>
    %get3A_1541 = arith.constant 16 : index
    %get3A_1542 = tpu.vector_load %arg6[%get3A_1541] {strides = array<i32>} : memref<2304xf32, #tpu.memory_space<vmem>>, vector<16xf32>,
    %mul3A_1543 = arith.mulf %get3A_1542, %get3A_1542 : vector<16xf32>
    %mul3A_1544 = arith.mulf %mul3A_1543, %select_n3A_1536 : vector<16xf32>
    %add3A_1545 = arith.addf %add3A_1540, %mul3A_1544 : vector<16xf32>
    %get3A_1546 = arith.constant 32 : index
    %get3A_1547 = tpu.vector_load %arg6[%get3A_1546] {strides = array<i32>} : memref<2304xf32, #tpu.memory_space<vmem>>, vector<16xf32>,
    %mul3A_1548 = arith.mulf %get3A_1547, %get3A_1547 : vector<16xf32>
    %mul3A_1549 = arith.mulf %mul3A_1548, %select_n3A_1536 : vector<16xf32>
    %add3A_1550 = arith.addf %add3A_1545, %mul3A_1549 : vector<16xf32>
    %get3A_1551 = arith.constant 48 : index
    %get3A_1552 = tpu.vector_load %arg6[%get3A_1551] {strides = array<i32>} : memref<2304xf32, #tpu.memory_space<vmem>>, vector<16xf32>,
    %mul3A_1553 = arith.mulf %get3A_1552, %get3A_1552 : vector<16xf32>
    %mul3A_1554 = arith.mulf %mul3A_1553, %select_n3A_1536 : vector<16xf32>
    %add3A_1555 = arith.addf %add3A_1550, %mul3A_1554 : vector<16xf32>
    %get3A_1556 = arith.constant 64 : index
    %get3A_1557 = tpu.vector_load %arg6[%get3A_1556] {strides = array<i32>} : memref<2304xf32, #tpu.memory_space<vmem>>, vector<16xf32>,
    %mul3A_1558 = arith.mulf %get3A_1557, %get3A_1557 : vector<16xf32>
    %mul3A_1559 = arith.mulf %mul3A_1558, %select_n3A_1536 : vector<16xf32>
    %add3A_1560 = arith.addf %add3A_1555, %mul3A_1559 : vector<16xf32>
    %get3A_1561 = arith.constant 80 : index
    %get3A_1562 = tpu.vector_load %arg6[%get3A_1561] {strides = array<i32>} : memref<2304xf32, #tpu.memory_space<vmem>>, vector<16xf32>,
    %mul3A_1563 = arith.mulf %get3A_1562, %get3A_1562 : vector<16xf32>
    %mul3A_1564 = arith.mulf %mul3A_1563, %select_n3A_1536 : vector<16xf32>
    %add3A_1565 = arith.addf %add3A_1560, %mul3A_1564 : vector<16xf32>
    %get3A_1566 = arith.constant 96 : index
    %get3A_1567 = tpu.vector_load %arg6[%get3A_1566] {strides = array<i32>} : memref<2304xf32, #tpu.memory_space<vmem>>, vector<16xf32>,
    %mul3A_1568 = arith.mulf %get3A_1567, %get3A_1567 : vector<16xf32>
    %mul3A_1569 = arith.mulf %mul3A_1568, %select_n3A_1536 : vector<16xf32>
    %add3A_1570 = arith.addf %add3A_1565, %mul3A_1569 : vector<16xf32>
    %get3A_1571 = arith.constant 112 : index
    %get3A_1572 = tpu.vector_load %arg6[%get3A_1571] {strides = array<i32>} : memref<2304xf32, #tpu.memory_space<vmem>>, vector<16xf32>,
    %mul3A_1573 = arith.mulf %get3A_1572, %get3A_1572 : vector<16xf32>
    %mul3A_1574 = arith.mulf %mul3A_1573, %select_n3A_1536 : vector<16xf32>
    %add3A_1575 = arith.addf %add3A_1570, %mul3A_1574 : vector<16xf32>
    %get3A_1576 = arith.constant 128 : index
    %get3A_1577 = tpu.vector_load %arg6[%get3A_1576] {strides = array<i32>} : memref<2304xf32, #tpu.memory_space<vmem>>, vector<16xf32>,
    %mul3A_1578 = arith.mulf %get3A_1577, %get3A_1577 : vector<16xf32>
    %mul3A_1579 = arith.mulf %mul3A_1578, %select_n3A_1536 : vector<16xf32>
    %add3A_1580 = arith.addf %add3A_1575, %mul3A_1579 : vector<16xf32>
    %get3A_1581 = arith.constant 144 : index
    %get3A_1582 = tpu.vector_load %arg6[%get3A_1581] {strides = array<i32>} : memref<2304xf32, #tpu.memory_space<vmem>>, vector<16xf32>,
    %mul3A_1583 = arith.mulf %get3A_1582, %get3A_1582 : vector<16xf32>
    %mul3A_1584 = arith.mulf %mul3A_1583, %select_n3A_1536 : vector<16xf32>
    %add3A_1585 = arith.addf %add3A_1580, %mul3A_1584 : vector<16xf32>
    %get3A_1586 = arith.constant 160 : index
    %get3A_1587 = tpu.vector_load %arg6[%get3A_1586] {strides = array<i32>} : memref<2304xf32, #tpu.memory_space<vmem>>, vector<16xf32>,
    %mul3A_1588 = arith.mulf %get3A_1587, %get3A_1587 : vector<16xf32>
    %mul3A_1589 = arith.mulf %mul3A_1588, %select_n3A_1536 : vector<16xf32>
    %add3A_1590 = arith.addf %add3A_1585, %mul3A_1589 : vector<16xf32>
    %get3A_1591 = arith.constant 176 : index
    %get3A_1592 = tpu.vector_load %arg6[%get3A_1591] {strides = array<i32>} : memref<2304xf32, #tpu.memory_space<vmem>>, vector<16xf32>,
    %mul3A_1593 = arith.mulf %get3A_1592, %get3A_1592 : vector<16xf32>
    %mul3A_1594 = arith.mulf %mul3A_1593, %select_n3A_1536 : vector<16xf32>
    %add3A_1595 = arith.addf %add3A_1590, %mul3A_1594 : vector<16xf32>
    %get3A_1596 = arith.constant 192 : index
    %get3A_1597 = tpu.vector_load %arg6[%get3A_1596] {strides = array<i32>} : memref<2304xf32, #tpu.memory_space<vmem>>, vector<16xf32>,
    %mul3A_1598 = arith.mulf %get3A_1597, %get3A_1597 : vector<16xf32>
    %mul3A_1599 = arith.mulf %mul3A_1598, %select_n3A_1536 : vector<16xf32>
    %add3A_1600 = arith.addf %add3A_1595, %mul3A_1599 : vector<16xf32>
    %get3A_1601 = arith.constant 208 : index
    %get3A_1602 = tpu.vector_load %arg6[%get3A_1601] {strides = array<i32>} : memref<2304xf32, #tpu.memory_space<vmem>>, vector<16xf32>,
    %mul3A_1603 = arith.mulf %get3A_1602, %get3A_1602 : vector<16xf32>
    %mul3A_1604 = arith.mulf %mul3A_1603, %select_n3A_1536 : vector<16xf32>
    %add3A_1605 = arith.addf %add3A_1600, %mul3A_1604 : vector<16xf32>
    %get3A_1606 = arith.constant 224 : index
    %get3A_1607 = tpu.vector_load %arg6[%get3A_1606] {strides = array<i32>} : memref<2304xf32, #tpu.memory_space<vmem>>, vector<16xf32>,
    %mul3A_1608 = arith.mulf %get3A_1607, %get3A_1607 : vector<16xf32>
    %mul3A_1609 = arith.mulf %mul3A_1608, %select_n3A_1536 : vector<16xf32>
    %add3A_1610 = arith.addf %add3A_1605, %mul3A_1609 : vector<16xf32>
    %get3A_1611 = arith.constant 240 : index
    %get3A_1612 = tpu.vector_load %arg6[%get3A_1611] {strides = array<i32>} : memref<2304xf32, #tpu.memory_space<vmem>>, vector<16xf32>,
    %mul3A_1613 = arith.mulf %get3A_1612, %get3A_1612 : vector<16xf32>
    %mul3A_1614 = arith.mulf %mul3A_1613, %select_n3A_1536 : vector<16xf32>
    %add3A_1615 = arith.addf %add3A_1610, %mul3A_1614 : vector<16xf32>
    %get3A_1616 = arith.constant 256 : index
    %get3A_1617 = tpu.vector_load %arg6[%get3A_1616] {strides = array<i32>} : memref<2304xf32, #tpu.memory_space<vmem>>, vector<16xf32>,
    %mul3A_1618 = arith.mulf %get3A_1617, %get3A_1617 : vector<16xf32>
    %mul3A_1619 = arith.mulf %mul3A_1618, %select_n3A_1536 : vector<16xf32>
    %add3A_1620 = arith.addf %add3A_1615, %mul3A_1619 : vector<16xf32>
    %get3A_1621 = arith.constant 272 : index
    %get3A_1622 = tpu.vector_load %arg6[%get3A_1621] {strides = array<i32>} : memref<2304xf32, #tpu.memory_space<vmem>>, vector<16xf32>,
    %mul3A_1623 = arith.mulf %get3A_1622, %get3A_1622 : vector<16xf32>
    %mul3A_1624 = arith.mulf %mul3A_1623, %select_n3A_1536 : vector<16xf32>
    %add3A_1625 = arith.addf %add3A_1620, %mul3A_1624 : vector<16xf32>
    %get3A_1626 = arith.constant 288 : index
    %get3A_1627 = tpu.vector_load %arg6[%get3A_1626] {strides = array<i32>} : memref<2304xf32, #tpu.memory_space<vmem>>, vector<16xf32>,
    %mul3A_1628 = arith.mulf %get3A_1627, %get3A_1627 : vector<16xf32>
    %mul3A_1629 = arith.mulf %mul3A_1628, %select_n3A_1536 : vector<16xf32>
    %add3A_1630 = arith.addf %add3A_1625, %mul3A_1629 : vector<16xf32>
    %get3A_1631 = arith.constant 304 : index
    %get3A_1632 = tpu.vector_load %arg6[%get3A_1631] {strides = array<i32>} : memref<2304xf32, #tpu.memory_space<vmem>>, vector<16xf32>,
    %mul3A_1633 = arith.mulf %get3A_1632, %get3A_1632 : vector<16xf32>
    %mul3A_1634 = arith.mulf %mul3A_1633, %select_n3A_1536 : vector<16xf32>
    %add3A_1635 = arith.addf %add3A_1630, %mul3A_1634 : vector<16xf32>
    %get3A_1636 = arith.constant 320 : index
    %get3A_1637 = tpu.vector_load %arg6[%get3A_1636] {strides = array<i32>} : memref<2304xf32, #tpu.memory_space<vmem>>, vector<16xf32>,
    %mul3A_1638 = arith.mulf %get3A_1637, %get3A_1637 : vector<16xf32>
    %mul3A_1639 = arith.mulf %mul3A_1638, %select_n3A_1536 : vector<16xf32>
    %add3A_1640 = arith.addf %add3A_1635, %mul3A_1639 : vector<16xf32>
    %get3A_1641 = arith.constant 336 : index
    %get3A_1642 = tpu.vector_load %arg6[%get3A_1641] {strides = array<i32>} : memref<2304xf32, #tpu.memory_space<vmem>>, vector<16xf32>,
    %mul3A_1643 = arith.mulf %get3A_1642, %get3A_1642 : vector<16xf32>
    %mul3A_1644 = arith.mulf %mul3A_1643, %select_n3A_1536 : vector<16xf32>
    %add3A_1645 = arith.addf %add3A_1640, %mul3A_1644 : vector<16xf32>
    %get3A_1646 = arith.constant 352 : index
    %get3A_1647 = tpu.vector_load %arg6[%get3A_1646] {strides = array<i32>} : memref<2304xf32, #tpu.memory_space<vmem>>, vector<16xf32>,
    %mul3A_1648 = arith.mulf %get3A_1647, %get3A_1647 : vector<16xf32>
    %mul3A_1649 = arith.mulf %mul3A_1648, %select_n3A_1536 : vector<16xf32>
    %add3A_1650 = arith.addf %add3A_1645, %mul3A_1649 : vector<16xf32>
    %get3A_1651 = arith.constant 368 : index
    %get3A_1652 = tpu.vector_load %arg6[%get3A_1651] {strides = array<i32>} : memref<2304xf32, #tpu.memory_space<vmem>>, vector<16xf32>,
    %mul3A_1653 = arith.mulf %get3A_1652, %get3A_1652 : vector<16xf32>
    %mul3A_1654 = arith.mulf %mul3A_1653, %select_n3A_1536 : vector<16xf32>
    %add3A_1655 = arith.addf %add3A_1650, %mul3A_1654 : vector<16xf32>
    %add3A_1656 = arith.constant 32 : i32
    %add3A_1657 = arith.addi %add3A, %add3A_1656 : i32
    %broadcast_in_dim3A_1658 = vector.broadcast %add3A_1657 : i32 to vector<16xi32>
    %lt3A_1659 = arith.constant 169 : i32
    %lt3A_1660 = vector.broadcast %lt3A_1659 : i32 to vector<16xi32>
    %lt3A_1661 = arith.cmpi slt, %broadcast_in_dim3A_1658, %lt3A_1660 : vector<16xi32>
    %jit3A_1662 = arith.constant 1.000000e+00 : f32
    %jit3A_1663 = arith.constant 0.000000e+00 : f32
    %broadcast_in_dim3A_1664 = vector.broadcast %jit3A_1662 : f32 to vector<16xf32>
    %broadcast_in_dim3A_1665 = vector.broadcast %jit3A_1663 : f32 to vector<16xf32>
    %select_n3A_1666 = arith.select %lt3A_1661, %broadcast_in_dim3A_1664, %broadcast_in_dim3A_1665 : vector<16xi1>, vector<16xf32>
    %get3A_1667 = arith.constant 384 : index
    %get3A_1668 = tpu.vector_load %arg6[%get3A_1667] {strides = array<i32>} : memref<2304xf32, #tpu.memory_space<vmem>>, vector<16xf32>,
    %mul3A_1669 = arith.mulf %get3A_1668, %get3A_1668 : vector<16xf32>
    %mul3A_1670 = arith.mulf %mul3A_1669, %select_n3A_1666 : vector<16xf32>
    %add3A_1671 = arith.addf %add3A_1655, %mul3A_1670 : vector<16xf32>
    %get3A_1672 = arith.constant 400 : index
    %get3A_1673 = tpu.vector_load %arg6[%get3A_1672] {strides = array<i32>} : memref<2304xf32, #tpu.memory_space<vmem>>, vector<16xf32>,
    %mul3A_1674 = arith.mulf %get3A_1673, %get3A_1673 : vector<16xf32>
    %mul3A_1675 = arith.mulf %mul3A_1674, %select_n3A_1666 : vector<16xf32>
    %add3A_1676 = arith.addf %add3A_1671, %mul3A_1675 : vector<16xf32>
    %get3A_1677 = arith.constant 416 : index
    %get3A_1678 = tpu.vector_load %arg6[%get3A_1677] {strides = array<i32>} : memref<2304xf32, #tpu.memory_space<vmem>>, vector<16xf32>,
    %mul3A_1679 = arith.mulf %get3A_1678, %get3A_1678 : vector<16xf32>
    %mul3A_1680 = arith.mulf %mul3A_1679, %select_n3A_1666 : vector<16xf32>
    %add3A_1681 = arith.addf %add3A_1676, %mul3A_1680 : vector<16xf32>
    %get3A_1682 = arith.constant 432 : index
    %get3A_1683 = tpu.vector_load %arg6[%get3A_1682] {strides = array<i32>} : memref<2304xf32, #tpu.memory_space<vmem>>, vector<16xf32>,
    %mul3A_1684 = arith.mulf %get3A_1683, %get3A_1683 : vector<16xf32>
    %mul3A_1685 = arith.mulf %mul3A_1684, %select_n3A_1666 : vector<16xf32>
    %add3A_1686 = arith.addf %add3A_1681, %mul3A_1685 : vector<16xf32>
    %get3A_1687 = arith.constant 448 : index
    %get3A_1688 = tpu.vector_load %arg6[%get3A_1687] {strides = array<i32>} : memref<2304xf32, #tpu.memory_space<vmem>>, vector<16xf32>,
    %mul3A_1689 = arith.mulf %get3A_1688, %get3A_1688 : vector<16xf32>
    %mul3A_1690 = arith.mulf %mul3A_1689, %select_n3A_1666 : vector<16xf32>
    %add3A_1691 = arith.addf %add3A_1686, %mul3A_1690 : vector<16xf32>
    %get3A_1692 = arith.constant 464 : index
    %get3A_1693 = tpu.vector_load %arg6[%get3A_1692] {strides = array<i32>} : memref<2304xf32, #tpu.memory_space<vmem>>, vector<16xf32>,
    %mul3A_1694 = arith.mulf %get3A_1693, %get3A_1693 : vector<16xf32>
    %mul3A_1695 = arith.mulf %mul3A_1694, %select_n3A_1666 : vector<16xf32>
    %add3A_1696 = arith.addf %add3A_1691, %mul3A_1695 : vector<16xf32>
    %get3A_1697 = arith.constant 480 : index
    %get3A_1698 = tpu.vector_load %arg6[%get3A_1697] {strides = array<i32>} : memref<2304xf32, #tpu.memory_space<vmem>>, vector<16xf32>,
    %mul3A_1699 = arith.mulf %get3A_1698, %get3A_1698 : vector<16xf32>
    %mul3A_1700 = arith.mulf %mul3A_1699, %select_n3A_1666 : vector<16xf32>
    %add3A_1701 = arith.addf %add3A_1696, %mul3A_1700 : vector<16xf32>
    %get3A_1702 = arith.constant 496 : index
    %get3A_1703 = tpu.vector_load %arg6[%get3A_1702] {strides = array<i32>} : memref<2304xf32, #tpu.memory_space<vmem>>, vector<16xf32>,
    %mul3A_1704 = arith.mulf %get3A_1703, %get3A_1703 : vector<16xf32>
    %mul3A_1705 = arith.mulf %mul3A_1704, %select_n3A_1666 : vector<16xf32>
    %add3A_1706 = arith.addf %add3A_1701, %mul3A_1705 : vector<16xf32>
    %get3A_1707 = arith.constant 512 : index
    %get3A_1708 = tpu.vector_load %arg6[%get3A_1707] {strides = array<i32>} : memref<2304xf32, #tpu.memory_space<vmem>>, vector<16xf32>,
    %mul3A_1709 = arith.mulf %get3A_1708, %get3A_1708 : vector<16xf32>
    %mul3A_1710 = arith.mulf %mul3A_1709, %select_n3A_1666 : vector<16xf32>
    %add3A_1711 = arith.addf %add3A_1706, %mul3A_1710 : vector<16xf32>
    %get3A_1712 = arith.constant 528 : index
    %get3A_1713 = tpu.vector_load %arg6[%get3A_1712] {strides = array<i32>} : memref<2304xf32, #tpu.memory_space<vmem>>, vector<16xf32>,
    %mul3A_1714 = arith.mulf %get3A_1713, %get3A_1713 : vector<16xf32>
    %mul3A_1715 = arith.mulf %mul3A_1714, %select_n3A_1666 : vector<16xf32>
    %add3A_1716 = arith.addf %add3A_1711, %mul3A_1715 : vector<16xf32>
    %get3A_1717 = arith.constant 544 : index
    %get3A_1718 = tpu.vector_load %arg6[%get3A_1717] {strides = array<i32>} : memref<2304xf32, #tpu.memory_space<vmem>>, vector<16xf32>,
    %mul3A_1719 = arith.mulf %get3A_1718, %get3A_1718 : vector<16xf32>
    %mul3A_1720 = arith.mulf %mul3A_1719, %select_n3A_1666 : vector<16xf32>
    %add3A_1721 = arith.addf %add3A_1716, %mul3A_1720 : vector<16xf32>
    %get3A_1722 = arith.constant 560 : index
    %get3A_1723 = tpu.vector_load %arg6[%get3A_1722] {strides = array<i32>} : memref<2304xf32, #tpu.memory_space<vmem>>, vector<16xf32>,
    %mul3A_1724 = arith.mulf %get3A_1723, %get3A_1723 : vector<16xf32>
    %mul3A_1725 = arith.mulf %mul3A_1724, %select_n3A_1666 : vector<16xf32>
    %add3A_1726 = arith.addf %add3A_1721, %mul3A_1725 : vector<16xf32>
    %get3A_1727 = arith.constant 576 : index
    %get3A_1728 = tpu.vector_load %arg6[%get3A_1727] {strides = array<i32>} : memref<2304xf32, #tpu.memory_space<vmem>>, vector<16xf32>,
    %mul3A_1729 = arith.mulf %get3A_1728, %get3A_1728 : vector<16xf32>
    %mul3A_1730 = arith.mulf %mul3A_1729, %select_n3A_1666 : vector<16xf32>
    %add3A_1731 = arith.addf %add3A_1726, %mul3A_1730 : vector<16xf32>
    %get3A_1732 = arith.constant 592 : index
    %get3A_1733 = tpu.vector_load %arg6[%get3A_1732] {strides = array<i32>} : memref<2304xf32, #tpu.memory_space<vmem>>, vector<16xf32>,
    %mul3A_1734 = arith.mulf %get3A_1733, %get3A_1733 : vector<16xf32>
    %mul3A_1735 = arith.mulf %mul3A_1734, %select_n3A_1666 : vector<16xf32>
    %add3A_1736 = arith.addf %add3A_1731, %mul3A_1735 : vector<16xf32>
    %get3A_1737 = arith.constant 608 : index
    %get3A_1738 = tpu.vector_load %arg6[%get3A_1737] {strides = array<i32>} : memref<2304xf32, #tpu.memory_space<vmem>>, vector<16xf32>,
    %mul3A_1739 = arith.mulf %get3A_1738, %get3A_1738 : vector<16xf32>
    %mul3A_1740 = arith.mulf %mul3A_1739, %select_n3A_1666 : vector<16xf32>
    %add3A_1741 = arith.addf %add3A_1736, %mul3A_1740 : vector<16xf32>
    %get3A_1742 = arith.constant 624 : index
    %get3A_1743 = tpu.vector_load %arg6[%get3A_1742] {strides = array<i32>} : memref<2304xf32, #tpu.memory_space<vmem>>, vector<16xf32>,
    %mul3A_1744 = arith.mulf %get3A_1743, %get3A_1743 : vector<16xf32>
    %mul3A_1745 = arith.mulf %mul3A_1744, %select_n3A_1666 : vector<16xf32>
    %add3A_1746 = arith.addf %add3A_1741, %mul3A_1745 : vector<16xf32>
    %get3A_1747 = arith.constant 640 : index
    %get3A_1748 = tpu.vector_load %arg6[%get3A_1747] {strides = array<i32>} : memref<2304xf32, #tpu.memory_space<vmem>>, vector<16xf32>,
    %mul3A_1749 = arith.mulf %get3A_1748, %get3A_1748 : vector<16xf32>
    %mul3A_1750 = arith.mulf %mul3A_1749, %select_n3A_1666 : vector<16xf32>
    %add3A_1751 = arith.addf %add3A_1746, %mul3A_1750 : vector<16xf32>
    %get3A_1752 = arith.constant 656 : index
    %get3A_1753 = tpu.vector_load %arg6[%get3A_1752] {strides = array<i32>} : memref<2304xf32, #tpu.memory_space<vmem>>, vector<16xf32>,
    %mul3A_1754 = arith.mulf %get3A_1753, %get3A_1753 : vector<16xf32>
    %mul3A_1755 = arith.mulf %mul3A_1754, %select_n3A_1666 : vector<16xf32>
    %add3A_1756 = arith.addf %add3A_1751, %mul3A_1755 : vector<16xf32>
    %get3A_1757 = arith.constant 672 : index
    %get3A_1758 = tpu.vector_load %arg6[%get3A_1757] {strides = array<i32>} : memref<2304xf32, #tpu.memory_space<vmem>>, vector<16xf32>,
    %mul3A_1759 = arith.mulf %get3A_1758, %get3A_1758 : vector<16xf32>
    %mul3A_1760 = arith.mulf %mul3A_1759, %select_n3A_1666 : vector<16xf32>
    %add3A_1761 = arith.addf %add3A_1756, %mul3A_1760 : vector<16xf32>
    %get3A_1762 = arith.constant 688 : index
    %get3A_1763 = tpu.vector_load %arg6[%get3A_1762] {strides = array<i32>} : memref<2304xf32, #tpu.memory_space<vmem>>, vector<16xf32>,
    %mul3A_1764 = arith.mulf %get3A_1763, %get3A_1763 : vector<16xf32>
    %mul3A_1765 = arith.mulf %mul3A_1764, %select_n3A_1666 : vector<16xf32>
    %add3A_1766 = arith.addf %add3A_1761, %mul3A_1765 : vector<16xf32>
    %get3A_1767 = arith.constant 704 : index
    %get3A_1768 = tpu.vector_load %arg6[%get3A_1767] {strides = array<i32>} : memref<2304xf32, #tpu.memory_space<vmem>>, vector<16xf32>,
    %mul3A_1769 = arith.mulf %get3A_1768, %get3A_1768 : vector<16xf32>
    %mul3A_1770 = arith.mulf %mul3A_1769, %select_n3A_1666 : vector<16xf32>
    %add3A_1771 = arith.addf %add3A_1766, %mul3A_1770 : vector<16xf32>
    %get3A_1772 = arith.constant 720 : index
    %get3A_1773 = tpu.vector_load %arg6[%get3A_1772] {strides = array<i32>} : memref<2304xf32, #tpu.memory_space<vmem>>, vector<16xf32>,
    %mul3A_1774 = arith.mulf %get3A_1773, %get3A_1773 : vector<16xf32>
    %mul3A_1775 = arith.mulf %mul3A_1774, %select_n3A_1666 : vector<16xf32>
    %add3A_1776 = arith.addf %add3A_1771, %mul3A_1775 : vector<16xf32>
    %get3A_1777 = arith.constant 736 : index
    %get3A_1778 = tpu.vector_load %arg6[%get3A_1777] {strides = array<i32>} : memref<2304xf32, #tpu.memory_space<vmem>>, vector<16xf32>,
    %mul3A_1779 = arith.mulf %get3A_1778, %get3A_1778 : vector<16xf32>
    %mul3A_1780 = arith.mulf %mul3A_1779, %select_n3A_1666 : vector<16xf32>
    %add3A_1781 = arith.addf %add3A_1776, %mul3A_1780 : vector<16xf32>
    %get3A_1782 = arith.constant 752 : index
    %get3A_1783 = tpu.vector_load %arg6[%get3A_1782] {strides = array<i32>} : memref<2304xf32, #tpu.memory_space<vmem>>, vector<16xf32>,
    %mul3A_1784 = arith.mulf %get3A_1783, %get3A_1783 : vector<16xf32>
    %mul3A_1785 = arith.mulf %mul3A_1784, %select_n3A_1666 : vector<16xf32>
    %add3A_1786 = arith.addf %add3A_1781, %mul3A_1785 : vector<16xf32>
    %add3A_1787 = arith.constant 64 : i32
    %add3A_1788 = arith.addi %add3A, %add3A_1787 : i32
    %broadcast_in_dim3A_1789 = vector.broadcast %add3A_1788 : i32 to vector<16xi32>
    %lt3A_1790 = arith.constant 169 : i32
    %lt3A_1791 = vector.broadcast %lt3A_1790 : i32 to vector<16xi32>
    %lt3A_1792 = arith.cmpi slt, %broadcast_in_dim3A_1789, %lt3A_1791 : vector<16xi32>
    %jit3A_1793 = arith.constant 1.000000e+00 : f32
    %jit3A_1794 = arith.constant 0.000000e+00 : f32
    %broadcast_in_dim3A_1795 = vector.broadcast %jit3A_1793 : f32 to vector<16xf32>
    %broadcast_in_dim3A_1796 = vector.broadcast %jit3A_1794 : f32 to vector<16xf32>
    %select_n3A_1797 = arith.select %lt3A_1792, %broadcast_in_dim3A_1795, %broadcast_in_dim3A_1796 : vector<16xi1>, vector<16xf32>
    %get3A_1798 = arith.constant 768 : index
    %get3A_1799 = tpu.vector_load %arg6[%get3A_1798] {strides = array<i32>} : memref<2304xf32, #tpu.memory_space<vmem>>, vector<16xf32>,
    %mul3A_1800 = arith.mulf %get3A_1799, %get3A_1799 : vector<16xf32>
    %mul3A_1801 = arith.mulf %mul3A_1800, %select_n3A_1797 : vector<16xf32>
    %add3A_1802 = arith.addf %add3A_1786, %mul3A_1801 : vector<16xf32>
    %get3A_1803 = arith.constant 784 : index
    %get3A_1804 = tpu.vector_load %arg6[%get3A_1803] {strides = array<i32>} : memref<2304xf32, #tpu.memory_space<vmem>>, vector<16xf32>,
    %mul3A_1805 = arith.mulf %get3A_1804, %get3A_1804 : vector<16xf32>
    %mul3A_1806 = arith.mulf %mul3A_1805, %select_n3A_1797 : vector<16xf32>
    %add3A_1807 = arith.addf %add3A_1802, %mul3A_1806 : vector<16xf32>
    %get3A_1808 = arith.constant 800 : index
    %get3A_1809 = tpu.vector_load %arg6[%get3A_1808] {strides = array<i32>} : memref<2304xf32, #tpu.memory_space<vmem>>, vector<16xf32>,
    %mul3A_1810 = arith.mulf %get3A_1809, %get3A_1809 : vector<16xf32>
    %mul3A_1811 = arith.mulf %mul3A_1810, %select_n3A_1797 : vector<16xf32>
    %add3A_1812 = arith.addf %add3A_1807, %mul3A_1811 : vector<16xf32>
    %get3A_1813 = arith.constant 816 : index
    %get3A_1814 = tpu.vector_load %arg6[%get3A_1813] {strides = array<i32>} : memref<2304xf32, #tpu.memory_space<vmem>>, vector<16xf32>,
    %mul3A_1815 = arith.mulf %get3A_1814, %get3A_1814 : vector<16xf32>
    %mul3A_1816 = arith.mulf %mul3A_1815, %select_n3A_1797 : vector<16xf32>
    %add3A_1817 = arith.addf %add3A_1812, %mul3A_1816 : vector<16xf32>
    %get3A_1818 = arith.constant 832 : index
    %get3A_1819 = tpu.vector_load %arg6[%get3A_1818] {strides = array<i32>} : memref<2304xf32, #tpu.memory_space<vmem>>, vector<16xf32>,
    %mul3A_1820 = arith.mulf %get3A_1819, %get3A_1819 : vector<16xf32>
    %mul3A_1821 = arith.mulf %mul3A_1820, %select_n3A_1797 : vector<16xf32>
    %add3A_1822 = arith.addf %add3A_1817, %mul3A_1821 : vector<16xf32>
    %get3A_1823 = arith.constant 848 : index
    %get3A_1824 = tpu.vector_load %arg6[%get3A_1823] {strides = array<i32>} : memref<2304xf32, #tpu.memory_space<vmem>>, vector<16xf32>,
    %mul3A_1825 = arith.mulf %get3A_1824, %get3A_1824 : vector<16xf32>
    %mul3A_1826 = arith.mulf %mul3A_1825, %select_n3A_1797 : vector<16xf32>
    %add3A_1827 = arith.addf %add3A_1822, %mul3A_1826 : vector<16xf32>
    %get3A_1828 = arith.constant 864 : index
    %get3A_1829 = tpu.vector_load %arg6[%get3A_1828] {strides = array<i32>} : memref<2304xf32, #tpu.memory_space<vmem>>, vector<16xf32>,
    %mul3A_1830 = arith.mulf %get3A_1829, %get3A_1829 : vector<16xf32>
    %mul3A_1831 = arith.mulf %mul3A_1830, %select_n3A_1797 : vector<16xf32>
    %add3A_1832 = arith.addf %add3A_1827, %mul3A_1831 : vector<16xf32>
    %get3A_1833 = arith.constant 880 : index
    %get3A_1834 = tpu.vector_load %arg6[%get3A_1833] {strides = array<i32>} : memref<2304xf32, #tpu.memory_space<vmem>>, vector<16xf32>,
    %mul3A_1835 = arith.mulf %get3A_1834, %get3A_1834 : vector<16xf32>
    %mul3A_1836 = arith.mulf %mul3A_1835, %select_n3A_1797 : vector<16xf32>
    %add3A_1837 = arith.addf %add3A_1832, %mul3A_1836 : vector<16xf32>
    %get3A_1838 = arith.constant 896 : index
    %get3A_1839 = tpu.vector_load %arg6[%get3A_1838] {strides = array<i32>} : memref<2304xf32, #tpu.memory_space<vmem>>, vector<16xf32>,
    %mul3A_1840 = arith.mulf %get3A_1839, %get3A_1839 : vector<16xf32>
    %mul3A_1841 = arith.mulf %mul3A_1840, %select_n3A_1797 : vector<16xf32>
    %add3A_1842 = arith.addf %add3A_1837, %mul3A_1841 : vector<16xf32>
    %get3A_1843 = arith.constant 912 : index
    %get3A_1844 = tpu.vector_load %arg6[%get3A_1843] {strides = array<i32>} : memref<2304xf32, #tpu.memory_space<vmem>>, vector<16xf32>,
    %mul3A_1845 = arith.mulf %get3A_1844, %get3A_1844 : vector<16xf32>
    %mul3A_1846 = arith.mulf %mul3A_1845, %select_n3A_1797 : vector<16xf32>
    %add3A_1847 = arith.addf %add3A_1842, %mul3A_1846 : vector<16xf32>
    %get3A_1848 = arith.constant 928 : index
    %get3A_1849 = tpu.vector_load %arg6[%get3A_1848] {strides = array<i32>} : memref<2304xf32, #tpu.memory_space<vmem>>, vector<16xf32>,
    %mul3A_1850 = arith.mulf %get3A_1849, %get3A_1849 : vector<16xf32>
    %mul3A_1851 = arith.mulf %mul3A_1850, %select_n3A_1797 : vector<16xf32>
    %add3A_1852 = arith.addf %add3A_1847, %mul3A_1851 : vector<16xf32>
    %get3A_1853 = arith.constant 944 : index
    %get3A_1854 = tpu.vector_load %arg6[%get3A_1853] {strides = array<i32>} : memref<2304xf32, #tpu.memory_space<vmem>>, vector<16xf32>,
    %mul3A_1855 = arith.mulf %get3A_1854, %get3A_1854 : vector<16xf32>
    %mul3A_1856 = arith.mulf %mul3A_1855, %select_n3A_1797 : vector<16xf32>
    %add3A_1857 = arith.addf %add3A_1852, %mul3A_1856 : vector<16xf32>
    %get3A_1858 = arith.constant 960 : index
    %get3A_1859 = tpu.vector_load %arg6[%get3A_1858] {strides = array<i32>} : memref<2304xf32, #tpu.memory_space<vmem>>, vector<16xf32>,
    %mul3A_1860 = arith.mulf %get3A_1859, %get3A_1859 : vector<16xf32>
    %mul3A_1861 = arith.mulf %mul3A_1860, %select_n3A_1797 : vector<16xf32>
    %add3A_1862 = arith.addf %add3A_1857, %mul3A_1861 : vector<16xf32>
    %get3A_1863 = arith.constant 976 : index
    %get3A_1864 = tpu.vector_load %arg6[%get3A_1863] {strides = array<i32>} : memref<2304xf32, #tpu.memory_space<vmem>>, vector<16xf32>,
    %mul3A_1865 = arith.mulf %get3A_1864, %get3A_1864 : vector<16xf32>
    %mul3A_1866 = arith.mulf %mul3A_1865, %select_n3A_1797 : vector<16xf32>
    %add3A_1867 = arith.addf %add3A_1862, %mul3A_1866 : vector<16xf32>
    %get3A_1868 = arith.constant 992 : index
    %get3A_1869 = tpu.vector_load %arg6[%get3A_1868] {strides = array<i32>} : memref<2304xf32, #tpu.memory_space<vmem>>, vector<16xf32>,
    %mul3A_1870 = arith.mulf %get3A_1869, %get3A_1869 : vector<16xf32>
    %mul3A_1871 = arith.mulf %mul3A_1870, %select_n3A_1797 : vector<16xf32>
    %add3A_1872 = arith.addf %add3A_1867, %mul3A_1871 : vector<16xf32>
    %get3A_1873 = arith.constant 1008 : index
    %get3A_1874 = tpu.vector_load %arg6[%get3A_1873] {strides = array<i32>} : memref<2304xf32, #tpu.memory_space<vmem>>, vector<16xf32>,
    %mul3A_1875 = arith.mulf %get3A_1874, %get3A_1874 : vector<16xf32>
    %mul3A_1876 = arith.mulf %mul3A_1875, %select_n3A_1797 : vector<16xf32>
    %add3A_1877 = arith.addf %add3A_1872, %mul3A_1876 : vector<16xf32>
    %get3A_1878 = arith.constant 1024 : index
    %get3A_1879 = tpu.vector_load %arg6[%get3A_1878] {strides = array<i32>} : memref<2304xf32, #tpu.memory_space<vmem>>, vector<16xf32>,
    %mul3A_1880 = arith.mulf %get3A_1879, %get3A_1879 : vector<16xf32>
    %mul3A_1881 = arith.mulf %mul3A_1880, %select_n3A_1797 : vector<16xf32>
    %add3A_1882 = arith.addf %add3A_1877, %mul3A_1881 : vector<16xf32>
    %get3A_1883 = arith.constant 1040 : index
    %get3A_1884 = tpu.vector_load %arg6[%get3A_1883] {strides = array<i32>} : memref<2304xf32, #tpu.memory_space<vmem>>, vector<16xf32>,
    %mul3A_1885 = arith.mulf %get3A_1884, %get3A_1884 : vector<16xf32>
    %mul3A_1886 = arith.mulf %mul3A_1885, %select_n3A_1797 : vector<16xf32>
    %add3A_1887 = arith.addf %add3A_1882, %mul3A_1886 : vector<16xf32>
    %get3A_1888 = arith.constant 1056 : index
    %get3A_1889 = tpu.vector_load %arg6[%get3A_1888] {strides = array<i32>} : memref<2304xf32, #tpu.memory_space<vmem>>, vector<16xf32>,
    %mul3A_1890 = arith.mulf %get3A_1889, %get3A_1889 : vector<16xf32>
    %mul3A_1891 = arith.mulf %mul3A_1890, %select_n3A_1797 : vector<16xf32>
    %add3A_1892 = arith.addf %add3A_1887, %mul3A_1891 : vector<16xf32>
    %get3A_1893 = arith.constant 1072 : index
    %get3A_1894 = tpu.vector_load %arg6[%get3A_1893] {strides = array<i32>} : memref<2304xf32, #tpu.memory_space<vmem>>, vector<16xf32>,
    %mul3A_1895 = arith.mulf %get3A_1894, %get3A_1894 : vector<16xf32>
    %mul3A_1896 = arith.mulf %mul3A_1895, %select_n3A_1797 : vector<16xf32>
    %add3A_1897 = arith.addf %add3A_1892, %mul3A_1896 : vector<16xf32>
    %get3A_1898 = arith.constant 1088 : index
    %get3A_1899 = tpu.vector_load %arg6[%get3A_1898] {strides = array<i32>} : memref<2304xf32, #tpu.memory_space<vmem>>, vector<16xf32>,
    %mul3A_1900 = arith.mulf %get3A_1899, %get3A_1899 : vector<16xf32>
    %mul3A_1901 = arith.mulf %mul3A_1900, %select_n3A_1797 : vector<16xf32>
    %add3A_1902 = arith.addf %add3A_1897, %mul3A_1901 : vector<16xf32>
    %get3A_1903 = arith.constant 1104 : index
    %get3A_1904 = tpu.vector_load %arg6[%get3A_1903] {strides = array<i32>} : memref<2304xf32, #tpu.memory_space<vmem>>, vector<16xf32>,
    %mul3A_1905 = arith.mulf %get3A_1904, %get3A_1904 : vector<16xf32>
    %mul3A_1906 = arith.mulf %mul3A_1905, %select_n3A_1797 : vector<16xf32>
    %add3A_1907 = arith.addf %add3A_1902, %mul3A_1906 : vector<16xf32>
    %get3A_1908 = arith.constant 1120 : index
    %get3A_1909 = tpu.vector_load %arg6[%get3A_1908] {strides = array<i32>} : memref<2304xf32, #tpu.memory_space<vmem>>, vector<16xf32>,
    %mul3A_1910 = arith.mulf %get3A_1909, %get3A_1909 : vector<16xf32>
    %mul3A_1911 = arith.mulf %mul3A_1910, %select_n3A_1797 : vector<16xf32>
    %add3A_1912 = arith.addf %add3A_1907, %mul3A_1911 : vector<16xf32>
    %get3A_1913 = arith.constant 1136 : index
    %get3A_1914 = tpu.vector_load %arg6[%get3A_1913] {strides = array<i32>} : memref<2304xf32, #tpu.memory_space<vmem>>, vector<16xf32>,
    %mul3A_1915 = arith.mulf %get3A_1914, %get3A_1914 : vector<16xf32>
    %mul3A_1916 = arith.mulf %mul3A_1915, %select_n3A_1797 : vector<16xf32>
    %add3A_1917 = arith.addf %add3A_1912, %mul3A_1916 : vector<16xf32>
    %add3A_1918 = arith.constant 96 : i32
    %add3A_1919 = arith.addi %add3A, %add3A_1918 : i32
    %broadcast_in_dim3A_1920 = vector.broadcast %add3A_1919 : i32 to vector<16xi32>
    %lt3A_1921 = arith.constant 169 : i32
    %lt3A_1922 = vector.broadcast %lt3A_1921 : i32 to vector<16xi32>
    %lt3A_1923 = arith.cmpi slt, %broadcast_in_dim3A_1920, %lt3A_1922 : vector<16xi32>
    %jit3A_1924 = arith.constant 1.000000e+00 : f32
    %jit3A_1925 = arith.constant 0.000000e+00 : f32
    %broadcast_in_dim3A_1926 = vector.broadcast %jit3A_1924 : f32 to vector<16xf32>
    %broadcast_in_dim3A_1927 = vector.broadcast %jit3A_1925 : f32 to vector<16xf32>
    %select_n3A_1928 = arith.select %lt3A_1923, %broadcast_in_dim3A_1926, %broadcast_in_dim3A_1927 : vector<16xi1>, vector<16xf32>
    %get3A_1929 = arith.constant 1152 : index
    %get3A_1930 = tpu.vector_load %arg6[%get3A_1929] {strides = array<i32>} : memref<2304xf32, #tpu.memory_space<vmem>>, vector<16xf32>,
    %mul3A_1931 = arith.mulf %get3A_1930, %get3A_1930 : vector<16xf32>
    %mul3A_1932 = arith.mulf %mul3A_1931, %select_n3A_1928 : vector<16xf32>
    %add3A_1933 = arith.addf %add3A_1917, %mul3A_1932 : vector<16xf32>
    %get3A_1934 = arith.constant 1168 : index
    %get3A_1935 = tpu.vector_load %arg6[%get3A_1934] {strides = array<i32>} : memref<2304xf32, #tpu.memory_space<vmem>>, vector<16xf32>,
    %mul3A_1936 = arith.mulf %get3A_1935, %get3A_1935 : vector<16xf32>
    %mul3A_1937 = arith.mulf %mul3A_1936, %select_n3A_1928 : vector<16xf32>
    %add3A_1938 = arith.addf %add3A_1933, %mul3A_1937 : vector<16xf32>
    %get3A_1939 = arith.constant 1184 : index
    %get3A_1940 = tpu.vector_load %arg6[%get3A_1939] {strides = array<i32>} : memref<2304xf32, #tpu.memory_space<vmem>>, vector<16xf32>,
    %mul3A_1941 = arith.mulf %get3A_1940, %get3A_1940 : vector<16xf32>
    %mul3A_1942 = arith.mulf %mul3A_1941, %select_n3A_1928 : vector<16xf32>
    %add3A_1943 = arith.addf %add3A_1938, %mul3A_1942 : vector<16xf32>
    %get3A_1944 = arith.constant 1200 : index
    %get3A_1945 = tpu.vector_load %arg6[%get3A_1944] {strides = array<i32>} : memref<2304xf32, #tpu.memory_space<vmem>>, vector<16xf32>,
    %mul3A_1946 = arith.mulf %get3A_1945, %get3A_1945 : vector<16xf32>
    %mul3A_1947 = arith.mulf %mul3A_1946, %select_n3A_1928 : vector<16xf32>
    %add3A_1948 = arith.addf %add3A_1943, %mul3A_1947 : vector<16xf32>
    %get3A_1949 = arith.constant 1216 : index
    %get3A_1950 = tpu.vector_load %arg6[%get3A_1949] {strides = array<i32>} : memref<2304xf32, #tpu.memory_space<vmem>>, vector<16xf32>,
    %mul3A_1951 = arith.mulf %get3A_1950, %get3A_1950 : vector<16xf32>
    %mul3A_1952 = arith.mulf %mul3A_1951, %select_n3A_1928 : vector<16xf32>
    %add3A_1953 = arith.addf %add3A_1948, %mul3A_1952 : vector<16xf32>
    %get3A_1954 = arith.constant 1232 : index
    %get3A_1955 = tpu.vector_load %arg6[%get3A_1954] {strides = array<i32>} : memref<2304xf32, #tpu.memory_space<vmem>>, vector<16xf32>,
    %mul3A_1956 = arith.mulf %get3A_1955, %get3A_1955 : vector<16xf32>
    %mul3A_1957 = arith.mulf %mul3A_1956, %select_n3A_1928 : vector<16xf32>
    %add3A_1958 = arith.addf %add3A_1953, %mul3A_1957 : vector<16xf32>
    %get3A_1959 = arith.constant 1248 : index
    %get3A_1960 = tpu.vector_load %arg6[%get3A_1959] {strides = array<i32>} : memref<2304xf32, #tpu.memory_space<vmem>>, vector<16xf32>,
    %mul3A_1961 = arith.mulf %get3A_1960, %get3A_1960 : vector<16xf32>
    %mul3A_1962 = arith.mulf %mul3A_1961, %select_n3A_1928 : vector<16xf32>
    %add3A_1963 = arith.addf %add3A_1958, %mul3A_1962 : vector<16xf32>
    %get3A_1964 = arith.constant 1264 : index
    %get3A_1965 = tpu.vector_load %arg6[%get3A_1964] {strides = array<i32>} : memref<2304xf32, #tpu.memory_space<vmem>>, vector<16xf32>,
    %mul3A_1966 = arith.mulf %get3A_1965, %get3A_1965 : vector<16xf32>
    %mul3A_1967 = arith.mulf %mul3A_1966, %select_n3A_1928 : vector<16xf32>
    %add3A_1968 = arith.addf %add3A_1963, %mul3A_1967 : vector<16xf32>
    %get3A_1969 = arith.constant 1280 : index
    %get3A_1970 = tpu.vector_load %arg6[%get3A_1969] {strides = array<i32>} : memref<2304xf32, #tpu.memory_space<vmem>>, vector<16xf32>,
    %mul3A_1971 = arith.mulf %get3A_1970, %get3A_1970 : vector<16xf32>
    %mul3A_1972 = arith.mulf %mul3A_1971, %select_n3A_1928 : vector<16xf32>
    %add3A_1973 = arith.addf %add3A_1968, %mul3A_1972 : vector<16xf32>
    %get3A_1974 = arith.constant 1296 : index
    %get3A_1975 = tpu.vector_load %arg6[%get3A_1974] {strides = array<i32>} : memref<2304xf32, #tpu.memory_space<vmem>>, vector<16xf32>,
    %mul3A_1976 = arith.mulf %get3A_1975, %get3A_1975 : vector<16xf32>
    %mul3A_1977 = arith.mulf %mul3A_1976, %select_n3A_1928 : vector<16xf32>
    %add3A_1978 = arith.addf %add3A_1973, %mul3A_1977 : vector<16xf32>
    %get3A_1979 = arith.constant 1312 : index
    %get3A_1980 = tpu.vector_load %arg6[%get3A_1979] {strides = array<i32>} : memref<2304xf32, #tpu.memory_space<vmem>>, vector<16xf32>,
    %mul3A_1981 = arith.mulf %get3A_1980, %get3A_1980 : vector<16xf32>
    %mul3A_1982 = arith.mulf %mul3A_1981, %select_n3A_1928 : vector<16xf32>
    %add3A_1983 = arith.addf %add3A_1978, %mul3A_1982 : vector<16xf32>
    %get3A_1984 = arith.constant 1328 : index
    %get3A_1985 = tpu.vector_load %arg6[%get3A_1984] {strides = array<i32>} : memref<2304xf32, #tpu.memory_space<vmem>>, vector<16xf32>,
    %mul3A_1986 = arith.mulf %get3A_1985, %get3A_1985 : vector<16xf32>
    %mul3A_1987 = arith.mulf %mul3A_1986, %select_n3A_1928 : vector<16xf32>
    %add3A_1988 = arith.addf %add3A_1983, %mul3A_1987 : vector<16xf32>
    %get3A_1989 = arith.constant 1344 : index
    %get3A_1990 = tpu.vector_load %arg6[%get3A_1989] {strides = array<i32>} : memref<2304xf32, #tpu.memory_space<vmem>>, vector<16xf32>,
    %mul3A_1991 = arith.mulf %get3A_1990, %get3A_1990 : vector<16xf32>
    %mul3A_1992 = arith.mulf %mul3A_1991, %select_n3A_1928 : vector<16xf32>
    %add3A_1993 = arith.addf %add3A_1988, %mul3A_1992 : vector<16xf32>
    %get3A_1994 = arith.constant 1360 : index
    %get3A_1995 = tpu.vector_load %arg6[%get3A_1994] {strides = array<i32>} : memref<2304xf32, #tpu.memory_space<vmem>>, vector<16xf32>,
    %mul3A_1996 = arith.mulf %get3A_1995, %get3A_1995 : vector<16xf32>
    %mul3A_1997 = arith.mulf %mul3A_1996, %select_n3A_1928 : vector<16xf32>
    %add3A_1998 = arith.addf %add3A_1993, %mul3A_1997 : vector<16xf32>
    %get3A_1999 = arith.constant 1376 : index
    %get3A_2000 = tpu.vector_load %arg6[%get3A_1999] {strides = array<i32>} : memref<2304xf32, #tpu.memory_space<vmem>>, vector<16xf32>,
    %mul3A_2001 = arith.mulf %get3A_2000, %get3A_2000 : vector<16xf32>
    %mul3A_2002 = arith.mulf %mul3A_2001, %select_n3A_1928 : vector<16xf32>
    %add3A_2003 = arith.addf %add3A_1998, %mul3A_2002 : vector<16xf32>
    %get3A_2004 = arith.constant 1392 : index
    %get3A_2005 = tpu.vector_load %arg6[%get3A_2004] {strides = array<i32>} : memref<2304xf32, #tpu.memory_space<vmem>>, vector<16xf32>,
    %mul3A_2006 = arith.mulf %get3A_2005, %get3A_2005 : vector<16xf32>
    %mul3A_2007 = arith.mulf %mul3A_2006, %select_n3A_1928 : vector<16xf32>
    %add3A_2008 = arith.addf %add3A_2003, %mul3A_2007 : vector<16xf32>
    %get3A_2009 = arith.constant 1408 : index
    %get3A_2010 = tpu.vector_load %arg6[%get3A_2009] {strides = array<i32>} : memref<2304xf32, #tpu.memory_space<vmem>>, vector<16xf32>,
    %mul3A_2011 = arith.mulf %get3A_2010, %get3A_2010 : vector<16xf32>
    %mul3A_2012 = arith.mulf %mul3A_2011, %select_n3A_1928 : vector<16xf32>
    %add3A_2013 = arith.addf %add3A_2008, %mul3A_2012 : vector<16xf32>
    %get3A_2014 = arith.constant 1424 : index
    %get3A_2015 = tpu.vector_load %arg6[%get3A_2014] {strides = array<i32>} : memref<2304xf32, #tpu.memory_space<vmem>>, vector<16xf32>,
    %mul3A_2016 = arith.mulf %get3A_2015, %get3A_2015 : vector<16xf32>
    %mul3A_2017 = arith.mulf %mul3A_2016, %select_n3A_1928 : vector<16xf32>
    %add3A_2018 = arith.addf %add3A_2013, %mul3A_2017 : vector<16xf32>
    %get3A_2019 = arith.constant 1440 : index
    %get3A_2020 = tpu.vector_load %arg6[%get3A_2019] {strides = array<i32>} : memref<2304xf32, #tpu.memory_space<vmem>>, vector<16xf32>,
    %mul3A_2021 = arith.mulf %get3A_2020, %get3A_2020 : vector<16xf32>
    %mul3A_2022 = arith.mulf %mul3A_2021, %select_n3A_1928 : vector<16xf32>
    %add3A_2023 = arith.addf %add3A_2018, %mul3A_2022 : vector<16xf32>
    %get3A_2024 = arith.constant 1456 : index
    %get3A_2025 = tpu.vector_load %arg6[%get3A_2024] {strides = array<i32>} : memref<2304xf32, #tpu.memory_space<vmem>>, vector<16xf32>,
    %mul3A_2026 = arith.mulf %get3A_2025, %get3A_2025 : vector<16xf32>
    %mul3A_2027 = arith.mulf %mul3A_2026, %select_n3A_1928 : vector<16xf32>
    %add3A_2028 = arith.addf %add3A_2023, %mul3A_2027 : vector<16xf32>
    %get3A_2029 = arith.constant 1472 : index
    %get3A_2030 = tpu.vector_load %arg6[%get3A_2029] {strides = array<i32>} : memref<2304xf32, #tpu.memory_space<vmem>>, vector<16xf32>,
    %mul3A_2031 = arith.mulf %get3A_2030, %get3A_2030 : vector<16xf32>
    %mul3A_2032 = arith.mulf %mul3A_2031, %select_n3A_1928 : vector<16xf32>
    %add3A_2033 = arith.addf %add3A_2028, %mul3A_2032 : vector<16xf32>
    %get3A_2034 = arith.constant 1488 : index
    %get3A_2035 = tpu.vector_load %arg6[%get3A_2034] {strides = array<i32>} : memref<2304xf32, #tpu.memory_space<vmem>>, vector<16xf32>,
    %mul3A_2036 = arith.mulf %get3A_2035, %get3A_2035 : vector<16xf32>
    %mul3A_2037 = arith.mulf %mul3A_2036, %select_n3A_1928 : vector<16xf32>
    %add3A_2038 = arith.addf %add3A_2033, %mul3A_2037 : vector<16xf32>
    %get3A_2039 = arith.constant 1504 : index
    %get3A_2040 = tpu.vector_load %arg6[%get3A_2039] {strides = array<i32>} : memref<2304xf32, #tpu.memory_space<vmem>>, vector<16xf32>,
    %mul3A_2041 = arith.mulf %get3A_2040, %get3A_2040 : vector<16xf32>
    %mul3A_2042 = arith.mulf %mul3A_2041, %select_n3A_1928 : vector<16xf32>
    %add3A_2043 = arith.addf %add3A_2038, %mul3A_2042 : vector<16xf32>
    %get3A_2044 = arith.constant 1520 : index
    %get3A_2045 = tpu.vector_load %arg6[%get3A_2044] {strides = array<i32>} : memref<2304xf32, #tpu.memory_space<vmem>>, vector<16xf32>,
    %mul3A_2046 = arith.mulf %get3A_2045, %get3A_2045 : vector<16xf32>
    %mul3A_2047 = arith.mulf %mul3A_2046, %select_n3A_1928 : vector<16xf32>
    %add3A_2048 = arith.addf %add3A_2043, %mul3A_2047 : vector<16xf32>
    %add3A_2049 = arith.constant 128 : i32
    %add3A_2050 = arith.addi %add3A, %add3A_2049 : i32
    %broadcast_in_dim3A_2051 = vector.broadcast %add3A_2050 : i32 to vector<16xi32>
    %lt3A_2052 = arith.constant 169 : i32
    %lt3A_2053 = vector.broadcast %lt3A_2052 : i32 to vector<16xi32>
    %lt3A_2054 = arith.cmpi slt, %broadcast_in_dim3A_2051, %lt3A_2053 : vector<16xi32>
    %jit3A_2055 = arith.constant 1.000000e+00 : f32
    %jit3A_2056 = arith.constant 0.000000e+00 : f32
    %broadcast_in_dim3A_2057 = vector.broadcast %jit3A_2055 : f32 to vector<16xf32>
    %broadcast_in_dim3A_2058 = vector.broadcast %jit3A_2056 : f32 to vector<16xf32>
    %select_n3A_2059 = arith.select %lt3A_2054, %broadcast_in_dim3A_2057, %broadcast_in_dim3A_2058 : vector<16xi1>, vector<16xf32>
    %get3A_2060 = arith.constant 1536 : index
    %get3A_2061 = tpu.vector_load %arg6[%get3A_2060] {strides = array<i32>} : memref<2304xf32, #tpu.memory_space<vmem>>, vector<16xf32>,
    %mul3A_2062 = arith.mulf %get3A_2061, %get3A_2061 : vector<16xf32>
    %mul3A_2063 = arith.mulf %mul3A_2062, %select_n3A_2059 : vector<16xf32>
    %add3A_2064 = arith.addf %add3A_2048, %mul3A_2063 : vector<16xf32>
    %get3A_2065 = arith.constant 1552 : index
    %get3A_2066 = tpu.vector_load %arg6[%get3A_2065] {strides = array<i32>} : memref<2304xf32, #tpu.memory_space<vmem>>, vector<16xf32>,
    %mul3A_2067 = arith.mulf %get3A_2066, %get3A_2066 : vector<16xf32>
    %mul3A_2068 = arith.mulf %mul3A_2067, %select_n3A_2059 : vector<16xf32>
    %add3A_2069 = arith.addf %add3A_2064, %mul3A_2068 : vector<16xf32>
    %get3A_2070 = arith.constant 1568 : index
    %get3A_2071 = tpu.vector_load %arg6[%get3A_2070] {strides = array<i32>} : memref<2304xf32, #tpu.memory_space<vmem>>, vector<16xf32>,
    %mul3A_2072 = arith.mulf %get3A_2071, %get3A_2071 : vector<16xf32>
    %mul3A_2073 = arith.mulf %mul3A_2072, %select_n3A_2059 : vector<16xf32>
    %add3A_2074 = arith.addf %add3A_2069, %mul3A_2073 : vector<16xf32>
    %get3A_2075 = arith.constant 1584 : index
    %get3A_2076 = tpu.vector_load %arg6[%get3A_2075] {strides = array<i32>} : memref<2304xf32, #tpu.memory_space<vmem>>, vector<16xf32>,
    %mul3A_2077 = arith.mulf %get3A_2076, %get3A_2076 : vector<16xf32>
    %mul3A_2078 = arith.mulf %mul3A_2077, %select_n3A_2059 : vector<16xf32>
    %add3A_2079 = arith.addf %add3A_2074, %mul3A_2078 : vector<16xf32>
    %get3A_2080 = arith.constant 1600 : index
    %get3A_2081 = tpu.vector_load %arg6[%get3A_2080] {strides = array<i32>} : memref<2304xf32, #tpu.memory_space<vmem>>, vector<16xf32>,
    %mul3A_2082 = arith.mulf %get3A_2081, %get3A_2081 : vector<16xf32>
    %mul3A_2083 = arith.mulf %mul3A_2082, %select_n3A_2059 : vector<16xf32>
    %add3A_2084 = arith.addf %add3A_2079, %mul3A_2083 : vector<16xf32>
    %get3A_2085 = arith.constant 1616 : index
    %get3A_2086 = tpu.vector_load %arg6[%get3A_2085] {strides = array<i32>} : memref<2304xf32, #tpu.memory_space<vmem>>, vector<16xf32>,
    %mul3A_2087 = arith.mulf %get3A_2086, %get3A_2086 : vector<16xf32>
    %mul3A_2088 = arith.mulf %mul3A_2087, %select_n3A_2059 : vector<16xf32>
    %add3A_2089 = arith.addf %add3A_2084, %mul3A_2088 : vector<16xf32>
    %get3A_2090 = arith.constant 1632 : index
    %get3A_2091 = tpu.vector_load %arg6[%get3A_2090] {strides = array<i32>} : memref<2304xf32, #tpu.memory_space<vmem>>, vector<16xf32>,
    %mul3A_2092 = arith.mulf %get3A_2091, %get3A_2091 : vector<16xf32>
    %mul3A_2093 = arith.mulf %mul3A_2092, %select_n3A_2059 : vector<16xf32>
    %add3A_2094 = arith.addf %add3A_2089, %mul3A_2093 : vector<16xf32>
    %get3A_2095 = arith.constant 1648 : index
    %get3A_2096 = tpu.vector_load %arg6[%get3A_2095] {strides = array<i32>} : memref<2304xf32, #tpu.memory_space<vmem>>, vector<16xf32>,
    %mul3A_2097 = arith.mulf %get3A_2096, %get3A_2096 : vector<16xf32>
    %mul3A_2098 = arith.mulf %mul3A_2097, %select_n3A_2059 : vector<16xf32>
    %add3A_2099 = arith.addf %add3A_2094, %mul3A_2098 : vector<16xf32>
    %get3A_2100 = arith.constant 1664 : index
    %get3A_2101 = tpu.vector_load %arg6[%get3A_2100] {strides = array<i32>} : memref<2304xf32, #tpu.memory_space<vmem>>, vector<16xf32>,
    %mul3A_2102 = arith.mulf %get3A_2101, %get3A_2101 : vector<16xf32>
    %mul3A_2103 = arith.mulf %mul3A_2102, %select_n3A_2059 : vector<16xf32>
    %add3A_2104 = arith.addf %add3A_2099, %mul3A_2103 : vector<16xf32>
    %get3A_2105 = arith.constant 1680 : index
    %get3A_2106 = tpu.vector_load %arg6[%get3A_2105] {strides = array<i32>} : memref<2304xf32, #tpu.memory_space<vmem>>, vector<16xf32>,
    %mul3A_2107 = arith.mulf %get3A_2106, %get3A_2106 : vector<16xf32>
    %mul3A_2108 = arith.mulf %mul3A_2107, %select_n3A_2059 : vector<16xf32>
    %add3A_2109 = arith.addf %add3A_2104, %mul3A_2108 : vector<16xf32>
    %get3A_2110 = arith.constant 1696 : index
    %get3A_2111 = tpu.vector_load %arg6[%get3A_2110] {strides = array<i32>} : memref<2304xf32, #tpu.memory_space<vmem>>, vector<16xf32>,
    %mul3A_2112 = arith.mulf %get3A_2111, %get3A_2111 : vector<16xf32>
    %mul3A_2113 = arith.mulf %mul3A_2112, %select_n3A_2059 : vector<16xf32>
    %add3A_2114 = arith.addf %add3A_2109, %mul3A_2113 : vector<16xf32>
    %get3A_2115 = arith.constant 1712 : index
    %get3A_2116 = tpu.vector_load %arg6[%get3A_2115] {strides = array<i32>} : memref<2304xf32, #tpu.memory_space<vmem>>, vector<16xf32>,
    %mul3A_2117 = arith.mulf %get3A_2116, %get3A_2116 : vector<16xf32>
    %mul3A_2118 = arith.mulf %mul3A_2117, %select_n3A_2059 : vector<16xf32>
    %add3A_2119 = arith.addf %add3A_2114, %mul3A_2118 : vector<16xf32>
    %get3A_2120 = arith.constant 1728 : index
    %get3A_2121 = tpu.vector_load %arg6[%get3A_2120] {strides = array<i32>} : memref<2304xf32, #tpu.memory_space<vmem>>, vector<16xf32>,
    %mul3A_2122 = arith.mulf %get3A_2121, %get3A_2121 : vector<16xf32>
    %mul3A_2123 = arith.mulf %mul3A_2122, %select_n3A_2059 : vector<16xf32>
    %add3A_2124 = arith.addf %add3A_2119, %mul3A_2123 : vector<16xf32>
    %get3A_2125 = arith.constant 1744 : index
    %get3A_2126 = tpu.vector_load %arg6[%get3A_2125] {strides = array<i32>} : memref<2304xf32, #tpu.memory_space<vmem>>, vector<16xf32>,
    %mul3A_2127 = arith.mulf %get3A_2126, %get3A_2126 : vector<16xf32>
    %mul3A_2128 = arith.mulf %mul3A_2127, %select_n3A_2059 : vector<16xf32>
    %add3A_2129 = arith.addf %add3A_2124, %mul3A_2128 : vector<16xf32>
    %get3A_2130 = arith.constant 1760 : index
    %get3A_2131 = tpu.vector_load %arg6[%get3A_2130] {strides = array<i32>} : memref<2304xf32, #tpu.memory_space<vmem>>, vector<16xf32>,
    %mul3A_2132 = arith.mulf %get3A_2131, %get3A_2131 : vector<16xf32>
    %mul3A_2133 = arith.mulf %mul3A_2132, %select_n3A_2059 : vector<16xf32>
    %add3A_2134 = arith.addf %add3A_2129, %mul3A_2133 : vector<16xf32>
    %get3A_2135 = arith.constant 1776 : index
    %get3A_2136 = tpu.vector_load %arg6[%get3A_2135] {strides = array<i32>} : memref<2304xf32, #tpu.memory_space<vmem>>, vector<16xf32>,
    %mul3A_2137 = arith.mulf %get3A_2136, %get3A_2136 : vector<16xf32>
    %mul3A_2138 = arith.mulf %mul3A_2137, %select_n3A_2059 : vector<16xf32>
    %add3A_2139 = arith.addf %add3A_2134, %mul3A_2138 : vector<16xf32>
    %get3A_2140 = arith.constant 1792 : index
    %get3A_2141 = tpu.vector_load %arg6[%get3A_2140] {strides = array<i32>} : memref<2304xf32, #tpu.memory_space<vmem>>, vector<16xf32>,
    %mul3A_2142 = arith.mulf %get3A_2141, %get3A_2141 : vector<16xf32>
    %mul3A_2143 = arith.mulf %mul3A_2142, %select_n3A_2059 : vector<16xf32>
    %add3A_2144 = arith.addf %add3A_2139, %mul3A_2143 : vector<16xf32>
    %get3A_2145 = arith.constant 1808 : index
    %get3A_2146 = tpu.vector_load %arg6[%get3A_2145] {strides = array<i32>} : memref<2304xf32, #tpu.memory_space<vmem>>, vector<16xf32>,
    %mul3A_2147 = arith.mulf %get3A_2146, %get3A_2146 : vector<16xf32>
    %mul3A_2148 = arith.mulf %mul3A_2147, %select_n3A_2059 : vector<16xf32>
    %add3A_2149 = arith.addf %add3A_2144, %mul3A_2148 : vector<16xf32>
    %get3A_2150 = arith.constant 1824 : index
    %get3A_2151 = tpu.vector_load %arg6[%get3A_2150] {strides = array<i32>} : memref<2304xf32, #tpu.memory_space<vmem>>, vector<16xf32>,
    %mul3A_2152 = arith.mulf %get3A_2151, %get3A_2151 : vector<16xf32>
    %mul3A_2153 = arith.mulf %mul3A_2152, %select_n3A_2059 : vector<16xf32>
    %add3A_2154 = arith.addf %add3A_2149, %mul3A_2153 : vector<16xf32>
    %get3A_2155 = arith.constant 1840 : index
    %get3A_2156 = tpu.vector_load %arg6[%get3A_2155] {strides = array<i32>} : memref<2304xf32, #tpu.memory_space<vmem>>, vector<16xf32>,
    %mul3A_2157 = arith.mulf %get3A_2156, %get3A_2156 : vector<16xf32>
    %mul3A_2158 = arith.mulf %mul3A_2157, %select_n3A_2059 : vector<16xf32>
    %add3A_2159 = arith.addf %add3A_2154, %mul3A_2158 : vector<16xf32>
    %get3A_2160 = arith.constant 1856 : index
    %get3A_2161 = tpu.vector_load %arg6[%get3A_2160] {strides = array<i32>} : memref<2304xf32, #tpu.memory_space<vmem>>, vector<16xf32>,
    %mul3A_2162 = arith.mulf %get3A_2161, %get3A_2161 : vector<16xf32>
    %mul3A_2163 = arith.mulf %mul3A_2162, %select_n3A_2059 : vector<16xf32>
    %add3A_2164 = arith.addf %add3A_2159, %mul3A_2163 : vector<16xf32>
    %get3A_2165 = arith.constant 1872 : index
    %get3A_2166 = tpu.vector_load %arg6[%get3A_2165] {strides = array<i32>} : memref<2304xf32, #tpu.memory_space<vmem>>, vector<16xf32>,
    %mul3A_2167 = arith.mulf %get3A_2166, %get3A_2166 : vector<16xf32>
    %mul3A_2168 = arith.mulf %mul3A_2167, %select_n3A_2059 : vector<16xf32>
    %add3A_2169 = arith.addf %add3A_2164, %mul3A_2168 : vector<16xf32>
    %get3A_2170 = arith.constant 1888 : index
    %get3A_2171 = tpu.vector_load %arg6[%get3A_2170] {strides = array<i32>} : memref<2304xf32, #tpu.memory_space<vmem>>, vector<16xf32>,
    %mul3A_2172 = arith.mulf %get3A_2171, %get3A_2171 : vector<16xf32>
    %mul3A_2173 = arith.mulf %mul3A_2172, %select_n3A_2059 : vector<16xf32>
    %add3A_2174 = arith.addf %add3A_2169, %mul3A_2173 : vector<16xf32>
    %get3A_2175 = arith.constant 1904 : index
    %get3A_2176 = tpu.vector_load %arg6[%get3A_2175] {strides = array<i32>} : memref<2304xf32, #tpu.memory_space<vmem>>, vector<16xf32>,
    %mul3A_2177 = arith.mulf %get3A_2176, %get3A_2176 : vector<16xf32>
    %mul3A_2178 = arith.mulf %mul3A_2177, %select_n3A_2059 : vector<16xf32>
    %add3A_2179 = arith.addf %add3A_2174, %mul3A_2178 : vector<16xf32>
    %add3A_2180 = arith.constant 160 : i32
    %add3A_2181 = arith.addi %add3A, %add3A_2180 : i32
    %broadcast_in_dim3A_2182 = vector.broadcast %add3A_2181 : i32 to vector<16xi32>
    %lt3A_2183 = arith.constant 169 : i32
    %lt3A_2184 = vector.broadcast %lt3A_2183 : i32 to vector<16xi32>
    %lt3A_2185 = arith.cmpi slt, %broadcast_in_dim3A_2182, %lt3A_2184 : vector<16xi32>
    %jit3A_2186 = arith.constant 1.000000e+00 : f32
    %jit3A_2187 = arith.constant 0.000000e+00 : f32
    %broadcast_in_dim3A_2188 = vector.broadcast %jit3A_2186 : f32 to vector<16xf32>
    %broadcast_in_dim3A_2189 = vector.broadcast %jit3A_2187 : f32 to vector<16xf32>
    %select_n3A_2190 = arith.select %lt3A_2185, %broadcast_in_dim3A_2188, %broadcast_in_dim3A_2189 : vector<16xi1>, vector<16xf32>
    %get3A_2191 = arith.constant 1920 : index
    %get3A_2192 = tpu.vector_load %arg6[%get3A_2191] {strides = array<i32>} : memref<2304xf32, #tpu.memory_space<vmem>>, vector<16xf32>,
    %mul3A_2193 = arith.mulf %get3A_2192, %get3A_2192 : vector<16xf32>
    %mul3A_2194 = arith.mulf %mul3A_2193, %select_n3A_2190 : vector<16xf32>
    %add3A_2195 = arith.addf %add3A_2179, %mul3A_2194 : vector<16xf32>
    %get3A_2196 = arith.constant 1936 : index
    %get3A_2197 = tpu.vector_load %arg6[%get3A_2196] {strides = array<i32>} : memref<2304xf32, #tpu.memory_space<vmem>>, vector<16xf32>,
    %mul3A_2198 = arith.mulf %get3A_2197, %get3A_2197 : vector<16xf32>
    %mul3A_2199 = arith.mulf %mul3A_2198, %select_n3A_2190 : vector<16xf32>
    %add3A_2200 = arith.addf %add3A_2195, %mul3A_2199 : vector<16xf32>
    %get3A_2201 = arith.constant 1952 : index
    %get3A_2202 = tpu.vector_load %arg6[%get3A_2201] {strides = array<i32>} : memref<2304xf32, #tpu.memory_space<vmem>>, vector<16xf32>,
    %mul3A_2203 = arith.mulf %get3A_2202, %get3A_2202 : vector<16xf32>
    %mul3A_2204 = arith.mulf %mul3A_2203, %select_n3A_2190 : vector<16xf32>
    %add3A_2205 = arith.addf %add3A_2200, %mul3A_2204 : vector<16xf32>
    %get3A_2206 = arith.constant 1968 : index
    %get3A_2207 = tpu.vector_load %arg6[%get3A_2206] {strides = array<i32>} : memref<2304xf32, #tpu.memory_space<vmem>>, vector<16xf32>,
    %mul3A_2208 = arith.mulf %get3A_2207, %get3A_2207 : vector<16xf32>
    %mul3A_2209 = arith.mulf %mul3A_2208, %select_n3A_2190 : vector<16xf32>
    %add3A_2210 = arith.addf %add3A_2205, %mul3A_2209 : vector<16xf32>
    %get3A_2211 = arith.constant 1984 : index
    %get3A_2212 = tpu.vector_load %arg6[%get3A_2211] {strides = array<i32>} : memref<2304xf32, #tpu.memory_space<vmem>>, vector<16xf32>,
    %mul3A_2213 = arith.mulf %get3A_2212, %get3A_2212 : vector<16xf32>
    %mul3A_2214 = arith.mulf %mul3A_2213, %select_n3A_2190 : vector<16xf32>
    %add3A_2215 = arith.addf %add3A_2210, %mul3A_2214 : vector<16xf32>
    %get3A_2216 = arith.constant 2000 : index
    %get3A_2217 = tpu.vector_load %arg6[%get3A_2216] {strides = array<i32>} : memref<2304xf32, #tpu.memory_space<vmem>>, vector<16xf32>,
    %mul3A_2218 = arith.mulf %get3A_2217, %get3A_2217 : vector<16xf32>
    %mul3A_2219 = arith.mulf %mul3A_2218, %select_n3A_2190 : vector<16xf32>
    %add3A_2220 = arith.addf %add3A_2215, %mul3A_2219 : vector<16xf32>
    %get3A_2221 = arith.constant 2016 : index
    %get3A_2222 = tpu.vector_load %arg6[%get3A_2221] {strides = array<i32>} : memref<2304xf32, #tpu.memory_space<vmem>>, vector<16xf32>,
    %mul3A_2223 = arith.mulf %get3A_2222, %get3A_2222 : vector<16xf32>
    %mul3A_2224 = arith.mulf %mul3A_2223, %select_n3A_2190 : vector<16xf32>
    %add3A_2225 = arith.addf %add3A_2220, %mul3A_2224 : vector<16xf32>
    %get3A_2226 = arith.constant 2032 : index
    %get3A_2227 = tpu.vector_load %arg6[%get3A_2226] {strides = array<i32>} : memref<2304xf32, #tpu.memory_space<vmem>>, vector<16xf32>,
    %mul3A_2228 = arith.mulf %get3A_2227, %get3A_2227 : vector<16xf32>
    %mul3A_2229 = arith.mulf %mul3A_2228, %select_n3A_2190 : vector<16xf32>
    %add3A_2230 = arith.addf %add3A_2225, %mul3A_2229 : vector<16xf32>
    %get3A_2231 = arith.constant 2048 : index
    %get3A_2232 = tpu.vector_load %arg6[%get3A_2231] {strides = array<i32>} : memref<2304xf32, #tpu.memory_space<vmem>>, vector<16xf32>,
    %mul3A_2233 = arith.mulf %get3A_2232, %get3A_2232 : vector<16xf32>
    %mul3A_2234 = arith.mulf %mul3A_2233, %select_n3A_2190 : vector<16xf32>
    %add3A_2235 = arith.addf %add3A_2230, %mul3A_2234 : vector<16xf32>
    %get3A_2236 = arith.constant 2064 : index
    %get3A_2237 = tpu.vector_load %arg6[%get3A_2236] {strides = array<i32>} : memref<2304xf32, #tpu.memory_space<vmem>>, vector<16xf32>,
    %mul3A_2238 = arith.mulf %get3A_2237, %get3A_2237 : vector<16xf32>
    %mul3A_2239 = arith.mulf %mul3A_2238, %select_n3A_2190 : vector<16xf32>
    %add3A_2240 = arith.addf %add3A_2235, %mul3A_2239 : vector<16xf32>
    %get3A_2241 = arith.constant 2080 : index
    %get3A_2242 = tpu.vector_load %arg6[%get3A_2241] {strides = array<i32>} : memref<2304xf32, #tpu.memory_space<vmem>>, vector<16xf32>,
    %mul3A_2243 = arith.mulf %get3A_2242, %get3A_2242 : vector<16xf32>
    %mul3A_2244 = arith.mulf %mul3A_2243, %select_n3A_2190 : vector<16xf32>
    %add3A_2245 = arith.addf %add3A_2240, %mul3A_2244 : vector<16xf32>
    %get3A_2246 = arith.constant 2096 : index
    %get3A_2247 = tpu.vector_load %arg6[%get3A_2246] {strides = array<i32>} : memref<2304xf32, #tpu.memory_space<vmem>>, vector<16xf32>,
    %mul3A_2248 = arith.mulf %get3A_2247, %get3A_2247 : vector<16xf32>
    %mul3A_2249 = arith.mulf %mul3A_2248, %select_n3A_2190 : vector<16xf32>
    %add3A_2250 = arith.addf %add3A_2245, %mul3A_2249 : vector<16xf32>
    %get3A_2251 = arith.constant 2112 : index
    %get3A_2252 = tpu.vector_load %arg6[%get3A_2251] {strides = array<i32>} : memref<2304xf32, #tpu.memory_space<vmem>>, vector<16xf32>,
    %mul3A_2253 = arith.mulf %get3A_2252, %get3A_2252 : vector<16xf32>
    %mul3A_2254 = arith.mulf %mul3A_2253, %select_n3A_2190 : vector<16xf32>
    %add3A_2255 = arith.addf %add3A_2250, %mul3A_2254 : vector<16xf32>
    %get3A_2256 = arith.constant 2128 : index
    %get3A_2257 = tpu.vector_load %arg6[%get3A_2256] {strides = array<i32>} : memref<2304xf32, #tpu.memory_space<vmem>>, vector<16xf32>,
    %mul3A_2258 = arith.mulf %get3A_2257, %get3A_2257 : vector<16xf32>
    %mul3A_2259 = arith.mulf %mul3A_2258, %select_n3A_2190 : vector<16xf32>
    %add3A_2260 = arith.addf %add3A_2255, %mul3A_2259 : vector<16xf32>
    %get3A_2261 = arith.constant 2144 : index
    %get3A_2262 = tpu.vector_load %arg6[%get3A_2261] {strides = array<i32>} : memref<2304xf32, #tpu.memory_space<vmem>>, vector<16xf32>,
    %mul3A_2263 = arith.mulf %get3A_2262, %get3A_2262 : vector<16xf32>
    %mul3A_2264 = arith.mulf %mul3A_2263, %select_n3A_2190 : vector<16xf32>
    %add3A_2265 = arith.addf %add3A_2260, %mul3A_2264 : vector<16xf32>
    %get3A_2266 = arith.constant 2160 : index
    %get3A_2267 = tpu.vector_load %arg6[%get3A_2266] {strides = array<i32>} : memref<2304xf32, #tpu.memory_space<vmem>>, vector<16xf32>,
    %mul3A_2268 = arith.mulf %get3A_2267, %get3A_2267 : vector<16xf32>
    %mul3A_2269 = arith.mulf %mul3A_2268, %select_n3A_2190 : vector<16xf32>
    %add3A_2270 = arith.addf %add3A_2265, %mul3A_2269 : vector<16xf32>
    %get3A_2271 = arith.constant 2176 : index
    %get3A_2272 = tpu.vector_load %arg6[%get3A_2271] {strides = array<i32>} : memref<2304xf32, #tpu.memory_space<vmem>>, vector<16xf32>,
    %mul3A_2273 = arith.mulf %get3A_2272, %get3A_2272 : vector<16xf32>
    %mul3A_2274 = arith.mulf %mul3A_2273, %select_n3A_2190 : vector<16xf32>
    %add3A_2275 = arith.addf %add3A_2270, %mul3A_2274 : vector<16xf32>
    %get3A_2276 = arith.constant 2192 : index
    %get3A_2277 = tpu.vector_load %arg6[%get3A_2276] {strides = array<i32>} : memref<2304xf32, #tpu.memory_space<vmem>>, vector<16xf32>,
    %mul3A_2278 = arith.mulf %get3A_2277, %get3A_2277 : vector<16xf32>
    %mul3A_2279 = arith.mulf %mul3A_2278, %select_n3A_2190 : vector<16xf32>
    %add3A_2280 = arith.addf %add3A_2275, %mul3A_2279 : vector<16xf32>
    %get3A_2281 = arith.constant 2208 : index
    %get3A_2282 = tpu.vector_load %arg6[%get3A_2281] {strides = array<i32>} : memref<2304xf32, #tpu.memory_space<vmem>>, vector<16xf32>,
    %mul3A_2283 = arith.mulf %get3A_2282, %get3A_2282 : vector<16xf32>
    %mul3A_2284 = arith.mulf %mul3A_2283, %select_n3A_2190 : vector<16xf32>
    %add3A_2285 = arith.addf %add3A_2280, %mul3A_2284 : vector<16xf32>
    %get3A_2286 = arith.constant 2224 : index
    %get3A_2287 = tpu.vector_load %arg6[%get3A_2286] {strides = array<i32>} : memref<2304xf32, #tpu.memory_space<vmem>>, vector<16xf32>,
    %mul3A_2288 = arith.mulf %get3A_2287, %get3A_2287 : vector<16xf32>
    %mul3A_2289 = arith.mulf %mul3A_2288, %select_n3A_2190 : vector<16xf32>
    %add3A_2290 = arith.addf %add3A_2285, %mul3A_2289 : vector<16xf32>
    %get3A_2291 = arith.constant 2240 : index
    %get3A_2292 = tpu.vector_load %arg6[%get3A_2291] {strides = array<i32>} : memref<2304xf32, #tpu.memory_space<vmem>>, vector<16xf32>,
    %mul3A_2293 = arith.mulf %get3A_2292, %get3A_2292 : vector<16xf32>
    %mul3A_2294 = arith.mulf %mul3A_2293, %select_n3A_2190 : vector<16xf32>
    %add3A_2295 = arith.addf %add3A_2290, %mul3A_2294 : vector<16xf32>
    %get3A_2296 = arith.constant 2256 : index
    %get3A_2297 = tpu.vector_load %arg6[%get3A_2296] {strides = array<i32>} : memref<2304xf32, #tpu.memory_space<vmem>>, vector<16xf32>,
    %mul3A_2298 = arith.mulf %get3A_2297, %get3A_2297 : vector<16xf32>
    %mul3A_2299 = arith.mulf %mul3A_2298, %select_n3A_2190 : vector<16xf32>
    %add3A_2300 = arith.addf %add3A_2295, %mul3A_2299 : vector<16xf32>
    %get3A_2301 = arith.constant 2272 : index
    %get3A_2302 = tpu.vector_load %arg6[%get3A_2301] {strides = array<i32>} : memref<2304xf32, #tpu.memory_space<vmem>>, vector<16xf32>,
    %mul3A_2303 = arith.mulf %get3A_2302, %get3A_2302 : vector<16xf32>
    %mul3A_2304 = arith.mulf %mul3A_2303, %select_n3A_2190 : vector<16xf32>
    %add3A_2305 = arith.addf %add3A_2300, %mul3A_2304 : vector<16xf32>
    %get3A_2306 = arith.constant 2288 : index
    %get3A_2307 = tpu.vector_load %arg6[%get3A_2306] {strides = array<i32>} : memref<2304xf32, #tpu.memory_space<vmem>>, vector<16xf32>,
    %mul3A_2308 = arith.mulf %get3A_2307, %get3A_2307 : vector<16xf32>
    %mul3A_2309 = arith.mulf %mul3A_2308, %select_n3A_2190 : vector<16xf32>
    %add3A_2310 = arith.addf %add3A_2305, %mul3A_2309 : vector<16xf32>
    %dma_wait3A_2311 = arith.constant 7680 : i32
    %dma_wait3A_2312 = tpu.memref_slice %arg5[%dma_wait3A_2311] : memref<12800xf32, #tpu.memory_space<vmem>> -> memref<5120xf32, #tpu.memory_space<vmem>>
    %dma_wait3A_2313 = arith.constant 7680 : i32
    %dma_wait3A_2314 = tpu.memref_slice %arg3[%dma_wait3A_2313] : memref<12800xf32, #tpu.memory_space<hbm>> -> memref<5120xf32, #tpu.memory_space<hbm>>
    %dma_wait3A_2315 = arith.constant 7680 : i32
    %dma_wait3A_2316 = tpu.memref_slice %arg5[%dma_wait3A_2315] : memref<12800xf32, #tpu.memory_space<vmem>> -> memref<5120xf32, #tpu.memory_space<vmem>>
    %dma_wait3A_2317 = arith.constant 7680 : i32
    %dma_wait3A_2318 = tpu.memref_slice %arg3[%dma_wait3A_2317] : memref<12800xf32, #tpu.memory_space<hbm>> -> memref<5120xf32, #tpu.memory_space<hbm>>
    tpu.wait_dma2 semaphore(%arg14 : memref<!tpu.dma_semaphore, #tpu.memory_space<semaphore_mem>>) src(%dma_wait3A_2318 : memref<5120xf32, #tpu.memory_space<hbm>>) dst(%dma_wait3A_2316 : memref<5120xf32, #tpu.memory_space<vmem>>)
    %broadcast_in_dim3A_2319 = arith.constant 0.000000e+00 : f32
    %broadcast_in_dim3A_2320 = vector.broadcast %broadcast_in_dim3A_2319 : f32 to vector<16xf32>
    %broadcast_in_dim3A_2321 = arith.constant 0.000000e+00 : f32
    %broadcast_in_dim3A_2322 = vector.broadcast %broadcast_in_dim3A_2321 : f32 to vector<16xf32>
    %dma_wait3A_2323 = arith.constant 0 : i32
    %dma_wait3A_2324 = tpu.memref_slice %arg8[%dma_wait3A_2323] : memref<1536xf32, #tpu.memory_space<vmem>> -> memref<128xf32, #tpu.memory_space<vmem>>
    %dma_wait3A_2325 = arith.constant 0 : i32
    %dma_wait3A_2326 = tpu.memref_slice %arg7[%dma_wait3A_2325] : memref<1536xi32, #tpu.memory_space<vmem>> -> memref<128xi32, #tpu.memory_space<vmem>>
    %dma_wait3A_2327 = arith.constant 0 : i32
    %dma_wait3A_2328 = tpu.memref_slice %arg2[%dma_wait3A_2327] : memref<1168128xf32, #tpu.memory_space<hbm>> -> memref<1168128xf32, #tpu.memory_space<hbm>>
    tpu.wait_indirect_dma semaphore(%arg16 : memref<!tpu.dma_semaphore, #tpu.memory_space<semaphore_mem>>) src(%dma_wait3A_2328 : memref<1168128xf32, #tpu.memory_space<hbm>>) dst(%dma_wait3A_2324 : memref<128xf32, #tpu.memory_space<vmem>>)
    %dma_wait3A_2329 = arith.constant 128 : i32
    %dma_wait3A_2330 = tpu.memref_slice %arg8[%dma_wait3A_2329] : memref<1536xf32, #tpu.memory_space<vmem>> -> memref<128xf32, #tpu.memory_space<vmem>>
    %dma_wait3A_2331 = arith.constant 128 : i32
    %dma_wait3A_2332 = tpu.memref_slice %arg7[%dma_wait3A_2331] : memref<1536xi32, #tpu.memory_space<vmem>> -> memref<128xi32, #tpu.memory_space<vmem>>
    %dma_wait3A_2333 = arith.constant 0 : i32
    %dma_wait3A_2334 = tpu.memref_slice %arg2[%dma_wait3A_2333] : memref<1168128xf32, #tpu.memory_space<hbm>> -> memref<1168128xf32, #tpu.memory_space<hbm>>
    tpu.wait_indirect_dma semaphore(%arg16 : memref<!tpu.dma_semaphore, #tpu.memory_space<semaphore_mem>>) src(%dma_wait3A_2334 : memref<1168128xf32, #tpu.memory_space<hbm>>) dst(%dma_wait3A_2330 : memref<128xf32, #tpu.memory_space<vmem>>)
    %dma_wait3A_2335 = arith.constant 256 : i32
    %dma_wait3A_2336 = tpu.memref_slice %arg8[%dma_wait3A_2335] : memref<1536xf32, #tpu.memory_space<vmem>> -> memref<128xf32, #tpu.memory_space<vmem>>
    %dma_wait3A_2337 = arith.constant 256 : i32
    %dma_wait3A_2338 = tpu.memref_slice %arg7[%dma_wait3A_2337] : memref<1536xi32, #tpu.memory_space<vmem>> -> memref<128xi32, #tpu.memory_space<vmem>>
    %dma_wait3A_2339 = arith.constant 0 : i32
    %dma_wait3A_2340 = tpu.memref_slice %arg2[%dma_wait3A_2339] : memref<1168128xf32, #tpu.memory_space<hbm>> -> memref<1168128xf32, #tpu.memory_space<hbm>>
    tpu.wait_indirect_dma semaphore(%arg16 : memref<!tpu.dma_semaphore, #tpu.memory_space<semaphore_mem>>) src(%dma_wait3A_2340 : memref<1168128xf32, #tpu.memory_space<hbm>>) dst(%dma_wait3A_2336 : memref<128xf32, #tpu.memory_space<vmem>>)
    %mul3A_2341 = arith.constant 128 : i32
    %mul3A_2342 = vector.broadcast %mul3A_2341 : i32 to vector<16xi32>
    %mul3A_2343 = arith.muli %sub3A, %mul3A_2342 : vector<16xi32>
    %mul3A_2344 = arith.constant 4 : i32
    %mul3A_2345 = arith.muli %add3A, %mul3A_2344 : i32
    %add3A_2346 = vector.broadcast %mul3A_2345 : i32 to vector<16xi32>
    %add3A_2347 = arith.addi %add3A_2346, %add3A_285 : vector<16xi32>
    %add3A_2348 = arith.addi %mul3A_2343, %add3A_2347 : vector<16xi32>
    %gather3A_2349 = tpu.vector_load_idx %arg5[%add3A_2348] : memref<12800xf32, #tpu.memory_space<vmem>>[vector<16xi32>], vector<16xf32>,
    %add3A_2350 = arith.constant 2560 : i32
    %add3A_2351 = vector.broadcast %add3A_2350 : i32 to vector<16xi32>
    %add3A_2352 = arith.addi %add3A_2348, %add3A_2351 : vector<16xi32>
    %gather3A_2353 = tpu.vector_load_idx %arg5[%add3A_2352] : memref<12800xf32, #tpu.memory_space<vmem>>[vector<16xi32>], vector<16xf32>,
    %add3A_2354 = arith.constant 5120 : i32
    %add3A_2355 = vector.broadcast %add3A_2354 : i32 to vector<16xi32>
    %add3A_2356 = arith.addi %add3A_2348, %add3A_2355 : vector<16xi32>
    %gather3A_2357 = tpu.vector_load_idx %arg5[%add3A_2356] : memref<12800xf32, #tpu.memory_space<vmem>>[vector<16xi32>], vector<16xf32>,
    %add3A_2358 = arith.constant 7680 : i32
    %add3A_2359 = vector.broadcast %add3A_2358 : i32 to vector<16xi32>
    %add3A_2360 = arith.addi %add3A_2348, %add3A_2359 : vector<16xi32>
    %gather3A_2361 = tpu.vector_load_idx %arg5[%add3A_2360] : memref<12800xf32, #tpu.memory_space<vmem>>[vector<16xi32>], vector<16xf32>,
    %add3A_2362 = arith.constant 10240 : i32
    %add3A_2363 = vector.broadcast %add3A_2362 : i32 to vector<16xi32>
    %add3A_2364 = arith.addi %add3A_2348, %add3A_2363 : vector<16xi32>
    %gather3A_2365 = tpu.vector_load_idx %arg5[%add3A_2364] : memref<12800xf32, #tpu.memory_space<vmem>>[vector<16xi32>], vector<16xf32>,
    %mul3A_2366 = arith.constant 1.300000e+01 : f32
    %mul3A_2367 = vector.broadcast %mul3A_2366 : f32 to vector<16xf32>
    %mul3A_2368 = arith.mulf %gather3A_2353, %mul3A_2367 : vector<16xf32>
    %mul3A_2369 = arith.constant 1.300000e+01 : f32
    %mul3A_2370 = vector.broadcast %mul3A_2369 : f32 to vector<16xf32>
    %mul3A_2371 = arith.mulf %gather3A_2357, %mul3A_2370 : vector<16xf32>
    %convert_element_type3A_2372 = arith.fptosi %mul3A_2368 : vector<16xf32> to vector<16xi32>
    %convert_element_type3A_2373 = arith.sitofp %convert_element_type3A_2372 : vector<16xi32> to vector<16xf32>
    %gt3A_2374 = arith.cmpf ogt, %convert_element_type3A_2373, %mul3A_2368 : vector<16xf32>
    %jit3A_2375 = arith.constant 1 : i32
    %jit3A_2376 = arith.constant 0 : i32
    %broadcast_in_dim3A_2377 = vector.broadcast %jit3A_2375 : i32 to vector<16xi32>
    %broadcast_in_dim3A_2378 = vector.broadcast %jit3A_2376 : i32 to vector<16xi32>
    %select_n3A_2379 = arith.select %gt3A_2374, %broadcast_in_dim3A_2377, %broadcast_in_dim3A_2378 : vector<16xi1>, vector<16xi32>
    %sub3A_2380 = arith.subi %convert_element_type3A_2372, %select_n3A_2379 : vector<16xi32>
    %convert_element_type3A_2381 = arith.fptosi %mul3A_2371 : vector<16xf32> to vector<16xi32>
    %convert_element_type3A_2382 = arith.sitofp %convert_element_type3A_2381 : vector<16xi32> to vector<16xf32>
    %gt3A_2383 = arith.cmpf ogt, %convert_element_type3A_2382, %mul3A_2371 : vector<16xf32>
    %jit3A_2384 = arith.constant 1 : i32
    %jit3A_2385 = arith.constant 0 : i32
    %broadcast_in_dim3A_2386 = vector.broadcast %jit3A_2384 : i32 to vector<16xi32>
    %broadcast_in_dim3A_2387 = vector.broadcast %jit3A_2385 : i32 to vector<16xi32>
    %select_n3A_2388 = arith.select %gt3A_2383, %broadcast_in_dim3A_2386, %broadcast_in_dim3A_2387 : vector<16xi1>, vector<16xi32>
    %sub3A_2389 = arith.subi %convert_element_type3A_2381, %select_n3A_2388 : vector<16xi32>
    %lt3A_2390 = arith.constant 13 : i32
    %lt3A_2391 = vector.broadcast %lt3A_2390 : i32 to vector<16xi32>
    %lt3A_2392 = arith.cmpi slt, %sub3A_2380, %lt3A_2391 : vector<16xi32>
    %lt3A_2393 = arith.constant 13 : i32
    %lt3A_2394 = vector.broadcast %lt3A_2393 : i32 to vector<16xi32>
    %lt3A_2395 = arith.cmpi slt, %sub3A_2389, %lt3A_2394 : vector<16xi32>
    %and3A_2396 = arith.andi %lt3A_2392, %lt3A_2395 : vector<16xi1>
    %jit3A_2397 = arith.constant 1.000000e+00 : f32
    %jit3A_2398 = arith.constant 0.000000e+00 : f32
    %broadcast_in_dim3A_2399 = vector.broadcast %jit3A_2397 : f32 to vector<16xf32>
    %broadcast_in_dim3A_2400 = vector.broadcast %jit3A_2398 : f32 to vector<16xf32>
    %select_n3A_2401 = arith.select %and3A_2396, %broadcast_in_dim3A_2399, %broadcast_in_dim3A_2400 : vector<16xi1>, vector<16xf32>
    %mul3A_2402 = arith.constant 176 : i32
    %mul3A_2403 = vector.broadcast %mul3A_2402 : i32 to vector<16xi32>
    %mul3A_2404 = arith.muli %mul3A_2403, %add3A_285 : vector<16xi32>
    %add3A_2405 = arith.addi %mul3A_2404, %add3A_497 : vector<16xi32>
    %gather3A_2406 = tpu.vector_load_idx %arg9[%add3A_2405] : memref<704xi32, #tpu.memory_space<vmem>>[vector<16xi32>], vector<16xi32>,
    %eq3A = arith.cmpi eq, %gather3A_2406, %sub3A : vector<16xi32>
    %and3A_2407 = arith.andi %eq3A, %and3A_2396 : vector<16xi1>
    %jit3A_2408 = arith.constant 1.000000e+00 : f32
    %jit3A_2409 = arith.constant 0.000000e+00 : f32
    %broadcast_in_dim3A_2410 = vector.broadcast %jit3A_2408 : f32 to vector<16xf32>
    %broadcast_in_dim3A_2411 = vector.broadcast %jit3A_2409 : f32 to vector<16xf32>
    %select_n3A_2412 = arith.select %and3A_2407, %broadcast_in_dim3A_2410, %broadcast_in_dim3A_2411 : vector<16xi1>, vector<16xf32>
    %get3A_2413 = arith.constant 0 : index
    %get3A_2414 = tpu.vector_load %arg8[%get3A_2413] {strides = array<i32>} : memref<1536xf32, #tpu.memory_space<vmem>>, vector<16xf32>,
    %get3A_2415 = arith.constant 16 : index
    %get3A_2416 = tpu.vector_load %arg8[%get3A_2415] {strides = array<i32>} : memref<1536xf32, #tpu.memory_space<vmem>>, vector<16xf32>,
    %get3A_2417 = arith.constant 32 : index
    %get3A_2418 = tpu.vector_load %arg8[%get3A_2417] {strides = array<i32>} : memref<1536xf32, #tpu.memory_space<vmem>>, vector<16xf32>,
    %get3A_2419 = arith.constant 48 : index
    %get3A_2420 = tpu.vector_load %arg8[%get3A_2419] {strides = array<i32>} : memref<1536xf32, #tpu.memory_space<vmem>>, vector<16xf32>,
    %get3A_2421 = arith.constant 64 : index
    %get3A_2422 = tpu.vector_load %arg8[%get3A_2421] {strides = array<i32>} : memref<1536xf32, #tpu.memory_space<vmem>>, vector<16xf32>,
    %get3A_2423 = arith.constant 80 : index
    %get3A_2424 = tpu.vector_load %arg8[%get3A_2423] {strides = array<i32>} : memref<1536xf32, #tpu.memory_space<vmem>>, vector<16xf32>,
    %get3A_2425 = arith.constant 96 : index
    %get3A_2426 = tpu.vector_load %arg8[%get3A_2425] {strides = array<i32>} : memref<1536xf32, #tpu.memory_space<vmem>>, vector<16xf32>,
    %get3A_2427 = arith.constant 112 : index
    %get3A_2428 = tpu.vector_load %arg8[%get3A_2427] {strides = array<i32>} : memref<1536xf32, #tpu.memory_space<vmem>>, vector<16xf32>,
    %get3A_2429 = arith.constant 128 : index
    %get3A_2430 = tpu.vector_load %arg8[%get3A_2429] {strides = array<i32>} : memref<1536xf32, #tpu.memory_space<vmem>>, vector<16xf32>,
    %get3A_2431 = arith.constant 144 : index
    %get3A_2432 = tpu.vector_load %arg8[%get3A_2431] {strides = array<i32>} : memref<1536xf32, #tpu.memory_space<vmem>>, vector<16xf32>,
    %get3A_2433 = arith.constant 160 : index
    %get3A_2434 = tpu.vector_load %arg8[%get3A_2433] {strides = array<i32>} : memref<1536xf32, #tpu.memory_space<vmem>>, vector<16xf32>,
    %get3A_2435 = arith.constant 176 : index
    %get3A_2436 = tpu.vector_load %arg8[%get3A_2435] {strides = array<i32>} : memref<1536xf32, #tpu.memory_space<vmem>>, vector<16xf32>,
    %get3A_2437 = arith.constant 192 : index
    %get3A_2438 = tpu.vector_load %arg8[%get3A_2437] {strides = array<i32>} : memref<1536xf32, #tpu.memory_space<vmem>>, vector<16xf32>,
    %get3A_2439 = arith.constant 208 : index
    %get3A_2440 = tpu.vector_load %arg8[%get3A_2439] {strides = array<i32>} : memref<1536xf32, #tpu.memory_space<vmem>>, vector<16xf32>,
    %get3A_2441 = arith.constant 224 : index
    %get3A_2442 = tpu.vector_load %arg8[%get3A_2441] {strides = array<i32>} : memref<1536xf32, #tpu.memory_space<vmem>>, vector<16xf32>,
    %get3A_2443 = arith.constant 240 : index
    %get3A_2444 = tpu.vector_load %arg8[%get3A_2443] {strides = array<i32>} : memref<1536xf32, #tpu.memory_space<vmem>>, vector<16xf32>,
    %get3A_2445 = arith.constant 256 : index
    %get3A_2446 = tpu.vector_load %arg8[%get3A_2445] {strides = array<i32>} : memref<1536xf32, #tpu.memory_space<vmem>>, vector<16xf32>,
    %get3A_2447 = arith.constant 272 : index
    %get3A_2448 = tpu.vector_load %arg8[%get3A_2447] {strides = array<i32>} : memref<1536xf32, #tpu.memory_space<vmem>>, vector<16xf32>,
    %get3A_2449 = arith.constant 288 : index
    %get3A_2450 = tpu.vector_load %arg8[%get3A_2449] {strides = array<i32>} : memref<1536xf32, #tpu.memory_space<vmem>>, vector<16xf32>,
    %sub3A_2451 = arith.subf %get3A_2416, %gather3A_2353 : vector<16xf32>
    %sub3A_2452 = arith.subf %get3A_2418, %gather3A_2357 : vector<16xf32>
    %sub3A_2453 = arith.subf %get3A_2420, %gather3A_2361 : vector<16xf32>
    %sub3A_2454 = arith.subf %get3A_2422, %gather3A_2365 : vector<16xf32>
    %mul3A_2455 = arith.mulf %sub3A_2451, %sub3A_2451 : vector<16xf32>
    %mul3A_2456 = arith.mulf %sub3A_2452, %sub3A_2452 : vector<16xf32>
    %add3A_2457 = arith.addf %mul3A_2455, %mul3A_2456 : vector<16xf32>
    %mul3A_2458 = arith.mulf %sub3A_2453, %sub3A_2453 : vector<16xf32>
    %add3A_2459 = arith.addf %add3A_2457, %mul3A_2458 : vector<16xf32>
    %mul3A_2460 = arith.mulf %sub3A_2454, %sub3A_2454 : vector<16xf32>
    %add3A_2461 = arith.addf %add3A_2459, %mul3A_2460 : vector<16xf32>
    %mul3A_2462 = arith.mulf %get3A_2424, %get3A_2424 : vector<16xf32>
    %mul3A_2463 = arith.mulf %get3A_2426, %get3A_2426 : vector<16xf32>
    %add3A_2464 = arith.addf %mul3A_2462, %mul3A_2463 : vector<16xf32>
    %mul3A_2465 = arith.mulf %get3A_2428, %get3A_2428 : vector<16xf32>
    %add3A_2466 = arith.addf %add3A_2464, %mul3A_2465 : vector<16xf32>
    %mul3A_2467 = arith.mulf %get3A_2430, %get3A_2430 : vector<16xf32>
    %add3A_2468 = arith.addf %add3A_2466, %mul3A_2467 : vector<16xf32>
    %mul3A_2469 = arith.mulf %get3A_2432, %get3A_2432 : vector<16xf32>
    %add3A_2470 = arith.addf %add3A_2468, %mul3A_2469 : vector<16xf32>
    %mul3A_2471 = arith.mulf %get3A_2434, %get3A_2434 : vector<16xf32>
    %add3A_2472 = arith.addf %add3A_2470, %mul3A_2471 : vector<16xf32>
    %mul3A_2473 = arith.mulf %get3A_2436, %get3A_2436 : vector<16xf32>
    %add3A_2474 = arith.addf %add3A_2472, %mul3A_2473 : vector<16xf32>
    %mul3A_2475 = arith.mulf %get3A_2438, %get3A_2438 : vector<16xf32>
    %add3A_2476 = arith.addf %add3A_2474, %mul3A_2475 : vector<16xf32>
    %mul3A_2477 = arith.mulf %get3A_2440, %get3A_2440 : vector<16xf32>
    %add3A_2478 = arith.addf %add3A_2476, %mul3A_2477 : vector<16xf32>
    %mul3A_2479 = arith.mulf %get3A_2442, %get3A_2442 : vector<16xf32>
    %add3A_2480 = arith.addf %add3A_2478, %mul3A_2479 : vector<16xf32>
    %mul3A_2481 = arith.mulf %get3A_2444, %get3A_2444 : vector<16xf32>
    %add3A_2482 = arith.addf %add3A_2480, %mul3A_2481 : vector<16xf32>
    %mul3A_2483 = arith.mulf %get3A_2446, %get3A_2446 : vector<16xf32>
    %add3A_2484 = arith.addf %add3A_2482, %mul3A_2483 : vector<16xf32>
    %mul3A_2485 = arith.mulf %get3A_2448, %get3A_2448 : vector<16xf32>
    %add3A_2486 = arith.addf %add3A_2484, %mul3A_2485 : vector<16xf32>
    %convert_element_type3A_2487 = arith.fptosi %gather3A_2349 : vector<16xf32> to vector<16xi32>
    %ge3A_2488 = arith.constant 0 : i32
    %ge3A_2489 = vector.broadcast %ge3A_2488 : i32 to vector<16xi32>
    %ge3A_2490 = arith.cmpi sge, %convert_element_type3A_2487, %ge3A_2489 : vector<16xi32>
    %lt3A_2491 = arith.constant 13 : i32
    %lt3A_2492 = vector.broadcast %lt3A_2491 : i32 to vector<16xi32>
    %lt3A_2493 = arith.cmpi slt, %convert_element_type3A_2487, %lt3A_2492 : vector<16xi32>
    %and3A_2494 = arith.andi %ge3A_2490, %lt3A_2493 : vector<16xi1>
    %jit3A_2495 = arith.constant 1.000000e+00 : f32
    %jit3A_2496 = arith.constant 0.000000e+00 : f32
    %broadcast_in_dim3A_2497 = vector.broadcast %jit3A_2495 : f32 to vector<16xf32>
    %broadcast_in_dim3A_2498 = vector.broadcast %jit3A_2496 : f32 to vector<16xf32>
    %select_n3A_2499 = arith.select %and3A_2494, %broadcast_in_dim3A_2497, %broadcast_in_dim3A_2498 : vector<16xi1>, vector<16xf32>
    %mul3A_2500 = arith.constant 2.000000e+00 : f32
    %mul3A_2501 = vector.broadcast %mul3A_2500 : f32 to vector<16xf32>
    %mul3A_2502 = arith.mulf %mul3A_2501, %get3A_2450 : vector<16xf32>
    %mul3A_2503 = arith.mulf %mul3A_2502, %select_n3A_2499 : vector<16xf32>
    %sub3A_2504 = arith.subf %add3A_2486, %mul3A_2503 : vector<16xf32>
    %add3A_2505 = arith.addf %sub3A_2504, %select_n3A_2499 : vector<16xf32>
    %mul3A_2506 = arith.constant 5.000000e+00 : f32
    %mul3A_2507 = vector.broadcast %mul3A_2506 : f32 to vector<16xf32>
    %mul3A_2508 = arith.mulf %mul3A_2507, %add3A_2461 : vector<16xf32>
    %add3A_2509 = arith.addf %mul3A_2508, %add3A_2505 : vector<16xf32>
    %mul3A_2510 = arith.mulf %add3A_2509, %select_n3A_2401 : vector<16xf32>
    %add3A_2511 = arith.addf %broadcast_in_dim3A_2320, %mul3A_2510 : vector<16xf32>
    %mul3A_2512 = arith.mulf %get3A_2414, %get3A_2414 : vector<16xf32>
    %mul3A_2513 = arith.mulf %mul3A_2512, %select_n3A_2412 : vector<16xf32>
    %add3A_2514 = arith.addf %broadcast_in_dim3A_2322, %mul3A_2513 : vector<16xf32>
    %dma_wait3A_2515 = arith.constant 384 : i32
    %dma_wait3A_2516 = tpu.memref_slice %arg8[%dma_wait3A_2515] : memref<1536xf32, #tpu.memory_space<vmem>> -> memref<128xf32, #tpu.memory_space<vmem>>
    %dma_wait3A_2517 = arith.constant 384 : i32
    %dma_wait3A_2518 = tpu.memref_slice %arg7[%dma_wait3A_2517] : memref<1536xi32, #tpu.memory_space<vmem>> -> memref<128xi32, #tpu.memory_space<vmem>>
    %dma_wait3A_2519 = arith.constant 0 : i32
    %dma_wait3A_2520 = tpu.memref_slice %arg2[%dma_wait3A_2519] : memref<1168128xf32, #tpu.memory_space<hbm>> -> memref<1168128xf32, #tpu.memory_space<hbm>>
    tpu.wait_indirect_dma semaphore(%arg16 : memref<!tpu.dma_semaphore, #tpu.memory_space<semaphore_mem>>) src(%dma_wait3A_2520 : memref<1168128xf32, #tpu.memory_space<hbm>>) dst(%dma_wait3A_2516 : memref<128xf32, #tpu.memory_space<vmem>>)
    %dma_wait3A_2521 = arith.constant 512 : i32
    %dma_wait3A_2522 = tpu.memref_slice %arg8[%dma_wait3A_2521] : memref<1536xf32, #tpu.memory_space<vmem>> -> memref<128xf32, #tpu.memory_space<vmem>>
    %dma_wait3A_2523 = arith.constant 512 : i32
    %dma_wait3A_2524 = tpu.memref_slice %arg7[%dma_wait3A_2523] : memref<1536xi32, #tpu.memory_space<vmem>> -> memref<128xi32, #tpu.memory_space<vmem>>
    %dma_wait3A_2525 = arith.constant 0 : i32
    %dma_wait3A_2526 = tpu.memref_slice %arg2[%dma_wait3A_2525] : memref<1168128xf32, #tpu.memory_space<hbm>> -> memref<1168128xf32, #tpu.memory_space<hbm>>
    tpu.wait_indirect_dma semaphore(%arg16 : memref<!tpu.dma_semaphore, #tpu.memory_space<semaphore_mem>>) src(%dma_wait3A_2526 : memref<1168128xf32, #tpu.memory_space<hbm>>) dst(%dma_wait3A_2522 : memref<128xf32, #tpu.memory_space<vmem>>)
    %mul3A_2527 = arith.constant 128 : i32
    %mul3A_2528 = vector.broadcast %mul3A_2527 : i32 to vector<16xi32>
    %mul3A_2529 = arith.muli %sub3A_324, %mul3A_2528 : vector<16xi32>
    %mul3A_2530 = arith.constant 4 : i32
    %mul3A_2531 = arith.muli %add3A, %mul3A_2530 : i32
    %add3A_2532 = vector.broadcast %mul3A_2531 : i32 to vector<16xi32>
    %add3A_2533 = arith.addi %add3A_2532, %add3A_320 : vector<16xi32>
    %add3A_2534 = arith.addi %mul3A_2529, %add3A_2533 : vector<16xi32>
    %gather3A_2535 = tpu.vector_load_idx %arg5[%add3A_2534] : memref<12800xf32, #tpu.memory_space<vmem>>[vector<16xi32>], vector<16xf32>,
    %add3A_2536 = arith.constant 2560 : i32
    %add3A_2537 = vector.broadcast %add3A_2536 : i32 to vector<16xi32>
    %add3A_2538 = arith.addi %add3A_2534, %add3A_2537 : vector<16xi32>
    %gather3A_2539 = tpu.vector_load_idx %arg5[%add3A_2538] : memref<12800xf32, #tpu.memory_space<vmem>>[vector<16xi32>], vector<16xf32>,
    %add3A_2540 = arith.constant 5120 : i32
    %add3A_2541 = vector.broadcast %add3A_2540 : i32 to vector<16xi32>
    %add3A_2542 = arith.addi %add3A_2534, %add3A_2541 : vector<16xi32>
    %gather3A_2543 = tpu.vector_load_idx %arg5[%add3A_2542] : memref<12800xf32, #tpu.memory_space<vmem>>[vector<16xi32>], vector<16xf32>,
    %add3A_2544 = arith.constant 7680 : i32
    %add3A_2545 = vector.broadcast %add3A_2544 : i32 to vector<16xi32>
    %add3A_2546 = arith.addi %add3A_2534, %add3A_2545 : vector<16xi32>
    %gather3A_2547 = tpu.vector_load_idx %arg5[%add3A_2546] : memref<12800xf32, #tpu.memory_space<vmem>>[vector<16xi32>], vector<16xf32>,
    %add3A_2548 = arith.constant 10240 : i32
    %add3A_2549 = vector.broadcast %add3A_2548 : i32 to vector<16xi32>
    %add3A_2550 = arith.addi %add3A_2534, %add3A_2549 : vector<16xi32>
    %gather3A_2551 = tpu.vector_load_idx %arg5[%add3A_2550] : memref<12800xf32, #tpu.memory_space<vmem>>[vector<16xi32>], vector<16xf32>,
    %mul3A_2552 = arith.constant 1.300000e+01 : f32
    %mul3A_2553 = vector.broadcast %mul3A_2552 : f32 to vector<16xf32>
    %mul3A_2554 = arith.mulf %gather3A_2539, %mul3A_2553 : vector<16xf32>
    %mul3A_2555 = arith.constant 1.300000e+01 : f32
    %mul3A_2556 = vector.broadcast %mul3A_2555 : f32 to vector<16xf32>
    %mul3A_2557 = arith.mulf %gather3A_2543, %mul3A_2556 : vector<16xf32>
    %convert_element_type3A_2558 = arith.fptosi %mul3A_2554 : vector<16xf32> to vector<16xi32>
    %convert_element_type3A_2559 = arith.sitofp %convert_element_type3A_2558 : vector<16xi32> to vector<16xf32>
    %gt3A_2560 = arith.cmpf ogt, %convert_element_type3A_2559, %mul3A_2554 : vector<16xf32>
    %jit3A_2561 = arith.constant 1 : i32
    %jit3A_2562 = arith.constant 0 : i32
    %broadcast_in_dim3A_2563 = vector.broadcast %jit3A_2561 : i32 to vector<16xi32>
    %broadcast_in_dim3A_2564 = vector.broadcast %jit3A_2562 : i32 to vector<16xi32>
    %select_n3A_2565 = arith.select %gt3A_2560, %broadcast_in_dim3A_2563, %broadcast_in_dim3A_2564 : vector<16xi1>, vector<16xi32>
    %sub3A_2566 = arith.subi %convert_element_type3A_2558, %select_n3A_2565 : vector<16xi32>
    %convert_element_type3A_2567 = arith.fptosi %mul3A_2557 : vector<16xf32> to vector<16xi32>
    %convert_element_type3A_2568 = arith.sitofp %convert_element_type3A_2567 : vector<16xi32> to vector<16xf32>
    %gt3A_2569 = arith.cmpf ogt, %convert_element_type3A_2568, %mul3A_2557 : vector<16xf32>
    %jit3A_2570 = arith.constant 1 : i32
    %jit3A_2571 = arith.constant 0 : i32
    %broadcast_in_dim3A_2572 = vector.broadcast %jit3A_2570 : i32 to vector<16xi32>
    %broadcast_in_dim3A_2573 = vector.broadcast %jit3A_2571 : i32 to vector<16xi32>
    %select_n3A_2574 = arith.select %gt3A_2569, %broadcast_in_dim3A_2572, %broadcast_in_dim3A_2573 : vector<16xi1>, vector<16xi32>
    %sub3A_2575 = arith.subi %convert_element_type3A_2567, %select_n3A_2574 : vector<16xi32>
    %lt3A_2576 = arith.constant 13 : i32
    %lt3A_2577 = vector.broadcast %lt3A_2576 : i32 to vector<16xi32>
    %lt3A_2578 = arith.cmpi slt, %sub3A_2566, %lt3A_2577 : vector<16xi32>
    %lt3A_2579 = arith.constant 13 : i32
    %lt3A_2580 = vector.broadcast %lt3A_2579 : i32 to vector<16xi32>
    %lt3A_2581 = arith.cmpi slt, %sub3A_2575, %lt3A_2580 : vector<16xi32>
    %and3A_2582 = arith.andi %lt3A_2578, %lt3A_2581 : vector<16xi1>
    %jit3A_2583 = arith.constant 1.000000e+00 : f32
    %jit3A_2584 = arith.constant 0.000000e+00 : f32
    %broadcast_in_dim3A_2585 = vector.broadcast %jit3A_2583 : f32 to vector<16xf32>
    %broadcast_in_dim3A_2586 = vector.broadcast %jit3A_2584 : f32 to vector<16xf32>
    %select_n3A_2587 = arith.select %and3A_2582, %broadcast_in_dim3A_2585, %broadcast_in_dim3A_2586 : vector<16xi1>, vector<16xf32>
    %mul3A_2588 = arith.constant 176 : i32
    %mul3A_2589 = vector.broadcast %mul3A_2588 : i32 to vector<16xi32>
    %mul3A_2590 = arith.muli %mul3A_2589, %add3A_320 : vector<16xi32>
    %add3A_2591 = arith.addi %mul3A_2590, %add3A_679 : vector<16xi32>
    %gather3A_2592 = tpu.vector_load_idx %arg9[%add3A_2591] : memref<704xi32, #tpu.memory_space<vmem>>[vector<16xi32>], vector<16xi32>,
    %eq3A_2593 = arith.cmpi eq, %gather3A_2592, %sub3A_324 : vector<16xi32>
    %and3A_2594 = arith.andi %eq3A_2593, %and3A_2582 : vector<16xi1>
    %jit3A_2595 = arith.constant 1.000000e+00 : f32
    %jit3A_2596 = arith.constant 0.000000e+00 : f32
    %broadcast_in_dim3A_2597 = vector.broadcast %jit3A_2595 : f32 to vector<16xf32>
    %broadcast_in_dim3A_2598 = vector.broadcast %jit3A_2596 : f32 to vector<16xf32>
    %select_n3A_2599 = arith.select %and3A_2594, %broadcast_in_dim3A_2597, %broadcast_in_dim3A_2598 : vector<16xi1>, vector<16xf32>
    %get3A_2600 = arith.constant 304 : index
    %get3A_2601 = tpu.vector_load %arg8[%get3A_2600] {strides = array<i32>} : memref<1536xf32, #tpu.memory_space<vmem>>, vector<16xf32>,
    %get3A_2602 = arith.constant 320 : index
    %get3A_2603 = tpu.vector_load %arg8[%get3A_2602] {strides = array<i32>} : memref<1536xf32, #tpu.memory_space<vmem>>, vector<16xf32>,
    %get3A_2604 = arith.constant 336 : index
    %get3A_2605 = tpu.vector_load %arg8[%get3A_2604] {strides = array<i32>} : memref<1536xf32, #tpu.memory_space<vmem>>, vector<16xf32>,
    %get3A_2606 = arith.constant 352 : index
    %get3A_2607 = tpu.vector_load %arg8[%get3A_2606] {strides = array<i32>} : memref<1536xf32, #tpu.memory_space<vmem>>, vector<16xf32>,
    %get3A_2608 = arith.constant 368 : index
    %get3A_2609 = tpu.vector_load %arg8[%get3A_2608] {strides = array<i32>} : memref<1536xf32, #tpu.memory_space<vmem>>, vector<16xf32>,
    %get3A_2610 = arith.constant 384 : index
    %get3A_2611 = tpu.vector_load %arg8[%get3A_2610] {strides = array<i32>} : memref<1536xf32, #tpu.memory_space<vmem>>, vector<16xf32>,
    %get3A_2612 = arith.constant 400 : index
    %get3A_2613 = tpu.vector_load %arg8[%get3A_2612] {strides = array<i32>} : memref<1536xf32, #tpu.memory_space<vmem>>, vector<16xf32>,
    %get3A_2614 = arith.constant 416 : index
    %get3A_2615 = tpu.vector_load %arg8[%get3A_2614] {strides = array<i32>} : memref<1536xf32, #tpu.memory_space<vmem>>, vector<16xf32>,
    %get3A_2616 = arith.constant 432 : index
    %get3A_2617 = tpu.vector_load %arg8[%get3A_2616] {strides = array<i32>} : memref<1536xf32, #tpu.memory_space<vmem>>, vector<16xf32>,
    %get3A_2618 = arith.constant 448 : index
    %get3A_2619 = tpu.vector_load %arg8[%get3A_2618] {strides = array<i32>} : memref<1536xf32, #tpu.memory_space<vmem>>, vector<16xf32>,
    %get3A_2620 = arith.constant 464 : index
    %get3A_2621 = tpu.vector_load %arg8[%get3A_2620] {strides = array<i32>} : memref<1536xf32, #tpu.memory_space<vmem>>, vector<16xf32>,
    %get3A_2622 = arith.constant 480 : index
    %get3A_2623 = tpu.vector_load %arg8[%get3A_2622] {strides = array<i32>} : memref<1536xf32, #tpu.memory_space<vmem>>, vector<16xf32>,
    %get3A_2624 = arith.constant 496 : index
    %get3A_2625 = tpu.vector_load %arg8[%get3A_2624] {strides = array<i32>} : memref<1536xf32, #tpu.memory_space<vmem>>, vector<16xf32>,
    %get3A_2626 = arith.constant 512 : index
    %get3A_2627 = tpu.vector_load %arg8[%get3A_2626] {strides = array<i32>} : memref<1536xf32, #tpu.memory_space<vmem>>, vector<16xf32>,
    %get3A_2628 = arith.constant 528 : index
    %get3A_2629 = tpu.vector_load %arg8[%get3A_2628] {strides = array<i32>} : memref<1536xf32, #tpu.memory_space<vmem>>, vector<16xf32>,
    %get3A_2630 = arith.constant 544 : index
    %get3A_2631 = tpu.vector_load %arg8[%get3A_2630] {strides = array<i32>} : memref<1536xf32, #tpu.memory_space<vmem>>, vector<16xf32>,
    %get3A_2632 = arith.constant 560 : index
    %get3A_2633 = tpu.vector_load %arg8[%get3A_2632] {strides = array<i32>} : memref<1536xf32, #tpu.memory_space<vmem>>, vector<16xf32>,
    %get3A_2634 = arith.constant 576 : index
    %get3A_2635 = tpu.vector_load %arg8[%get3A_2634] {strides = array<i32>} : memref<1536xf32, #tpu.memory_space<vmem>>, vector<16xf32>,
    %get3A_2636 = arith.constant 592 : index
    %get3A_2637 = tpu.vector_load %arg8[%get3A_2636] {strides = array<i32>} : memref<1536xf32, #tpu.memory_space<vmem>>, vector<16xf32>,
    %sub3A_2638 = arith.subf %get3A_2603, %gather3A_2539 : vector<16xf32>
    %sub3A_2639 = arith.subf %get3A_2605, %gather3A_2543 : vector<16xf32>
    %sub3A_2640 = arith.subf %get3A_2607, %gather3A_2547 : vector<16xf32>
    %sub3A_2641 = arith.subf %get3A_2609, %gather3A_2551 : vector<16xf32>
    %mul3A_2642 = arith.mulf %sub3A_2638, %sub3A_2638 : vector<16xf32>
    %mul3A_2643 = arith.mulf %sub3A_2639, %sub3A_2639 : vector<16xf32>
    %add3A_2644 = arith.addf %mul3A_2642, %mul3A_2643 : vector<16xf32>
    %mul3A_2645 = arith.mulf %sub3A_2640, %sub3A_2640 : vector<16xf32>
    %add3A_2646 = arith.addf %add3A_2644, %mul3A_2645 : vector<16xf32>
    %mul3A_2647 = arith.mulf %sub3A_2641, %sub3A_2641 : vector<16xf32>
    %add3A_2648 = arith.addf %add3A_2646, %mul3A_2647 : vector<16xf32>
    %mul3A_2649 = arith.mulf %get3A_2611, %get3A_2611 : vector<16xf32>
    %mul3A_2650 = arith.mulf %get3A_2613, %get3A_2613 : vector<16xf32>
    %add3A_2651 = arith.addf %mul3A_2649, %mul3A_2650 : vector<16xf32>
    %mul3A_2652 = arith.mulf %get3A_2615, %get3A_2615 : vector<16xf32>
    %add3A_2653 = arith.addf %add3A_2651, %mul3A_2652 : vector<16xf32>
    %mul3A_2654 = arith.mulf %get3A_2617, %get3A_2617 : vector<16xf32>
    %add3A_2655 = arith.addf %add3A_2653, %mul3A_2654 : vector<16xf32>
    %mul3A_2656 = arith.mulf %get3A_2619, %get3A_2619 : vector<16xf32>
    %add3A_2657 = arith.addf %add3A_2655, %mul3A_2656 : vector<16xf32>
    %mul3A_2658 = arith.mulf %get3A_2621, %get3A_2621 : vector<16xf32>
    %add3A_2659 = arith.addf %add3A_2657, %mul3A_2658 : vector<16xf32>
    %mul3A_2660 = arith.mulf %get3A_2623, %get3A_2623 : vector<16xf32>
    %add3A_2661 = arith.addf %add3A_2659, %mul3A_2660 : vector<16xf32>
    %mul3A_2662 = arith.mulf %get3A_2625, %get3A_2625 : vector<16xf32>
    %add3A_2663 = arith.addf %add3A_2661, %mul3A_2662 : vector<16xf32>
    %mul3A_2664 = arith.mulf %get3A_2627, %get3A_2627 : vector<16xf32>
    %add3A_2665 = arith.addf %add3A_2663, %mul3A_2664 : vector<16xf32>
    %mul3A_2666 = arith.mulf %get3A_2629, %get3A_2629 : vector<16xf32>
    %add3A_2667 = arith.addf %add3A_2665, %mul3A_2666 : vector<16xf32>
    %mul3A_2668 = arith.mulf %get3A_2631, %get3A_2631 : vector<16xf32>
    %add3A_2669 = arith.addf %add3A_2667, %mul3A_2668 : vector<16xf32>
    %mul3A_2670 = arith.mulf %get3A_2633, %get3A_2633 : vector<16xf32>
    %add3A_2671 = arith.addf %add3A_2669, %mul3A_2670 : vector<16xf32>
    %mul3A_2672 = arith.mulf %get3A_2635, %get3A_2635 : vector<16xf32>
    %add3A_2673 = arith.addf %add3A_2671, %mul3A_2672 : vector<16xf32>
    %convert_element_type3A_2674 = arith.fptosi %gather3A_2535 : vector<16xf32> to vector<16xi32>
    %ge3A_2675 = arith.constant 0 : i32
    %ge3A_2676 = vector.broadcast %ge3A_2675 : i32 to vector<16xi32>
    %ge3A_2677 = arith.cmpi sge, %convert_element_type3A_2674, %ge3A_2676 : vector<16xi32>
    %lt3A_2678 = arith.constant 13 : i32
    %lt3A_2679 = vector.broadcast %lt3A_2678 : i32 to vector<16xi32>
    %lt3A_2680 = arith.cmpi slt, %convert_element_type3A_2674, %lt3A_2679 : vector<16xi32>
    %and3A_2681 = arith.andi %ge3A_2677, %lt3A_2680 : vector<16xi1>
    %jit3A_2682 = arith.constant 1.000000e+00 : f32
    %jit3A_2683 = arith.constant 0.000000e+00 : f32
    %broadcast_in_dim3A_2684 = vector.broadcast %jit3A_2682 : f32 to vector<16xf32>
    %broadcast_in_dim3A_2685 = vector.broadcast %jit3A_2683 : f32 to vector<16xf32>
    %select_n3A_2686 = arith.select %and3A_2681, %broadcast_in_dim3A_2684, %broadcast_in_dim3A_2685 : vector<16xi1>, vector<16xf32>
    %mul3A_2687 = arith.constant 2.000000e+00 : f32
    %mul3A_2688 = vector.broadcast %mul3A_2687 : f32 to vector<16xf32>
    %mul3A_2689 = arith.mulf %mul3A_2688, %get3A_2637 : vector<16xf32>
    %mul3A_2690 = arith.mulf %mul3A_2689, %select_n3A_2686 : vector<16xf32>
    %sub3A_2691 = arith.subf %add3A_2673, %mul3A_2690 : vector<16xf32>
    %add3A_2692 = arith.addf %sub3A_2691, %select_n3A_2686 : vector<16xf32>
    %mul3A_2693 = arith.constant 5.000000e+00 : f32
    %mul3A_2694 = vector.broadcast %mul3A_2693 : f32 to vector<16xf32>
    %mul3A_2695 = arith.mulf %mul3A_2694, %add3A_2648 : vector<16xf32>
    %add3A_2696 = arith.addf %mul3A_2695, %add3A_2692 : vector<16xf32>
    %mul3A_2697 = arith.mulf %add3A_2696, %select_n3A_2587 : vector<16xf32>
    %add3A_2698 = arith.addf %add3A_2511, %mul3A_2697 : vector<16xf32>
    %mul3A_2699 = arith.mulf %get3A_2601, %get3A_2601 : vector<16xf32>
    %mul3A_2700 = arith.mulf %mul3A_2699, %select_n3A_2599 : vector<16xf32>
    %add3A_2701 = arith.addf %add3A_2514, %mul3A_2700 : vector<16xf32>
    %dma_wait3A_2702 = arith.constant 640 : i32
    %dma_wait3A_2703 = tpu.memref_slice %arg8[%dma_wait3A_2702] : memref<1536xf32, #tpu.memory_space<vmem>> -> memref<128xf32, #tpu.memory_space<vmem>>
    %dma_wait3A_2704 = arith.constant 640 : i32
    %dma_wait3A_2705 = tpu.memref_slice %arg7[%dma_wait3A_2704] : memref<1536xi32, #tpu.memory_space<vmem>> -> memref<128xi32, #tpu.memory_space<vmem>>
    %dma_wait3A_2706 = arith.constant 0 : i32
    %dma_wait3A_2707 = tpu.memref_slice %arg2[%dma_wait3A_2706] : memref<1168128xf32, #tpu.memory_space<hbm>> -> memref<1168128xf32, #tpu.memory_space<hbm>>
    tpu.wait_indirect_dma semaphore(%arg16 : memref<!tpu.dma_semaphore, #tpu.memory_space<semaphore_mem>>) src(%dma_wait3A_2707 : memref<1168128xf32, #tpu.memory_space<hbm>>) dst(%dma_wait3A_2703 : memref<128xf32, #tpu.memory_space<vmem>>)
    %dma_wait3A_2708 = arith.constant 768 : i32
    %dma_wait3A_2709 = tpu.memref_slice %arg8[%dma_wait3A_2708] : memref<1536xf32, #tpu.memory_space<vmem>> -> memref<128xf32, #tpu.memory_space<vmem>>
    %dma_wait3A_2710 = arith.constant 768 : i32
    %dma_wait3A_2711 = tpu.memref_slice %arg7[%dma_wait3A_2710] : memref<1536xi32, #tpu.memory_space<vmem>> -> memref<128xi32, #tpu.memory_space<vmem>>
    %dma_wait3A_2712 = arith.constant 0 : i32
    %dma_wait3A_2713 = tpu.memref_slice %arg2[%dma_wait3A_2712] : memref<1168128xf32, #tpu.memory_space<hbm>> -> memref<1168128xf32, #tpu.memory_space<hbm>>
    tpu.wait_indirect_dma semaphore(%arg16 : memref<!tpu.dma_semaphore, #tpu.memory_space<semaphore_mem>>) src(%dma_wait3A_2713 : memref<1168128xf32, #tpu.memory_space<hbm>>) dst(%dma_wait3A_2709 : memref<128xf32, #tpu.memory_space<vmem>>)
    %dma_wait3A_2714 = arith.constant 896 : i32
    %dma_wait3A_2715 = tpu.memref_slice %arg8[%dma_wait3A_2714] : memref<1536xf32, #tpu.memory_space<vmem>> -> memref<128xf32, #tpu.memory_space<vmem>>
    %dma_wait3A_2716 = arith.constant 896 : i32
    %dma_wait3A_2717 = tpu.memref_slice %arg7[%dma_wait3A_2716] : memref<1536xi32, #tpu.memory_space<vmem>> -> memref<128xi32, #tpu.memory_space<vmem>>
    %dma_wait3A_2718 = arith.constant 0 : i32
    %dma_wait3A_2719 = tpu.memref_slice %arg2[%dma_wait3A_2718] : memref<1168128xf32, #tpu.memory_space<hbm>> -> memref<1168128xf32, #tpu.memory_space<hbm>>
    tpu.wait_indirect_dma semaphore(%arg16 : memref<!tpu.dma_semaphore, #tpu.memory_space<semaphore_mem>>) src(%dma_wait3A_2719 : memref<1168128xf32, #tpu.memory_space<hbm>>) dst(%dma_wait3A_2715 : memref<128xf32, #tpu.memory_space<vmem>>)
    %mul3A_2720 = arith.constant 128 : i32
    %mul3A_2721 = vector.broadcast %mul3A_2720 : i32 to vector<16xi32>
    %mul3A_2722 = arith.muli %sub3A_360, %mul3A_2721 : vector<16xi32>
    %mul3A_2723 = arith.constant 4 : i32
    %mul3A_2724 = arith.muli %add3A, %mul3A_2723 : i32
    %add3A_2725 = vector.broadcast %mul3A_2724 : i32 to vector<16xi32>
    %add3A_2726 = arith.addi %add3A_2725, %add3A_356 : vector<16xi32>
    %add3A_2727 = arith.addi %mul3A_2722, %add3A_2726 : vector<16xi32>
    %gather3A_2728 = tpu.vector_load_idx %arg5[%add3A_2727] : memref<12800xf32, #tpu.memory_space<vmem>>[vector<16xi32>], vector<16xf32>,
    %add3A_2729 = arith.constant 2560 : i32
    %add3A_2730 = vector.broadcast %add3A_2729 : i32 to vector<16xi32>
    %add3A_2731 = arith.addi %add3A_2727, %add3A_2730 : vector<16xi32>
    %gather3A_2732 = tpu.vector_load_idx %arg5[%add3A_2731] : memref<12800xf32, #tpu.memory_space<vmem>>[vector<16xi32>], vector<16xf32>,
    %add3A_2733 = arith.constant 5120 : i32
    %add3A_2734 = vector.broadcast %add3A_2733 : i32 to vector<16xi32>
    %add3A_2735 = arith.addi %add3A_2727, %add3A_2734 : vector<16xi32>
    %gather3A_2736 = tpu.vector_load_idx %arg5[%add3A_2735] : memref<12800xf32, #tpu.memory_space<vmem>>[vector<16xi32>], vector<16xf32>,
    %add3A_2737 = arith.constant 7680 : i32
    %add3A_2738 = vector.broadcast %add3A_2737 : i32 to vector<16xi32>
    %add3A_2739 = arith.addi %add3A_2727, %add3A_2738 : vector<16xi32>
    %gather3A_2740 = tpu.vector_load_idx %arg5[%add3A_2739] : memref<12800xf32, #tpu.memory_space<vmem>>[vector<16xi32>], vector<16xf32>,
    %add3A_2741 = arith.constant 10240 : i32
    %add3A_2742 = vector.broadcast %add3A_2741 : i32 to vector<16xi32>
    %add3A_2743 = arith.addi %add3A_2727, %add3A_2742 : vector<16xi32>
    %gather3A_2744 = tpu.vector_load_idx %arg5[%add3A_2743] : memref<12800xf32, #tpu.memory_space<vmem>>[vector<16xi32>], vector<16xf32>,
    %mul3A_2745 = arith.constant 1.300000e+01 : f32
    %mul3A_2746 = vector.broadcast %mul3A_2745 : f32 to vector<16xf32>
    %mul3A_2747 = arith.mulf %gather3A_2732, %mul3A_2746 : vector<16xf32>
    %mul3A_2748 = arith.constant 1.300000e+01 : f32
    %mul3A_2749 = vector.broadcast %mul3A_2748 : f32 to vector<16xf32>
    %mul3A_2750 = arith.mulf %gather3A_2736, %mul3A_2749 : vector<16xf32>
    %convert_element_type3A_2751 = arith.fptosi %mul3A_2747 : vector<16xf32> to vector<16xi32>
    %convert_element_type3A_2752 = arith.sitofp %convert_element_type3A_2751 : vector<16xi32> to vector<16xf32>
    %gt3A_2753 = arith.cmpf ogt, %convert_element_type3A_2752, %mul3A_2747 : vector<16xf32>
    %jit3A_2754 = arith.constant 1 : i32
    %jit3A_2755 = arith.constant 0 : i32
    %broadcast_in_dim3A_2756 = vector.broadcast %jit3A_2754 : i32 to vector<16xi32>
    %broadcast_in_dim3A_2757 = vector.broadcast %jit3A_2755 : i32 to vector<16xi32>
    %select_n3A_2758 = arith.select %gt3A_2753, %broadcast_in_dim3A_2756, %broadcast_in_dim3A_2757 : vector<16xi1>, vector<16xi32>
    %sub3A_2759 = arith.subi %convert_element_type3A_2751, %select_n3A_2758 : vector<16xi32>
    %convert_element_type3A_2760 = arith.fptosi %mul3A_2750 : vector<16xf32> to vector<16xi32>
    %convert_element_type3A_2761 = arith.sitofp %convert_element_type3A_2760 : vector<16xi32> to vector<16xf32>
    %gt3A_2762 = arith.cmpf ogt, %convert_element_type3A_2761, %mul3A_2750 : vector<16xf32>
    %jit3A_2763 = arith.constant 1 : i32
    %jit3A_2764 = arith.constant 0 : i32
    %broadcast_in_dim3A_2765 = vector.broadcast %jit3A_2763 : i32 to vector<16xi32>
    %broadcast_in_dim3A_2766 = vector.broadcast %jit3A_2764 : i32 to vector<16xi32>
    %select_n3A_2767 = arith.select %gt3A_2762, %broadcast_in_dim3A_2765, %broadcast_in_dim3A_2766 : vector<16xi1>, vector<16xi32>
    %sub3A_2768 = arith.subi %convert_element_type3A_2760, %select_n3A_2767 : vector<16xi32>
    %lt3A_2769 = arith.constant 13 : i32
    %lt3A_2770 = vector.broadcast %lt3A_2769 : i32 to vector<16xi32>
    %lt3A_2771 = arith.cmpi slt, %sub3A_2759, %lt3A_2770 : vector<16xi32>
    %lt3A_2772 = arith.constant 13 : i32
    %lt3A_2773 = vector.broadcast %lt3A_2772 : i32 to vector<16xi32>
    %lt3A_2774 = arith.cmpi slt, %sub3A_2768, %lt3A_2773 : vector<16xi32>
    %and3A_2775 = arith.andi %lt3A_2771, %lt3A_2774 : vector<16xi1>
    %jit3A_2776 = arith.constant 1.000000e+00 : f32
    %jit3A_2777 = arith.constant 0.000000e+00 : f32
    %broadcast_in_dim3A_2778 = vector.broadcast %jit3A_2776 : f32 to vector<16xf32>
    %broadcast_in_dim3A_2779 = vector.broadcast %jit3A_2777 : f32 to vector<16xf32>
    %select_n3A_2780 = arith.select %and3A_2775, %broadcast_in_dim3A_2778, %broadcast_in_dim3A_2779 : vector<16xi1>, vector<16xf32>
    %mul3A_2781 = arith.constant 176 : i32
    %mul3A_2782 = vector.broadcast %mul3A_2781 : i32 to vector<16xi32>
    %mul3A_2783 = arith.muli %mul3A_2782, %add3A_356 : vector<16xi32>
    %add3A_2784 = arith.addi %mul3A_2783, %add3A_861 : vector<16xi32>
    %gather3A_2785 = tpu.vector_load_idx %arg9[%add3A_2784] : memref<704xi32, #tpu.memory_space<vmem>>[vector<16xi32>], vector<16xi32>,
    %eq3A_2786 = arith.cmpi eq, %gather3A_2785, %sub3A_360 : vector<16xi32>
    %and3A_2787 = arith.andi %eq3A_2786, %and3A_2775 : vector<16xi1>
    %jit3A_2788 = arith.constant 1.000000e+00 : f32
    %jit3A_2789 = arith.constant 0.000000e+00 : f32
    %broadcast_in_dim3A_2790 = vector.broadcast %jit3A_2788 : f32 to vector<16xf32>
    %broadcast_in_dim3A_2791 = vector.broadcast %jit3A_2789 : f32 to vector<16xf32>
    %select_n3A_2792 = arith.select %and3A_2787, %broadcast_in_dim3A_2790, %broadcast_in_dim3A_2791 : vector<16xi1>, vector<16xf32>
    %get3A_2793 = arith.constant 608 : index
    %get3A_2794 = tpu.vector_load %arg8[%get3A_2793] {strides = array<i32>} : memref<1536xf32, #tpu.memory_space<vmem>>, vector<16xf32>,
    %get3A_2795 = arith.constant 624 : index
    %get3A_2796 = tpu.vector_load %arg8[%get3A_2795] {strides = array<i32>} : memref<1536xf32, #tpu.memory_space<vmem>>, vector<16xf32>,
    %get3A_2797 = arith.constant 640 : index
    %get3A_2798 = tpu.vector_load %arg8[%get3A_2797] {strides = array<i32>} : memref<1536xf32, #tpu.memory_space<vmem>>, vector<16xf32>,
    %get3A_2799 = arith.constant 656 : index
    %get3A_2800 = tpu.vector_load %arg8[%get3A_2799] {strides = array<i32>} : memref<1536xf32, #tpu.memory_space<vmem>>, vector<16xf32>,
    %get3A_2801 = arith.constant 672 : index
    %get3A_2802 = tpu.vector_load %arg8[%get3A_2801] {strides = array<i32>} : memref<1536xf32, #tpu.memory_space<vmem>>, vector<16xf32>,
    %get3A_2803 = arith.constant 688 : index
    %get3A_2804 = tpu.vector_load %arg8[%get3A_2803] {strides = array<i32>} : memref<1536xf32, #tpu.memory_space<vmem>>, vector<16xf32>,
    %get3A_2805 = arith.constant 704 : index
    %get3A_2806 = tpu.vector_load %arg8[%get3A_2805] {strides = array<i32>} : memref<1536xf32, #tpu.memory_space<vmem>>, vector<16xf32>,
    %get3A_2807 = arith.constant 720 : index
    %get3A_2808 = tpu.vector_load %arg8[%get3A_2807] {strides = array<i32>} : memref<1536xf32, #tpu.memory_space<vmem>>, vector<16xf32>,
    %get3A_2809 = arith.constant 736 : index
    %get3A_2810 = tpu.vector_load %arg8[%get3A_2809] {strides = array<i32>} : memref<1536xf32, #tpu.memory_space<vmem>>, vector<16xf32>,
    %get3A_2811 = arith.constant 752 : index
    %get3A_2812 = tpu.vector_load %arg8[%get3A_2811] {strides = array<i32>} : memref<1536xf32, #tpu.memory_space<vmem>>, vector<16xf32>,
    %get3A_2813 = arith.constant 768 : index
    %get3A_2814 = tpu.vector_load %arg8[%get3A_2813] {strides = array<i32>} : memref<1536xf32, #tpu.memory_space<vmem>>, vector<16xf32>,
    %get3A_2815 = arith.constant 784 : index
    %get3A_2816 = tpu.vector_load %arg8[%get3A_2815] {strides = array<i32>} : memref<1536xf32, #tpu.memory_space<vmem>>, vector<16xf32>,
    %get3A_2817 = arith.constant 800 : index
    %get3A_2818 = tpu.vector_load %arg8[%get3A_2817] {strides = array<i32>} : memref<1536xf32, #tpu.memory_space<vmem>>, vector<16xf32>,
    %get3A_2819 = arith.constant 816 : index
    %get3A_2820 = tpu.vector_load %arg8[%get3A_2819] {strides = array<i32>} : memref<1536xf32, #tpu.memory_space<vmem>>, vector<16xf32>,
    %get3A_2821 = arith.constant 832 : index
    %get3A_2822 = tpu.vector_load %arg8[%get3A_2821] {strides = array<i32>} : memref<1536xf32, #tpu.memory_space<vmem>>, vector<16xf32>,
    %get3A_2823 = arith.constant 848 : index
    %get3A_2824 = tpu.vector_load %arg8[%get3A_2823] {strides = array<i32>} : memref<1536xf32, #tpu.memory_space<vmem>>, vector<16xf32>,
    %get3A_2825 = arith.constant 864 : index
    %get3A_2826 = tpu.vector_load %arg8[%get3A_2825] {strides = array<i32>} : memref<1536xf32, #tpu.memory_space<vmem>>, vector<16xf32>,
    %get3A_2827 = arith.constant 880 : index
    %get3A_2828 = tpu.vector_load %arg8[%get3A_2827] {strides = array<i32>} : memref<1536xf32, #tpu.memory_space<vmem>>, vector<16xf32>,
    %get3A_2829 = arith.constant 896 : index
    %get3A_2830 = tpu.vector_load %arg8[%get3A_2829] {strides = array<i32>} : memref<1536xf32, #tpu.memory_space<vmem>>, vector<16xf32>,
    %sub3A_2831 = arith.subf %get3A_2796, %gather3A_2732 : vector<16xf32>
    %sub3A_2832 = arith.subf %get3A_2798, %gather3A_2736 : vector<16xf32>
    %sub3A_2833 = arith.subf %get3A_2800, %gather3A_2740 : vector<16xf32>
    %sub3A_2834 = arith.subf %get3A_2802, %gather3A_2744 : vector<16xf32>
    %mul3A_2835 = arith.mulf %sub3A_2831, %sub3A_2831 : vector<16xf32>
    %mul3A_2836 = arith.mulf %sub3A_2832, %sub3A_2832 : vector<16xf32>
    %add3A_2837 = arith.addf %mul3A_2835, %mul3A_2836 : vector<16xf32>
    %mul3A_2838 = arith.mulf %sub3A_2833, %sub3A_2833 : vector<16xf32>
    %add3A_2839 = arith.addf %add3A_2837, %mul3A_2838 : vector<16xf32>
    %mul3A_2840 = arith.mulf %sub3A_2834, %sub3A_2834 : vector<16xf32>
    %add3A_2841 = arith.addf %add3A_2839, %mul3A_2840 : vector<16xf32>
    %mul3A_2842 = arith.mulf %get3A_2804, %get3A_2804 : vector<16xf32>
    %mul3A_2843 = arith.mulf %get3A_2806, %get3A_2806 : vector<16xf32>
    %add3A_2844 = arith.addf %mul3A_2842, %mul3A_2843 : vector<16xf32>
    %mul3A_2845 = arith.mulf %get3A_2808, %get3A_2808 : vector<16xf32>
    %add3A_2846 = arith.addf %add3A_2844, %mul3A_2845 : vector<16xf32>
    %mul3A_2847 = arith.mulf %get3A_2810, %get3A_2810 : vector<16xf32>
    %add3A_2848 = arith.addf %add3A_2846, %mul3A_2847 : vector<16xf32>
    %mul3A_2849 = arith.mulf %get3A_2812, %get3A_2812 : vector<16xf32>
    %add3A_2850 = arith.addf %add3A_2848, %mul3A_2849 : vector<16xf32>
    %mul3A_2851 = arith.mulf %get3A_2814, %get3A_2814 : vector<16xf32>
    %add3A_2852 = arith.addf %add3A_2850, %mul3A_2851 : vector<16xf32>
    %mul3A_2853 = arith.mulf %get3A_2816, %get3A_2816 : vector<16xf32>
    %add3A_2854 = arith.addf %add3A_2852, %mul3A_2853 : vector<16xf32>
    %mul3A_2855 = arith.mulf %get3A_2818, %get3A_2818 : vector<16xf32>
    %add3A_2856 = arith.addf %add3A_2854, %mul3A_2855 : vector<16xf32>
    %mul3A_2857 = arith.mulf %get3A_2820, %get3A_2820 : vector<16xf32>
    %add3A_2858 = arith.addf %add3A_2856, %mul3A_2857 : vector<16xf32>
    %mul3A_2859 = arith.mulf %get3A_2822, %get3A_2822 : vector<16xf32>
    %add3A_2860 = arith.addf %add3A_2858, %mul3A_2859 : vector<16xf32>
    %mul3A_2861 = arith.mulf %get3A_2824, %get3A_2824 : vector<16xf32>
    %add3A_2862 = arith.addf %add3A_2860, %mul3A_2861 : vector<16xf32>
    %mul3A_2863 = arith.mulf %get3A_2826, %get3A_2826 : vector<16xf32>
    %add3A_2864 = arith.addf %add3A_2862, %mul3A_2863 : vector<16xf32>
    %mul3A_2865 = arith.mulf %get3A_2828, %get3A_2828 : vector<16xf32>
    %add3A_2866 = arith.addf %add3A_2864, %mul3A_2865 : vector<16xf32>
    %convert_element_type3A_2867 = arith.fptosi %gather3A_2728 : vector<16xf32> to vector<16xi32>
    %ge3A_2868 = arith.constant 0 : i32
    %ge3A_2869 = vector.broadcast %ge3A_2868 : i32 to vector<16xi32>
    %ge3A_2870 = arith.cmpi sge, %convert_element_type3A_2867, %ge3A_2869 : vector<16xi32>
    %lt3A_2871 = arith.constant 13 : i32
    %lt3A_2872 = vector.broadcast %lt3A_2871 : i32 to vector<16xi32>
    %lt3A_2873 = arith.cmpi slt, %convert_element_type3A_2867, %lt3A_2872 : vector<16xi32>
    %and3A_2874 = arith.andi %ge3A_2870, %lt3A_2873 : vector<16xi1>
    %jit3A_2875 = arith.constant 1.000000e+00 : f32
    %jit3A_2876 = arith.constant 0.000000e+00 : f32
    %broadcast_in_dim3A_2877 = vector.broadcast %jit3A_2875 : f32 to vector<16xf32>
    %broadcast_in_dim3A_2878 = vector.broadcast %jit3A_2876 : f32 to vector<16xf32>
    %select_n3A_2879 = arith.select %and3A_2874, %broadcast_in_dim3A_2877, %broadcast_in_dim3A_2878 : vector<16xi1>, vector<16xf32>
    %mul3A_2880 = arith.constant 2.000000e+00 : f32
    %mul3A_2881 = vector.broadcast %mul3A_2880 : f32 to vector<16xf32>
    %mul3A_2882 = arith.mulf %mul3A_2881, %get3A_2830 : vector<16xf32>
    %mul3A_2883 = arith.mulf %mul3A_2882, %select_n3A_2879 : vector<16xf32>
    %sub3A_2884 = arith.subf %add3A_2866, %mul3A_2883 : vector<16xf32>
    %add3A_2885 = arith.addf %sub3A_2884, %select_n3A_2879 : vector<16xf32>
    %mul3A_2886 = arith.constant 5.000000e+00 : f32
    %mul3A_2887 = vector.broadcast %mul3A_2886 : f32 to vector<16xf32>
    %mul3A_2888 = arith.mulf %mul3A_2887, %add3A_2841 : vector<16xf32>
    %add3A_2889 = arith.addf %mul3A_2888, %add3A_2885 : vector<16xf32>
    %mul3A_2890 = arith.mulf %add3A_2889, %select_n3A_2780 : vector<16xf32>
    %add3A_2891 = arith.addf %add3A_2698, %mul3A_2890 : vector<16xf32>
    %mul3A_2892 = arith.mulf %get3A_2794, %get3A_2794 : vector<16xf32>
    %mul3A_2893 = arith.mulf %mul3A_2892, %select_n3A_2792 : vector<16xf32>
    %add3A_2894 = arith.addf %add3A_2701, %mul3A_2893 : vector<16xf32>
    %dma_wait3A_2895 = arith.constant 1024 : i32
    %dma_wait3A_2896 = tpu.memref_slice %arg8[%dma_wait3A_2895] : memref<1536xf32, #tpu.memory_space<vmem>> -> memref<128xf32, #tpu.memory_space<vmem>>
    %dma_wait3A_2897 = arith.constant 1024 : i32
    %dma_wait3A_2898 = tpu.memref_slice %arg7[%dma_wait3A_2897] : memref<1536xi32, #tpu.memory_space<vmem>> -> memref<128xi32, #tpu.memory_space<vmem>>
    %dma_wait3A_2899 = arith.constant 0 : i32
    %dma_wait3A_2900 = tpu.memref_slice %arg2[%dma_wait3A_2899] : memref<1168128xf32, #tpu.memory_space<hbm>> -> memref<1168128xf32, #tpu.memory_space<hbm>>
    tpu.wait_indirect_dma semaphore(%arg16 : memref<!tpu.dma_semaphore, #tpu.memory_space<semaphore_mem>>) src(%dma_wait3A_2900 : memref<1168128xf32, #tpu.memory_space<hbm>>) dst(%dma_wait3A_2896 : memref<128xf32, #tpu.memory_space<vmem>>)
    %dma_wait3A_2901 = arith.constant 1152 : i32
    %dma_wait3A_2902 = tpu.memref_slice %arg8[%dma_wait3A_2901] : memref<1536xf32, #tpu.memory_space<vmem>> -> memref<128xf32, #tpu.memory_space<vmem>>
    %dma_wait3A_2903 = arith.constant 1152 : i32
    %dma_wait3A_2904 = tpu.memref_slice %arg7[%dma_wait3A_2903] : memref<1536xi32, #tpu.memory_space<vmem>> -> memref<128xi32, #tpu.memory_space<vmem>>
    %dma_wait3A_2905 = arith.constant 0 : i32
    %dma_wait3A_2906 = tpu.memref_slice %arg2[%dma_wait3A_2905] : memref<1168128xf32, #tpu.memory_space<hbm>> -> memref<1168128xf32, #tpu.memory_space<hbm>>
    tpu.wait_indirect_dma semaphore(%arg16 : memref<!tpu.dma_semaphore, #tpu.memory_space<semaphore_mem>>) src(%dma_wait3A_2906 : memref<1168128xf32, #tpu.memory_space<hbm>>) dst(%dma_wait3A_2902 : memref<128xf32, #tpu.memory_space<vmem>>)
    %mul3A_2907 = arith.constant 128 : i32
    %mul3A_2908 = vector.broadcast %mul3A_2907 : i32 to vector<16xi32>
    %mul3A_2909 = arith.muli %sub3A_396, %mul3A_2908 : vector<16xi32>
    %mul3A_2910 = arith.constant 4 : i32
    %mul3A_2911 = arith.muli %add3A, %mul3A_2910 : i32
    %add3A_2912 = vector.broadcast %mul3A_2911 : i32 to vector<16xi32>
    %add3A_2913 = arith.addi %add3A_2912, %add3A_392 : vector<16xi32>
    %add3A_2914 = arith.addi %mul3A_2909, %add3A_2913 : vector<16xi32>
    %gather3A_2915 = tpu.vector_load_idx %arg5[%add3A_2914] : memref<12800xf32, #tpu.memory_space<vmem>>[vector<16xi32>], vector<16xf32>,
    %add3A_2916 = arith.constant 2560 : i32
    %add3A_2917 = vector.broadcast %add3A_2916 : i32 to vector<16xi32>
    %add3A_2918 = arith.addi %add3A_2914, %add3A_2917 : vector<16xi32>
    %gather3A_2919 = tpu.vector_load_idx %arg5[%add3A_2918] : memref<12800xf32, #tpu.memory_space<vmem>>[vector<16xi32>], vector<16xf32>,
    %add3A_2920 = arith.constant 5120 : i32
    %add3A_2921 = vector.broadcast %add3A_2920 : i32 to vector<16xi32>
    %add3A_2922 = arith.addi %add3A_2914, %add3A_2921 : vector<16xi32>
    %gather3A_2923 = tpu.vector_load_idx %arg5[%add3A_2922] : memref<12800xf32, #tpu.memory_space<vmem>>[vector<16xi32>], vector<16xf32>,
    %add3A_2924 = arith.constant 7680 : i32
    %add3A_2925 = vector.broadcast %add3A_2924 : i32 to vector<16xi32>
    %add3A_2926 = arith.addi %add3A_2914, %add3A_2925 : vector<16xi32>
    %gather3A_2927 = tpu.vector_load_idx %arg5[%add3A_2926] : memref<12800xf32, #tpu.memory_space<vmem>>[vector<16xi32>], vector<16xf32>,
    %add3A_2928 = arith.constant 10240 : i32
    %add3A_2929 = vector.broadcast %add3A_2928 : i32 to vector<16xi32>
    %add3A_2930 = arith.addi %add3A_2914, %add3A_2929 : vector<16xi32>
    %gather3A_2931 = tpu.vector_load_idx %arg5[%add3A_2930] : memref<12800xf32, #tpu.memory_space<vmem>>[vector<16xi32>], vector<16xf32>,
    %mul3A_2932 = arith.constant 1.300000e+01 : f32
    %mul3A_2933 = vector.broadcast %mul3A_2932 : f32 to vector<16xf32>
    %mul3A_2934 = arith.mulf %gather3A_2919, %mul3A_2933 : vector<16xf32>
    %mul3A_2935 = arith.constant 1.300000e+01 : f32
    %mul3A_2936 = vector.broadcast %mul3A_2935 : f32 to vector<16xf32>
    %mul3A_2937 = arith.mulf %gather3A_2923, %mul3A_2936 : vector<16xf32>
    %convert_element_type3A_2938 = arith.fptosi %mul3A_2934 : vector<16xf32> to vector<16xi32>
    %convert_element_type3A_2939 = arith.sitofp %convert_element_type3A_2938 : vector<16xi32> to vector<16xf32>
    %gt3A_2940 = arith.cmpf ogt, %convert_element_type3A_2939, %mul3A_2934 : vector<16xf32>
    %jit3A_2941 = arith.constant 1 : i32
    %jit3A_2942 = arith.constant 0 : i32
    %broadcast_in_dim3A_2943 = vector.broadcast %jit3A_2941 : i32 to vector<16xi32>
    %broadcast_in_dim3A_2944 = vector.broadcast %jit3A_2942 : i32 to vector<16xi32>
    %select_n3A_2945 = arith.select %gt3A_2940, %broadcast_in_dim3A_2943, %broadcast_in_dim3A_2944 : vector<16xi1>, vector<16xi32>
    %sub3A_2946 = arith.subi %convert_element_type3A_2938, %select_n3A_2945 : vector<16xi32>
    %convert_element_type3A_2947 = arith.fptosi %mul3A_2937 : vector<16xf32> to vector<16xi32>
    %convert_element_type3A_2948 = arith.sitofp %convert_element_type3A_2947 : vector<16xi32> to vector<16xf32>
    %gt3A_2949 = arith.cmpf ogt, %convert_element_type3A_2948, %mul3A_2937 : vector<16xf32>
    %jit3A_2950 = arith.constant 1 : i32
    %jit3A_2951 = arith.constant 0 : i32
    %broadcast_in_dim3A_2952 = vector.broadcast %jit3A_2950 : i32 to vector<16xi32>
    %broadcast_in_dim3A_2953 = vector.broadcast %jit3A_2951 : i32 to vector<16xi32>
    %select_n3A_2954 = arith.select %gt3A_2949, %broadcast_in_dim3A_2952, %broadcast_in_dim3A_2953 : vector<16xi1>, vector<16xi32>
    %sub3A_2955 = arith.subi %convert_element_type3A_2947, %select_n3A_2954 : vector<16xi32>
    %lt3A_2956 = arith.constant 13 : i32
    %lt3A_2957 = vector.broadcast %lt3A_2956 : i32 to vector<16xi32>
    %lt3A_2958 = arith.cmpi slt, %sub3A_2946, %lt3A_2957 : vector<16xi32>
    %lt3A_2959 = arith.constant 13 : i32
    %lt3A_2960 = vector.broadcast %lt3A_2959 : i32 to vector<16xi32>
    %lt3A_2961 = arith.cmpi slt, %sub3A_2955, %lt3A_2960 : vector<16xi32>
    %and3A_2962 = arith.andi %lt3A_2958, %lt3A_2961 : vector<16xi1>
    %jit3A_2963 = arith.constant 1.000000e+00 : f32
    %jit3A_2964 = arith.constant 0.000000e+00 : f32
    %broadcast_in_dim3A_2965 = vector.broadcast %jit3A_2963 : f32 to vector<16xf32>
    %broadcast_in_dim3A_2966 = vector.broadcast %jit3A_2964 : f32 to vector<16xf32>
    %select_n3A_2967 = arith.select %and3A_2962, %broadcast_in_dim3A_2965, %broadcast_in_dim3A_2966 : vector<16xi1>, vector<16xf32>
    %mul3A_2968 = arith.constant 176 : i32
    %mul3A_2969 = vector.broadcast %mul3A_2968 : i32 to vector<16xi32>
    %mul3A_2970 = arith.muli %mul3A_2969, %add3A_392 : vector<16xi32>
    %add3A_2971 = arith.addi %mul3A_2970, %add3A_1043 : vector<16xi32>
    %gather3A_2972 = tpu.vector_load_idx %arg9[%add3A_2971] : memref<704xi32, #tpu.memory_space<vmem>>[vector<16xi32>], vector<16xi32>,
    %eq3A_2973 = arith.cmpi eq, %gather3A_2972, %sub3A_396 : vector<16xi32>
    %and3A_2974 = arith.andi %eq3A_2973, %and3A_2962 : vector<16xi1>
    %jit3A_2975 = arith.constant 1.000000e+00 : f32
    %jit3A_2976 = arith.constant 0.000000e+00 : f32
    %broadcast_in_dim3A_2977 = vector.broadcast %jit3A_2975 : f32 to vector<16xf32>
    %broadcast_in_dim3A_2978 = vector.broadcast %jit3A_2976 : f32 to vector<16xf32>
    %select_n3A_2979 = arith.select %and3A_2974, %broadcast_in_dim3A_2977, %broadcast_in_dim3A_2978 : vector<16xi1>, vector<16xf32>
    %get3A_2980 = arith.constant 912 : index
    %get3A_2981 = tpu.vector_load %arg8[%get3A_2980] {strides = array<i32>} : memref<1536xf32, #tpu.memory_space<vmem>>, vector<16xf32>,
    %get3A_2982 = arith.constant 928 : index
    %get3A_2983 = tpu.vector_load %arg8[%get3A_2982] {strides = array<i32>} : memref<1536xf32, #tpu.memory_space<vmem>>, vector<16xf32>,
    %get3A_2984 = arith.constant 944 : index
    %get3A_2985 = tpu.vector_load %arg8[%get3A_2984] {strides = array<i32>} : memref<1536xf32, #tpu.memory_space<vmem>>, vector<16xf32>,
    %get3A_2986 = arith.constant 960 : index
    %get3A_2987 = tpu.vector_load %arg8[%get3A_2986] {strides = array<i32>} : memref<1536xf32, #tpu.memory_space<vmem>>, vector<16xf32>,
    %get3A_2988 = arith.constant 976 : index
    %get3A_2989 = tpu.vector_load %arg8[%get3A_2988] {strides = array<i32>} : memref<1536xf32, #tpu.memory_space<vmem>>, vector<16xf32>,
    %get3A_2990 = arith.constant 992 : index
    %get3A_2991 = tpu.vector_load %arg8[%get3A_2990] {strides = array<i32>} : memref<1536xf32, #tpu.memory_space<vmem>>, vector<16xf32>,
    %get3A_2992 = arith.constant 1008 : index
    %get3A_2993 = tpu.vector_load %arg8[%get3A_2992] {strides = array<i32>} : memref<1536xf32, #tpu.memory_space<vmem>>, vector<16xf32>,
    %get3A_2994 = arith.constant 1024 : index
    %get3A_2995 = tpu.vector_load %arg8[%get3A_2994] {strides = array<i32>} : memref<1536xf32, #tpu.memory_space<vmem>>, vector<16xf32>,
    %get3A_2996 = arith.constant 1040 : index
    %get3A_2997 = tpu.vector_load %arg8[%get3A_2996] {strides = array<i32>} : memref<1536xf32, #tpu.memory_space<vmem>>, vector<16xf32>,
    %get3A_2998 = arith.constant 1056 : index
    %get3A_2999 = tpu.vector_load %arg8[%get3A_2998] {strides = array<i32>} : memref<1536xf32, #tpu.memory_space<vmem>>, vector<16xf32>,
    %get3A_3000 = arith.constant 1072 : index
    %get3A_3001 = tpu.vector_load %arg8[%get3A_3000] {strides = array<i32>} : memref<1536xf32, #tpu.memory_space<vmem>>, vector<16xf32>,
    %get3A_3002 = arith.constant 1088 : index
    %get3A_3003 = tpu.vector_load %arg8[%get3A_3002] {strides = array<i32>} : memref<1536xf32, #tpu.memory_space<vmem>>, vector<16xf32>,
    %get3A_3004 = arith.constant 1104 : index
    %get3A_3005 = tpu.vector_load %arg8[%get3A_3004] {strides = array<i32>} : memref<1536xf32, #tpu.memory_space<vmem>>, vector<16xf32>,
    %get3A_3006 = arith.constant 1120 : index
    %get3A_3007 = tpu.vector_load %arg8[%get3A_3006] {strides = array<i32>} : memref<1536xf32, #tpu.memory_space<vmem>>, vector<16xf32>,
    %get3A_3008 = arith.constant 1136 : index
    %get3A_3009 = tpu.vector_load %arg8[%get3A_3008] {strides = array<i32>} : memref<1536xf32, #tpu.memory_space<vmem>>, vector<16xf32>,
    %get3A_3010 = arith.constant 1152 : index
    %get3A_3011 = tpu.vector_load %arg8[%get3A_3010] {strides = array<i32>} : memref<1536xf32, #tpu.memory_space<vmem>>, vector<16xf32>,
    %get3A_3012 = arith.constant 1168 : index
    %get3A_3013 = tpu.vector_load %arg8[%get3A_3012] {strides = array<i32>} : memref<1536xf32, #tpu.memory_space<vmem>>, vector<16xf32>,
    %get3A_3014 = arith.constant 1184 : index
    %get3A_3015 = tpu.vector_load %arg8[%get3A_3014] {strides = array<i32>} : memref<1536xf32, #tpu.memory_space<vmem>>, vector<16xf32>,
    %get3A_3016 = arith.constant 1200 : index
    %get3A_3017 = tpu.vector_load %arg8[%get3A_3016] {strides = array<i32>} : memref<1536xf32, #tpu.memory_space<vmem>>, vector<16xf32>,
    %sub3A_3018 = arith.subf %get3A_2983, %gather3A_2919 : vector<16xf32>
    %sub3A_3019 = arith.subf %get3A_2985, %gather3A_2923 : vector<16xf32>
    %sub3A_3020 = arith.subf %get3A_2987, %gather3A_2927 : vector<16xf32>
    %sub3A_3021 = arith.subf %get3A_2989, %gather3A_2931 : vector<16xf32>
    %mul3A_3022 = arith.mulf %sub3A_3018, %sub3A_3018 : vector<16xf32>
    %mul3A_3023 = arith.mulf %sub3A_3019, %sub3A_3019 : vector<16xf32>
    %add3A_3024 = arith.addf %mul3A_3022, %mul3A_3023 : vector<16xf32>
    %mul3A_3025 = arith.mulf %sub3A_3020, %sub3A_3020 : vector<16xf32>
    %add3A_3026 = arith.addf %add3A_3024, %mul3A_3025 : vector<16xf32>
    %mul3A_3027 = arith.mulf %sub3A_3021, %sub3A_3021 : vector<16xf32>
    %add3A_3028 = arith.addf %add3A_3026, %mul3A_3027 : vector<16xf32>
    %mul3A_3029 = arith.mulf %get3A_2991, %get3A_2991 : vector<16xf32>
    %mul3A_3030 = arith.mulf %get3A_2993, %get3A_2993 : vector<16xf32>
    %add3A_3031 = arith.addf %mul3A_3029, %mul3A_3030 : vector<16xf32>
    %mul3A_3032 = arith.mulf %get3A_2995, %get3A_2995 : vector<16xf32>
    %add3A_3033 = arith.addf %add3A_3031, %mul3A_3032 : vector<16xf32>
    %mul3A_3034 = arith.mulf %get3A_2997, %get3A_2997 : vector<16xf32>
    %add3A_3035 = arith.addf %add3A_3033, %mul3A_3034 : vector<16xf32>
    %mul3A_3036 = arith.mulf %get3A_2999, %get3A_2999 : vector<16xf32>
    %add3A_3037 = arith.addf %add3A_3035, %mul3A_3036 : vector<16xf32>
    %mul3A_3038 = arith.mulf %get3A_3001, %get3A_3001 : vector<16xf32>
    %add3A_3039 = arith.addf %add3A_3037, %mul3A_3038 : vector<16xf32>
    %mul3A_3040 = arith.mulf %get3A_3003, %get3A_3003 : vector<16xf32>
    %add3A_3041 = arith.addf %add3A_3039, %mul3A_3040 : vector<16xf32>
    %mul3A_3042 = arith.mulf %get3A_3005, %get3A_3005 : vector<16xf32>
    %add3A_3043 = arith.addf %add3A_3041, %mul3A_3042 : vector<16xf32>
    %mul3A_3044 = arith.mulf %get3A_3007, %get3A_3007 : vector<16xf32>
    %add3A_3045 = arith.addf %add3A_3043, %mul3A_3044 : vector<16xf32>
    %mul3A_3046 = arith.mulf %get3A_3009, %get3A_3009 : vector<16xf32>
    %add3A_3047 = arith.addf %add3A_3045, %mul3A_3046 : vector<16xf32>
    %mul3A_3048 = arith.mulf %get3A_3011, %get3A_3011 : vector<16xf32>
    %add3A_3049 = arith.addf %add3A_3047, %mul3A_3048 : vector<16xf32>
    %mul3A_3050 = arith.mulf %get3A_3013, %get3A_3013 : vector<16xf32>
    %add3A_3051 = arith.addf %add3A_3049, %mul3A_3050 : vector<16xf32>
    %mul3A_3052 = arith.mulf %get3A_3015, %get3A_3015 : vector<16xf32>
    %add3A_3053 = arith.addf %add3A_3051, %mul3A_3052 : vector<16xf32>
    %convert_element_type3A_3054 = arith.fptosi %gather3A_2915 : vector<16xf32> to vector<16xi32>
    %ge3A_3055 = arith.constant 0 : i32
    %ge3A_3056 = vector.broadcast %ge3A_3055 : i32 to vector<16xi32>
    %ge3A_3057 = arith.cmpi sge, %convert_element_type3A_3054, %ge3A_3056 : vector<16xi32>
    %lt3A_3058 = arith.constant 13 : i32
    %lt3A_3059 = vector.broadcast %lt3A_3058 : i32 to vector<16xi32>
    %lt3A_3060 = arith.cmpi slt, %convert_element_type3A_3054, %lt3A_3059 : vector<16xi32>
    %and3A_3061 = arith.andi %ge3A_3057, %lt3A_3060 : vector<16xi1>
    %jit3A_3062 = arith.constant 1.000000e+00 : f32
    %jit3A_3063 = arith.constant 0.000000e+00 : f32
    %broadcast_in_dim3A_3064 = vector.broadcast %jit3A_3062 : f32 to vector<16xf32>
    %broadcast_in_dim3A_3065 = vector.broadcast %jit3A_3063 : f32 to vector<16xf32>
    %select_n3A_3066 = arith.select %and3A_3061, %broadcast_in_dim3A_3064, %broadcast_in_dim3A_3065 : vector<16xi1>, vector<16xf32>
    %mul3A_3067 = arith.constant 2.000000e+00 : f32
    %mul3A_3068 = vector.broadcast %mul3A_3067 : f32 to vector<16xf32>
    %mul3A_3069 = arith.mulf %mul3A_3068, %get3A_3017 : vector<16xf32>
    %mul3A_3070 = arith.mulf %mul3A_3069, %select_n3A_3066 : vector<16xf32>
    %sub3A_3071 = arith.subf %add3A_3053, %mul3A_3070 : vector<16xf32>
    %add3A_3072 = arith.addf %sub3A_3071, %select_n3A_3066 : vector<16xf32>
    %mul3A_3073 = arith.constant 5.000000e+00 : f32
    %mul3A_3074 = vector.broadcast %mul3A_3073 : f32 to vector<16xf32>
    %mul3A_3075 = arith.mulf %mul3A_3074, %add3A_3028 : vector<16xf32>
    %add3A_3076 = arith.addf %mul3A_3075, %add3A_3072 : vector<16xf32>
    %mul3A_3077 = arith.mulf %add3A_3076, %select_n3A_2967 : vector<16xf32>
    %add3A_3078 = arith.addf %add3A_2891, %mul3A_3077 : vector<16xf32>
    %mul3A_3079 = arith.mulf %get3A_2981, %get3A_2981 : vector<16xf32>
    %mul3A_3080 = arith.mulf %mul3A_3079, %select_n3A_2979 : vector<16xf32>
    %add3A_3081 = arith.addf %add3A_2894, %mul3A_3080 : vector<16xf32>
    %dma_wait3A_3082 = arith.constant 1280 : i32
    %dma_wait3A_3083 = tpu.memref_slice %arg8[%dma_wait3A_3082] : memref<1536xf32, #tpu.memory_space<vmem>> -> memref<128xf32, #tpu.memory_space<vmem>>
    %dma_wait3A_3084 = arith.constant 1280 : i32
    %dma_wait3A_3085 = tpu.memref_slice %arg7[%dma_wait3A_3084] : memref<1536xi32, #tpu.memory_space<vmem>> -> memref<128xi32, #tpu.memory_space<vmem>>
    %dma_wait3A_3086 = arith.constant 0 : i32
    %dma_wait3A_3087 = tpu.memref_slice %arg2[%dma_wait3A_3086] : memref<1168128xf32, #tpu.memory_space<hbm>> -> memref<1168128xf32, #tpu.memory_space<hbm>>
    tpu.wait_indirect_dma semaphore(%arg16 : memref<!tpu.dma_semaphore, #tpu.memory_space<semaphore_mem>>) src(%dma_wait3A_3087 : memref<1168128xf32, #tpu.memory_space<hbm>>) dst(%dma_wait3A_3083 : memref<128xf32, #tpu.memory_space<vmem>>)
    %dma_wait3A_3088 = arith.constant 1408 : i32
    %dma_wait3A_3089 = tpu.memref_slice %arg8[%dma_wait3A_3088] : memref<1536xf32, #tpu.memory_space<vmem>> -> memref<128xf32, #tpu.memory_space<vmem>>
    %dma_wait3A_3090 = arith.constant 1408 : i32
    %dma_wait3A_3091 = tpu.memref_slice %arg7[%dma_wait3A_3090] : memref<1536xi32, #tpu.memory_space<vmem>> -> memref<128xi32, #tpu.memory_space<vmem>>
    %dma_wait3A_3092 = arith.constant 0 : i32
    %dma_wait3A_3093 = tpu.memref_slice %arg2[%dma_wait3A_3092] : memref<1168128xf32, #tpu.memory_space<hbm>> -> memref<1168128xf32, #tpu.memory_space<hbm>>
    tpu.wait_indirect_dma semaphore(%arg16 : memref<!tpu.dma_semaphore, #tpu.memory_space<semaphore_mem>>) src(%dma_wait3A_3093 : memref<1168128xf32, #tpu.memory_space<hbm>>) dst(%dma_wait3A_3089 : memref<128xf32, #tpu.memory_space<vmem>>)
    %mul3A_3094 = arith.constant 128 : i32
    %mul3A_3095 = vector.broadcast %mul3A_3094 : i32 to vector<16xi32>
    %mul3A_3096 = arith.muli %sub3A_432, %mul3A_3095 : vector<16xi32>
    %mul3A_3097 = arith.constant 4 : i32
    %mul3A_3098 = arith.muli %add3A, %mul3A_3097 : i32
    %add3A_3099 = vector.broadcast %mul3A_3098 : i32 to vector<16xi32>
    %add3A_3100 = arith.addi %add3A_3099, %add3A_428 : vector<16xi32>
    %add3A_3101 = arith.addi %mul3A_3096, %add3A_3100 : vector<16xi32>
    %gather3A_3102 = tpu.vector_load_idx %arg5[%add3A_3101] : memref<12800xf32, #tpu.memory_space<vmem>>[vector<16xi32>], vector<16xf32>,
    %add3A_3103 = arith.constant 2560 : i32
    %add3A_3104 = vector.broadcast %add3A_3103 : i32 to vector<16xi32>
    %add3A_3105 = arith.addi %add3A_3101, %add3A_3104 : vector<16xi32>
    %gather3A_3106 = tpu.vector_load_idx %arg5[%add3A_3105] : memref<12800xf32, #tpu.memory_space<vmem>>[vector<16xi32>], vector<16xf32>,
    %add3A_3107 = arith.constant 5120 : i32
    %add3A_3108 = vector.broadcast %add3A_3107 : i32 to vector<16xi32>
    %add3A_3109 = arith.addi %add3A_3101, %add3A_3108 : vector<16xi32>
    %gather3A_3110 = tpu.vector_load_idx %arg5[%add3A_3109] : memref<12800xf32, #tpu.memory_space<vmem>>[vector<16xi32>], vector<16xf32>,
    %add3A_3111 = arith.constant 7680 : i32
    %add3A_3112 = vector.broadcast %add3A_3111 : i32 to vector<16xi32>
    %add3A_3113 = arith.addi %add3A_3101, %add3A_3112 : vector<16xi32>
    %gather3A_3114 = tpu.vector_load_idx %arg5[%add3A_3113] : memref<12800xf32, #tpu.memory_space<vmem>>[vector<16xi32>], vector<16xf32>,
    %add3A_3115 = arith.constant 10240 : i32
    %add3A_3116 = vector.broadcast %add3A_3115 : i32 to vector<16xi32>
    %add3A_3117 = arith.addi %add3A_3101, %add3A_3116 : vector<16xi32>
    %gather3A_3118 = tpu.vector_load_idx %arg5[%add3A_3117] : memref<12800xf32, #tpu.memory_space<vmem>>[vector<16xi32>], vector<16xf32>,
    %mul3A_3119 = arith.constant 1.300000e+01 : f32
    %mul3A_3120 = vector.broadcast %mul3A_3119 : f32 to vector<16xf32>
    %mul3A_3121 = arith.mulf %gather3A_3106, %mul3A_3120 : vector<16xf32>
    %mul3A_3122 = arith.constant 1.300000e+01 : f32
    %mul3A_3123 = vector.broadcast %mul3A_3122 : f32 to vector<16xf32>
    %mul3A_3124 = arith.mulf %gather3A_3110, %mul3A_3123 : vector<16xf32>
    %convert_element_type3A_3125 = arith.fptosi %mul3A_3121 : vector<16xf32> to vector<16xi32>
    %convert_element_type3A_3126 = arith.sitofp %convert_element_type3A_3125 : vector<16xi32> to vector<16xf32>
    %gt3A_3127 = arith.cmpf ogt, %convert_element_type3A_3126, %mul3A_3121 : vector<16xf32>
    %jit3A_3128 = arith.constant 1 : i32
    %jit3A_3129 = arith.constant 0 : i32
    %broadcast_in_dim3A_3130 = vector.broadcast %jit3A_3128 : i32 to vector<16xi32>
    %broadcast_in_dim3A_3131 = vector.broadcast %jit3A_3129 : i32 to vector<16xi32>
    %select_n3A_3132 = arith.select %gt3A_3127, %broadcast_in_dim3A_3130, %broadcast_in_dim3A_3131 : vector<16xi1>, vector<16xi32>
    %sub3A_3133 = arith.subi %convert_element_type3A_3125, %select_n3A_3132 : vector<16xi32>
    %convert_element_type3A_3134 = arith.fptosi %mul3A_3124 : vector<16xf32> to vector<16xi32>
    %convert_element_type3A_3135 = arith.sitofp %convert_element_type3A_3134 : vector<16xi32> to vector<16xf32>
    %gt3A_3136 = arith.cmpf ogt, %convert_element_type3A_3135, %mul3A_3124 : vector<16xf32>
    %jit3A_3137 = arith.constant 1 : i32
    %jit3A_3138 = arith.constant 0 : i32
    %broadcast_in_dim3A_3139 = vector.broadcast %jit3A_3137 : i32 to vector<16xi32>
    %broadcast_in_dim3A_3140 = vector.broadcast %jit3A_3138 : i32 to vector<16xi32>
    %select_n3A_3141 = arith.select %gt3A_3136, %broadcast_in_dim3A_3139, %broadcast_in_dim3A_3140 : vector<16xi1>, vector<16xi32>
    %sub3A_3142 = arith.subi %convert_element_type3A_3134, %select_n3A_3141 : vector<16xi32>
    %lt3A_3143 = arith.constant 13 : i32
    %lt3A_3144 = vector.broadcast %lt3A_3143 : i32 to vector<16xi32>
    %lt3A_3145 = arith.cmpi slt, %sub3A_3133, %lt3A_3144 : vector<16xi32>
    %lt3A_3146 = arith.constant 13 : i32
    %lt3A_3147 = vector.broadcast %lt3A_3146 : i32 to vector<16xi32>
    %lt3A_3148 = arith.cmpi slt, %sub3A_3142, %lt3A_3147 : vector<16xi32>
    %and3A_3149 = arith.andi %lt3A_3145, %lt3A_3148 : vector<16xi1>
    %jit3A_3150 = arith.constant 1.000000e+00 : f32
    %jit3A_3151 = arith.constant 0.000000e+00 : f32
    %broadcast_in_dim3A_3152 = vector.broadcast %jit3A_3150 : f32 to vector<16xf32>
    %broadcast_in_dim3A_3153 = vector.broadcast %jit3A_3151 : f32 to vector<16xf32>
    %select_n3A_3154 = arith.select %and3A_3149, %broadcast_in_dim3A_3152, %broadcast_in_dim3A_3153 : vector<16xi1>, vector<16xf32>
    %mul3A_3155 = arith.constant 176 : i32
    %mul3A_3156 = vector.broadcast %mul3A_3155 : i32 to vector<16xi32>
    %mul3A_3157 = arith.muli %mul3A_3156, %add3A_428 : vector<16xi32>
    %add3A_3158 = arith.addi %mul3A_3157, %add3A_1225 : vector<16xi32>
    %gather3A_3159 = tpu.vector_load_idx %arg9[%add3A_3158] : memref<704xi32, #tpu.memory_space<vmem>>[vector<16xi32>], vector<16xi32>,
    %eq3A_3160 = arith.cmpi eq, %gather3A_3159, %sub3A_432 : vector<16xi32>
    %and3A_3161 = arith.andi %eq3A_3160, %and3A_3149 : vector<16xi1>
    %jit3A_3162 = arith.constant 1.000000e+00 : f32
    %jit3A_3163 = arith.constant 0.000000e+00 : f32
    %broadcast_in_dim3A_3164 = vector.broadcast %jit3A_3162 : f32 to vector<16xf32>
    %broadcast_in_dim3A_3165 = vector.broadcast %jit3A_3163 : f32 to vector<16xf32>
    %select_n3A_3166 = arith.select %and3A_3161, %broadcast_in_dim3A_3164, %broadcast_in_dim3A_3165 : vector<16xi1>, vector<16xf32>
    %get3A_3167 = arith.constant 1216 : index
    %get3A_3168 = tpu.vector_load %arg8[%get3A_3167] {strides = array<i32>} : memref<1536xf32, #tpu.memory_space<vmem>>, vector<16xf32>,
    %get3A_3169 = arith.constant 1232 : index
    %get3A_3170 = tpu.vector_load %arg8[%get3A_3169] {strides = array<i32>} : memref<1536xf32, #tpu.memory_space<vmem>>, vector<16xf32>,
    %get3A_3171 = arith.constant 1248 : index
    %get3A_3172 = tpu.vector_load %arg8[%get3A_3171] {strides = array<i32>} : memref<1536xf32, #tpu.memory_space<vmem>>, vector<16xf32>,
    %get3A_3173 = arith.constant 1264 : index
    %get3A_3174 = tpu.vector_load %arg8[%get3A_3173] {strides = array<i32>} : memref<1536xf32, #tpu.memory_space<vmem>>, vector<16xf32>,
    %get3A_3175 = arith.constant 1280 : index
    %get3A_3176 = tpu.vector_load %arg8[%get3A_3175] {strides = array<i32>} : memref<1536xf32, #tpu.memory_space<vmem>>, vector<16xf32>,
    %get3A_3177 = arith.constant 1296 : index
    %get3A_3178 = tpu.vector_load %arg8[%get3A_3177] {strides = array<i32>} : memref<1536xf32, #tpu.memory_space<vmem>>, vector<16xf32>,
    %get3A_3179 = arith.constant 1312 : index
    %get3A_3180 = tpu.vector_load %arg8[%get3A_3179] {strides = array<i32>} : memref<1536xf32, #tpu.memory_space<vmem>>, vector<16xf32>,
    %get3A_3181 = arith.constant 1328 : index
    %get3A_3182 = tpu.vector_load %arg8[%get3A_3181] {strides = array<i32>} : memref<1536xf32, #tpu.memory_space<vmem>>, vector<16xf32>,
    %get3A_3183 = arith.constant 1344 : index
    %get3A_3184 = tpu.vector_load %arg8[%get3A_3183] {strides = array<i32>} : memref<1536xf32, #tpu.memory_space<vmem>>, vector<16xf32>,
    %get3A_3185 = arith.constant 1360 : index
    %get3A_3186 = tpu.vector_load %arg8[%get3A_3185] {strides = array<i32>} : memref<1536xf32, #tpu.memory_space<vmem>>, vector<16xf32>,
    %get3A_3187 = arith.constant 1376 : index
    %get3A_3188 = tpu.vector_load %arg8[%get3A_3187] {strides = array<i32>} : memref<1536xf32, #tpu.memory_space<vmem>>, vector<16xf32>,
    %get3A_3189 = arith.constant 1392 : index
    %get3A_3190 = tpu.vector_load %arg8[%get3A_3189] {strides = array<i32>} : memref<1536xf32, #tpu.memory_space<vmem>>, vector<16xf32>,
    %get3A_3191 = arith.constant 1408 : index
    %get3A_3192 = tpu.vector_load %arg8[%get3A_3191] {strides = array<i32>} : memref<1536xf32, #tpu.memory_space<vmem>>, vector<16xf32>,
    %get3A_3193 = arith.constant 1424 : index
    %get3A_3194 = tpu.vector_load %arg8[%get3A_3193] {strides = array<i32>} : memref<1536xf32, #tpu.memory_space<vmem>>, vector<16xf32>,
    %get3A_3195 = arith.constant 1440 : index
    %get3A_3196 = tpu.vector_load %arg8[%get3A_3195] {strides = array<i32>} : memref<1536xf32, #tpu.memory_space<vmem>>, vector<16xf32>,
    %get3A_3197 = arith.constant 1456 : index
    %get3A_3198 = tpu.vector_load %arg8[%get3A_3197] {strides = array<i32>} : memref<1536xf32, #tpu.memory_space<vmem>>, vector<16xf32>,
    %get3A_3199 = arith.constant 1472 : index
    %get3A_3200 = tpu.vector_load %arg8[%get3A_3199] {strides = array<i32>} : memref<1536xf32, #tpu.memory_space<vmem>>, vector<16xf32>,
    %get3A_3201 = arith.constant 1488 : index
    %get3A_3202 = tpu.vector_load %arg8[%get3A_3201] {strides = array<i32>} : memref<1536xf32, #tpu.memory_space<vmem>>, vector<16xf32>,
    %get3A_3203 = arith.constant 1504 : index
    %get3A_3204 = tpu.vector_load %arg8[%get3A_3203] {strides = array<i32>} : memref<1536xf32, #tpu.memory_space<vmem>>, vector<16xf32>,
    %sub3A_3205 = arith.subf %get3A_3170, %gather3A_3106 : vector<16xf32>
    %sub3A_3206 = arith.subf %get3A_3172, %gather3A_3110 : vector<16xf32>
    %sub3A_3207 = arith.subf %get3A_3174, %gather3A_3114 : vector<16xf32>
    %sub3A_3208 = arith.subf %get3A_3176, %gather3A_3118 : vector<16xf32>
    %mul3A_3209 = arith.mulf %sub3A_3205, %sub3A_3205 : vector<16xf32>
    %mul3A_3210 = arith.mulf %sub3A_3206, %sub3A_3206 : vector<16xf32>
    %add3A_3211 = arith.addf %mul3A_3209, %mul3A_3210 : vector<16xf32>
    %mul3A_3212 = arith.mulf %sub3A_3207, %sub3A_3207 : vector<16xf32>
    %add3A_3213 = arith.addf %add3A_3211, %mul3A_3212 : vector<16xf32>
    %mul3A_3214 = arith.mulf %sub3A_3208, %sub3A_3208 : vector<16xf32>
    %add3A_3215 = arith.addf %add3A_3213, %mul3A_3214 : vector<16xf32>
    %mul3A_3216 = arith.mulf %get3A_3178, %get3A_3178 : vector<16xf32>
    %mul3A_3217 = arith.mulf %get3A_3180, %get3A_3180 : vector<16xf32>
    %add3A_3218 = arith.addf %mul3A_3216, %mul3A_3217 : vector<16xf32>
    %mul3A_3219 = arith.mulf %get3A_3182, %get3A_3182 : vector<16xf32>
    %add3A_3220 = arith.addf %add3A_3218, %mul3A_3219 : vector<16xf32>
    %mul3A_3221 = arith.mulf %get3A_3184, %get3A_3184 : vector<16xf32>
    %add3A_3222 = arith.addf %add3A_3220, %mul3A_3221 : vector<16xf32>
    %mul3A_3223 = arith.mulf %get3A_3186, %get3A_3186 : vector<16xf32>
    %add3A_3224 = arith.addf %add3A_3222, %mul3A_3223 : vector<16xf32>
    %mul3A_3225 = arith.mulf %get3A_3188, %get3A_3188 : vector<16xf32>
    %add3A_3226 = arith.addf %add3A_3224, %mul3A_3225 : vector<16xf32>
    %mul3A_3227 = arith.mulf %get3A_3190, %get3A_3190 : vector<16xf32>
    %add3A_3228 = arith.addf %add3A_3226, %mul3A_3227 : vector<16xf32>
    %mul3A_3229 = arith.mulf %get3A_3192, %get3A_3192 : vector<16xf32>
    %add3A_3230 = arith.addf %add3A_3228, %mul3A_3229 : vector<16xf32>
    %mul3A_3231 = arith.mulf %get3A_3194, %get3A_3194 : vector<16xf32>
    %add3A_3232 = arith.addf %add3A_3230, %mul3A_3231 : vector<16xf32>
    %mul3A_3233 = arith.mulf %get3A_3196, %get3A_3196 : vector<16xf32>
    %add3A_3234 = arith.addf %add3A_3232, %mul3A_3233 : vector<16xf32>
    %mul3A_3235 = arith.mulf %get3A_3198, %get3A_3198 : vector<16xf32>
    %add3A_3236 = arith.addf %add3A_3234, %mul3A_3235 : vector<16xf32>
    %mul3A_3237 = arith.mulf %get3A_3200, %get3A_3200 : vector<16xf32>
    %add3A_3238 = arith.addf %add3A_3236, %mul3A_3237 : vector<16xf32>
    %mul3A_3239 = arith.mulf %get3A_3202, %get3A_3202 : vector<16xf32>
    %add3A_3240 = arith.addf %add3A_3238, %mul3A_3239 : vector<16xf32>
    %convert_element_type3A_3241 = arith.fptosi %gather3A_3102 : vector<16xf32> to vector<16xi32>
    %ge3A_3242 = arith.constant 0 : i32
    %ge3A_3243 = vector.broadcast %ge3A_3242 : i32 to vector<16xi32>
    %ge3A_3244 = arith.cmpi sge, %convert_element_type3A_3241, %ge3A_3243 : vector<16xi32>
    %lt3A_3245 = arith.constant 13 : i32
    %lt3A_3246 = vector.broadcast %lt3A_3245 : i32 to vector<16xi32>
    %lt3A_3247 = arith.cmpi slt, %convert_element_type3A_3241, %lt3A_3246 : vector<16xi32>
    %and3A_3248 = arith.andi %ge3A_3244, %lt3A_3247 : vector<16xi1>
    %jit3A_3249 = arith.constant 1.000000e+00 : f32
    %jit3A_3250 = arith.constant 0.000000e+00 : f32
    %broadcast_in_dim3A_3251 = vector.broadcast %jit3A_3249 : f32 to vector<16xf32>
    %broadcast_in_dim3A_3252 = vector.broadcast %jit3A_3250 : f32 to vector<16xf32>
    %select_n3A_3253 = arith.select %and3A_3248, %broadcast_in_dim3A_3251, %broadcast_in_dim3A_3252 : vector<16xi1>, vector<16xf32>
    %mul3A_3254 = arith.constant 2.000000e+00 : f32
    %mul3A_3255 = vector.broadcast %mul3A_3254 : f32 to vector<16xf32>
    %mul3A_3256 = arith.mulf %mul3A_3255, %get3A_3204 : vector<16xf32>
    %mul3A_3257 = arith.mulf %mul3A_3256, %select_n3A_3253 : vector<16xf32>
    %sub3A_3258 = arith.subf %add3A_3240, %mul3A_3257 : vector<16xf32>
    %add3A_3259 = arith.addf %sub3A_3258, %select_n3A_3253 : vector<16xf32>
    %mul3A_3260 = arith.constant 5.000000e+00 : f32
    %mul3A_3261 = vector.broadcast %mul3A_3260 : f32 to vector<16xf32>
    %mul3A_3262 = arith.mulf %mul3A_3261, %add3A_3215 : vector<16xf32>
    %add3A_3263 = arith.addf %mul3A_3262, %add3A_3259 : vector<16xf32>
    %mul3A_3264 = arith.mulf %add3A_3263, %select_n3A_3154 : vector<16xf32>
    %add3A_3265 = arith.addf %add3A_3078, %mul3A_3264 : vector<16xf32>
    %mul3A_3266 = arith.mulf %get3A_3168, %get3A_3168 : vector<16xf32>
    %mul3A_3267 = arith.mulf %mul3A_3266, %select_n3A_3166 : vector<16xf32>
    %add3A_3268 = arith.addf %add3A_3081, %mul3A_3267 : vector<16xf32>
    %sub3A_3269 = arith.subf %add3A_2310, %add3A_3268 : vector<16xf32>
    %mul3A_3270 = arith.constant 5.000000e-01 : f32
    %mul3A_3271 = vector.broadcast %mul3A_3270 : f32 to vector<16xf32>
    %mul3A_3272 = arith.mulf %mul3A_3271, %sub3A_3269 : vector<16xf32>
    %add3A_3273 = arith.addf %add3A_3265, %mul3A_3272 : vector<16xf32>
    %swap3A_3274 = arith.constant 0 : index
    %swap3A_3275 = tpu.vector_load %arg10[%swap3A_3274] {strides = array<i32>} : memref<16xf32, #tpu.memory_space<vmem>>, vector<16xf32>,
    tpu.vector_store %arg10[%swap3A_3274], %add3A_3273 {strides = array<i32>} : memref<16xf32, #tpu.memory_space<vmem>>, vector<16xf32>,
    %mul3A_3276 = arith.constant 16 : i32
    %mul3A_3277 = arith.muli %arg1, %mul3A_3276 : i32
    "tpu.region"() ({
      %run_scoped3A = tpu.sem_alloc : memref<!tpu.dma_semaphore, #tpu.memory_space<semaphore_mem>>
      %dma_start3A_3282 = tpu.memref_slice %arg12[%mul3A_3277] : memref<256xf32, #tpu.memory_space<vmem_shared>> -> memref<16xf32, #tpu.memory_space<vmem_shared>>
      %dma_start3A_3283 = tpu.memref_slice %arg12[%mul3A_3277] : memref<256xf32, #tpu.memory_space<vmem_shared>> -> memref<16xf32, #tpu.memory_space<vmem_shared>>
      tpu.enqueue_dma source(%arg10 : memref<16xf32, #tpu.memory_space<vmem>>) target(%dma_start3A_3283 : memref<16xf32, #tpu.memory_space<vmem_shared>>) target_semaphore(%run_scoped3A : memref<!tpu.dma_semaphore, #tpu.memory_space<semaphore_mem>>)
      %dma_wait3A_3284 = tpu.memref_slice %arg12[%mul3A_3277] : memref<256xf32, #tpu.memory_space<vmem_shared>> -> memref<16xf32, #tpu.memory_space<vmem_shared>>
      %dma_wait3A_3285 = tpu.memref_slice %arg12[%mul3A_3277] : memref<256xf32, #tpu.memory_space<vmem_shared>> -> memref<16xf32, #tpu.memory_space<vmem_shared>>
      tpu.wait_dma2 semaphore(%run_scoped3A : memref<!tpu.dma_semaphore, #tpu.memory_space<semaphore_mem>>) src(%arg10 : memref<16xf32, #tpu.memory_space<vmem>>) dst(%dma_wait3A_3285 : memref<16xf32, #tpu.memory_space<vmem_shared>>)
      tpu.yield
    }) : () -> ()
    %barrier3A = arith.constant 0 : index
    tpu.barrier barrier_id(%barrier3A)
    %eq3A_3278 = arith.constant 0 : i32
    %eq3A_3279 = arith.cmpi eq, %arg1, %eq3A_3278 : i32
    %convert_element_type3A_3280 = arith.extui %eq3A_3279 : i1 to i32
    %cond3A = arith.constant 0 : i32
    %cond3A_3281 = arith.cmpi ne, %convert_element_type3A_3280, %cond3A : i32
    scf.if %cond3A_3281 {
      "tpu.region"() ({
        %run_scoped3A = tpu.sem_alloc : memref<!tpu.dma_semaphore, #tpu.memory_space<semaphore_mem>>
        tpu.enqueue_dma source(%arg12 : memref<256xf32, #tpu.memory_space<vmem_shared>>) target(%arg11 : memref<256xf32, #tpu.memory_space<vmem>>) target_semaphore(%run_scoped3A : memref<!tpu.dma_semaphore, #tpu.memory_space<semaphore_mem>>)
        tpu.wait_dma2 semaphore(%run_scoped3A : memref<!tpu.dma_semaphore, #tpu.memory_space<semaphore_mem>>) src(%arg12 : memref<256xf32, #tpu.memory_space<vmem_shared>>) dst(%arg11 : memref<256xf32, #tpu.memory_space<vmem>>)
        tpu.yield
      }) : () -> ()
      %get3A_3282 = arith.constant 0 : index
      %get3A_3283 = tpu.vector_load %arg11[%get3A_3282] {strides = array<i32>} : memref<256xf32, #tpu.memory_space<vmem>>, vector<16xf32>,
      %get3A_3284 = arith.constant 16 : index
      %get3A_3285 = tpu.vector_load %arg11[%get3A_3284] {strides = array<i32>} : memref<256xf32, #tpu.memory_space<vmem>>, vector<16xf32>,
      %add3A_3286 = arith.addf %get3A_3283, %get3A_3285 : vector<16xf32>
      %get3A_3287 = arith.constant 32 : index
      %get3A_3288 = tpu.vector_load %arg11[%get3A_3287] {strides = array<i32>} : memref<256xf32, #tpu.memory_space<vmem>>, vector<16xf32>,
      %add3A_3289 = arith.addf %add3A_3286, %get3A_3288 : vector<16xf32>
      %get3A_3290 = arith.constant 48 : index
      %get3A_3291 = tpu.vector_load %arg11[%get3A_3290] {strides = array<i32>} : memref<256xf32, #tpu.memory_space<vmem>>, vector<16xf32>,
      %add3A_3292 = arith.addf %add3A_3289, %get3A_3291 : vector<16xf32>
      %get3A_3293 = arith.constant 64 : index
      %get3A_3294 = tpu.vector_load %arg11[%get3A_3293] {strides = array<i32>} : memref<256xf32, #tpu.memory_space<vmem>>, vector<16xf32>,
      %add3A_3295 = arith.addf %add3A_3292, %get3A_3294 : vector<16xf32>
      %get3A_3296 = arith.constant 80 : index
      %get3A_3297 = tpu.vector_load %arg11[%get3A_3296] {strides = array<i32>} : memref<256xf32, #tpu.memory_space<vmem>>, vector<16xf32>,
      %add3A_3298 = arith.addf %add3A_3295, %get3A_3297 : vector<16xf32>
      %get3A_3299 = arith.constant 96 : index
      %get3A_3300 = tpu.vector_load %arg11[%get3A_3299] {strides = array<i32>} : memref<256xf32, #tpu.memory_space<vmem>>, vector<16xf32>,
      %add3A_3301 = arith.addf %add3A_3298, %get3A_3300 : vector<16xf32>
      %get3A_3302 = arith.constant 112 : index
      %get3A_3303 = tpu.vector_load %arg11[%get3A_3302] {strides = array<i32>} : memref<256xf32, #tpu.memory_space<vmem>>, vector<16xf32>,
      %add3A_3304 = arith.addf %add3A_3301, %get3A_3303 : vector<16xf32>
      %get3A_3305 = arith.constant 128 : index
      %get3A_3306 = tpu.vector_load %arg11[%get3A_3305] {strides = array<i32>} : memref<256xf32, #tpu.memory_space<vmem>>, vector<16xf32>,
      %add3A_3307 = arith.addf %add3A_3304, %get3A_3306 : vector<16xf32>
      %get3A_3308 = arith.constant 144 : index
      %get3A_3309 = tpu.vector_load %arg11[%get3A_3308] {strides = array<i32>} : memref<256xf32, #tpu.memory_space<vmem>>, vector<16xf32>,
      %add3A_3310 = arith.addf %add3A_3307, %get3A_3309 : vector<16xf32>
      %get3A_3311 = arith.constant 160 : index
      %get3A_3312 = tpu.vector_load %arg11[%get3A_3311] {strides = array<i32>} : memref<256xf32, #tpu.memory_space<vmem>>, vector<16xf32>,
      %add3A_3313 = arith.addf %add3A_3310, %get3A_3312 : vector<16xf32>
      %get3A_3314 = arith.constant 176 : index
      %get3A_3315 = tpu.vector_load %arg11[%get3A_3314] {strides = array<i32>} : memref<256xf32, #tpu.memory_space<vmem>>, vector<16xf32>,
      %add3A_3316 = arith.addf %add3A_3313, %get3A_3315 : vector<16xf32>
      %get3A_3317 = arith.constant 192 : index
      %get3A_3318 = tpu.vector_load %arg11[%get3A_3317] {strides = array<i32>} : memref<256xf32, #tpu.memory_space<vmem>>, vector<16xf32>,
      %add3A_3319 = arith.addf %add3A_3316, %get3A_3318 : vector<16xf32>
      %get3A_3320 = arith.constant 208 : index
      %get3A_3321 = tpu.vector_load %arg11[%get3A_3320] {strides = array<i32>} : memref<256xf32, #tpu.memory_space<vmem>>, vector<16xf32>,
      %add3A_3322 = arith.addf %add3A_3319, %get3A_3321 : vector<16xf32>
      %get3A_3323 = arith.constant 224 : index
      %get3A_3324 = tpu.vector_load %arg11[%get3A_3323] {strides = array<i32>} : memref<256xf32, #tpu.memory_space<vmem>>, vector<16xf32>,
      %add3A_3325 = arith.addf %add3A_3322, %get3A_3324 : vector<16xf32>
      %get3A_3326 = arith.constant 240 : index
      %get3A_3327 = tpu.vector_load %arg11[%get3A_3326] {strides = array<i32>} : memref<256xf32, #tpu.memory_space<vmem>>, vector<16xf32>,
      %add3A_3328 = arith.addf %add3A_3325, %get3A_3327 : vector<16xf32>
      %reduce_sum3A = arith.constant true
      %reduce_sum3A_3329 = vector.broadcast %reduce_sum3A : i1 to vector<16xi1>
      %reduce_sum3A_3330 = tpu.scan <sum>, %add3A_3328 masked %reduce_sum3A_3329 : vector<16xf32>, vector<16xi1> -> vector<16xf32>
      %reduce_sum3A_3331 = vector.extract %reduce_sum3A_3330[15] : f32 from vector<16xf32>
      %mul3A_3332 = arith.constant 7.812500e-03 : f32
      %mul3A_3333 = arith.mulf %reduce_sum3A_3331, %mul3A_3332 : f32
      %broadcast_in_dim3A_3334 = arith.constant 1.000000e+00 : f32
      %broadcast_in_dim3A_3335 = vector.broadcast %broadcast_in_dim3A_3334 : f32 to vector<16xf32>
      %mul3A_3336 = vector.broadcast %mul3A_3333 : f32 to vector<16xf32>
      %mul3A_3337 = arith.mulf %mul3A_3336, %broadcast_in_dim3A_3335 : vector<16xf32>
      %swap3A_3338 = arith.constant 0 : index
      %swap3A_3339 = tpu.vector_load %arg10[%swap3A_3338] {strides = array<i32>} : memref<16xf32, #tpu.memory_space<vmem>>, vector<16xf32>,
      tpu.vector_store %arg10[%swap3A_3338], %mul3A_3337 {strides = array<i32>} : memref<16xf32, #tpu.memory_space<vmem>>, vector<16xf32>,
      %mul3A_3340 = arith.constant 16 : i32
      %mul3A_3341 = arith.muli %arg0, %mul3A_3340 : i32
      "tpu.region"() ({
        %run_scoped3A = tpu.sem_alloc : memref<!tpu.dma_semaphore, #tpu.memory_space<semaphore_mem>>
        %dma_start3A_3342 = tpu.memref_slice %arg4[%mul3A_3341] : memref<32xf32, #tpu.memory_space<hbm>> -> memref<16xf32, #tpu.memory_space<hbm>>
        %dma_start3A_3343 = tpu.memref_slice %arg4[%mul3A_3341] : memref<32xf32, #tpu.memory_space<hbm>> -> memref<16xf32, #tpu.memory_space<hbm>>
        tpu.enqueue_dma source(%arg10 : memref<16xf32, #tpu.memory_space<vmem>>) target(%dma_start3A_3343 : memref<16xf32, #tpu.memory_space<hbm>>) target_semaphore(%run_scoped3A : memref<!tpu.dma_semaphore, #tpu.memory_space<semaphore_mem>>)
        %dma_wait3A_3344 = tpu.memref_slice %arg4[%mul3A_3341] : memref<32xf32, #tpu.memory_space<hbm>> -> memref<16xf32, #tpu.memory_space<hbm>>
        %dma_wait3A_3345 = tpu.memref_slice %arg4[%mul3A_3341] : memref<32xf32, #tpu.memory_space<hbm>> -> memref<16xf32, #tpu.memory_space<hbm>>
        tpu.wait_dma2 semaphore(%run_scoped3A : memref<!tpu.dma_semaphore, #tpu.memory_space<semaphore_mem>>) src(%arg10 : memref<16xf32, #tpu.memory_space<vmem>>) dst(%dma_wait3A_3345 : memref<16xf32, #tpu.memory_space<hbm>>)
        tpu.yield
      }) : () -> ()
    } else {
    }
    return
  }
}

</mosaic_0001>

<sc_bundles>
// kernel: kernel.3.cloned.1.call-start
scs
__scs_entry_jumppad:
0x0: {  	(pc) =	sbr.rel $0x88, $3  }
0x1: {  	(tag) =	ssettag $0x0;
	lr =	simm.s32 $0x1  }
0x2: {  	[smem:$0x3F9F] =	sst lr;
	_ =	strace $0xD0000000  }
0x3: {  	_ = 	snop  }
0x4: {  	_ = 	snop  }
0x5: {  	_ = 	snop  }
0x6: {  	_ = 	snop  }
0x7: {  	_ = 	snop  }
__scs_overlays_trampoline_lowered:
0x8: {  	[smem:$0x3FAE] =	sst s0  }
0x9: {  	[smem:$0x3FAF] =	sst s1  }
0xa: {  	[smem:$0x3FB0] =	sst s2  }
0xb: {  	[smem:$0x3FB1] =	sst s3  }
0xc: {  	[smem:$0x3FB2] =	sst s4  }
0xd: {  	[smem:$0x3FB3] =	sst s5  }
0xe: {  	[smem:$0x3FB4] =	sst s6  }
0xf: {  	[smem:$0x3FB5] =	sst s7  }
0x10: {  	[smem:$0x3FB6] =	sst s8  }
0x11: {  	[smem:$0x3FB7] =	sst s9;
	s0 =	simm.s32 @!p0 $0x0  }
0x12: {  	s1 =	sld [smem:$0x3F9D];
	s0 =	simm.s32 @p0 $0x1  }
0x13: {  	[smem:$0x3FB8] =	sst s0;
	s0 =	simm.s32 @!p1 $0x0  }
0x14: {  	s2 =	sld [smem:$0x3F9C];
	s0 =	simm.s32 @p1 $0x1  }
0x15: {  	[smem:$0x3FB9] =	sst s0;
	s0 =	simm.s32 @!p2 $0x0  }
0x16: {  	s3 =	sld [smem:$0x3FDB];
	s0 =	simm.s32 @p2 $0x1  }
0x17: {  	s4 =	simm.s32 $0x1BF5;
	[smem:$0x3FBB] =	sst s0  }
0x18: {  	s0 =	sld [smem:$0x3F9E];
	_ =	swait.ge [sflag:s4], $0x0  }
0x19: {  	s7 =	sld [smem:$0x3F9F]  }
0x1a: {  	s8 =	sadd.s32 $0xFFFFE003, lr  }
0x1b: {  	s9 =	sadd.s32 $0xFFFFFEF7, lr;
	s5 =	simm.s32 $0xFFFFFFFF;
	p2 =	slt.u32 s8, $0xFFFFF086  }
0x1c: {  	p1 =	slt.u32 s9, $0xF7A;
	s5 =	simm.s32 @!p2 $0x0  }
0x1d: {  	s5 =	simm.s32 @p1 $0x1;
	p0 =	seq.s32 s7, s2  }
0x1e: {  	s7 =	smul.u32 @!p0 $0xF7A, s2;
	p2 =	seq.s32 @!p0 s5, $0x0  }
0x1f: {  	s9 =	smul.u32 $0xF7A, s1;
	s8 =	simm.s32 @!p0 $0x1BF5;
	p2 =	por !p2, p0  }
0x20: {  	[sflag:s8] =	ssyncset.s32 @!p0 $0xFFFFF086;
	s6 =	sadd.s32 @!p0 s3, s7;
	s7 =	simm.s32 @!p0 $0x108  }
0x21: {  	s3 =	sadd.s32 s3, s9;
	s6 =	sadd.s32 @!p0 $0x88, s6;
	s7 =	simm.s32 @p2 $0x1082  }
0x22: {  	[simem:s7], [sflag:s8] =	dma.local @!p0 [hbm:s6], $0xF7A  }
0x23: {  	s9 =	sor.u32 $0xD0000000, s2;
	s6 =	simm.s32 $0x108;
	_ =	swait.ge @!p0 [sflag:s8], $0x0  }
0x24: {  	s3 =	sadd.s32 $0x88, s3;
	s6 =	simm.s32 @!p1 $0x1082;
	[sflag:s4] =	ssyncset.s32 $0xFFFFF086  }
0x25: {  	[simem:s6], [sflag:s4] =	dma.local [hbm:s3], $0xF7A  }
0x26: {  	[smem:$0x3F9F] =	sst s1;
	(tag) =	ssettag s2;
	_ =	strace s9  }
0x27: {  	s1 =	sld [smem:$0x3FAF]  }
0x28: {  	s2 =	sld [smem:$0x3FB0]  }
0x29: {  	s4 =	sld [smem:$0x3FB2]  }
0x2a: {  	p0 =	seq.s32 s5, $0x0;
	s5 =	sld [smem:$0x3FB3]  }
0x2b: {  	s6 =	sld [smem:$0x3FB4]  }
0x2c: {  	s7 =	sld [smem:$0x3FB5]  }
0x2d: {  	s3 =	simm.s32 $0x108;
	s8 =	sld [smem:$0x3FB6]  }
0x2e: {  	s3 =	simm.s32 @!p0 $0x1082;
	s9 =	sld [smem:$0x3FB7]  }
0x2f: {  	lr =	sadd.s32 s0, s3;
	s0 =	sld [smem:$0x3FAE]  }
0x30: {  	s3 =	sld [smem:$0x3FB1]  }
0x31: {  	[smem:$0x3FBA] =	sst s10  }
0x32: {  	s10 =	sld [smem:$0x3FB8];
	_ =	sdelay $0x3  }
0x33: {  	p0 =	seq.s32 s10, $0x1;
	s10 =	sld [smem:$0x3FBA];
	_ =	sdelay $0x3  }
0x34: {  	[smem:$0x3FBA] =	sst s10  }
0x35: {  	s10 =	sld [smem:$0x3FB9];
	_ =	sdelay $0x3  }
0x36: {  	p1 =	seq.s32 s10, $0x1;
	s10 =	sld [smem:$0x3FBA];
	_ =	sdelay $0x3  }
0x37: {  	[smem:$0x3FBA] =	sst s10  }
0x38: {  	s10 =	sld [smem:$0x3FBB]  }
0x39: {  	_ = 	snop;
	(pc) =	sbr.ind lr, $3  }
0x3a: {  	_ = 	snop  }
0x3b: {  	_ = 	snop  }
0x3c: {  	p2 =	seq.s32 s10, $0x1;
	s10 =	sld [smem:$0x3FBA]  }
0x3d: {  	_ =	shalt  }
0x3e: {  	_ =	shalt  }
0x3f: {  	_ =	shalt  }
0x40: {  	_ =	shalt  }
0x41: {  	_ =	shalt  }
0x42: {  	_ =	shalt  }
0x43: {  	_ =	shalt  }
0x44: {  	_ =	shalt  }
0x45: {  	_ =	shalt  }
0x46: {  	_ =	shalt  }
0x47: {  	_ =	shalt  }
0x48: {  	_ =	shalt  }
0x49: {  	_ =	shalt  }
0x4a: {  	_ =	shalt  }
0x4b: {  	_ =	shalt  }
0x4c: {  	_ =	shalt  }
0x4d: {  	_ =	shalt  }
0x4e: {  	_ =	shalt  }
0x4f: {  	_ =	shalt  }
0x50: {  	_ =	shalt  }
0x51: {  	_ =	shalt  }
0x52: {  	_ =	shalt  }
0x53: {  	_ =	shalt  }
0x54: {  	_ =	shalt  }
0x55: {  	_ =	shalt  }
0x56: {  	_ =	shalt  }
0x57: {  	_ =	shalt  }
0x58: {  	_ =	shalt  }
0x59: {  	_ =	shalt  }
0x5a: {  	_ =	shalt  }
0x5b: {  	_ =	shalt  }
0x5c: {  	_ =	shalt  }
0x5d: {  	_ =	shalt  }
0x5e: {  	_ =	shalt  }
0x5f: {  	_ =	shalt  }
0x60: {  	_ =	shalt  }
0x61: {  	_ =	shalt  }
0x62: {  	_ =	shalt  }
0x63: {  	_ =	shalt  }
0x64: {  	_ =	shalt  }
0x65: {  	_ =	shalt  }
0x66: {  	_ =	shalt  }
0x67: {  	_ =	shalt  }
0x68: {  	_ =	shalt  }
0x69: {  	_ =	shalt  }
0x6a: {  	_ =	shalt  }
0x6b: {  	_ =	shalt  }
0x6c: {  	_ =	shalt  }
0x6d: {  	_ =	shalt  }
0x6e: {  	_ =	shalt  }
0x6f: {  	_ =	shalt  }
0x70: {  	_ =	shalt  }
0x71: {  	_ =	shalt  }
0x72: {  	_ =	shalt  }
0x73: {  	_ =	shalt  }
0x74: {  	_ =	shalt  }
0x75: {  	_ =	shalt  }
0x76: {  	_ =	shalt  }
0x77: {  	_ =	shalt  }
0x78: {  	_ =	shalt  }
0x79: {  	_ =	shalt  }
0x7a: {  	_ =	shalt  }
0x7b: {  	_ =	shalt  }
0x7c: {  	_ =	shalt  }
0x7d: {  	_ =	shalt  }
0x7e: {  	_ =	shalt  }
0x7f: {  	_ =	shalt  }
0x80: {  	_ =	shalt  }
0x81: {  	_ =	shalt  }
0x82: {  	_ =	shalt  }
0x83: {  	_ =	shalt  }
0x84: {  	_ =	shalt  }
0x85: {  	_ =	shalt  }
0x86: {  	_ =	shalt  }
0x87: {  	_ =	shalt  }
.Lfunc_end0:
.L_simem_size_0:
called_computation_lowered:
.L_overlay_start_0:
0x88: {  	s2 =	sld [smem:$0x3FD9]  }
0x89: {  	s3 =	sld [smem:$0x3FFE];
	_ =	sdelay $0x1  }
0x8a: {  	s1 =	srdreg.scid  }
0x8b: {  	s0 =	sand.u32 $0x1, s1  }
0x8c: {  	s16 =	sshll.u32 s0, $0xA;
	s2 =	sadd.s32 s3, s2  }
0x8d: {  	s2 =	sadd.s32 s2, s16  }
0x8e: {  	[smem:$0x3FC6] =	sst s2  }
0x8f: {  	_ = 	snop  }
0x90: {  	(tm) =	ssettm $0x1  }
0x91: {  	s17 =	sld [smem:$0x3FFB];
	_ =	sdelay $0x3  }
0x92: {  	_ =	strace s17  }
0x93: {  	s2 =	sld [smem:$0x3FFC];
	_ =	sdelay $0x3  }
0x94: {  	_ =	strace s2  }
0x95: {  	s2 =	sld [smem:$0x3FFD];
	_ =	sdelay $0x3  }
0x96: {  	_ =	strace s2  }
0x97: {  	_ =	strace $0x8FFFFFFF  }
0x98: {  	s18 =	sld [smem:$0x3FDB];
	_ =	sdelay $0x1  }
0x99: {  	s19 =	simm.s32 $_scs_section_size  }
0x9a: {  	s4 =	simm.s32 $_size__tile_overlayer_lowered;
	s5 =	simm.s32 $_tile_overlayer_lowered  }
0x9b: {  	s22 =	simm.s32 $0x1BFF;
	s21 =	sshll.u32 s5, $0x1;
	s2 =	sadd.s32 s19, s18  }
0x9c: {  	s6 =	simm.s32 $0x0;
	s20 =	sshll.u32 s4, $0x1;
	s4 =	sadd.s32 s21, s2  }
0x9d: {  	[timem:s6], [sflag:s22] =	dma.local [hbm:s4], s20  }
0x9e: {  	_ =	swait.ge [sflag:s22], s20  }
0x9f: {  	s3 =	ssub.s32 $0x0, s20;
	[sflag:s22] =	ssyncset.done $0x0  }
0xa0: {  	[sflag:s22] =	ssyncadd.s32 s3;
	_ =	sdelay $0x1  }
0xa1: {  	s23 =	simm.s32 $0x1B8B  }
0xa2: {  	_ =	swait.ge [sflag:s23], $0x1  }
0xa3: {  	[sflag:s23] =	ssyncset.done $0x0  }
0xa4: {  	s25 =	simm.s32 $0x1B8E;
	s24 =	sld [smem:$0x3FFE];
	[sflag:s23] =	ssyncadd.s32 $0xFFFFFFFF  }
0xa5: {  	s26 =	simm.s32 $execute0_lowered;
	[smem:$0x3FD2] =	sst s25  }
0xa6: {  	s4 =	sshll.u32 s26, $0x1;
	_ =	strace $0x80000046;
	[dreg:$0x1] =	wrdreg $0xFFFFFFFF  }
0xa7: {  	s28 =	simm.s32 $_size_execute0_lowered;
	s2 =	sadd.s32 s2, s4;
	[dreg:$0x0] =	wrdreg $0x0  }
0xa8: {  	s4 =	sshll.u32 s28, $0x1;
	[dreg:$0x2] =	wrdreg s2  }
0xa9: {  	[dreg:$0x3] =	wrdreg s4  }
0xaa: {  	[dreg:$0x4] =	wrdreg $0xC0  }
0xab: {  	_ =	task [dreg:s6], $0x5FFFF  }
0xac: {  	[dreg:$0x1] =	wrdreg $0xFFFFFFFF  }
0xad: {  	[dreg:$0x0] =	wrdreg $0x60  }
0xae: {  	[dreg:$0x2] =	wrdreg s24  }
0xaf: {  	[dreg:$0x3] =	wrdreg $0x4B800  }
0xb0: {  	[dreg:$0x4] =	wrdreg $0x9  }
0xb1: {  	_ =	task.clear_ibuf [dreg:s6], $0x5FFFF;
	_ =	strace $0x90000046  }
0xb2: {  	s29 =	simm.s32 $0x9;
	_ =	strace $0x80000048  }
0xb3: {  	_ =	swait.ge [sflag:s29], $0x1  }
0xb4: {  	[sflag:s29] =	ssyncadd.s32 $0xFFFFFFFF  }
0xb5: {  	_ =	strace $0x90000048  }
0xb6: {  	_ =	sfence  }
0xb7: {  	s30 =	sld [smem:$0x0];
	_ =	sdelay $0x2  }
0xb8: {  	s31 =	sshll.u32 s1, $0xD;
	s1 =	sshrl.u32 s1, $0x2  }
0xb9: {  	s3 =	sand.u32 $0x4000, s31;
	s1 =	sadd.s32 s1, s30  }
0xba: {  	s0 =	sor.u32 s3, s0;
	s1 =	sshll.u32 s1, $0x11  }
0xbb: {  	s0 =	sor.u32 s1, s0  }
0xbc: {  	s0 =	sadd.s32 $0x8F2B, s0  }
0xbd: {  	[sflag:s0] =	ssyncadd.remote.s32 $0x1  }
0xbe: {  	_ =	sfence.sel $0xFFFF  }
0xbf: {  	[dreg:$0x0] =	wrdreg $0xFFFFFFFF;
	(pc) =	sbr.abs _section_cstart, $3  }
0xc0: {  	[dreg:$0x1] =	wrdreg $0xFFFFFFFF  }
0xc1: {  	_ =	task.clear_ibuf [dreg:s6], $0x2FFFF;
	_ =	strace $0x9FFFFFFF  }
0xc2: {  	(tm) =	ssettm $0x7FFFFFFF  }
0xc3: {  	_ =	shalt  }
tec
execute0_lowered:
.L_overlay_start_1:
0x0: {  	(tag) =	ssettag $0x1  }
0x1: {  	v0 =	vimm.s32 $0x580  }
0x2: {  	vm2 =	vcmask $0x300;
	vm6 =	vcmask $0x704;
	vm4 =	vcmask $0xB08  }
0x3: {  	vm5 =	vcmask $0xF0C;
	vm3 =	vcmask $0x1310;
	vm1 =	vcmask $0x1714  }
0x4: {  	vm0 =	vcmask $0x1B18;
	v1 =	vimm.s32 $0xF80;
	v2 =	vimm.s32 $0x1980  }
0x5: {  	v3 =	vimm.s32 $0x382;
	v4 =	vimm.s32 $0xD80;
	v5 =	vimm.s32 $0x1780  }
0x6: {  	v6 =	vimm.s32 $0x183;
	v7 =	vimm.s32 $0xB80;
	v8 =	vimm.s32 $0x1580  }
0x7: {  	v9 =	vimm.s32 $0x2380;
	v10 =	vimm.s32 $0x2D80;
	v11 =	vimm.s32 $0x2180  }
0x8: {  	v12 =	vimm.s32 $0x2B80;
	v13 =	vimm.s32 $0x1F80;
	v14 =	vimm.s32 $0x2980  }
0x9: {  	vm13 =	vcmask $0x1F1C;
	vm14 =	vcmask $0x2320;
	vm15 =	vcmask $0x2724  }
0xa: {  	vm7 =	vcmask $0x2F2C;
	v33 =	vlaneseq.u32;
	vm8 =	vcmask $0x3330  }
0xb: {  	vm9 =	vcmask $0x3734;
	vm10 =	vcmask $0xF00;
	v15 =	vimm.s32 $0x1  }
0xc: {  	vm11 =	vcmask $0x3B38;
	v36 =	vimm.s32 $0x32107654;
	vm12 =	vcmask $0x2F00  }
0xd: {  	v37 =	vimm.s32 $0x3;
	v38 =	vimm.s32 $0xB0;
	v39 =	vimm.s32 $0x13121110  }
0xe: {  	v41 =	vimm.s32 $0xB0A0908;
	v42 =	vimm.s32 $0xF0E0D0C;
	v44 =	vimm.s32 $0x3020100  }
0xf: {  	v45 =	vimm.s32 $0x210;
	v0 =	vsel vm2, $0x800, v0;
	v1 =	vsel vm2, $0x1200, v1  }
0x10: {  	v2 =	vsel vm2, $0x1C00, v2;
	v3 =	vsel vm2, $0x601, v3;
	v4 =	vsel vm2, $0x1000, v4  }
0x11: {  	v5 =	vsel vm2, $0x1A00, v5;
	v6 =	vsel vm2, $0x402, v6;
	v7 =	vsel vm2, $0xE00, v7  }
0x12: {  	v8 =	vsel vm2, $0x1800, v8;
	v9 =	vsel vm2, $0x2600, v9;
	v10 =	vsel vm2, $0x3000, v10  }
0x13: {  	v11 =	vsel vm2, $0x2400, v11;
	v12 =	vsel vm2, $0x2E00, v12;
	v13 =	vsel vm2, $0x2200, v13  }
0x14: {  	v14 =	vsel vm2, $0x2C00, v14;
	v32 =	vmul.u32 $0x80, v33;
	v15 =	vsel vm10, $0x0, v15  }
0x15: {  	v40 =	vunpack.c.0.s8.s32 v39;
	v43 =	vunpack.c.0.s8.s32 v42;
	v46 =	vsel vm12, $0x2, v37  }
0x16: {  	v47 =	vsel vm12, $0x160, v45;
	v25 =	vshrl.u32 v33, $0x3;
	v42 =	vimm.f32 $1.000000000e+00  }
0x17: {  	v0 =	vsel vm6, $0x880, v0;
	v1 =	vsel vm6, $0x1280, v1;
	v2 =	vsel vm6, $0x1C80, v2  }
0x18: {  	v3 =	vsel vm6, $0x681, v3;
	v4 =	vsel vm6, $0x1080, v4;
	v5 =	vsel vm6, $0x1A80, v5  }
0x19: {  	v6 =	vsel vm6, $0x482, v6;
	v7 =	vsel vm6, $0xE80, v7;
	v8 =	vsel vm6, $0x1880, v8  }
0x1a: {  	v9 =	vsel vm6, $0x2680, v9;
	v10 =	vsel vm6, $0x3080, v10;
	v11 =	vsel vm6, $0x2480, v11  }
0x1b: {  	v12 =	vsel vm6, $0x2E80, v12;
	v13 =	vsel vm6, $0x2280, v13;
	v14 =	vsel vm6, $0x2C80, v14  }
0x1c: {  	vm6 =	vcmask $0x2B28;
	v61 =	vadd.s32 $0x1, v25;
	v0 =	vsel vm4, $0x900, v0  }
0x1d: {  	v1 =	vsel vm4, $0x1300, v1;
	v2 =	vsel vm4, $0x1D00, v2;
	v3 =	vsel vm4, $0x701, v3  }
0x1e: {  	v4 =	vsel vm4, $0x1100, v4;
	v5 =	vsel vm4, $0x1B00, v5;
	v6 =	vsel vm4, $0x502, v6  }
0x1f: {  	v7 =	vsel vm4, $0xF00, v7;
	v8 =	vsel vm4, $0x1900, v8;
	v9 =	vsel vm4, $0x2700, v9  }
0x20: {  	v10 =	vsel vm4, $0x3100, v10;
	v11 =	vsel vm4, $0x2500, v11;
	v12 =	vsel vm4, $0x2F00, v12  }
0x21: {  	v13 =	vsel vm4, $0x2300, v13;
	v14 =	vsel vm4, $0x2D00, v14;
	v50 =	vadd.s32 $0xA00, v32  }
0x22: {  	v53 =	vadd.s32 $0x1400, v32;
	v23 =	vadd.s32 $0x203, v32;
	v34 =	vadd.s32 $0xC00, v32  }
0x23: {  	v35 =	vadd.s32 $0x1600, v32;
	v0 =	vsel vm5, $0x980, v0;
	v1 =	vsel vm5, $0x1380, v1  }
0x24: {  	v2 =	vsel vm5, $0x1D80, v2;
	v3 =	vsel vm5, $0x781, v3;
	v4 =	vsel vm5, $0x1180, v4  }
0x25: {  	v5 =	vsel vm5, $0x1B80, v5;
	v6 =	vsel vm5, $0x582, v6;
	v7 =	vsel vm5, $0xF80, v7  }
0x26: {  	v8 =	vsel vm5, $0x1980, v8;
	v9 =	vsel vm5, $0x2780, v9;
	v10 =	vsel vm5, $0x3180, v10  }
0x27: {  	v11 =	vsel vm5, $0x2580, v11;
	v12 =	vsel vm5, $0x2F80, v12;
	v13 =	vsel vm5, $0x2380, v13  }
0x28: {  	v14 =	vsel vm5, $0x2D80, v14;
	v0 =	vsel vm3, $0x0, v0;
	v1 =	vsel vm3, $0xA00, v1  }
0x29: {  	v2 =	vsel vm3, $0x1400, v2;
	v3 =	vsel vm3, $0x801, v3;
	v4 =	vsel vm3, $0x1200, v4  }
0x2a: {  	v5 =	vsel vm3, $0x1C00, v5;
	v6 =	vsel vm3, $0x602, v6;
	v7 =	vsel vm3, $0x1000, v7  }
0x2b: {  	v8 =	vsel vm3, $0x1A00, v8;
	v9 =	vsel vm3, $0x1E00, v9;
	v10 =	vsel vm3, $0x2800, v10  }
0x2c: {  	v11 =	vsel vm3, $0x2600, v11;
	v12 =	vsel vm3, $0x3000, v12;
	v13 =	vsel vm3, $0x2400, v13  }
0x2d: {  	v14 =	vsel vm3, $0x2E00, v14;
	v0 =	vsel vm1, $0x80, v0;
	v1 =	vsel vm1, $0xA80, v1  }
0x2e: {  	v2 =	vsel vm1, $0x1480, v2;
	v3 =	vsel vm1, $0x881, v3;
	v4 =	vsel vm1, $0x1280, v4  }
0x2f: {  	v5 =	vsel vm1, $0x1C80, v5;
	v6 =	vsel vm1, $0x682, v6;
	v7 =	vsel vm1, $0x1080, v7  }
0x30: {  	v8 =	vsel vm1, $0x1A80, v8;
	v9 =	vsel vm1, $0x1E80, v9;
	v10 =	vsel vm1, $0x2880, v10  }
0x31: {  	v11 =	vsel vm1, $0x2680, v11;
	v12 =	vsel vm1, $0x3080, v12;
	v13 =	vsel vm1, $0x2480, v13  }
0x32: {  	v14 =	vsel vm1, $0x2E80, v14;
	v0 =	vsel vm0, $0x100, v0;
	v1 =	vsel vm0, $0xB00, v1  }
0x33: {  	v2 =	vsel vm0, $0x1500, v2;
	v3 =	vsel vm0, $0x901, v3;
	v4 =	vsel vm0, $0x1300, v4  }
0x34: {  	v5 =	vsel vm0, $0x1D00, v5;
	v6 =	vsel vm0, $0x702, v6;
	v7 =	vsel vm0, $0x1100, v7  }
0x35: {  	v8 =	vsel vm0, $0x1B00, v8;
	v9 =	vsel vm0, $0x1F00, v9;
	v10 =	vsel vm0, $0x2900, v10  }
0x36: {  	v11 =	vsel vm0, $0x2700, v11;
	v12 =	vsel vm0, $0x3100, v12;
	v13 =	vsel vm0, $0x2500, v13  }
0x37: {  	v14 =	vsel vm0, $0x2F00, v14;
	v0 =	vsel vm13, $0x180, v0;
	v1 =	vsel vm13, $0xB80, v1  }
0x38: {  	v2 =	vsel vm13, $0x1580, v2;
	v3 =	vsel vm13, $0x981, v3;
	v4 =	vsel vm13, $0x1380, v4  }
0x39: {  	v5 =	vsel vm13, $0x1D80, v5;
	v6 =	vsel vm13, $0x782, v6;
	v7 =	vsel vm13, $0x1180, v7  }
0x3a: {  	v8 =	vsel vm13, $0x1B80, v8;
	v9 =	vsel vm13, $0x1F80, v9;
	v10 =	vsel vm13, $0x2980, v10  }
0x3b: {  	v11 =	vsel vm13, $0x2780, v11;
	v12 =	vsel vm13, $0x3180, v12;
	v13 =	vsel vm13, $0x2580, v13  }
0x3c: {  	v14 =	vsel vm13, $0x2F80, v14;
	vm13 =	vcmask $0x2F10;
	v0 =	vsel vm14, $0x200, v0  }
0x3d: {  	v1 =	vsel vm14, $0xC00, v1;
	v2 =	vsel vm14, $0x1600, v2;
	v3 =	vsel vm14, $0x2, v3  }
0x3e: {  	v4 =	vsel vm14, $0xA00, v4;
	v5 =	vsel vm14, $0x1400, v5;
	v6 =	vsel vm14, $0x802, v6  }
0x3f: {  	v7 =	vsel vm14, $0x1200, v7;
	v8 =	vsel vm14, $0x1C00, v8;
	v9 =	vsel vm14, $0x2000, v9  }
0x40: {  	v10 =	vsel vm14, $0x2A00, v10;
	v11 =	vsel vm14, $0x1E00, v11;
	v12 =	vsel vm14, $0x2800, v12  }
0x41: {  	s3 =	srdreg.scid;
	v13 =	vsel vm14, $0x2600, v13;
	v14 =	vsel vm14, $0x3000, v14;
	vm14 =	vcmask $0x3F30  }
0x42: {  	s4 =	sand.u32 $0x1, s3;
	v0 =	vsel vm15, $0x280, v0;
	v1 =	vsel vm15, $0xC80, v1;
	v2 =	vsel vm15, $0x1680, v2  }
0x43: {  	s5 =	stileid.u32;
	s3 =	sshll.u32 s4, $0x4;
	v3 =	vsel vm15, $0x82, v3;
	v4 =	vsel vm15, $0xA80, v4;
	v5 =	vsel vm15, $0x1480, v5  }
0x44: {  	s6 =	sor.u32 s5, s3;
	v6 =	vsel vm15, $0x882, v6;
	v7 =	vsel vm15, $0x1280, v7;
	v8 =	vsel vm15, $0x1C80, v8  }
0x45: {  	s7 =	rddreg [dreg:$0x0];
	s8 =	smul.u32 $0x1B00, s6;
	v9 =	vsel vm15, $0x2080, v9;
	v10 =	vsel vm15, $0x2A80, v10;
	v11 =	vsel vm15, $0x1E80, v11  }
0x46: {  	s1 =	rddreg [dreg:$0x1];
	s10 =	smul.u32 $0x360, s6;
	s14 =	sor.u32 $0x20, s6;
	v12 =	vsel vm15, $0x2880, v12;
	v13 =	vsel vm15, $0x2680, v13;
	v14 =	vsel vm15, $0x3080, v14  }
0x47: {  	s0 =	rddreg [dreg:$0x2];
	s2 =	simm.s32 $0x0;
	s11 =	smul.u32 $0x1B00, s14;
	vm15 =	vcmask $0x1F10;
	v0 =	vsel vm6, $0x300, v0;
	v1 =	vsel vm6, $0xD00, v1  }
0x48: {  	[smem:$0x7FF] =	sst s2;
	s18 =	sor.u32 $0x40, s6;
	s16 =	smul.u32 $0x360, s14;
	v2 =	vsel vm6, $0x1700, v2;
	v3 =	vsel vm6, $0x102, v3;
	v4 =	vsel vm6, $0xB00, v4  }
0x49: {  	s12 =	sadd.s32 $0x600, s7;
	s9 =	sadd.s32 $0x9C0, s7;
	s20 =	smul.u32 $0x1B00, s18;
	v5 =	vsel vm6, $0x1500, v5;
	v6 =	vsel vm6, $0x902, v6;
	v7 =	vsel vm6, $0x1300, v7  }
0x4a: {  	_ =	strace $0x80000047;
	s23 =	sor.u32 $0x60, s6;
	s21 =	smul.u32 $0x360, s18;
	v8 =	vsel vm6, $0x1D00, v8;
	v9 =	vsel vm6, $0x2100, v9;
	v10 =	vsel vm6, $0x2B00, v10  }
0x4b: {  	[dreg:$0x3] =	wrdreg s12;
	s30 =	sor.u32 $0x80, s6;
	s24 =	smul.u32 $0x1B00, s23;
	v11 =	vsel vm6, $0x1F00, v11;
	v12 =	vsel vm6, $0x2900, v12;
	v13 =	vsel vm6, $0x2700, v13  }
0x4c: {  	[dreg:$0x4] =	wrdreg s9;
	s3 =	sadd.s32 $0xE00, s7;
	s31 =	smul.u32 $0x1B00, s30;
	v14 =	vsel vm6, $0x3100, v14;
	v37 =	vsel vm15, v40, v43;
	v43 =	vadd.s32 $0x1E00, v32  }
0x4d: {  	s8 =	sshrl.u32 s8, $0x3;
	s13 =	sadd.s32 s3, s10;
	s10 =	smul.u32 $0x360, s23;
	v0 =	vsel vm7, $0x380, v0;
	v1 =	vsel vm7, $0xD80, v1;
	v2 =	vsel vm7, $0x1780, v2  }
0x4e: {  	s23 =	simm.s32 $0x3200;
	s8 =	sadd.s32 s3, s8;
	[dreg:$0x5] =	wrdreg s13;
	v3 =	vsel vm7, $0x182, v3;
	v4 =	vsel vm7, $0xB80, v4;
	v5 =	vsel vm7, $0x1580, v5  }
0x4f: {  	s17 =	sshrl.u32 s11, $0x3;
	s9 =	sadd.s32 s3, s16;
	[dreg:$0x1a] =	wrdreg s23;
	v6 =	vsel vm7, $0x982, v6;
	v7 =	vsel vm7, $0x1380, v7;
	v8 =	vsel vm7, $0x1D80, v8  }
0x50: {  	s26 =	sshrl.u32 s24, $0x3;
	s24 =	simm.s32 $0x3280;
	[dreg:$0x8] =	wrdreg s9;
	v9 =	vsel vm7, $0x2180, v9;
	v10 =	vsel vm7, $0x2B80, v10;
	v11 =	vsel vm7, $0x1F80, v11  }
0x51: {  	s12 =	sshrl.u32 s31, $0x3;
	s31 =	simm.s32 $0x3580;
	[dreg:$0x1b] =	wrdreg s24;
	v12 =	vsel vm7, $0x2980, v12;
	v13 =	vsel vm7, $0x2780, v13;
	v14 =	vsel vm7, $0x3180, v14  }
0x52: {  	s22 =	sshrl.u32 s20, $0x3;
	s23 =	simm.s32 $0x3C00;
	[smem:$0x7E8] =	sst s31;
	v0 =	vsel vm8, $0x400, v0;
	v1 =	vsel vm8, $0xE00, v1;
	v2 =	vsel vm8, $0x1800, v2  }
0x53: {  	s20 =	sshll.u32 s5, $0x4;
	s15 =	sadd.s32 $0x120, s8;
	[smem:$0x7F7] =	sst s23;
	v3 =	vsel vm8, $0x202, v3;
	v4 =	vsel vm8, $0xC00, v4;
	v5 =	vsel vm8, $0x1600, v5  }
0x54: {  	s8 =	sadd.s32 $0x240, s8;
	s9 =	sadd.s32 s3, s21;
	[dreg:$0x6] =	wrdreg s15;
	v6 =	vsel vm8, $0x3, v6;
	v7 =	vsel vm8, $0xA00, v7;
	v8 =	vsel vm8, $0x1400, v8  }
0x55: {  	s28 =	sadd.s32 s3, s10;
	s10 =	smul.u32 $0x360, s30;
	[dreg:$0x7] =	wrdreg s8;
	v9 =	vsel vm8, $0x2200, v9;
	v10 =	vsel vm8, $0x2C00, v10;
	v11 =	vsel vm8, $0x2000, v11  }
0x56: {  	s21 =	sadd.s32 s20, s1;
	s8 =	sadd.s32 s3, s17;
	[dreg:$0xb] =	wrdreg s9;
	v12 =	vsel vm8, $0x2A00, v12;
	v13 =	vsel vm8, $0x1E00, v13;
	v14 =	vsel vm8, $0x2800, v14  }
0x57: {  	[dreg:$0xe] =	wrdreg s28;
	s19 =	sadd.s32 $0x120, s8;
	s8 =	sadd.s32 $0x240, s8;
	v0 =	vsel vm9, $0x480, v0;
	v1 =	vsel vm9, $0xE80, v1;
	v2 =	vsel vm9, $0x1880, v2  }
0x58: {  	s30 =	simm.s32 $0x3500;
	[dreg:$0xa] =	wrdreg s8;
	s8 =	sadd.s32 s3, s22;
	v3 =	vsel vm9, $0x282, v3;
	v4 =	vsel vm9, $0xC80, v4;
	v5 =	vsel vm9, $0x1680, v5  }
0x59: {  	[dreg:$0x17] =	wrdreg s21;
	s25 =	sadd.s32 $0x120, s8;
	s8 =	sadd.s32 $0x240, s8;
	v6 =	vsel vm9, $0x83, v6;
	v7 =	vsel vm9, $0xA80, v7;
	v8 =	vsel vm9, $0x1480, v8  }
0x5a: {  	s20 =	simm.s32 $0x4100;
	[dreg:$0xd] =	wrdreg s8;
	s8 =	sor.u32 $0xA0, s6;
	v9 =	vsel vm9, $0x2280, v9;
	v10 =	vsel vm9, $0x2C80, v10;
	v11 =	vsel vm9, $0x2080, v11  }
0x5b: {  	s24 =	simm.s32 $0x4200;
	[smem:$0x7E7] =	sst s30;
	v12 =	vsel vm9, $0x2A80, v12;
	v13 =	vsel vm9, $0x1E80, v13;
	v14 =	vsel vm9, $0x2880, v14;
	s13 =	smin.u32 s8, $0xA8  }
0x5c: {  	s31 =	simm.s32 $0x3D80;
	[smem:$0x7F4] =	sst s20;
	v16 =	vsel vm11, $0x500, v0;
	v1 =	vsel vm11, $0xF00, v1;
	v17 =	vsel vm11, $0x1900, v2;
	s11 =	smul.u32 $0x360, s13  }
0x5d: {  	s9 =	sadd.s32 s3, s26;
	s26 =	simm.s32 $0x3380;
	[smem:$0x7F8] =	sst s24;
	v3 =	vsel vm11, $0x302, v3;
	v4 =	vsel vm11, $0xD00, v4;
	v18 =	vsel vm11, $0x1700, v5  }
0x5e: {  	[tilespmem:$0x1FDD0] =	vst v47;
	[smem:$0x7FD] =	sst s31;
	v6 =	vsel vm11, $0x103, v6;
	v19 =	vsel vm11, $0xB00, v7;
	v7 =	vsel vm10, $0x0, v38;
	s16 =	sadd.s32 s3, s11;
	s11 =	sshll.u32 s6, $0x2  }
0x5f: {  	s28 =	simm.s32 $0x3400;
	[dreg:$0x1d] =	wrdreg s26;
	v20 =	vsel vm11, $0x1500, v8;
	v0 =	vsel vm11, $0x2300, v9;
	[tilespmem:$0x1FDB0] =	vst v7;
	v49 =	vor.u32 s11, v32  }
0x60: {  	s21 =	simm.s32 $0x3B80;
	[dreg:$0x1e] =	wrdreg s28;
	v28 =	vsel vm11, $0x2D00, v10;
	v29 =	vsel vm11, $0x2100, v11;
	v51 =	vor.u32 s11, v15;
	[tilespmem:$0x1FDE0] =	vst v49  }
0x61: {  	s30 =	simm.s32 $0x4300;
	[smem:$0x7F5] =	sst s21;
	v27 =	vsel vm11, $0x2B00, v12;
	v30 =	vsel vm11, $0x1F00, v13;
	v56 =	vor.u32 s11, v50;
	[tilespmem:$0x1FDF0] =	vst v51  }
0x62: {  	[smem:$0x7FC] =	sst s30;
	v2 =	vunpack.c.l.s4.s8 v36;
	v31 =	vsel vm11, $0x2900, v14;
	v57 =	vor.u32 s11, v53;
	[tilespmem:$0x1FE00] =	vst v56  }
0x63: {  	s29 =	sadd.s32 $0x120, s9;
	[dreg:$0x9] =	wrdreg s19;
	p0 =	slt.s32 s8, $0xA9;
	v8 =	vunpack.c.0.s8.s32 v41;
	v9 =	vunpack.c.0.s8.s32 v44;
	v63 =	vor.u32 s11, v61;
	[tilespmem:$0x1FE10] =	vst v57  }
0x64: {  	s9 =	sadd.s32 $0x240, s9;
	[dreg:$0xf] =	wrdreg s29;
	v24 =	vpsel !p0, $0x0, v42;
	v10 =	vor.u32 s11, v18;
	v18 =	vor.u32 s11, v6;
	[tilespmem:$0x1FE60] =	vst v63  }
0x65: {  	s17 =	sshll.u32 s4, $0x1;
	s10 =	sadd.s32 s3, s10;
	[dreg:$0x10] =	wrdreg s9;
	v52 =	vor.u32 s11, v16;
	v59 =	vor.u32 s11, v17;
	v17 =	vor.u32 s11, v46;
	[tilespmem:$0x1FE90] =	vst v18  }
0x66: {  	s7 =	sadd.s32 s17, s7;
	s17 =	simm.s32 $0x3A00;
	[dreg:$0x11] =	wrdreg s10;
	v48 =	vmov s11;
	v1 =	vor.u32 s11, v1;
	v54 =	vand.u32 $0x7FFFFF80, v52;
	[tilespmem:$0x1FEA0] =	vst v17  }
0x67: {  	s26 =	simm.s32 $0x3C80;
	[smem:$0x7F1] =	sst s17;
	v55 =	vand.u32 $0x7D, v51;
	v11 =	vand.u32 $0x7F, v63;
	[tilespmem:$0x1FED0] =	vst v48;
	v63 =	vadd.s32 $0x4, v33  }
0x68: {  	s28 =	simm.s32 $0x4280;
	[smem:$0x7F9] =	sst s26;
	v2 =	vunpack.c.0.s8.s32 v2;
	v1 =	vand.u32 $0x7FFFFF80, v1;
	v58 =	vor.u32 v55, v54;
	[tilespmem:$0x1FFF0] =	vst v63  }
0x69: {  	s7 =	sadd.s32 $0x24A00, s7;
	[smem:$0x7FA] =	sst s28;
	v0 =	vor.u32 s11, v0;
	v60 =	vand.u32 $0x7FFFFF80, v59;
	v1 =	vor.u32 v55, v1;
	[tilespmem:$0x1FE20] =	vst v58  }
0x6a: {  	s22 =	simm.s32 $0x1E00;
	[dreg:$0x18] =	wrdreg s7;
	v2 =	vand.u32 $0xF, v2;
	v0 =	vand.u32 $0x7FFFFF80, v0;
	v62 =	vor.u32 v55, v60;
	[tilespmem:$0x1FE30] =	vst v1  }
0x6b: {  	s29 =	simm.s32 $0x3480;
	[dreg:$0x19] =	wrdreg s22;
	v38 =	vsel vm15, v9, v40;
	v2 =	vsel vm13, v2, v40;
	v0 =	vor.u32 v55, v0;
	[tilespmem:$0x1FE40] =	vst v62  }
0x6c: {  	s9 =	sadd.s32 s3, s12;
	[dreg:$0x1f] =	wrdreg s29;
	v9 =	vor.u32 s11, v4;
	v19 =	vor.u32 s11, v19;
	v2 =	vsel vm14, v8, v2;
	[tilespmem:$0x1FF30] =	vst v0  }
0x6d: {  	s14 =	sadd.s32 $0x120, s9;
	[dreg:$0xc] =	wrdreg s25;
	v20 =	vor.u32 s11, v20;
	v8 =	vor.u32 s11, v3;
	v1 =	vand.u32 $0x7FFFFF80, v9;
	[tilespmem:$0x1FDC0] =	vst v2  }
0x6e: {  	s20 =	simm.s32 $0x4680;
	s9 =	sadd.s32 $0x240, s9;
	[dreg:$0x12] =	wrdreg s14;
	v36 =	vor.u32 s11, v34;
	v3 =	vand.u32 $0x7FFFFF80, v10;
	[tilespmem:$0x1FE50] =	vst v8;
	v1 =	vor.u32 v11, v1  }
0x6f: {  	s24 =	simm.s32 $0x4A00;
	s7 =	simm.s32 $0x3600;
	[dreg:$0x13] =	wrdreg s9;
	v39 =	vor.u32 s11, v35;
	v45 =	vor.u32 s11, v28;
	v15 =	vor.u32 v11, v3;
	[tilespmem:$0x1FE70] =	vst v1  }
0x70: {  	s23 =	simm.s32 $0x4;
	s22 =	simm.s32 $0x4180;
	[smem:$0x7E9] =	sst s7;
	v26 =	vor.u32 s11, v27;
	v0 =	vand.u32 $0x7FFFFF80, v45;
	v2 =	vor.u32 $0x3, v48;
	[tilespmem:$0x1FE80] =	vst v15  }
0x71: {  	s4 =	ssub.s32 $0x2, s4;
	s29 =	simm.s32 $0x3D00;
	[smem:$0x7F6] =	sst s22;
	v21 =	vand.u32 $0x7F, v17;
	v3 =	vand.u32 $0x7FFFFF80, v20;
	v0 =	vor.u32 v55, v0;
	[tilespmem:$0x1FEF0] =	vst v2  }
0x72: {  	s21 =	simm.s32 $0x3;
	s25 =	simm.s32 $0x3300;
	[smem:$0x7FB] =	sst s29;
	v58 =	vmul.u32 $0xB0, v25;
	v48 =	vand.u32 $0x7FFFFF80, v26;
	v22 =	vor.u32 v21, v3;
	[tilespmem:$0x1FF40] =	vst v0  }
0x73: {  	s17 =	simm.s32 $0x4000;
	s9 =	simm.s32 $0x3680;
	[dreg:$0x1c] =	wrdreg s25;
	v46 =	vor.u32 s11, v29;
	v50 =	vor.u32 s11, v31;
	v0 =	vor.u32 v11, v48;
	[tilespmem:$0x1FEC0] =	vst v22  }
0x74: {  	s14 =	simm.s32 $0x3880;
	s7 =	simm.s32 $0x80;
	[smem:$0x7EA] =	sst s9;
	v49 =	vor.u32 s11, v30;
	v1 =	vand.u32 $0x7FFFFF80, v19;
	v60 =	vadd.s32 $0xB0, v58;
	[tilespmem:$0x1FF60] =	vst v0  }
0x75: {  	s22 =	simm.s32 $0x2;
	[smem:$0x7EE] =	sst s14;
	s8 =	simm.s32 $0x4380;
	v40 =	vand.u32 $0x7F, v2;
	v3 =	vand.u32 $0x7FFFFF80, v39;
	v1 =	vor.u32 v21, v1;
	[tilespmem:$0x1FFC0] =	vst v60  }
0x76: {  	s25 =	sshrl.u32 s4, $0x1;
	s9 =	simm.s32 $0x3E00;
	s12 =	smul.u32 $0x1B00, s13;
	v51 =	vor.u32 $0x2000, v32;
	v56 =	vimm.s32 $0xFEDCBA98;
	v41 =	vor.u32 v40, v3;
	[tilespmem:$0x1FEB0] =	vst v1  }
0x77: {  	s14 =	simm.s32 $0x4500;
	s13 =	simm.s32 $0x3800;
	s4 =	ssub.s32 s4, s25;
	v53 =	vor.u32 s11, v51;
	v3 =	vand.u32 $0x7FFFFF80, v46;
	v1 =	vor.u32 s11, v23;
	[tilespmem:$0x1FF10] =	vst v41  }
0x78: {  	[smem:$0x7ED] =	sst s13;
	s15 =	sshrl.u32 s12, $0x3;
	s12 =	simm.s32 $0x3780;
	v54 =	vadd.s32 $0x2A00, v32;
	v0 =	vand.u32 $0x7FFFFF80, v49;
	v47 =	vor.u32 v11, v3;
	[tilespmem:$0x1FEE0] =	vst v1  }
0x79: {  	p0 =	sne.s32 s5, $0x0;
	s5 =	simm.s32 $0x1;
	[dreg:$0x14] =	wrdreg s16;
	v55 =	vimm.s32 $0x76543210;
	v3 =	vand.u32 $0x7FFFFF80, v50;
	v0 =	vor.u32 v21, v0;
	[tilespmem:$0x1FF50] =	vst v47  }
0x7a: {  	s10 =	sadd.s32 s3, s15;
	[smem:$0x7EC] =	sst s12;
	s15 =	simm.s32 $0x3900;
	v4 =	vunpack.c.l.s4.s8 v55;
	v1 =	vand.u32 $0x7FFFFF80, v36;
	[tilespmem:$0x1FF70] =	vst v0;
	v52 =	vor.u32 v21, v3  }
0x7b: {  	s25 =	simm.s32 $0x5;
	s16 =	simm.s32 $0x3980;
	[smem:$0x7EF] =	sst s15;
	v6 =	vunpack.c.l.s4.s8 v56;
	v0 =	vand.u32 $0x7FFFFF80, v53;
	v1 =	vor.u32 v40, v1;
	[tilespmem:$0x1FF80] =	vst v52  }
0x7c: {  	s4 =	smax.u32 s4, $0x1;
	s18 =	sadd.s32 $0x120, s10;
	[smem:$0x7F0] =	sst s16;
	v4 =	vunpack.c.0.s8.s32 v4;
	v3 =	vor.u32 s11, v54;
	v0 =	vor.u32 v40, v0;
	[tilespmem:$0x1FF00] =	vst v1  }
0x7d: {  	s13 =	simm.s32 $0x3F00;
	s19 =	sadd.s32 $0x240, s10;
	[dreg:$0x15] =	wrdreg s18;
	v6 =	vunpack.c.0.s8.s32 v6;
	v57 =	vand.u32 $0x7FFFFF80, v3;
	v1 =	vor.u32 s11, v43;
	[tilespmem:$0x1FFA0] =	vst v0  }
0x7e: {  	s6 =	simm.s32 $0x4700;
	s10 =	simm.s32 $0x3700;
	[dreg:$0x16] =	wrdreg s19;
	v61 =	vcombine.low v37, v4;
	v59 =	vor.u32 v40, v57;
	[tilespmem:$0x1FF20] =	vst v1  }
0x7f: {  	v44 =	vor.u32 $0x2800, v32;
	s12 =	simm.s32 $0x4480;
	[smem:$0x7EB] =	sst s10;
	s18 =	simm.s32 $0x3A80;
	v62 =	vand.u32 $0xF, v6;
	[tilespmem:$0x1FFB0] =	vst v59  }
0x80: {  	s15 =	simm.s32 $0x3F80;
	s19 =	simm.s32 $0x3B00;
	[smem:$0x7F2] =	sst s18;
	v0 =	vcombine.low v62, v38;
	v1 =	vor.u32 s11, v44;
	[tilespmem:$0x1FFD0] =	vst v61  }
0x81: {  	s16 =	simm.s32 $0x4580;
	s10 =	simm.s32 $0x4400;
	[smem:$0x7F3] =	sst s19;
	[tilespmem:$0x1FF90] =	vst v1  }
0x82: {  	v35 =	vimm.s32 $0x0;
	s18 =	simm.s32 $0x4600;
	s19 =	simm.s32 $0x4080;
	v40 =	vimm.f32 $0.0e+00;
	s11 =	simm.s32 $0x3E80;
	[tilespmem:$0x1FFE0] =	vst v0  }
.LBB2_1:
0x83: {  	s26 =	rddreg [dreg:$0x3]  }
0x84: {  	s28 =	rddreg [dreg:$0x4]  }
0x85: {  	s29 =	rddreg [dreg:$0x19]  }
0x86: {  	s31 =	rddreg [dreg:$0x6]  }
0x87: {  	s30 =	rddreg [dreg:$0x1b]  }
0x88: {  	[tilespmem:s2], [sflag:$0x1] =	stream.linear.gather [hbm4b:s26+s2], $0x1E00, $0x38;
	[tilespmem:$0x4B90] =	vst v63  }
0x89: {  	s26 =	rddreg [dreg:$0x5]  }
0x8a: {  	[tilespmem:s29], [sflag:$0x2] =	stream.linear.gather [hbm4b:s28+s2], $0x1400, $0x38;
	[tilespmem:$0x4B90] =	vst v63  }
0x8b: {  	s28 =	rddreg [dreg:$0x1a]  }
0x8c: {  	s29 =	rddreg [dreg:$0x8]  }
0x8d: {  	[tilespmem:s28], [sflag:$0x3] =	stream.linear.gather [hbm4b:s26+s2], $0x80, $0x38;
	[tilespmem:$0x4B90] =	vst v63  }
0x8e: {  	s26 =	rddreg [dreg:$0x7]  }
0x8f: {  	s28 =	rddreg [dreg:$0x1c]  }
0x90: {  	[tilespmem:s30], [sflag:$0x3] =	stream.linear.gather [hbm4b:s31+s2], $0x80, $0x38;
	[tilespmem:$0x4B90] =	vst v63  }
0x91: {  	s31 =	rddreg [dreg:$0x1d]  }
0x92: {  	[tilespmem:s28], [sflag:$0x3] =	stream.linear.gather [hbm4b:s26+s2], $0x80, $0x38;
	[tilespmem:$0x4B90] =	vst v63  }
0x93: {  	s26 =	rddreg [dreg:$0x9]  }
0x94: {  	s28 =	rddreg [dreg:$0x1e]  }
0x95: {  	[tilespmem:s31], [sflag:$0x3] =	stream.linear.gather [hbm4b:s29+s2], $0x80, $0x38;
	[tilespmem:$0x4B90] =	vst v63  }
0x96: {  	s29 =	rddreg [dreg:$0xa]  }
0x97: {  	s31 =	rddreg [dreg:$0x1f]  }
0x98: {  	[tilespmem:s28], [sflag:$0x3] =	stream.linear.gather [hbm4b:s26+s2], $0x80, $0x38;
	[tilespmem:$0x4B90] =	vst v63  }
0x99: {  	s26 =	rddreg [dreg:$0xb]  }
0x9a: {  	s28 =	sld [smem:$0x7E7]  }
0x9b: {  	[tilespmem:s31], [sflag:$0x3] =	stream.linear.gather [hbm4b:s29+s2], $0x80, $0x38;
	[tilespmem:$0x4B90] =	vst v63  }
0x9c: {  	s29 =	rddreg [dreg:$0xc]  }
0x9d: {  	s31 =	sld [smem:$0x7E8]  }
0x9e: {  	[tilespmem:s28], [sflag:$0x3] =	stream.linear.gather [hbm4b:s26+s2], $0x80, $0x38;
	[tilespmem:$0x4B90] =	vst v63  }
0x9f: {  	s26 =	rddreg [dreg:$0xd]  }
0xa0: {  	s28 =	sld [smem:$0x7E9]  }
0xa1: {  	[tilespmem:s31], [sflag:$0x3] =	stream.linear.gather [hbm4b:s29+s2], $0x80, $0x38;
	[tilespmem:$0x4B90] =	vst v63  }
0xa2: {  	s29 =	rddreg [dreg:$0xe]  }
0xa3: {  	s31 =	sld [smem:$0x7EA]  }
0xa4: {  	[tilespmem:s28], [sflag:$0x3] =	stream.linear.gather [hbm4b:s26+s2], $0x80, $0x38;
	[tilespmem:$0x4B90] =	vst v63  }
0xa5: {  	s26 =	rddreg [dreg:$0xf]  }
0xa6: {  	s28 =	sld [smem:$0x7EB]  }
0xa7: {  	[tilespmem:s31], [sflag:$0x3] =	stream.linear.gather [hbm4b:s29+s2], $0x80, $0x38;
	[tilespmem:$0x4B90] =	vst v63  }
0xa8: {  	s29 =	rddreg [dreg:$0x10]  }
0xa9: {  	s31 =	sld [smem:$0x7EC]  }
0xaa: {  	[tilespmem:s28], [sflag:$0x3] =	stream.linear.gather [hbm4b:s26+s2], $0x80, $0x38;
	[tilespmem:$0x4B90] =	vst v63  }
0xab: {  	s26 =	rddreg [dreg:$0x11]  }
0xac: {  	s28 =	sld [smem:$0x7ED]  }
0xad: {  	[tilespmem:s31], [sflag:$0x3] =	stream.linear.gather [hbm4b:s29+s2], $0x80, $0x38;
	[tilespmem:$0x4B90] =	vst v63  }
0xae: {  	s29 =	rddreg [dreg:$0x12]  }
0xaf: {  	s31 =	sld [smem:$0x7EE]  }
0xb0: {  	[tilespmem:s28], [sflag:$0x3] =	stream.linear.gather [hbm4b:s26+s2], $0x80, $0x38;
	[tilespmem:$0x4B90] =	vst v63  }
0xb1: {  	s26 =	rddreg [dreg:$0x13]  }
0xb2: {  	s28 =	sld [smem:$0x7EF]  }
0xb3: {  	[tilespmem:s31], [sflag:$0x3] =	stream.linear.gather [hbm4b:s29+s2], $0x80, $0x38;
	[tilespmem:$0x4B90] =	vst v63  }
0xb4: {  	s29 =	rddreg [dreg:$0x14]  }
0xb5: {  	s31 =	sld [smem:$0x7F0]  }
0xb6: {  	[tilespmem:s28], [sflag:$0x3] =	stream.linear.gather [hbm4b:s26+s2], $0x80, $0x38;
	[tilespmem:$0x4B90] =	vst v63  }
0xb7: {  	s26 =	rddreg [dreg:$0x15]  }
0xb8: {  	s28 =	sld [smem:$0x7F1]  }
0xb9: {  	[tilespmem:s31], [sflag:$0x3] =	stream.linear.gather [hbm4b:s29+s2], $0x80, $0x38;
	[tilespmem:$0x4B90] =	vst v63  }
0xba: {  	s31 =	sld [smem:$0x7F2]  }
0xbb: {  	[tilespmem:s28], [sflag:$0x3] =	stream.linear.gather [hbm4b:s26+s2], $0x80, $0x38;
	[tilespmem:$0x4B90] =	vst v63  }
0xbc: {  	s29 =	rddreg [dreg:$0x16]  }
0xbd: {  	[tilespmem:s31], [sflag:$0x3] =	stream.linear.gather [hbm4b:s29+s2], $0x80, $0x38;
	[tilespmem:$0x4B90] =	vst v63  }
0xbe: {  	[tilespmem:$0x40F0] =	vst v35  }
0xbf: {  	_ =	swait.ge [sflag:s5], $0x1E00  }
0xc0: {  	v14 =	vld [tilespmem:$0x1FE10];
	_ =	sdelay $0x1  }
0xc1: {  	v13 =	vld [tilespmem:$0x1FE00];
	_ =	sdelay $0x3  }
0xc2: {  	[sflag:s5] =	ssyncset.done $0x0  }
0xc3: {  	[sflag:s5] =	ssyncadd.s32 $0xFFFFE200  }
0xc4: {  	v3 =	vld.idx.msk [tilespmem:v14+s2+$0x0], $0xffff;
	_ =	sdelay $0x1  }
0xc5: {  	v1 =	vld.idx.msk [tilespmem:v13+s2+$0x0], $0xffff;
	_ =	sdelay $0x2  }
0xc6: {  	v3 =	vmul.f32 $1.300000000e+01, v3;
	_ =	sdelay $0x1  }
0xc7: {  	v1 =	vmul.f32 $1.300000000e+01, v1;
	v4 =	vtrunc.f32 v3  }
0xc8: {  	v6 =	vcvt.f32.s32 v4;
	vm0 =	vlt.f32 v3, v4  }
0xc9: {  	v17 =	vtrunc.f32 v1;
	v4 =	vsel vm0, $0xFFFFFFFF, v35  }
0xca: {  	v12 =	vcvt.f32.s32 v17;
	vm13 =	vlt.f32 v1, v17;
	v18 =	vadd.s32 v6, v4  }
0xcb: {  	v3 =	vsel vm13, $0xFFFFFFFF, v35;
	vm14 =	vgt.s32 v18, $0x0  }
0xcc: {  	v3 =	vadd.s32 v12, v3;
	v4 =	vnsel vm14, $0x0, v18  }
0xcd: {  	v11 =	vld [tilespmem:$0x1FDE0];
	vm15 =	vlt.s32 v3, $0xD;
	vm1 =	vgt.s32 v3, $0x0;
	v4 =	vmin.u32 v4, $0xC  }
0xce: {  	vm2 =	vlt.s32 v18, $0xD;
	v3 =	vnsel vm1, $0x0, v3;
	v19 =	vmul.u32 $0xD, v4  }
0xcf: {  	vm0 =	vmand vm15, vm2;
	v3 =	vmin.u32 v3, $0xC  }
0xd0: {  	v20 =	vld [tilespmem:$0x1FED0];
	v45 =	vadd.s32 v3, v19;
	_ =	sdelay $0x2  }
0xd1: {  	v1 =	vmul.u32 $0x1B00, v45  }
0xd2: {  	v2 =	vlaneseq.u32  }
0xd3: {  	v0 =	vld.idx.msk [tilespmem:v11+s2+$0x0], $0xffff;
	v1 =	vor.u32 v20, v1;
	[tilespmem:v45+s6+$0x0] =	vst.idx.msk vm0, v2  }
0xd4: {  	v21 =	vor.u32 $0x80, v1;
	[tilespmem:$0x3B00] =	vst v1  }
0xd5: {  	v22 =	vadd.s32 $0x100, v1;
	[tilespmem:$0x3B10] =	vst v21  }
0xd6: {  	v23 =	vadd.s32 $0x180, v1;
	[tilespmem:$0x3B20] =	vst v22  }
0xd7: {  	v28 =	vadd.s32 $0x200, v1;
	[tilespmem:$0x3B30] =	vst v23  }
0xd8: {  	v29 =	vadd.s32 $0x280, v1;
	[tilespmem:$0x3B40] =	vst v28  }
0xd9: {  	v30 =	vadd.s32 $0x300, v1;
	[tilespmem:$0x3B50] =	vst v29  }
0xda: {  	v31 =	vadd.s32 $0x380, v1;
	[tilespmem:$0x3B60] =	vst v30  }
0xdb: {  	v32 =	vadd.s32 $0x400, v1;
	[tilespmem:$0x3B70] =	vst v31  }
0xdc: {  	v33 =	vadd.s32 $0x480, v1;
	[tilespmem:$0x3B80] =	vst v32  }
0xdd: {  	v0 =	vtrunc.f32 v0;
	v34 =	vadd.s32 $0x500, v1;
	[tilespmem:$0x3B90] =	vst v33  }
0xde: {  	v0 =	vcvt.f32.s32 v0;
	v36 =	vadd.s32 $0x580, v1;
	[tilespmem:$0x3BA0] =	vst v34  }
0xdf: {  	v37 =	vadd.s32 $0x600, v1;
	[tilespmem:$0x3BB0] =	vst v36;
	v22 =	vld [tilespmem:$0x1FE40]  }
0xe0: {  	vm4 =	vgt.s32 v0, $0x0;
	v38 =	vadd.s32 $0x680, v1;
	[tilespmem:$0x3BC0] =	vst v37  }
0xe1: {  	v0 =	vnsel vm4, $0x0, v0;
	v39 =	vadd.s32 $0x700, v1;
	[tilespmem:$0x3BD0] =	vst v38;
	v21 =	vld [tilespmem:$0x1FE30]  }
0xe2: {  	v0 =	vmin.u32 v0, $0xC;
	v41 =	vadd.s32 $0x780, v1;
	[tilespmem:$0x3BE0] =	vst v39  }
0xe3: {  	v0 =	vshll.u32 v0, $0x7;
	v42 =	vadd.s32 $0x800, v1;
	[tilespmem:$0x3BF0] =	vst v41  }
0xe4: {  	v0 =	vadd.s32 v0, v29;
	[tilespmem:$0x3C00] =	vst v42  }
0xe5: {  	v1 =	vadd.s32 $0x880, v1;
	[tilespmem:$0x3C20] =	vst v0  }
0xe6: {  	[tilespmem:$0x3C10] =	vst v1  }
0xe7: {  	v0 =	vld.idx.msk [tilespmem:v22+s2+$0x0], $0xffff;
	_ =	sdelay $0x1  }
0xe8: {  	v1 =	vld.idx.msk [tilespmem:v21+s2+$0x0], $0xffff;
	_ =	sdelay $0x2  }
0xe9: {  	v0 =	vmul.f32 $1.300000000e+01, v0;
	_ =	sdelay $0x1  }
0xea: {  	v1 =	vmul.f32 $1.300000000e+01, v1;
	v43 =	vtrunc.f32 v0  }
0xeb: {  	v44 =	vcvt.f32.s32 v43;
	vm5 =	vlt.f32 v0, v43  }
0xec: {  	v46 =	vtrunc.f32 v1;
	v3 =	vsel vm5, $0xFFFFFFFF, v35  }
0xed: {  	v47 =	vcvt.f32.s32 v46;
	vm6 =	vlt.f32 v1, v46;
	v48 =	vadd.s32 v44, v3  }
0xee: {  	v1 =	vsel vm6, $0xFFFFFFFF, v35;
	vm7 =	vgt.s32 v48, $0x0  }
0xef: {  	v51 =	vld [tilespmem:$0x1FDB0];
	v1 =	vadd.s32 v47, v1;
	v3 =	vnsel vm7, $0x0, v48  }
0xf0: {  	vm8 =	vgt.s32 v1, $0x0;
	v3 =	vmin.u32 v3, $0xC  }
0xf1: {  	v19 =	vld [tilespmem:$0x1FE20];
	v49 =	vnsel vm8, $0x0, v1;
	v3 =	vmul.u32 $0xD, v3  }
0xf2: {  	vm9 =	vlt.s32 v1, $0xD;
	vm10 =	vlt.s32 v48, $0xD;
	v50 =	vmin.u32 v49, $0xC  }
0xf3: {  	v53 =	vld [tilespmem:$0x1FDC0];
	vm0 =	vmand vm9, vm10;
	v0 =	vadd.s32 v50, v3  }
0xf4: {  	v54 =	vld [tilespmem:$0x1FDF0];
	v44 =	vadd.s32 v51, v0;
	_ =	sdelay $0x2  }
0xf5: {  	v0 =	vmul.u32 $0x1B00, v0;
	_ =	sdelay $0x1  }
0xf6: {  	v52 =	vld.idx.msk [tilespmem:v19+s2+$0x0], $0xffff;
	v0 =	vor.u32 v54, v0;
	[tilespmem:v44+s6+$0x0] =	vst.idx.msk vm0, v53  }
0xf7: {  	v55 =	vor.u32 $0x80, v0;
	[tilespmem:$0x3C30] =	vst v0  }
0xf8: {  	v56 =	vadd.s32 $0x100, v0;
	[tilespmem:$0x3C40] =	vst v55  }
0xf9: {  	v57 =	vadd.s32 $0x180, v0;
	[tilespmem:$0x3C50] =	vst v56  }
0xfa: {  	v58 =	vadd.s32 $0x200, v0;
	[tilespmem:$0x3C60] =	vst v57  }
0xfb: {  	v59 =	vadd.s32 $0x280, v0;
	[tilespmem:$0x3C70] =	vst v58  }
0xfc: {  	v60 =	vadd.s32 $0x300, v0;
	[tilespmem:$0x3C80] =	vst v59  }
0xfd: {  	v61 =	vadd.s32 $0x380, v0;
	[tilespmem:$0x3C90] =	vst v60  }
0xfe: {  	v62 =	vadd.s32 $0x400, v0;
	[tilespmem:$0x3CA0] =	vst v61  }
0xff: {  	v63 =	vadd.s32 $0x480, v0;
	[tilespmem:$0x3CB0] =	vst v62  }
0x100: {  	v1 =	vtrunc.f32 v52;
	v2 =	vadd.s32 $0x500, v0;
	[tilespmem:$0x3CC0] =	vst v63  }
0x101: {  	v1 =	vcvt.f32.s32 v1;
	v8 =	vadd.s32 $0x580, v0;
	[tilespmem:$0x3CD0] =	vst v2  }
0x102: {  	v9 =	vadd.s32 $0x600, v0;
	[tilespmem:$0x3CE0] =	vst v8;
	v38 =	vld [tilespmem:$0x1FE80]  }
0x103: {  	vm11 =	vgt.s32 v1, $0x0;
	v10 =	vadd.s32 $0x680, v0;
	[tilespmem:$0x3CF0] =	vst v9  }
0x104: {  	v1 =	vnsel vm11, $0x0, v1;
	v12 =	vadd.s32 $0x700, v0;
	[tilespmem:$0x3D00] =	vst v10;
	v37 =	vld [tilespmem:$0x1FE70]  }
0x105: {  	v1 =	vmin.u32 v1, $0xC;
	v15 =	vadd.s32 $0x780, v0;
	[tilespmem:$0x3D10] =	vst v12  }
0x106: {  	v1 =	vshll.u32 v1, $0x7;
	v16 =	vadd.s32 $0x800, v0;
	[tilespmem:$0x3D20] =	vst v15  }
0x107: {  	v17 =	vadd.s32 v1, v59;
	[tilespmem:$0x3D30] =	vst v16  }
0x108: {  	v0 =	vadd.s32 $0x880, v0;
	[tilespmem:$0x3D50] =	vst v17  }
0x109: {  	[tilespmem:$0x3D40] =	vst v0  }
0x10a: {  	v0 =	vld.idx.msk [tilespmem:v38+s2+$0x0], $0xffff;
	_ =	sdelay $0x1  }
0x10b: {  	v18 =	vld.idx.msk [tilespmem:v37+s2+$0x0], $0xffff;
	_ =	sdelay $0x2  }
0x10c: {  	v0 =	vmul.f32 $1.300000000e+01, v0;
	_ =	sdelay $0x1  }
0x10d: {  	v1 =	vmul.f32 $1.300000000e+01, v18;
	v20 =	vtrunc.f32 v0  }
0x10e: {  	v23 =	vcvt.f32.s32 v20;
	vm12 =	vlt.f32 v0, v20  }
0x10f: {  	v28 =	vtrunc.f32 v1;
	v3 =	vsel vm12, $0xFFFFFFFF, v35  }
0x110: {  	v29 =	vcvt.f32.s32 v28;
	vm13 =	vlt.f32 v1, v28;
	v30 =	vadd.s32 v23, v3  }
0x111: {  	v1 =	vsel vm13, $0xFFFFFFFF, v35;
	vm14 =	vgt.s32 v30, $0x0  }
0x112: {  	v33 =	vld [tilespmem:$0x1FFC0];
	v1 =	vadd.s32 v29, v1;
	v3 =	vnsel vm14, $0x0, v30  }
0x113: {  	vm15 =	vgt.s32 v1, $0x0;
	v3 =	vmin.u32 v3, $0xC  }
0x114: {  	v23 =	vld [tilespmem:$0x1FE50];
	v31 =	vnsel vm15, $0x0, v1;
	v3 =	vmul.u32 $0xD, v3  }
0x115: {  	vm4 =	vlt.s32 v1, $0xD;
	vm5 =	vlt.s32 v30, $0xD;
	v32 =	vmin.u32 v31, $0xC  }
0x116: {  	v36 =	vld [tilespmem:$0x1FFD0];
	vm0 =	vmand vm4, vm5;
	v0 =	vadd.s32 v32, v3  }
0x117: {  	v39 =	vld [tilespmem:$0x1FE60];
	v43 =	vadd.s32 v33, v0;
	_ =	sdelay $0x2  }
0x118: {  	v0 =	vmul.u32 $0x1B00, v0;
	_ =	sdelay $0x1  }
0x119: {  	v34 =	vld.idx.msk [tilespmem:v23+s2+$0x0], $0xffff;
	v0 =	vor.u32 v39, v0;
	[tilespmem:v43+s6+$0x0] =	vst.idx.msk vm0, v36  }
0x11a: {  	v41 =	vor.u32 $0x80, v0;
	[tilespmem:$0x3D60] =	vst v0  }
0x11b: {  	v42 =	vadd.s32 $0x100, v0;
	[tilespmem:$0x3D70] =	vst v41  }
0x11c: {  	v46 =	vadd.s32 $0x180, v0;
	[tilespmem:$0x3D80] =	vst v42  }
0x11d: {  	v47 =	vadd.s32 $0x200, v0;
	[tilespmem:$0x3D90] =	vst v46  }
0x11e: {  	v48 =	vadd.s32 $0x280, v0;
	[tilespmem:$0x3DA0] =	vst v47  }
0x11f: {  	v49 =	vadd.s32 $0x300, v0;
	[tilespmem:$0x3DB0] =	vst v48  }
0x120: {  	v50 =	vadd.s32 $0x380, v0;
	[tilespmem:$0x3DC0] =	vst v49  }
0x121: {  	v51 =	vadd.s32 $0x400, v0;
	[tilespmem:$0x3DD0] =	vst v50  }
0x122: {  	v52 =	vadd.s32 $0x480, v0;
	[tilespmem:$0x3DE0] =	vst v51  }
0x123: {  	v53 =	vadd.s32 $0x500, v0;
	[tilespmem:$0x3DF0] =	vst v52  }
0x124: {  	v54 =	vadd.s32 $0x580, v0;
	[tilespmem:$0x3E00] =	vst v53;
	v1 =	vtrunc.f32 v34  }
0x125: {  	v18 =	vld [tilespmem:$0x1FEC0];
	v55 =	vadd.s32 $0x600, v0;
	[tilespmem:$0x3E10] =	vst v54;
	v1 =	vcvt.f32.s32 v1  }
0x126: {  	v56 =	vadd.s32 $0x680, v0;
	[tilespmem:$0x3E20] =	vst v55  }
0x127: {  	v17 =	vld [tilespmem:$0x1FEB0];
	v57 =	vadd.s32 $0x700, v0;
	[tilespmem:$0x3E30] =	vst v56;
	vm6 =	vgt.s32 v1, $0x0  }
0x128: {  	v58 =	vadd.s32 $0x780, v0;
	[tilespmem:$0x3E40] =	vst v57;
	v1 =	vnsel vm6, $0x0, v1  }
0x129: {  	v59 =	vadd.s32 $0x800, v0;
	[tilespmem:$0x3E50] =	vst v58;
	v1 =	vmin.u32 v1, $0xC  }
0x12a: {  	[tilespmem:$0x3E60] =	vst v59;
	v0 =	vadd.s32 $0x880, v0;
	v1 =	vshll.u32 v1, $0x7  }
0x12b: {  	[tilespmem:$0x3E70] =	vst v0;
	v60 =	vadd.s32 v1, v48  }
0x12c: {  	[tilespmem:$0x3E80] =	vst v60  }
0x12d: {  	v0 =	vld.idx.msk [tilespmem:v18+s2+$0x0], $0xffff;
	_ =	sdelay $0x1  }
0x12e: {  	v61 =	vld.idx.msk [tilespmem:v17+s2+$0x0], $0xffff;
	_ =	sdelay $0x2  }
0x12f: {  	v0 =	vmul.f32 $1.300000000e+01, v0;
	_ =	sdelay $0x1  }
0x130: {  	v1 =	vmul.f32 $1.300000000e+01, v61;
	v62 =	vtrunc.f32 v0  }
0x131: {  	v63 =	vcvt.f32.s32 v62;
	vm7 =	vlt.f32 v0, v62  }
0x132: {  	v9 =	vtrunc.f32 v1;
	v3 =	vsel vm7, $0xFFFFFFFF, v35  }
0x133: {  	v10 =	vcvt.f32.s32 v9;
	vm8 =	vlt.f32 v1, v9;
	v12 =	vadd.s32 v63, v3  }
0x134: {  	v1 =	vsel vm8, $0xFFFFFFFF, v35;
	vm9 =	vgt.s32 v12, $0x0  }
0x135: {  	v20 =	vld [tilespmem:$0x1FDD0];
	v1 =	vadd.s32 v10, v1;
	v3 =	vnsel vm9, $0x0, v12  }
0x136: {  	vm10 =	vgt.s32 v1, $0x0;
	v3 =	vmin.u32 v3, $0xC  }
0x137: {  	v39 =	vld [tilespmem:$0x1FE90];
	v15 =	vnsel vm10, $0x0, v1;
	v3 =	vmul.u32 $0xD, v3  }
0x138: {  	vm11 =	vlt.s32 v1, $0xD;
	vm12 =	vlt.s32 v12, $0xD;
	v16 =	vmin.u32 v15, $0xC  }
0x139: {  	v29 =	vld [tilespmem:$0x1FFE0];
	vm0 =	vmand vm11, vm12;
	v0 =	vadd.s32 v16, v3  }
0x13a: {  	v30 =	vld [tilespmem:$0x1FEA0];
	v42 =	vadd.s32 v20, v0;
	_ =	sdelay $0x2  }
0x13b: {  	v0 =	vmul.u32 $0x1B00, v0;
	_ =	sdelay $0x1  }
0x13c: {  	v28 =	vld.idx.msk [tilespmem:v39+s2+$0x0], $0xffff;
	v0 =	vor.u32 v30, v0;
	[tilespmem:v42+s6+$0x0] =	vst.idx.msk vm0, v29  }
0x13d: {  	v31 =	vor.u32 $0x80, v0;
	[tilespmem:$0x3E90] =	vst v0  }
0x13e: {  	v32 =	vadd.s32 $0x100, v0;
	[tilespmem:$0x3EA0] =	vst v31  }
0x13f: {  	v33 =	vadd.s32 $0x180, v0;
	[tilespmem:$0x3EB0] =	vst v32  }
0x140: {  	v34 =	vadd.s32 $0x200, v0;
	[tilespmem:$0x3EC0] =	vst v33  }
0x141: {  	v36 =	vadd.s32 $0x280, v0;
	[tilespmem:$0x3ED0] =	vst v34  }
0x142: {  	v41 =	vadd.s32 $0x300, v0;
	[tilespmem:$0x3EE0] =	vst v36  }
0x143: {  	v46 =	vadd.s32 $0x380, v0;
	[tilespmem:$0x3EF0] =	vst v41  }
0x144: {  	v47 =	vadd.s32 $0x400, v0;
	[tilespmem:$0x3F00] =	vst v46  }
0x145: {  	v48 =	vadd.s32 $0x480, v0;
	[tilespmem:$0x3F10] =	vst v47  }
0x146: {  	v1 =	vtrunc.f32 v28;
	v49 =	vadd.s32 $0x500, v0;
	[tilespmem:$0x3F20] =	vst v48  }
0x147: {  	v1 =	vcvt.f32.s32 v1;
	v50 =	vadd.s32 $0x580, v0;
	[tilespmem:$0x3F30] =	vst v49  }
0x148: {  	v57 =	vld [tilespmem:$0x1FF10];
	v51 =	vadd.s32 $0x600, v0;
	[tilespmem:$0x3F40] =	vst v50  }
0x149: {  	vm13 =	vgt.s32 v1, $0x0;
	v52 =	vadd.s32 $0x680, v0;
	[tilespmem:$0x3F50] =	vst v51  }
0x14a: {  	v58 =	vld [tilespmem:$0x1FF00];
	v1 =	vnsel vm13, $0x0, v1;
	v53 =	vadd.s32 $0x700, v0;
	[tilespmem:$0x3F60] =	vst v52  }
0x14b: {  	v1 =	vmin.u32 v1, $0xC;
	v54 =	vadd.s32 $0x780, v0;
	[tilespmem:$0x3F70] =	vst v53  }
0x14c: {  	v1 =	vshll.u32 v1, $0x7;
	v55 =	vadd.s32 $0x800, v0;
	[tilespmem:$0x3F80] =	vst v54  }
0x14d: {  	v56 =	vadd.s32 v1, v36;
	[tilespmem:$0x3F90] =	vst v55  }
0x14e: {  	v0 =	vadd.s32 $0x880, v0;
	[tilespmem:$0x3FB0] =	vst v56  }
0x14f: {  	[tilespmem:$0x3FA0] =	vst v0  }
0x150: {  	v0 =	vld.idx.msk [tilespmem:v57+s2+$0x0], $0xffff;
	_ =	sdelay $0x1  }
0x151: {  	v1 =	vld.idx.msk [tilespmem:v58+s2+$0x0], $0xffff;
	_ =	sdelay $0x2  }
0x152: {  	v0 =	vmul.f32 $1.300000000e+01, v0;
	_ =	sdelay $0x1  }
0x153: {  	v1 =	vmul.f32 $1.300000000e+01, v1;
	v59 =	vtrunc.f32 v0  }
0x154: {  	v60 =	vcvt.f32.s32 v59;
	vm14 =	vlt.f32 v0, v59  }
0x155: {  	v61 =	vtrunc.f32 v1;
	v3 =	vsel vm14, $0xFFFFFFFF, v35  }
0x156: {  	v62 =	vcvt.f32.s32 v61;
	vm15 =	vlt.f32 v1, v61;
	v63 =	vadd.s32 v60, v3  }
0x157: {  	v1 =	vsel vm15, $0xFFFFFFFF, v35;
	vm4 =	vgt.s32 v63, $0x0  }
0x158: {  	v1 =	vadd.s32 v62, v1;
	v3 =	vnsel vm4, $0x0, v63  }
0x159: {  	vm5 =	vgt.s32 v1, $0x0;
	v3 =	vmin.u32 v3, $0xC  }
0x15a: {  	v41 =	vld [tilespmem:$0x1FEE0];
	v8 =	vnsel vm5, $0x0, v1;
	v3 =	vmul.u32 $0xD, v3  }
0x15b: {  	vm6 =	vlt.s32 v1, $0xD;
	vm7 =	vlt.s32 v63, $0xD;
	v9 =	vmin.u32 v8, $0xC  }
0x15c: {  	v12 =	vld [tilespmem:$0x1FFF0];
	vm0 =	vmand vm6, vm7;
	v0 =	vadd.s32 v9, v3  }
0x15d: {  	v15 =	vld [tilespmem:$0x1FEF0];
	v3 =	vadd.s32 $0x210, v0;
	_ =	sdelay $0x2  }
0x15e: {  	v0 =	vmul.u32 $0x1B00, v0;
	_ =	sdelay $0x1  }
0x15f: {  	v10 =	vld.idx.msk [tilespmem:v41+s2+$0x0], $0xffff;
	v0 =	vor.u32 v15, v0;
	[tilespmem:v3+s6+$0x0] =	vst.idx.msk vm0, v12  }
0x160: {  	v16 =	vor.u32 $0x80, v0;
	[tilespmem:$0x3FC0] =	vst v0  }
0x161: {  	v20 =	vadd.s32 $0x100, v0;
	[tilespmem:$0x3FD0] =	vst v16  }
0x162: {  	v28 =	vadd.s32 $0x180, v0;
	[tilespmem:$0x3FE0] =	vst v20  }
0x163: {  	v29 =	vadd.s32 $0x200, v0;
	[tilespmem:$0x3FF0] =	vst v28  }
0x164: {  	v30 =	vadd.s32 $0x280, v0;
	[tilespmem:$0x4000] =	vst v29  }
0x165: {  	v31 =	vadd.s32 $0x300, v0;
	[tilespmem:$0x4010] =	vst v30  }
0x166: {  	v32 =	vadd.s32 $0x380, v0;
	[tilespmem:$0x4020] =	vst v31  }
0x167: {  	v33 =	vadd.s32 $0x400, v0;
	[tilespmem:$0x4030] =	vst v32  }
0x168: {  	v34 =	vadd.s32 $0x480, v0;
	[tilespmem:$0x4040] =	vst v33  }
0x169: {  	v1 =	vtrunc.f32 v10;
	v36 =	vadd.s32 $0x500, v0;
	[tilespmem:$0x4050] =	vst v34  }
0x16a: {  	v1 =	vcvt.f32.s32 v1;
	v46 =	vadd.s32 $0x580, v0;
	[tilespmem:$0x4060] =	vst v36  }
0x16b: {  	v47 =	vadd.s32 $0x600, v0;
	[tilespmem:$0x4070] =	vst v46  }
0x16c: {  	vm8 =	vgt.s32 v1, $0x0;
	v48 =	vadd.s32 $0x680, v0;
	[tilespmem:$0x4080] =	vst v47  }
0x16d: {  	v1 =	vnsel vm8, $0x0, v1;
	v49 =	vadd.s32 $0x700, v0;
	[tilespmem:$0x4090] =	vst v48  }
0x16e: {  	s29 =	sld [smem:$0x7F3];
	v1 =	vmin.u32 v1, $0xC;
	v50 =	vadd.s32 $0x780, v0;
	[tilespmem:$0x40A0] =	vst v49  }
0x16f: {  	s30 =	sld [smem:$0x7F4];
	v1 =	vshll.u32 v1, $0x7;
	v51 =	vadd.s32 $0x800, v0;
	[tilespmem:$0x40B0] =	vst v50  }
0x170: {  	s26 =	sld [smem:$0x7F5];
	v52 =	vadd.s32 v1, v30;
	[tilespmem:$0x40C0] =	vst v51  }
0x171: {  	s28 =	sld [smem:$0x7F6];
	v0 =	vadd.s32 $0x880, v0;
	[tilespmem:$0x40E0] =	vst v52  }
0x172: {  	s31 =	sld [smem:$0x7F8];
	[tilespmem:$0x40D0] =	vst v0  }
0x173: {  	[tilespmem:s30], [sflag:$0x4] =	stream.indirect.gather [hbm4b:s3+s7], $0x1, s29, s7, $0xb8;
	[tilespmem:$0x4B90] =	vst v63  }
0x174: {  	s29 =	sld [smem:$0x7F7]  }
0x175: {  	[tilespmem:s28], [sflag:$0x4] =	stream.indirect.gather [hbm4b:s3+s7], $0x1, s26, s7, $0xb8;
	[tilespmem:$0x4B90] =	vst v63  }
0x176: {  	s26 =	sld [smem:$0x7F9]  }
0x177: {  	s28 =	sld [smem:$0x7FA]  }
0x178: {  	[tilespmem:s31], [sflag:$0x4] =	stream.indirect.gather [hbm4b:s3+s7], $0x1, s29, s7, $0xb8;
	[tilespmem:$0x4B90] =	vst v63  }
0x179: {  	s29 =	sld [smem:$0x7FB]  }
0x17a: {  	s31 =	sld [smem:$0x7FC]  }
0x17b: {  	[tilespmem:s28], [sflag:$0x4] =	stream.indirect.gather [hbm4b:s3+s7], $0x1, s26, s7, $0xb8;
	[tilespmem:$0x4B90] =	vst v63  }
0x17c: {  	s28 =	sld [smem:$0x7FD]  }
0x17d: {  	[tilespmem:s31], [sflag:$0x4] =	stream.indirect.gather [hbm4b:s3+s7], $0x1, s29, s7, $0xb8;
	[tilespmem:$0x4B90] =	vst v63  }
0x17e: {  	_ = 	snop  }
0x17f: {  	[tilespmem:s8], [sflag:$0x4] =	stream.indirect.gather [hbm4b:s3+s7], $0x1, s28, s7, $0xb8;
	[tilespmem:$0x4B90] =	vst v63  }
0x180: {  	_ = 	snop  }
0x181: {  	[tilespmem:s10], [sflag:$0x4] =	stream.indirect.gather [hbm4b:s3+s7], $0x1, s9, s7, $0xb8;
	[tilespmem:$0x4B90] =	vst v63  }
0x182: {  	_ = 	snop  }
0x183: {  	[tilespmem:s12], [sflag:$0x4] =	stream.indirect.gather [hbm4b:s3+s7], $0x1, s11, s7, $0xb8;
	[tilespmem:$0x4B90] =	vst v63  }
0x184: {  	_ = 	snop  }
0x185: {  	[tilespmem:s14], [sflag:$0x4] =	stream.indirect.gather [hbm4b:s3+s7], $0x1, s13, s7, $0xb8;
	[tilespmem:$0x4B90] =	vst v63  }
0x186: {  	_ = 	snop  }
0x187: {  	[tilespmem:s16], [sflag:$0x4] =	stream.indirect.gather [hbm4b:s3+s7], $0x1, s15, s7, $0xb8;
	[tilespmem:$0x4B90] =	vst v63  }
0x188: {  	_ = 	snop  }
0x189: {  	[tilespmem:s18], [sflag:$0x4] =	stream.indirect.gather [hbm4b:s3+s7], $0x1, s17, s7, $0xb8;
	[tilespmem:$0x4B90] =	vst v63  }
0x18a: {  	[tilespmem:$0x1FDA0] =	vst v3  }
0x18b: {  	[tilespmem:s20], [sflag:$0x4] =	stream.indirect.gather [hbm4b:s3+s7], $0x1, s19, s7, $0xb8;
	[tilespmem:$0x4B90] =	vst v63  }
0x18c: {  	_ =	swait.ge [sflag:s21], $0x80  }
0x18d: {  	[sflag:s21] =	ssyncset.done $0x0  }
0x18e: {  	[sflag:s21] =	ssyncadd.s32 $0xFFFFFF80  }
0x18f: {  	_ =	swait.ge [sflag:s21], $0x80  }
0x190: {  	[sflag:s21] =	ssyncset.done $0x0  }
0x191: {  	[sflag:s21] =	ssyncadd.s32 $0xFFFFFF80  }
0x192: {  	_ =	swait.ge [sflag:s21], $0x80  }
0x193: {  	[sflag:s21] =	ssyncset.done $0x0  }
0x194: {  	[sflag:s21] =	ssyncadd.s32 $0xFFFFFF80  }
0x195: {  	_ =	swait.ge [sflag:s21], $0x80  }
0x196: {  	[sflag:s21] =	ssyncset.done $0x0  }
0x197: {  	[sflag:s21] =	ssyncadd.s32 $0xFFFFFF80  }
0x198: {  	_ =	swait.ge [sflag:s21], $0x80  }
0x199: {  	[sflag:s21] =	ssyncset.done $0x0  }
0x19a: {  	[sflag:s21] =	ssyncadd.s32 $0xFFFFFF80  }
0x19b: {  	_ =	swait.ge [sflag:s21], $0x80  }
0x19c: {  	[sflag:s21] =	ssyncset.done $0x0  }
0x19d: {  	[sflag:s21] =	ssyncadd.s32 $0xFFFFFF80  }
0x19e: {  	_ =	swait.ge [sflag:s21], $0x80  }
0x19f: {  	[sflag:s21] =	ssyncset.done $0x0  }
0x1a0: {  	[sflag:s21] =	ssyncadd.s32 $0xFFFFFF80  }
0x1a1: {  	_ =	swait.ge [sflag:s21], $0x80  }
0x1a2: {  	[sflag:s21] =	ssyncset.done $0x0  }
0x1a3: {  	[sflag:s21] =	ssyncadd.s32 $0xFFFFFF80  }
0x1a4: {  	_ =	swait.ge [sflag:s21], $0x80  }
0x1a5: {  	[sflag:s21] =	ssyncset.done $0x0  }
0x1a6: {  	[sflag:s21] =	ssyncadd.s32 $0xFFFFFF80  }
0x1a7: {  	_ =	swait.ge [sflag:s21], $0x80  }
0x1a8: {  	[sflag:s21] =	ssyncset.done $0x0  }
0x1a9: {  	[sflag:s21] =	ssyncadd.s32 $0xFFFFFF80  }
0x1aa: {  	_ =	swait.ge [sflag:s21], $0x80  }
0x1ab: {  	[sflag:s21] =	ssyncset.done $0x0  }
0x1ac: {  	[sflag:s21] =	ssyncadd.s32 $0xFFFFFF80  }
0x1ad: {  	_ =	swait.ge [sflag:s21], $0x80  }
0x1ae: {  	[sflag:s21] =	ssyncset.done $0x0  }
0x1af: {  	[sflag:s21] =	ssyncadd.s32 $0xFFFFFF80  }
0x1b0: {  	_ =	swait.ge [sflag:s21], $0x80  }
0x1b1: {  	[sflag:s21] =	ssyncset.done $0x0  }
0x1b2: {  	[sflag:s21] =	ssyncadd.s32 $0xFFFFFF80  }
0x1b3: {  	_ =	swait.ge [sflag:s21], $0x80  }
0x1b4: {  	[sflag:s21] =	ssyncset.done $0x0  }
0x1b5: {  	[sflag:s21] =	ssyncadd.s32 $0xFFFFFF80  }
0x1b6: {  	_ =	swait.ge [sflag:s21], $0x80  }
0x1b7: {  	[sflag:s21] =	ssyncset.done $0x0  }
0x1b8: {  	[sflag:s21] =	ssyncadd.s32 $0xFFFFFF80  }
0x1b9: {  	_ =	swait.ge [sflag:s21], $0x80  }
0x1ba: {  	[sflag:s21] =	ssyncset.done $0x0  }
0x1bb: {  	[sflag:s21] =	ssyncadd.s32 $0xFFFFFF80  }
0x1bc: {  	_ =	swait.ge [sflag:s21], $0x80  }
0x1bd: {  	[sflag:s21] =	ssyncset.done $0x0  }
0x1be: {  	[sflag:s21] =	ssyncadd.s32 $0xFFFFFF80  }
0x1bf: {  	_ =	swait.ge [sflag:s21], $0x80  }
0x1c0: {  	[sflag:s21] =	ssyncset.done $0x0  }
0x1c1: {  	[sflag:s21] =	ssyncadd.s32 $0xFFFFFF80  }
0x1c2: {  	v53 =	vld [tilespmem:$0x3200]  }
0x1c3: {  	v54 =	vld [tilespmem:$0x3210];
	_ =	sdelay $0x1  }
0x1c4: {  	v55 =	vld [tilespmem:$0x3220];
	_ =	sdelay $0x1  }
0x1c5: {  	v56 =	vld [tilespmem:$0x3230]  }
0x1c6: {  	v0 =	vmul.f32 v53, v53;
	v1 =	vmul.f32 v54, v54  }
0x1c7: {  	v57 =	vld [tilespmem:$0x3240]  }
0x1c8: {  	v58 =	vmul.f32 v55, v55;
	v0 =	vadd.f32 v1, v0  }
0x1c9: {  	v59 =	vld [tilespmem:$0x3250]  }
0x1ca: {  	v60 =	vmul.f32 v56, v56;
	v0 =	vadd.f32 v58, v0  }
0x1cb: {  	v61 =	vld [tilespmem:$0x3260]  }
0x1cc: {  	v62 =	vmul.f32 v57, v57;
	v0 =	vadd.f32 v60, v0  }
0x1cd: {  	v63 =	vld [tilespmem:$0x3270]  }
0x1ce: {  	v9 =	vmul.f32 v59, v59;
	v0 =	vadd.f32 v62, v0  }
0x1cf: {  	v10 =	vld [tilespmem:$0x3280]  }
0x1d0: {  	v12 =	vmul.f32 v61, v61;
	v0 =	vadd.f32 v9, v0  }
0x1d1: {  	v15 =	vld [tilespmem:$0x3290]  }
0x1d2: {  	v16 =	vmul.f32 v63, v63;
	v0 =	vadd.f32 v12, v0  }
0x1d3: {  	v20 =	vld [tilespmem:$0x32A0]  }
0x1d4: {  	v28 =	vmul.f32 v10, v10;
	v0 =	vadd.f32 v16, v0  }
0x1d5: {  	v29 =	vld [tilespmem:$0x32B0]  }
0x1d6: {  	v30 =	vmul.f32 v15, v15;
	v0 =	vadd.f32 v28, v0  }
0x1d7: {  	v31 =	vld [tilespmem:$0x32C0]  }
0x1d8: {  	v32 =	vmul.f32 v20, v20;
	v0 =	vadd.f32 v30, v0  }
0x1d9: {  	v33 =	vld [tilespmem:$0x32D0]  }
0x1da: {  	v34 =	vmul.f32 v29, v29;
	v0 =	vadd.f32 v32, v0  }
0x1db: {  	v36 =	vld [tilespmem:$0x32E0]  }
0x1dc: {  	v46 =	vmul.f32 v31, v31;
	v0 =	vadd.f32 v34, v0  }
0x1dd: {  	v47 =	vld [tilespmem:$0x32F0]  }
0x1de: {  	v48 =	vmul.f32 v33, v33;
	v0 =	vadd.f32 v46, v0  }
0x1df: {  	v49 =	vld [tilespmem:$0x3300]  }
0x1e0: {  	v50 =	vmul.f32 v36, v36;
	v0 =	vadd.f32 v48, v0  }
0x1e1: {  	v51 =	vld [tilespmem:$0x3310]  }
0x1e2: {  	v52 =	vmul.f32 v47, v47;
	v0 =	vadd.f32 v50, v0  }
0x1e3: {  	v53 =	vld [tilespmem:$0x3320]  }
0x1e4: {  	v54 =	vmul.f32 v49, v49;
	v0 =	vadd.f32 v52, v0  }
0x1e5: {  	v55 =	vld [tilespmem:$0x3330]  }
0x1e6: {  	v56 =	vmul.f32 v51, v51;
	v0 =	vadd.f32 v54, v0  }
0x1e7: {  	v57 =	vld [tilespmem:$0x3340]  }
0x1e8: {  	v58 =	vmul.f32 v53, v53;
	v0 =	vadd.f32 v56, v0  }
0x1e9: {  	v59 =	vld [tilespmem:$0x3350]  }
0x1ea: {  	v60 =	vmul.f32 v55, v55;
	v0 =	vadd.f32 v58, v0  }
0x1eb: {  	v61 =	vld [tilespmem:$0x3360]  }
0x1ec: {  	v62 =	vmul.f32 v57, v57;
	v0 =	vadd.f32 v60, v0  }
0x1ed: {  	v63 =	vld [tilespmem:$0x3370]  }
0x1ee: {  	v9 =	vmul.f32 v59, v59;
	v0 =	vadd.f32 v62, v0  }
0x1ef: {  	v10 =	vld [tilespmem:$0x3380]  }
0x1f0: {  	v12 =	vmul.f32 v61, v61;
	v0 =	vadd.f32 v9, v0  }
0x1f1: {  	v15 =	vld [tilespmem:$0x3390]  }
0x1f2: {  	v16 =	vmul.f32 v63, v63;
	v0 =	vadd.f32 v12, v0  }
0x1f3: {  	v20 =	vld [tilespmem:$0x33A0]  }
0x1f4: {  	v28 =	vmul.f32 v10, v10;
	v0 =	vadd.f32 v16, v0  }
0x1f5: {  	v29 =	vld [tilespmem:$0x33B0]  }
0x1f6: {  	v30 =	vmul.f32 v15, v15;
	v0 =	vadd.f32 v28, v0  }
0x1f7: {  	v31 =	vld [tilespmem:$0x33C0]  }
0x1f8: {  	v32 =	vmul.f32 v20, v20;
	v0 =	vadd.f32 v30, v0  }
0x1f9: {  	v33 =	vld [tilespmem:$0x33D0]  }
0x1fa: {  	v34 =	vmul.f32 v29, v29;
	v0 =	vadd.f32 v32, v0  }
0x1fb: {  	v36 =	vld [tilespmem:$0x33E0]  }
0x1fc: {  	v46 =	vmul.f32 v31, v31;
	v0 =	vadd.f32 v34, v0  }
0x1fd: {  	v47 =	vld [tilespmem:$0x33F0]  }
0x1fe: {  	v48 =	vmul.f32 v33, v33;
	v0 =	vadd.f32 v46, v0  }
0x1ff: {  	v49 =	vld [tilespmem:$0x3400]  }
0x200: {  	v50 =	vmul.f32 v36, v36;
	v0 =	vadd.f32 v48, v0  }
0x201: {  	v51 =	vld [tilespmem:$0x3410]  }
0x202: {  	v52 =	vmul.f32 v47, v47;
	v0 =	vadd.f32 v50, v0  }
0x203: {  	v53 =	vld [tilespmem:$0x3420]  }
0x204: {  	v54 =	vmul.f32 v49, v49;
	v0 =	vadd.f32 v52, v0  }
0x205: {  	v55 =	vld [tilespmem:$0x3430]  }
0x206: {  	v56 =	vmul.f32 v51, v51;
	v0 =	vadd.f32 v54, v0  }
0x207: {  	v57 =	vld [tilespmem:$0x3440]  }
0x208: {  	v58 =	vmul.f32 v53, v53;
	v0 =	vadd.f32 v56, v0  }
0x209: {  	v59 =	vld [tilespmem:$0x3450]  }
0x20a: {  	v60 =	vmul.f32 v55, v55;
	v0 =	vadd.f32 v58, v0  }
0x20b: {  	v61 =	vld [tilespmem:$0x3460]  }
0x20c: {  	v62 =	vmul.f32 v57, v57;
	v0 =	vadd.f32 v60, v0  }
0x20d: {  	v63 =	vld [tilespmem:$0x3470]  }
0x20e: {  	v9 =	vmul.f32 v59, v59;
	v0 =	vadd.f32 v62, v0  }
0x20f: {  	v10 =	vld [tilespmem:$0x3480]  }
0x210: {  	v12 =	vmul.f32 v61, v61;
	v0 =	vadd.f32 v9, v0  }
0x211: {  	v15 =	vld [tilespmem:$0x3490]  }
0x212: {  	v16 =	vmul.f32 v63, v63;
	v0 =	vadd.f32 v12, v0  }
0x213: {  	v20 =	vld [tilespmem:$0x34A0]  }
0x214: {  	v28 =	vmul.f32 v10, v10;
	v0 =	vadd.f32 v16, v0  }
0x215: {  	v29 =	vld [tilespmem:$0x34B0]  }
0x216: {  	v30 =	vmul.f32 v15, v15;
	v0 =	vadd.f32 v28, v0  }
0x217: {  	v31 =	vld [tilespmem:$0x34C0]  }
0x218: {  	v32 =	vmul.f32 v20, v20;
	v0 =	vadd.f32 v30, v0  }
0x219: {  	v33 =	vld [tilespmem:$0x34D0]  }
0x21a: {  	v34 =	vmul.f32 v29, v29;
	v0 =	vadd.f32 v32, v0  }
0x21b: {  	v36 =	vld [tilespmem:$0x34E0]  }
0x21c: {  	v46 =	vmul.f32 v31, v31;
	v0 =	vadd.f32 v34, v0  }
0x21d: {  	v47 =	vld [tilespmem:$0x34F0]  }
0x21e: {  	v48 =	vmul.f32 v33, v33;
	v0 =	vadd.f32 v46, v0  }
0x21f: {  	v49 =	vld [tilespmem:$0x3500]  }
0x220: {  	v50 =	vmul.f32 v36, v36;
	v0 =	vadd.f32 v48, v0  }
0x221: {  	v51 =	vld [tilespmem:$0x3510]  }
0x222: {  	v52 =	vmul.f32 v47, v47;
	v0 =	vadd.f32 v50, v0  }
0x223: {  	v53 =	vld [tilespmem:$0x3520]  }
0x224: {  	v54 =	vmul.f32 v49, v49;
	v0 =	vadd.f32 v52, v0  }
0x225: {  	v55 =	vld [tilespmem:$0x3530]  }
0x226: {  	v56 =	vmul.f32 v51, v51;
	v0 =	vadd.f32 v54, v0  }
0x227: {  	v57 =	vld [tilespmem:$0x3540]  }
0x228: {  	v58 =	vmul.f32 v53, v53;
	v0 =	vadd.f32 v56, v0  }
0x229: {  	v59 =	vld [tilespmem:$0x3550]  }
0x22a: {  	v60 =	vmul.f32 v55, v55;
	v0 =	vadd.f32 v58, v0  }
0x22b: {  	v61 =	vld [tilespmem:$0x3560]  }
0x22c: {  	v62 =	vmul.f32 v57, v57;
	v0 =	vadd.f32 v60, v0  }
0x22d: {  	v63 =	vld [tilespmem:$0x3570]  }
0x22e: {  	v9 =	vmul.f32 v59, v59;
	v0 =	vadd.f32 v62, v0  }
0x22f: {  	v10 =	vld [tilespmem:$0x3580]  }
0x230: {  	v12 =	vmul.f32 v61, v61;
	v0 =	vadd.f32 v9, v0  }
0x231: {  	v15 =	vld [tilespmem:$0x3590]  }
0x232: {  	v16 =	vmul.f32 v63, v63;
	v0 =	vadd.f32 v12, v0  }
0x233: {  	v20 =	vld [tilespmem:$0x35A0]  }
0x234: {  	v28 =	vmul.f32 v10, v10;
	v0 =	vadd.f32 v16, v0  }
0x235: {  	v29 =	vld [tilespmem:$0x35B0]  }
0x236: {  	v30 =	vmul.f32 v15, v15;
	v0 =	vadd.f32 v28, v0  }
0x237: {  	v31 =	vld [tilespmem:$0x35C0]  }
0x238: {  	v32 =	vmul.f32 v20, v20;
	v0 =	vadd.f32 v30, v0  }
0x239: {  	v33 =	vld [tilespmem:$0x35D0]  }
0x23a: {  	v34 =	vmul.f32 v29, v29;
	v0 =	vadd.f32 v32, v0  }
0x23b: {  	v36 =	vld [tilespmem:$0x35E0]  }
0x23c: {  	v46 =	vmul.f32 v31, v31;
	v0 =	vadd.f32 v34, v0  }
0x23d: {  	v47 =	vld [tilespmem:$0x35F0]  }
0x23e: {  	v48 =	vmul.f32 v33, v33;
	v0 =	vadd.f32 v46, v0  }
0x23f: {  	v49 =	vld [tilespmem:$0x3600]  }
0x240: {  	v50 =	vmul.f32 v36, v36;
	v0 =	vadd.f32 v48, v0  }
0x241: {  	v51 =	vld [tilespmem:$0x3610]  }
0x242: {  	v52 =	vmul.f32 v47, v47;
	v0 =	vadd.f32 v50, v0  }
0x243: {  	v53 =	vld [tilespmem:$0x3620]  }
0x244: {  	v54 =	vmul.f32 v49, v49;
	v0 =	vadd.f32 v52, v0  }
0x245: {  	v55 =	vld [tilespmem:$0x3630]  }
0x246: {  	v56 =	vmul.f32 v51, v51;
	v0 =	vadd.f32 v54, v0  }
0x247: {  	v57 =	vld [tilespmem:$0x3640]  }
0x248: {  	v58 =	vmul.f32 v53, v53;
	v0 =	vadd.f32 v56, v0  }
0x249: {  	v59 =	vld [tilespmem:$0x3650]  }
0x24a: {  	v60 =	vmul.f32 v55, v55;
	v0 =	vadd.f32 v58, v0  }
0x24b: {  	v61 =	vld [tilespmem:$0x3660]  }
0x24c: {  	v62 =	vmul.f32 v57, v57;
	v0 =	vadd.f32 v60, v0  }
0x24d: {  	v63 =	vld [tilespmem:$0x3670]  }
0x24e: {  	v8 =	vmul.f32 v59, v59;
	v0 =	vadd.f32 v62, v0  }
0x24f: {  	v9 =	vld [tilespmem:$0x3680]  }
0x250: {  	v10 =	vmul.f32 v61, v61;
	v0 =	vadd.f32 v8, v0  }
0x251: {  	v12 =	vld [tilespmem:$0x3690]  }
0x252: {  	v15 =	vmul.f32 v63, v63;
	v0 =	vadd.f32 v10, v0  }
0x253: {  	v16 =	vld [tilespmem:$0x36A0]  }
0x254: {  	v20 =	vmul.f32 v9, v9;
	v0 =	vadd.f32 v15, v0  }
0x255: {  	v28 =	vld [tilespmem:$0x36B0]  }
0x256: {  	v29 =	vmul.f32 v12, v12;
	v0 =	vadd.f32 v20, v0  }
0x257: {  	v30 =	vld [tilespmem:$0x36C0]  }
0x258: {  	v31 =	vmul.f32 v16, v16;
	v0 =	vadd.f32 v29, v0  }
0x259: {  	v32 =	vld [tilespmem:$0x36D0]  }
0x25a: {  	v33 =	vmul.f32 v28, v28;
	v0 =	vadd.f32 v31, v0  }
0x25b: {  	v34 =	vld [tilespmem:$0x36E0]  }
0x25c: {  	v36 =	vmul.f32 v30, v30;
	v0 =	vadd.f32 v33, v0  }
0x25d: {  	v46 =	vld [tilespmem:$0x36F0]  }
0x25e: {  	v47 =	vmul.f32 v32, v32;
	v0 =	vadd.f32 v36, v0  }
0x25f: {  	v48 =	vld [tilespmem:$0x3700]  }
0x260: {  	v25 =	vld [tilespmem:$0x3770];
	v49 =	vmul.f32 v34, v34;
	v0 =	vadd.f32 v47, v0  }
0x261: {  	v50 =	vld [tilespmem:$0x3710]  }
0x262: {  	v26 =	vld [tilespmem:$0x3790];
	v51 =	vmul.f32 v46, v46;
	v0 =	vadd.f32 v49, v0  }
0x263: {  	v52 =	vld [tilespmem:$0x3720]  }
0x264: {  	v27 =	vld [tilespmem:$0x37B0];
	v54 =	vmul.f32 v48, v48;
	v0 =	vadd.f32 v51, v0  }
0x265: {  	v53 =	vld [tilespmem:$0x3730]  }
0x266: {  	v2 =	vld [tilespmem:$0x39F0];
	v56 =	vmul.f32 v50, v50;
	v0 =	vadd.f32 v54, v0  }
0x267: {  	v55 =	vld [tilespmem:$0x3740]  }
0x268: {  	v6 =	vld [tilespmem:$0x3A70];
	v58 =	vmul.f32 v52, v52;
	v0 =	vadd.f32 v56, v0  }
0x269: {  	v16 =	vld [tilespmem:$0x3750]  }
0x26a: {  	v3 =	vld [tilespmem:$0x3A90];
	v60 =	vmul.f32 v53, v53;
	v0 =	vadd.f32 v58, v0  }
0x26b: {  	v57 =	vld [tilespmem:$0x3760]  }
0x26c: {  	v1 =	vld [tilespmem:$0x3AA0];
	v62 =	vmul.f32 v55, v55;
	v0 =	vadd.f32 v60, v0  }
0x26d: {  	v59 =	vld [tilespmem:$0x3780]  }
0x26e: {  	v61 =	vld [tilespmem:$0x37A0];
	v10 =	vmul.f32 v16, v16;
	v0 =	vadd.f32 v62, v0  }
0x26f: {  	v63 =	vld [tilespmem:$0x37C0]  }
0x270: {  	v12 =	vld [tilespmem:$0x3880];
	v30 =	vmul.f32 v57, v57;
	v0 =	vadd.f32 v10, v0  }
0x271: {  	v28 =	vld [tilespmem:$0x3940]  }
0x272: {  	v57 =	vld [tilespmem:$0x38E0];
	v8 =	vmul.f32 v25, v25;
	v0 =	vadd.f32 v30, v0  }
0x273: {  	v32 =	vmul.f32 v26, v26;
	v26 =	vld [tilespmem:$0x3860]  }
0x274: {  	v9 =	vmul.f32 v59, v59;
	v48 =	vld [tilespmem:$0x3810];
	v0 =	vadd.f32 v8, v0  }
0x275: {  	v34 =	vmul.f32 v27, v27;
	v27 =	vld [tilespmem:$0x38A0]  }
0x276: {  	v46 =	vld [tilespmem:$0x37D0];
	v0 =	vadd.f32 v9, v0  }
0x277: {  	v50 =	vld [tilespmem:$0x3850]  }
0x278: {  	v52 =	vld [tilespmem:$0x3890];
	v33 =	vmul.f32 v61, v61;
	v0 =	vadd.f32 v32, v0  }
0x279: {  	v4 =	vmul.f32 v48, v48;
	v48 =	vld [tilespmem:$0x3960]  }
0x27a: {  	v53 =	vld [tilespmem:$0x38B0];
	v0 =	vadd.f32 v33, v0  }
0x27b: {  	v20 =	vld [tilespmem:$0x37E0]  }
0x27c: {  	v25 =	vld [tilespmem:$0x3820];
	v36 =	vmul.f32 v63, v63;
	v0 =	vadd.f32 v34, v0  }
0x27d: {  	v47 =	vld [tilespmem:$0x37F0]  }
0x27e: {  	v46 =	vmul.f32 v46, v46;
	v55 =	vld [tilespmem:$0x38D0];
	v0 =	vadd.f32 v36, v0  }
0x27f: {  	v31 =	vld [tilespmem:$0x3800]  }
0x280: {  	v16 =	vld [tilespmem:$0x3900];
	v56 =	vmul.f32 v20, v20;
	v0 =	vadd.f32 v46, v0  }
0x281: {  	v5 =	vmul.f32 v25, v25;
	v25 =	vld [tilespmem:$0x3980]  }
0x282: {  	v29 =	vld [tilespmem:$0x3970];
	v59 =	vmul.f32 v47, v47;
	v0 =	vadd.f32 v56, v0  }
0x283: {  	v61 =	vld [tilespmem:$0x3910]  }
0x284: {  	v63 =	vld [tilespmem:$0x3930];
	v60 =	vmul.f32 v31, v31;
	v0 =	vadd.f32 v59, v0  }
0x285: {  	v49 =	vld [tilespmem:$0x3830]  }
0x286: {  	v51 =	vld [tilespmem:$0x3870];
	v0 =	vadd.f32 v60, v0  }
0x287: {  	v10 =	vld [tilespmem:$0x3840]  }
0x288: {  	v47 =	vmul.f32 v52, v52;
	v52 =	vld [tilespmem:$0x3A60];
	v0 =	vadd.f32 v4, v0  }
0x289: {  	v54 =	vld [tilespmem:$0x38C0]  }
0x28a: {  	v7 =	vmul.f32 v49, v49;
	v20 =	vld [tilespmem:$0x3950];
	v0 =	vadd.f32 v5, v0  }
0x28b: {  	v15 =	vmul.f32 v51, v51;
	v51 =	vld [tilespmem:$0x3A20]  }
0x28c: {  	v58 =	vld [tilespmem:$0x38F0];
	v8 =	vmul.f32 v10, v10;
	v0 =	vadd.f32 v7, v0  }
0x28d: {  	v31 =	vld [tilespmem:$0x39A0]  }
0x28e: {  	v62 =	vld [tilespmem:$0x3920];
	v9 =	vmul.f32 v50, v50;
	v0 =	vadd.f32 v8, v0  }
0x28f: {  	v30 =	vld [tilespmem:$0x3990]  }
0x290: {  	v10 =	vmul.f32 v26, v26;
	v32 =	vld [tilespmem:$0x39B0];
	v0 =	vadd.f32 v9, v0  }
0x291: {  	v33 =	vld [tilespmem:$0x39C0]  }
0x292: {  	v34 =	vld [tilespmem:$0x39D0];
	v0 =	vadd.f32 v10, v0  }
0x293: {  	v36 =	vld [tilespmem:$0x39E0]  }
0x294: {  	v46 =	vmul.f32 v12, v12;
	v56 =	vld [tilespmem:$0x3AD0];
	v0 =	vadd.f32 v15, v0  }
0x295: {  	v59 =	vld [tilespmem:$0x3AC0]  }
0x296: {  	v60 =	vld [tilespmem:$0x3AB0];
	v0 =	vadd.f32 v46, v0  }
0x297: {  	v4 =	vld [tilespmem:$0x3A80]  }
0x298: {  	v49 =	vmul.f32 v27, v27;
	v5 =	vld [tilespmem:$0x3A00];
	v0 =	vadd.f32 v47, v0  }
0x299: {  	v7 =	vld [tilespmem:$0x3A10]  }
0x29a: {  	v50 =	vmul.f32 v53, v53;
	v8 =	vld [tilespmem:$0x3A30];
	v0 =	vadd.f32 v49, v0  }
0x29b: {  	v9 =	vld [tilespmem:$0x3A40]  }
0x29c: {  	v53 =	vmul.f32 v54, v54;
	v10 =	vld [tilespmem:$0x3A50];
	v0 =	vadd.f32 v50, v0  }
0x29d: {  	v46 =	vld [tilespmem:$0x3AF0]  }
0x29e: {  	v55 =	vmul.f32 v55, v55;
	v47 =	vld [tilespmem:$0x3AE0];
	_ =	swait.ge [sflag:s22], $0x1400;
	v0 =	vadd.f32 v53, v0  }
0x29f: {  	[sflag:s22] =	ssyncset.done $0x0  }
0x2a0: {  	v57 =	vmul.f32 v57, v57;
	[sflag:s22] =	ssyncadd.s32 $0xFFFFEC00;
	v0 =	vadd.f32 v55, v0  }
0x2a1: {  	_ =	swait.ge [sflag:s23], $0x80  }
0x2a2: {  	v49 =	vmul.f32 v58, v58;
	[sflag:s23] =	ssyncset.done $0x0;
	v0 =	vadd.f32 v57, v0  }
0x2a3: {  	[sflag:s23] =	ssyncadd.s32 $0xFFFFFF80  }
0x2a4: {  	v50 =	vmul.f32 v16, v16;
	_ =	swait.ge [sflag:s23], $0x80;
	v0 =	vadd.f32 v49, v0  }
0x2a5: {  	[sflag:s23] =	ssyncset.done $0x0  }
0x2a6: {  	v53 =	vmul.f32 v61, v61;
	[sflag:s23] =	ssyncadd.s32 $0xFFFFFF80;
	v0 =	vadd.f32 v50, v0  }
0x2a7: {  	_ =	swait.ge [sflag:s23], $0x80  }
0x2a8: {  	v54 =	vmul.f32 v62, v62;
	[sflag:s23] =	ssyncset.done $0x0;
	v61 =	vld [tilespmem:$0x1FF20];
	v0 =	vadd.f32 v53, v0  }
0x2a9: {  	v55 =	vmul.f32 v63, v63;
	v63 =	vld [tilespmem:$0x1FF90];
	[sflag:s23] =	ssyncadd.s32 $0xFFFFFF80  }
0x2aa: {  	v49 =	vld.idx.msk [tilespmem:v45+s6+$0x0], $0xffff;
	v0 =	vadd.f32 v54, v0  }
0x2ab: {  	v27 =	vmul.f32 v30, v30;
	v45 =	vld [tilespmem:$0x4100]  }
0x2ac: {  	v57 =	vmul.f32 v28, v28;
	v26 =	vld [tilespmem:$0x4120];
	v12 =	vadd.f32 v55, v0  }
0x2ad: {  	v15 =	vmul.f32 v27, v24;
	v28 =	vld [tilespmem:$0x4150]  }
0x2ae: {  	v27 =	vmul.f32 v31, v31;
	v58 =	vmul.f32 v20, v20;
	v30 =	vld [tilespmem:$0x4170];
	v12 =	vadd.f32 v57, v12  }
0x2af: {  	v62 =	vmul.f32 v48, v48;
	v31 =	vld [tilespmem:$0x4180]  }
0x2b0: {  	v48 =	vmul.f32 v27, v24;
	v27 =	vmul.f32 v32, v32;
	v32 =	vld [tilespmem:$0x4190];
	v12 =	vadd.f32 v58, v12  }
0x2b1: {  	v54 =	vld.idx.msk [tilespmem:v14+s2+$0x0], $0xffff  }
0x2b2: {  	v14 =	vmul.f32 v25, v25;
	v0 =	vld.idx.msk [tilespmem:v13+s2+$0x0], $0xffff;
	v13 =	vmul.f32 v29, v29;
	v12 =	vadd.f32 v62, v12  }
0x2b3: {  	v50 =	vld.idx.msk [tilespmem:v11+s2+$0x0], $0xffff  }
0x2b4: {  	v11 =	vld [tilespmem:$0x41D0];
	v20 =	vmul.f32 v14, v24;
	v16 =	vadd.f32 v13, v12  }
0x2b5: {  	v61 =	vld.idx.msk [tilespmem:v61+s2+$0x0], $0xffff  }
0x2b6: {  	v53 =	vld.idx.msk [tilespmem:v63+s2+$0x0], $0xffff;
	v16 =	vadd.f32 v20, v16  }
0x2b7: {  	v25 =	vld [tilespmem:$0x4110]  }
0x2b8: {  	v29 =	vld [tilespmem:$0x4160];
	v55 =	vmul.f32 v27, v24;
	v27 =	vmul.f32 v33, v33;
	v16 =	vadd.f32 v15, v16  }
0x2b9: {  	v33 =	vld [tilespmem:$0x41A0]  }
0x2ba: {  	v14 =	vld [tilespmem:$0x41F0];
	v57 =	vmul.f32 v27, v24;
	v27 =	vmul.f32 v34, v34;
	v16 =	vadd.f32 v48, v16  }
0x2bb: {  	v34 =	vld [tilespmem:$0x41B0]  }
0x2bc: {  	v58 =	vmul.f32 v27, v24;
	v27 =	vmul.f32 v36, v36;
	v36 =	vld [tilespmem:$0x41C0];
	v16 =	vadd.f32 v55, v16  }
0x2bd: {  	v62 =	vld [tilespmem:$0x4140]  }
0x2be: {  	v63 =	vmul.f32 v27, v24;
	v27 =	vld [tilespmem:$0x4220];
	v16 =	vadd.f32 v57, v16  }
0x2bf: {  	v12 =	vld [tilespmem:$0x4130]  }
0x2c0: {  	v13 =	vld [tilespmem:$0x41E0];
	v16 =	vadd.f32 v58, v16  }
0x2c1: {  	v15 =	vld [tilespmem:$0x4200]  }
0x2c2: {  	v2 =	vmul.f32 v2, v2;
	v20 =	vadd.f32 v63, v16;
	v16 =	vld [tilespmem:$0x4210];
	_ =	swait.ge [sflag:s23], $0x80  }
0x2c3: {  	[sflag:s23] =	ssyncset.done $0x0  }
0x2c4: {  	v2 =	vmul.f32 v2, v24;
	v5 =	vmul.f32 v5, v5;
	[sflag:s23] =	ssyncadd.s32 $0xFFFFFF80  }
0x2c5: {  	v7 =	vmul.f32 v7, v7;
	_ =	swait.ge [sflag:s23], $0x80  }
0x2c6: {  	v5 =	vmul.f32 v5, v24;
	v2 =	vadd.f32 v2, v20;
	[sflag:s23] =	ssyncset.done $0x0  }
0x2c7: {  	v48 =	vmul.f32 v7, v24;
	v58 =	vmul.f32 v8, v8;
	[sflag:s23] =	ssyncadd.s32 $0xFFFFFF80  }
0x2c8: {  	v55 =	vmul.f32 v51, v51;
	v20 =	vmul.f32 v9, v9;
	v2 =	vadd.f32 v5, v2;
	v51 =	vld.idx.msk [tilespmem:v19+s2+$0x0], $0xffff  }
0x2c9: {  	v63 =	vmul.f32 v58, v24;
	v58 =	vld.idx.msk [tilespmem:v22+s2+$0x0], $0xffff  }
0x2ca: {  	v57 =	vmul.f32 v55, v24;
	v2 =	vadd.f32 v48, v2;
	v48 =	vmul.f32 v20, v24;
	v20 =	vld [tilespmem:$0x1FF30]  }
0x2cb: {  	v7 =	vld [tilespmem:$0x4280]  }
0x2cc: {  	v2 =	vadd.f32 v57, v2;
	v57 =	vld.idx.msk [tilespmem:v21+s2+$0x0], $0xffff  }
0x2cd: {  	v21 =	vld [tilespmem:$0x1FF40]  }
0x2ce: {  	v55 =	vmul.f32 v10, v10;
	v19 =	vmul.f32 v52, v52;
	v10 =	vld [tilespmem:$0x4290]  }
0x2cf: {  	v5 =	vld [tilespmem:$0x4300];
	v2 =	vadd.f32 v63, v2  }
0x2d0: {  	v22 =	vmul.f32 v19, v24;
	v19 =	vmul.f32 v4, v4;
	v4 =	vld [tilespmem:$0x4240]  }
0x2d1: {  	v2 =	vadd.f32 v48, v2;
	v48 =	vld.idx.msk [tilespmem:v44+s6+$0x0], $0xffff  }
0x2d2: {  	v6 =	vmul.f32 v6, v6;
	v63 =	vmul.f32 v55, v24;
	v44 =	vld [tilespmem:$0x4230]  }
0x2d3: {  	v1 =	vmul.f32 v1, v1;
	v55 =	vld.idx.msk [tilespmem:v20+s2+$0x0], $0xffff  }
0x2d4: {  	v2 =	vadd.f32 v63, v2;
	v63 =	vmul.f32 v6, v24;
	v20 =	vmul.f32 v28, v28;
	v6 =	vld [tilespmem:$0x4250]  }
0x2d5: {  	v28 =	vmul.f32 v3, v3;
	v52 =	vld.idx.msk [tilespmem:v21+s2+$0x0], $0xffff;
	v21 =	vmul.f32 v29, v29  }
0x2d6: {  	v3 =	vld [tilespmem:$0x4260];
	v2 =	vadd.f32 v22, v2;
	v22 =	vmul.f32 v19, v24;
	v29 =	vmul.f32 v30, v30  }
0x2d7: {  	v30 =	vmul.f32 v28, v24;
	v28 =	vld [tilespmem:$0x42B0];
	v19 =	vmul.f32 v33, v33  }
0x2d8: {  	v33 =	vmul.f32 v13, v13;
	v13 =	vld [tilespmem:$0x4350];
	v2 =	vadd.f32 v63, v2;
	v8 =	vadd.f32 v21, v20  }
0x2d9: {  	v1 =	vmul.f32 v1, v24;
	v60 =	vmul.f32 v60, v60;
	v63 =	vld [tilespmem:$0x4270]  }
0x2da: {  	v31 =	vmul.f32 v31, v31;
	v20 =	vld [tilespmem:$0x42A0];
	v2 =	vadd.f32 v22, v2;
	v8 =	vadd.f32 v29, v8  }
0x2db: {  	v21 =	vmul.f32 v32, v32;
	v32 =	vld [tilespmem:$0x42F0];
	v22 =	vmul.f32 v60, v24  }
0x2dc: {  	v60 =	vmul.f32 v59, v59;
	v29 =	vld [tilespmem:$0x42C0];
	v2 =	vadd.f32 v30, v2;
	v8 =	vadd.f32 v31, v8  }
0x2dd: {  	v30 =	vld [tilespmem:$0x42D0]  }
0x2de: {  	v31 =	vld [tilespmem:$0x42E0];
	v1 =	vadd.f32 v1, v2;
	v8 =	vadd.f32 v21, v8;
	v21 =	vmul.f32 v60, v24  }
0x2df: {  	v60 =	vmul.f32 $1.300000000e+01, v0;
	v0 =	vsub.f32 v25, v0;
	v25 =	vsub.f32 v26, v54;
	v26 =	vld [tilespmem:$0x4340]  }
0x2e0: {  	v1 =	vadd.f32 v22, v1;
	v22 =	vmul.f32 v56, v56;
	v56 =	vmul.f32 v34, v34;
	v34 =	vld [tilespmem:$0x4310]  }
0x2e1: {  	v12 =	vsub.f32 v12, v61;
	v8 =	vadd.f32 v19, v8;
	v19 =	vmul.f32 v36, v36;
	v36 =	vld [tilespmem:$0x4320]  }
0x2e2: {  	v59 =	vmul.f32 v22, v24;
	v22 =	vmul.f32 v11, v11;
	v11 =	vld [tilespmem:$0x4330];
	_ =	swait.ge [sflag:s23], $0x80  }
0x2e3: {  	v14 =	vmul.f32 v14, v14;
	v12 =	vmul.f32 v12, v12;
	[sflag:s23] =	ssyncset.done $0x0  }
0x2e4: {  	v7 =	vmul.f32 v7, v7;
	v4 =	vsub.f32 v4, v57;
	v6 =	vsub.f32 v6, v58;
	[sflag:s23] =	ssyncadd.s32 $0xFFFFFF80  }
0x2e5: {  	v61 =	vsub.f32 v62, v53;
	v10 =	vmul.f32 v10, v10;
	v5 =	vmul.f32 v5, v5;
	_ =	swait.ge [sflag:s23], $0x80  }
0x2e6: {  	v4 =	vmul.f32 v4, v4;
	v3 =	vsub.f32 v3, v55;
	v6 =	vmul.f32 v6, v6;
	[sflag:s23] =	ssyncset.done $0x0  }
0x2e7: {  	v7 =	vadd.f32 v10, v7;
	v0 =	vmul.f32 v0, v0;
	v25 =	vmul.f32 v25, v25;
	[sflag:s23] =	ssyncadd.s32 $0xFFFFFF80  }
0x2e8: {  	v3 =	vmul.f32 v3, v3;
	v4 =	vadd.f32 v6, v4;
	v1 =	vadd.f32 v21, v1;
	_ =	swait.ge [sflag:s23], $0x80  }
0x2e9: {  	v8 =	vadd.f32 v56, v8;
	v21 =	vtrunc.f32 v60;
	v0 =	vadd.f32 v25, v0;
	[sflag:s23] =	ssyncset.done $0x0  }
0x2ea: {  	vm9 =	vlt.f32 v60, v21;
	v60 =	vmul.f32 v15, v15;
	v2 =	vadd.f32 v59, v1;
	[sflag:s23] =	ssyncadd.s32 $0xFFFFFF80  }
0x2eb: {  	v8 =	vadd.f32 v19, v8;
	v1 =	vcvt.f32.s32 v21;
	v59 =	vmul.f32 $1.300000000e+01, v54;
	v53 =	vld.idx.msk [tilespmem:v23+s2+$0x0], $0xffff  }
0x2ec: {  	v15 =	vmul.f32 v61, v61;
	v56 =	vsel vm9, $0xFFFFFFFF, v35;
	v12 =	vadd.f32 v12, v0;
	v0 =	vld.idx.msk [tilespmem:v37+s2+$0x0], $0xffff  }
0x2ed: {  	v8 =	vadd.f32 v22, v8;
	v9 =	vadd.s32 v1, v56;
	v19 =	vtrunc.f32 v59;
	v56 =	vld.idx.msk [tilespmem:v38+s2+$0x0], $0xffff  }
0x2ee: {  	v12 =	vadd.f32 v15, v12;
	vm10 =	vlt.f32 v59, v19;
	v1 =	vcvt.f32.s32 v19;
	v15 =	vld [tilespmem:$0x4380]  }
0x2ef: {  	v63 =	vsub.f32 v63, v52;
	v8 =	vadd.f32 v33, v8;
	v61 =	vsel vm10, $0xFFFFFFFF, v35;
	v25 =	vld [tilespmem:$0x43A0]  }
0x2f0: {  	v3 =	vadd.f32 v3, v4;
	v21 =	vmul.f32 v20, v20;
	v20 =	vadd.s32 v1, v61;
	v61 =	vld [tilespmem:$0x43D0]  }
0x2f1: {  	v22 =	vmul.f32 v16, v16;
	v33 =	vadd.f32 v27, v27;
	v8 =	vadd.f32 v14, v8;
	v27 =	vld [tilespmem:$0x43E0]  }
0x2f2: {  	v7 =	vadd.f32 v21, v7;
	v14 =	vtrunc.f32 v50;
	v37 =	vlaneseq.u32;
	v55 =	vld [tilespmem:$0x4450]  }
0x2f3: {  	v38 =	vmul.f32 $1.300000000e+01, v57;
	v62 =	vadd.f32 v60, v8;
	v60 =	vmul.f32 v28, v28;
	v28 =	vld [tilespmem:$0x1FF60]  }
0x2f4: {  	vm12 =	vlt.s32 v9, $0xD;
	v8 =	vcvt.f32.s32 v14;
	vm14 =	veq.s32 v49, v37;
	v49 =	vld [tilespmem:$0x43B0]  }
0x2f5: {  	v11 =	vmul.f32 v11, v11;
	v59 =	vtrunc.f32 v38;
	v14 =	vadd.f32 v22, v62;
	v22 =	vld [tilespmem:$0x1FF50]  }
0x2f6: {  	vm11 =	vlt.u32 v8, $0xD;
	v62 =	vmul.f32 v29, v29;
	v29 =	vmul.f32 v47, v47;
	v47 =	vld [tilespmem:$0x4360]  }
0x2f7: {  	v7 =	vadd.f32 v60, v7;
	v60 =	vmul.f32 v34, v34;
	v34 =	vld [tilespmem:$0x4420];
	v50 =	vsel vm11, $0x3F800000, v40  }
0x2f8: {  	v12 =	vmul.f32 $5.000000000e+00, v12;
	vm15 =	vlt.f32 v38, v59;
	v38 =	vld [tilespmem:$0x4430];
	v8 =	vmul.f32 v33, v50  }
0x2f9: {  	v23 =	vmul.f32 v30, v30;
	v7 =	vadd.f32 v62, v7;
	v9 =	vmul.f32 v49, v49;
	v49 =	vld [tilespmem:$0x4440]  }
0x2fa: {  	vm13 =	vlt.s32 v20, $0xD;
	v8 =	vsub.f32 v14, v8;
	v14 =	vmul.f32 $1.300000000e+01, v58;
	v58 =	vld [tilespmem:$0x43C0]  }
0x2fb: {  	v30 =	vmul.f32 v31, v31;
	vm0 =	vmand vm12, vm13;
	v7 =	vadd.f32 v23, v7;
	v23 =	vld [tilespmem:$0x43F0]  }
0x2fc: {  	v31 =	vsel vm0, $0x3F800000, v40;
	v37 =	vadd.f32 v13, v13;
	v10 =	vmul.f32 v29, v24;
	v54 =	vld.idx.msk [tilespmem:v28+s2+$0x0], $0xffff  }
0x2fd: {  	v20 =	vcvt.f32.s32 v59;
	v33 =	vmul.f32 v32, v32;
	v8 =	vadd.f32 v8, v50;
	v50 =	vld.idx.msk [tilespmem:v43+s6+$0x0], $0xffff  }
0x2fe: {  	v7 =	vadd.f32 v30, v7;
	v43 =	vadd.f32 v10, v2;
	v10 =	vmul.f32 v61, v61;
	v61 =	vld [tilespmem:$0x4480]  }
0x2ff: {  	vm0 =	vmand vm14, vm0;
	v62 =	vmul.f32 v36, v36;
	v1 =	vld.idx.msk [tilespmem:v22+s2+$0x0], $0xffff;
	v16 =	vmul.f32 v58, v58  }
0x300: {  	v36 =	vmul.f32 v26, v26;
	v8 =	vadd.f32 v8, v12;
	v12 =	vld [tilespmem:$0x4370];
	v7 =	vadd.f32 v33, v7  }
0x301: {  	v27 =	vmul.f32 v27, v27;
	v6 =	vmul.f32 v55, v55;
	v33 =	vld [tilespmem:$0x4410];
	v9 =	vadd.f32 v16, v9  }
0x302: {  	v55 =	vtrunc.f32 v53;
	v57 =	vtrunc.f32 v14;
	v58 =	vld [tilespmem:$0x4470];
	v5 =	vadd.f32 v5, v7  }
0x303: {  	vm6 =	vlt.f32 v14, v57;
	v2 =	vmul.f32 v8, v31;
	v8 =	vld [tilespmem:$0x4390];
	v9 =	vadd.f32 v10, v9  }
0x304: {  	v59 =	vcvt.f32.s32 v57;
	v22 =	vtrunc.f32 v51;
	v7 =	vld [tilespmem:$0x4400];
	v5 =	vadd.f32 v60, v5  }
0x305: {  	v32 =	vcvt.f32.s32 v22;
	v30 =	vmul.f32 v23, v23;
	v9 =	vadd.f32 v27, v9;
	v27 =	vld [tilespmem:$0x4460];
	_ =	swait.ge [sflag:s23], $0x80  }
0x306: {  	v22 =	vmul.f32 v45, v45;
	v23 =	vsel vm0, $0x3F800000, v40;
	v5 =	vadd.f32 v62, v5;
	[sflag:s23] =	ssyncset.done $0x0  }
0x307: {  	v31 =	vmul.f32 $1.300000000e+01, v0;
	vm3 =	vlt.u32 v32, $0xD;
	v25 =	vsub.f32 v25, v54;
	[sflag:s23] =	ssyncadd.s32 $0xFFFFFF80  }
0x308: {  	v57 =	vadd.f32 v61, v61;
	v26 =	vsel vm3, $0x3F800000, v40;
	v5 =	vadd.f32 v11, v5;
	_ =	swait.ge [sflag:s23], $0x80  }
0x309: {  	v60 =	vmul.f32 v63, v63;
	v63 =	vsel vm6, $0xFFFFFFFF, v35;
	v2 =	vadd.f32 $0.0e+00, v2;
	v32 =	vld [tilespmem:$0x1FDC0]  }
0x30a: {  	v7 =	vmul.f32 v7, v7;
	v9 =	vadd.f32 v30, v9;
	v51 =	vadd.f32 v36, v5;
	v36 =	vld [tilespmem:$0x1FF70]  }
0x30b: {  	v52 =	vmul.f32 v37, v26;
	v14 =	vadd.s32 v59, v63;
	v29 =	vmul.f32 v33, v33;
	[sflag:s23] =	ssyncset.done $0x0;
	v37 =	vld [tilespmem:$0x1FF80]  }
0x30c: {  	v7 =	vadd.f32 v7, v9;
	v9 =	vmul.f32 v23, v22;
	v23 =	vmul.f32 v44, v44;
	v44 =	vld [tilespmem:$0x1FFD0];
	[sflag:s23] =	ssyncadd.s32 $0xFFFFFF80  }
0x30d: {  	v33 =	vmul.f32 v38, v38;
	v10 =	vmul.f32 v49, v49;
	v0 =	vsub.f32 v12, v0;
	v16 =	vld.idx.msk [tilespmem:v17+s2+$0x0], $0xffff  }
0x30e: {  	v25 =	vmul.f32 v25, v25;
	v62 =	vsel vm15, $0xFFFFFFFF, v35;
	v3 =	vadd.f32 v60, v3;
	v13 =	vld.idx.msk [tilespmem:v18+s2+$0x0], $0xffff  }
0x30f: {  	vm8 =	vlt.s32 v14, $0xD;
	v20 =	vadd.s32 v20, v62;
	v1 =	vsub.f32 v8, v1;
	v49 =	vld.idx.msk [tilespmem:v42+s6+$0x0], $0xffff  }
0x310: {  	v0 =	vmul.f32 v0, v0;
	vm7 =	vlt.s32 v20, $0xD;
	v3 =	vmul.f32 $5.000000000e+00, v3;
	v14 =	vld [tilespmem:$0x44B0]  }
0x311: {  	v11 =	vmul.f32 v34, v34;
	v4 =	vsub.f32 v51, v52;
	v52 =	vmul.f32 v27, v27;
	v27 =	vld [tilespmem:$0x44D0]  }
0x312: {  	v34 =	vtrunc.f32 v31;
	vm0 =	vmand vm7, vm8;
	v5 =	vmul.f32 v58, v58;
	v58 =	vld [tilespmem:$0x44F0]  }
0x313: {  	vm10 =	vlt.f32 v31, v34;
	v1 =	vmul.f32 v1, v1;
	v30 =	vsel vm0, $0x3F800000, v40;
	v61 =	vld [tilespmem:$0x4500]  }
0x314: {  	v7 =	vadd.f32 v29, v7;
	v42 =	vsub.f32 v15, v56;
	v15 =	vcvt.f32.s32 v55;
	v63 =	vld [tilespmem:$0x4510]  }
0x315: {  	v38 =	vsel vm10, $0xFFFFFFFF, v35;
	v22 =	vld [tilespmem:$0x4520];
	v4 =	vadd.f32 v4, v26;
	v26 =	vmul.f32 $1.300000000e+01, v56  }
0x316: {  	v54 =	vld [tilespmem:$0x45A0];
	v7 =	vadd.f32 v11, v7;
	v51 =	vmul.f32 v42, v42;
	vm12 =	vlt.u32 v15, $0xD  }
0x317: {  	v4 =	vadd.f32 v4, v3;
	v3 =	vld.idx.msk [tilespmem:v39+s2+$0x0], $0xffff;
	vm9 =	veq.s32 v48, v32;
	v39 =	vtrunc.f32 v26  }
0x318: {  	v56 =	vld [tilespmem:$0x44E0];
	v60 =	vsel vm12, $0x3F800000, v40;
	vm15 =	veq.s32 v50, v44;
	vm0 =	vmand vm9, vm0  }
0x319: {  	v48 =	vld [tilespmem:$0x4490];
	v7 =	vadd.f32 v33, v7;
	vm11 =	vlt.f32 v26, v39;
	v12 =	vcvt.f32.s32 v39  }
0x31a: {  	v26 =	vld [tilespmem:$0x44C0];
	v0 =	vadd.f32 v51, v0;
	v62 =	vmul.f32 v57, v60;
	v4 =	vmul.f32 v4, v30  }
0x31b: {  	v33 =	vld [tilespmem:$0x4530];
	v59 =	vsel vm11, $0xFFFFFFFF, v35;
	v15 =	vmul.f32 v58, v58;
	v8 =	vmul.f32 v63, v63  }
0x31c: {  	v39 =	vld [tilespmem:$0x4570];
	v21 =	vsel vm0, $0x3F800000, v40;
	v53 =	vmul.f32 $1.300000000e+01, v16;
	v55 =	vmul.f32 v22, v22  }
0x31d: {  	v51 =	vld [tilespmem:$0x4580];
	v57 =	vmul.f32 $1.300000000e+01, v13;
	v7 =	vadd.f32 v10, v7;
	v0 =	vadd.f32 v1, v0  }
0x31e: {  	v58 =	vld [tilespmem:$0x45B0];
	v12 =	vadd.s32 v12, v59;
	v11 =	vmul.f32 v21, v23;
	v21 =	vsub.f32 v14, v13  }
0x31f: {  	v20 =	vld.idx.msk [tilespmem:v36+s2+$0x0], $0xffff;
	v45 =	vadd.f32 v4, v2;
	v2 =	vcvt.f32.s32 v34;
	vm14 =	vlt.s32 v12, $0xD  }
0x320: {  	v10 =	vld [tilespmem:$0x44A0];
	v59 =	vtrunc.f32 v53;
	v6 =	vadd.f32 v6, v7;
	v0 =	vadd.f32 v25, v0  }
0x321: {  	v36 =	vld [tilespmem:$0x4550];
	v7 =	vmul.f32 v56, v56;
	v9 =	vadd.f32 v11, v9;
	v56 =	vmul.f32 v47, v47  }
0x322: {  	v4 =	vld.idx.msk [tilespmem:v37+s2+$0x0], $0xffff;
	vm4 =	vlt.f32 v53, v59;
	v30 =	vmul.f32 v21, v21;
	v3 =	vtrunc.f32 v3  }
0x323: {  	v34 =	vld [tilespmem:$0x4540];
	v2 =	vadd.s32 v2, v38;
	v38 =	vmul.f32 v61, v61;
	v61 =	vtrunc.f32 v57  }
0x324: {  	v37 =	vld [tilespmem:$0x4560];
	v3 =	vcvt.f32.s32 v3;
	v6 =	vadd.f32 v52, v6;
	vm13 =	vlt.s32 v2, $0xD  }
0x325: {  	v0 =	vmul.f32 $5.000000000e+00, v0;
	v7 =	vadd.f32 v15, v7;
	v52 =	vld [tilespmem:$0x4590];
	_ =	swait.ge [sflag:s23], $0x80;
	vm5 =	vlt.f32 v57, v61  }
0x326: {  	vm0 =	vmand vm13, vm14;
	[sflag:s23] =	ssyncset.done $0x0;
	v63 =	vsel vm5, $0xFFFFFFFF, v35;
	v19 =	vsub.f32 v10, v16  }
0x327: {  	v23 =	vsub.f32 v26, v20;
	vm8 =	vlt.u32 v3, $0xD;
	v5 =	vadd.f32 v5, v6;
	[sflag:s23] =	ssyncadd.s32 $0xFFFFFF80  }
0x328: {  	v25 =	vsel vm0, $0x3F800000, v40;
	v7 =	vadd.f32 v38, v7;
	v6 =	vmul.f32 v33, v33;
	_ =	swait.ge [sflag:s23], $0x80  }
0x329: {  	vm0 =	vmand vm15, vm0;
	v2 =	vmul.f32 v34, v34;
	v17 =	vmul.f32 v37, v37;
	v38 =	vld [tilespmem:$0x1FF00]  }
0x32a: {  	v33 =	vmul.f32 v51, v51;
	v4 =	vsub.f32 v27, v4;
	v5 =	vsub.f32 v5, v62;
	[sflag:s23] =	ssyncset.done $0x0;
	v50 =	vld [tilespmem:$0x1FF10]  }
0x32b: {  	v47 =	vsel vm8, $0x3F800000, v40;
	v28 =	vmul.f32 v19, v19;
	v7 =	vadd.f32 v8, v7;
	v53 =	vld [tilespmem:$0x1FFE0];
	[sflag:s23] =	ssyncadd.s32 $0xFFFFFF80  }
0x32c: {  	v10 =	vmul.f32 v23, v23;
	v8 =	vcvt.f32.s32 v59;
	v1 =	vadd.f32 v5, v60;
	v18 =	vld [tilespmem:$0x4610]  }
0x32d: {  	v62 =	vsel vm4, $0xFFFFFFFF, v35;
	v4 =	vmul.f32 v4, v4;
	v7 =	vadd.f32 v55, v7;
	v22 =	vld [tilespmem:$0x4620]  }
0x32e: {  	v34 =	vmul.f32 v52, v52;
	v5 =	vmul.f32 v36, v36;
	v32 =	vld [tilespmem:$0x4630];
	v0 =	vadd.f32 v1, v0  }
0x32f: {  	v36 =	vld [tilespmem:$0x4640];
	v60 =	vadd.f32 v6, v7;
	v6 =	vcvt.f32.s32 v61;
	v1 =	vmul.f32 v39, v39  }
0x330: {  	v37 =	vld [tilespmem:$0x4650];
	v7 =	vadd.s32 v8, v62;
	v39 =	vmul.f32 v54, v54;
	v62 =	vmul.f32 v48, v48  }
0x331: {  	v44 =	vld [tilespmem:$0x4660];
	vm6 =	vlt.s32 v7, $0xD;
	v42 =	vmul.f32 v0, v25;
	v25 =	vsel vm0, $0x3F800000, v40  }
0x332: {  	v52 =	vld [tilespmem:$0x4670];
	vm9 =	veq.s32 v49, v53;
	v2 =	vadd.f32 v2, v60;
	v25 =	vmul.f32 v25, v56  }
0x333: {  	v61 =	vld [tilespmem:$0x4690];
	v6 =	vadd.s32 v6, v63;
	v7 =	vmul.f32 v18, v18;
	v8 =	vmul.f32 v32, v32  }
0x334: {  	v31 =	vld [tilespmem:$0x45E0];
	v2 =	vadd.f32 v5, v2;
	v0 =	vadd.f32 v25, v9;
	v9 =	vmul.f32 v22, v22  }
0x335: {  	v63 =	vld [tilespmem:$0x45D0];
	vm7 =	vlt.s32 v6, $0xD;
	v51 =	vmul.f32 v36, v36;
	v55 =	vmul.f32 v37, v37  }
0x336: {  	vm0 =	vmand vm6, vm7;
	v6 =	vld.idx.msk [tilespmem:v38+s2+$0x0], $0xffff;
	v2 =	vadd.f32 v17, v2;
	v7 =	vadd.f32 v9, v7  }
0x337: {  	v59 =	vmul.f32 v44, v44;
	v5 =	vadd.f32 v30, v28;
	v14 =	vld.idx.msk [tilespmem:v50+s2+$0x0], $0xffff;
	vm1 =	vmand vm9, vm0  }
0x338: {  	v30 =	vld [tilespmem:$0x46A0];
	v13 =	vmul.f32 v61, v61;
	v1 =	vadd.f32 v1, v2;
	v7 =	vadd.f32 v8, v7  }
0x339: {  	v5 =	vadd.f32 v10, v5;
	v57 =	vsel vm1, $0x3F800000, v40;
	v2 =	vld.idx.msk [tilespmem:v41+s2+$0x0], $0xffff;
	v41 =	vadd.f32 v58, v58  }
0x33a: {  	v54 =	vld [tilespmem:$0x1FFA0];
	v17 =	vmul.f32 v52, v52;
	v1 =	vadd.f32 v33, v1;
	v7 =	vadd.f32 v51, v7  }
0x33b: {  	v56 =	vld [tilespmem:$0x4680];
	v4 =	vadd.f32 v4, v5;
	v5 =	vmul.f32 v57, v62;
	v60 =	vmul.f32 $1.300000000e+01, v6  }
0x33c: {  	v48 =	vld [tilespmem:$0x1FDA0];
	v28 =	vmul.f32 $1.300000000e+01, v14;
	v1 =	vadd.f32 v34, v1;
	v7 =	vadd.f32 v55, v7  }
0x33d: {  	v58 =	vld [tilespmem:$0x1FFB0];
	v20 =	vmul.f32 v30, v30;
	v6 =	vsub.f32 v63, v6;
	v3 =	vmul.f32 v41, v47  }
0x33e: {  	v36 =	vld [tilespmem:$0x45F0];
	v4 =	vmul.f32 $5.000000000e+00, v4;
	v1 =	vadd.f32 v39, v1;
	v7 =	vadd.f32 v59, v7  }
0x33f: {  	v44 =	vld [tilespmem:$0x46E0];
	v12 =	vsub.f32 v31, v14;
	v29 =	vtrunc.f32 v60;
	v25 =	vtrunc.f32 v28  }
0x340: {  	v41 =	vld [tilespmem:$0x46D0];
	v1 =	vsub.f32 v1, v3;
	v3 =	vmul.f32 v56, v56;
	v7 =	vadd.f32 v17, v7  }
0x341: {  	v6 =	vmul.f32 v6, v6;
	vm10 =	vlt.f32 v60, v29;
	v32 =	vcvt.f32.s32 v29;
	v34 =	vld [tilespmem:$0x46B0]  }
0x342: {  	v11 =	vld.idx.msk [tilespmem:v54+s2+$0x0], $0xffff;
	v37 =	vcvt.f32.s32 v25;
	vm11 =	vlt.f32 v28, v25;
	v3 =	vadd.f32 v3, v7  }
0x343: {  	v38 =	vld [tilespmem:$0x46C0];
	v33 =	vsel vm10, $0xFFFFFFFF, v35;
	v25 =	vsel vm11, $0xFFFFFFFF, v35;
	v2 =	vtrunc.f32 v2  }
0x344: {  	v8 =	vadd.s32 v32, v33;
	v39 =	vld [tilespmem:$0x4600];
	v9 =	vadd.s32 v37, v25;
	v3 =	vadd.f32 v13, v3  }
0x345: {  	v2 =	vcvt.f32.s32 v2;
	vm12 =	vlt.s32 v8, $0xD;
	v51 =	vmul.f32 v41, v41;
	v10 =	vld.idx.msk [tilespmem:v58+s2+$0x0], $0xffff  }
0x346: {  	v50 =	vld [tilespmem:$0x45C0];
	v15 =	vmul.f32 v34, v34;
	v1 =	vadd.f32 v1, v47;
	v3 =	vadd.f32 v20, v3  }
0x347: {  	v54 =	vld [tilespmem:$0x1FFF0];
	vm14 =	vlt.u32 v2, $0xD;
	v47 =	vmul.f32 v12, v12;
	v7 =	vsub.f32 v36, v11  }
0x348: {  	v12 =	vld.idx.msk [tilespmem:v48+s6+$0x0], $0xffff;
	v1 =	vadd.f32 v1, v4;
	v4 =	vmul.f32 v38, v38;
	v3 =	vadd.f32 v15, v3  }
0x349: {  	v8 =	vadd.f32 v44, v44;
	v53 =	vsel vm14, $0x3F800000, v40;
	v6 =	vadd.f32 v47, v6  }
0x34a: {  	v49 =	vsub.f32 v39, v10;
	v7 =	vmul.f32 v7, v7;
	v3 =	vadd.f32 v4, v3  }
0x34b: {  	v57 =	vmul.f32 v50, v50;
	vm13 =	vlt.s32 v9, $0xD;
	v55 =	vmul.f32 v8, v53  }
0x34c: {  	v6 =	vadd.f32 v7, v6;
	v52 =	vmul.f32 v49, v49;
	v2 =	vadd.f32 v51, v3  }
0x34d: {  	vm1 =	vmand vm12, vm13;
	v56 =	vmul.f32 v46, v46;
	vm15 =	veq.s32 v12, v54  }
0x34e: {  	vm2 =	vmand vm15, vm1;
	v6 =	vadd.f32 v52, v6;
	v2 =	vsub.f32 v2, v55  }
0x34f: {  	v0 =	vadd.f32 v5, v0;
	v59 =	vmul.f32 v56, v24;
	v58 =	vsel vm2, $0x3F800000, v40  }
0x350: {  	v60 =	vmul.f32 $5.000000000e+00, v6;
	v3 =	vmul.f32 v58, v57;
	v2 =	vadd.f32 v2, v53  }
0x351: {  	v61 =	vadd.f32 v42, v45;
	v62 =	vsel vm0, $0x3F800000, v40;
	v5 =	vadd.f32 v59, v43  }
0x352: {  	v1 =	vmul.f32 v1, v62;
	v0 =	vadd.f32 v3, v0;
	v2 =	vadd.f32 v2, v60  }
0x353: {  	v63 =	vsel vm1, $0x3F800000, v40  }
0x354: {  	v1 =	vadd.f32 v1, v61;
	v0 =	vsub.f32 v5, v0;
	v2 =	vmul.f32 v2, v63;
	_ =	sdelay $0x1  }
0x355: {  	v0 =	vmul.f32 $5.000000000e-01, v0;
	v1 =	vadd.f32 v2, v1;
	_ =	sdelay $0x1  }
0x356: {  	v0 =	vadd.f32 v1, v0;
	_ =	sdelay $0x1  }
0x357: {  	s31 =	rddreg [dreg:$0x17];
	[tilespmem:$0x4A00] =	vst v0  }
0x358: {  	[spmem:s31] =	stream.linear.scatter [tilespmem:s24], [sflag:$0x5], $0x10, $0x38;
	[tilespmem:$0x4B90] =	vst v63  }
0x359: {  	_ =	swait.ge [sflag:s25], $0x10  }
0x35a: {  	[sflag:s25] =	ssyncset.done $0x0  }
0x35b: {  	[sflag:s25] =	ssyncadd.s32 $0xFFFFFFF0  }
0x35c: {  	s26 =	simm.s32 @!p0 $0x4A80;
	[bflag:$0x0] =	sbarrier.arrive $0xFFFF  }
0x35d: {  	[tilespmem:s26], [sflag:$0x5] =	stream.linear.gather @!p0 [spmem:s1], $0x100, $0x38;
	[tilespmem:$0x4B90] =	vst v63  }
0x35e: {  	s26 =	simm.s32 @!p0 $0x5  }
0x35f: {  	_ =	swait.ge @!p0 [sflag:s26], $0x100  }
0x360: {  	[sflag:s26] =	ssyncset.done @!p0 $0x0  }
0x361: {  	[sflag:s26] =	ssyncadd.s32 @!p0 $0xFFFFFF00  }
0x362: {  	v0 =	vld @!p0 [tilespmem:$0x4A80]  }
0x363: {  	v1 =	vld @!p0 [tilespmem:$0x4A90];
	_ =	sdelay $0x1  }
0x364: {  	v2 =	vld @!p0 [tilespmem:$0x4AA0];
	_ =	sdelay $0x1  }
0x365: {  	v3 =	vld @!p0 [tilespmem:$0x4AB0]  }
0x366: {  	v0 =	vadd.f32 @!p0 v1, v0  }
0x367: {  	v1 =	vld @!p0 [tilespmem:$0x4AC0]  }
0x368: {  	v0 =	vadd.f32 @!p0 v2, v0  }
0x369: {  	v2 =	vld @!p0 [tilespmem:$0x4AD0]  }
0x36a: {  	v0 =	vadd.f32 @!p0 v3, v0  }
0x36b: {  	v3 =	vld @!p0 [tilespmem:$0x4AE0]  }
0x36c: {  	v0 =	vadd.f32 @!p0 v1, v0  }
0x36d: {  	v1 =	vld @!p0 [tilespmem:$0x4AF0]  }
0x36e: {  	v0 =	vadd.f32 @!p0 v2, v0  }
0x36f: {  	v2 =	vld @!p0 [tilespmem:$0x4B00]  }
0x370: {  	v0 =	vadd.f32 @!p0 v3, v0  }
0x371: {  	v3 =	vld @!p0 [tilespmem:$0x4B10]  }
0x372: {  	v0 =	vadd.f32 @!p0 v1, v0  }
0x373: {  	v1 =	vld @!p0 [tilespmem:$0x4B20]  }
0x374: {  	v0 =	vadd.f32 @!p0 v2, v0  }
0x375: {  	v2 =	vld @!p0 [tilespmem:$0x4B30]  }
0x376: {  	v0 =	vadd.f32 @!p0 v3, v0  }
0x377: {  	v3 =	vld @!p0 [tilespmem:$0x4B40]  }
0x378: {  	v0 =	vadd.f32 @!p0 v1, v0  }
0x379: {  	v1 =	vld @!p0 [tilespmem:$0x4B50]  }
0x37a: {  	v0 =	vadd.f32 @!p0 v2, v0  }
0x37b: {  	v2 =	vld @!p0 [tilespmem:$0x4B60]  }
0x37c: {  	v0 =	vadd.f32 @!p0 v3, v0  }
0x37d: {  	v3 =	vld @!p0 [tilespmem:$0x4B70]  }
0x37e: {  	v0 =	vadd.f32 @!p0 v1, v0;
	_ =	sdelay $0x1  }
0x37f: {  	v0 =	vadd.f32 @!p0 v2, v0;
	_ =	sdelay $0x1  }
0x380: {  	v0 =	vadd.f32 @!p0 v3, v0;
	_ =	sdelay $0x1  }
0x381: {  	(xrf2) =	vadd.scan.msk.f32 @!p0 $0xffff, v0;
	_ =	sdelay $0x9  }
0x382: {  	v0, _, _ =	vpop @!p0 (xrf2)  }
0x383: {  	(v2sf) =	vpush @!p0 v0, $0xF;
	_ =	sdelay $0xe  }
0x384: {  	s28 =	spop @!p0 (v2sf)  }
0x385: {  	s28 =	smul.f32 @!p0 $7.812500000e-03, s28  }
0x386: {  	s4 =	sadd.s32 $0xFFFFFFFF, s4  }
0x387: {  	p1 =	sne.s32 s4, $0x0;
	s30 =	simm.s32 @!p0 $0x4A00;
	v0 =	vmov @!p0 s28  }
.Ltmp0:
0x388: {  	s29 =	rddreg [dreg:$0x18];
	s28 =	simm.s32 @!p0 $0x0;
	[tilespmem:$0x4A00] =	vst @!p0 v0;
	(pc) =	sbr.rel @p1 .LBB2_1-.Ltmp0, $4  }
0x389: {  	[hbm4b:s29+s28] =	stream.linear.scatter @!p0 [tilespmem:s30], [sflag:$0x5], $0x10, $0x38;
	[tilespmem:$0x4B90] =	vst v63  }
0x38a: {  	_ =	swait.ge @!p0 [sflag:s26], $0x10  }
0x38b: {  	[sflag:s26] =	ssyncset.done @!p0 $0x0  }
0x38c: {  	[sflag:s26] =	ssyncadd.s32 @!p0 $0xFFFFFFF0  }
0x38d: {  	_ =	sfence.sel $0x180000  }
0x38e: {  	[bflag:$0x0] =	sbarrier.arrive $0xFFFF  }
0x38f: {  	_ =	strace $0x90000047  }
0x390: {  	s0 =	sadd.s32 @!p0 $0x100000, s0;
	[bflag:$0x2] =	sbarrier.arrive $0xFFFF  }
0x391: {  	[sflag:s0] =	ssyncadd.tile.s32 @!p0 $0x1;
	_ =	shalt  }
.Lfunc_end2:
_tile_overlayer_lowered:
.L_overlay_start_2:
0x392: {  	(tag) =	ssettag $0x2  }
0x393: {  	s0 =	rddreg [dreg:$0x0];
	s2 =	stileid.u32  }
0x394: {  	s1 =	rddreg [dreg:$0x1];
	p0 =	sne.s32 s2, $0x0  }
0x395: {  	s3 =	rddreg [dreg:$0x2];
	[bflag:$0x3] =	sbarrier.arrive $0xFFFF;
	s2 =	simm.s32 @!p0 $0x1C05  }
0x396: {  	[timem:s3], [sflag:s2] =	dma.local @!p0 [hbm:s0], s1  }
0x397: {  	s0 =	simm.s32 @!p0 $0x5  }
0x398: {  	_ =	swait.ge @!p0 [sflag:s0], s1  }
0x399: {  	s1 =	ssub.s32 @!p0 $0x0, s1;
	[sflag:s0] =	ssyncset.done @!p0 $0x0  }
0x39a: {  	[sflag:s0] =	ssyncadd.s32 @!p0 s1  }
0x39b: {  	[bflag:$0x3] =	sbarrier.arrive $0xFFFF  }
0x39c: {  	_ =	shalt  }

</sc_bundles>
